<compile_context>
chip_gen: v7x
topology: tpu7x:2x2x1
jax: 0.10.2.dev20260603
libtpu: 0.0.44.dev20260713+nightly
codegen_flags: <defaults>
</compile_context>

<pallas_src>
import functools

import jax
import jax.numpy as jnp
from jax import lax
from jax.experimental import pallas as pl
from jax.experimental.pallas import tpu as pltpu
from jax.experimental.pallas import tpu_sc as plsc

N = 10000
E = 320000
D = 128
NG = 64
DIM_EMB = 128
DIM_OUT = 16

CHUNK = 128
NUM_CHUNKS = E // CHUNK
TILES = 16
CHUNKS_PER_TILE = (NUM_CHUNKS + TILES - 1) // TILES
SLICE = 624
TAIL = N - TILES * SLICE
DEGW = 16


def _sc_aggregate(x0, ei0, x1, ei1, z128, z16, ones16):
    mesh = plsc.VectorSubcoreMesh(core_axis_name="c", subcore_axis_name="s")

    @functools.partial(
        pl.kernel,
        mesh=mesh,
        compiler_params=pltpu.CompilerParams(use_tc_tiling_on_sc=False),
        out_type=[
            jax.ShapeDtypeStruct((N, D), jnp.float32),
            jax.ShapeDtypeStruct((N, DEGW), jnp.float32),
            jax.ShapeDtypeStruct((N, D), jnp.float32),
            jax.ShapeDtypeStruct((N, DEGW), jnp.float32),
        ],
        scratch_types=[
            pltpu.VMEM((2, CHUNK), jnp.int32),
            pltpu.VMEM((2, CHUNK), jnp.int32),
            pltpu.VMEM((CHUNK, D), jnp.float32),
            pltpu.VMEM((CHUNK, D), jnp.float32),
            pltpu.VMEM((CHUNK, DEGW), jnp.float32),
            pltpu.VMEM_SHARED((N, D), jnp.float32),
            pltpu.VMEM_SHARED((N, DEGW), jnp.float32),
            pltpu.SemaphoreType.DMA,
            pltpu.SemaphoreType.DMA,
            pltpu.SemaphoreType.DMA,
            pltpu.SemaphoreType.DMA,
            pltpu.SemaphoreType.DMA,
        ],
    )
    def sc_kernel(x0_h, ei0_h, x1_h, ei1_h,
                  z128_h, z16_h, ones_h,
                  agg0_h, deg0_h, agg1_h, deg1_h,
                  idx_a, idx_b, rows_va, rows_vb, ones_v,
                  acc_sh, deg_sh, sem, sem_s, sem_ib, sem_g, sem_gb):
        cid = lax.axis_index("c")
        sid = lax.axis_index("s")
        row0 = sid * SLICE
        pieces = []
        off = 0
        while off < SLICE:
            sz = min(CHUNK, SLICE - off)
            pieces.append((off, sz))
            off += sz

        def run_branch(x_h, ei_h, agg_h, deg_h):
            pltpu.sync_copy(z128_h.at[pl.ds(0, CHUNK)], rows_va)
            pltpu.sync_copy(z16_h.at[pl.ds(0, CHUNK)], ones_v)
            for (o, sz) in pieces:
                pltpu.sync_copy(rows_va.at[pl.ds(0, sz)],
                                acc_sh.at[pl.ds(row0 + o, sz)])
                pltpu.sync_copy(ones_v.at[pl.ds(0, sz)],
                                deg_sh.at[pl.ds(row0 + o, sz)])

            @pl.when(sid == TILES - 1)
            def _():
                pltpu.sync_copy(rows_va.at[pl.ds(0, TAIL)],
                                acc_sh.at[pl.ds(TILES * SLICE, TAIL)])
                pltpu.sync_copy(ones_v.at[pl.ds(0, TAIL)],
                                deg_sh.at[pl.ds(TILES * SLICE, TAIL)])

            pltpu.sync_copy(ones_h, ones_v)
            plsc.subcore_barrier()

            def fetch_idx(g, buf, fsem):
                return pltpu.async_copy(
                    ei_h.at[:, pl.ds(g * CHUNK, CHUNK)], buf, fsem)

            def start_gather(buf, rows, gsem):
                return pltpu.async_copy(x_h.at[buf.at[0]], rows, gsem)

            def wait_gather(buf, rows, gsem):
                pltpu.make_async_copy(x_h.at[buf.at[0]], rows, gsem).wait()

            def scatter(buf, rows):
                s0 = pltpu.async_copy(rows, acc_sh.at[buf.at[1]],
                                      sem_s, add=True)
                s1 = pltpu.async_copy(ones_v, deg_sh.at[buf.at[1]],
                                      sem_s, add=True)
                s0.wait()
                s1.wait()

            def wait_idx(g, buf, fsem):
                pltpu.make_async_copy(
                    ei_h.at[:, pl.ds(g * CHUNK, CHUNK)], buf, fsem).wait()

            @pl.when(sid < NUM_CHUNKS)
            def _():
                fetch_idx(sid, idx_a, sem)

            @pl.when(sid + TILES < NUM_CHUNKS)
            def _():
                fetch_idx(sid + TILES, idx_b, sem_ib)

            @pl.when(sid < NUM_CHUNKS)
            def _():
                wait_idx(sid, idx_a, sem)
                start_gather(idx_a, rows_va, sem_g)

            def body(i, carry):
                ga = (2 * i) * TILES + sid
                gb = ga + TILES
                ga2 = ga + 2 * TILES
                gb2 = ga + 3 * TILES

                @pl.when(ga < NUM_CHUNKS)
                def _():
                    wait_gather(idx_a, rows_va, sem_g)

                    @pl.when(gb < NUM_CHUNKS)
                    def _():
                        wait_idx(gb, idx_b, sem_ib)
                        start_gather(idx_b, rows_vb, sem_gb)

                    scatter(idx_a, rows_va)

                @pl.when(ga2 < NUM_CHUNKS)
                def _():
                    fetch_idx(ga2, idx_a, sem)

                @pl.when(gb < NUM_CHUNKS)
                def _():
                    wait_gather(idx_b, rows_vb, sem_gb)

                    @pl.when(ga2 < NUM_CHUNKS)
                    def _():
                        wait_idx(ga2, idx_a, sem)
                        start_gather(idx_a, rows_va, sem_g)

                    scatter(idx_b, rows_vb)

                @pl.when(gb2 < NUM_CHUNKS)
                def _():
                    fetch_idx(gb2, idx_b, sem_ib)

                return carry

            lax.fori_loop(0, (CHUNKS_PER_TILE + 1) // 2, body, 0)
            plsc.subcore_barrier()
            for (o, sz) in pieces:
                pltpu.sync_copy(acc_sh.at[pl.ds(row0 + o, sz)],
                                rows_va.at[pl.ds(0, sz)])
                pltpu.sync_copy(rows_va.at[pl.ds(0, sz)],
                                agg_h.at[pl.ds(row0 + o, sz)])
                pltpu.sync_copy(deg_sh.at[pl.ds(row0 + o, sz)],
                                ones_v.at[pl.ds(0, sz)])
                pltpu.sync_copy(ones_v.at[pl.ds(0, sz)],
                                deg_h.at[pl.ds(row0 + o, sz)])

            @pl.when(sid == TILES - 1)
            def _():
                pltpu.sync_copy(acc_sh.at[pl.ds(TILES * SLICE, TAIL)],
                                rows_va.at[pl.ds(0, TAIL)])
                pltpu.sync_copy(rows_va.at[pl.ds(0, TAIL)],
                                agg_h.at[pl.ds(TILES * SLICE, TAIL)])
                pltpu.sync_copy(deg_sh.at[pl.ds(TILES * SLICE, TAIL)],
                                ones_v.at[pl.ds(0, TAIL)])
                pltpu.sync_copy(ones_v.at[pl.ds(0, TAIL)],
                                deg_h.at[pl.ds(TILES * SLICE, TAIL)])

        @pl.when(cid == 0)
        def _():
            run_branch(x0_h, ei0_h, agg0_h, deg0_h)

        @pl.when(cid == 1)
        def _():
            run_branch(x1_h, ei1_h, agg1_h, deg1_h)

    return sc_kernel(x0, ei0, x1, ei1, z128, z16, ones16)


BLK = 1000
NUM_BLK = N // BLK


def _tc_body(agg0_r, deg0_r, b0m_r, agg1_r, deg1_r, b1m_r,
             W0_r, bb0_r, W1_r, bb1_r, f1a_r, f1b_r, f1bias_r, f2w_r, f2b_r,
             out_r, h_r, acc0, cnt0, acc1, cnt1):
    k = pl.program_id(0)

    @pl.when(k == 0)
    def _():
        acc0[...] = jnp.zeros_like(acc0)
        cnt0[...] = jnp.zeros_like(cnt0)
        acc1[...] = jnp.zeros_like(acc1)
        cnt1[...] = jnp.zeros_like(cnt1)

    ones_col = jnp.ones((BLK, 1), jnp.float32)
    gids = lax.broadcasted_iota(jnp.int32, (BLK, NG), 1)

    def branch(agg_r, deg_r, bm_r, W_r, bias_r, acc, cnt):
        deg = jnp.max(deg_r[...], axis=1, keepdims=True)
        inv = 1.0 / jnp.maximum(deg, 1.0)
        h = jnp.maximum(
            jnp.dot(agg_r[...] * inv, W_r[...],
                    preferred_element_type=jnp.float32) + bias_r[...],
            0.0)
        m = (bm_r[...] == gids).astype(jnp.float32)
        acc[...] += lax.dot_general(m, h, (((0,), (0,)), ((), ())),
                                    preferred_element_type=jnp.float32)
        cnt[...] += lax.dot_general(m, ones_col, (((0,), (0,)), ((), ())),
                                    preferred_element_type=jnp.float32)

    branch(agg0_r, deg0_r, b0m_r, W0_r, bb0_r, acc0, cnt0)
    branch(agg1_r, deg1_r, b1m_r, W1_r, bb1_r, acc1, cnt1)

    @pl.when(k == NUM_BLK - 1)
    def _():
        g0 = acc0[...] / jnp.maximum(cnt0[...], 1.0)
        g1 = acc1[...] / jnp.maximum(cnt1[...], 1.0)
        hh = jnp.maximum(
            jnp.dot(g0, f1a_r[...], preferred_element_type=jnp.float32)
            + jnp.dot(g1, f1b_r[...], preferred_element_type=jnp.float32)
            + f1bias_r[...], 0.0)
        h_r[...] = hh
        out_r[...] = jnp.dot(hh, f2w_r[...],
                             preferred_element_type=jnp.float32) + f2b_r[...]


def _tc_head(agg0, deg0, batch0, agg1, deg1, batch1,
             W0, b0, W1, b1, f1a, f1b, f1bias, f2w, f2b):
    row_spec = lambda shape: pl.BlockSpec((BLK,) + shape[1:],
                                          lambda k: (k,) + (0,) * (len(shape) - 1))
    full = lambda shape: pl.BlockSpec(shape, lambda k: (0,) * len(shape))
    return pl.pallas_call(
        _tc_body,
        grid=(NUM_BLK,),
        in_specs=[
            row_spec((N, D)), row_spec((N, DEGW)), row_spec((N, 1)),
            row_spec((N, D)), row_spec((N, DEGW)), row_spec((N, 1)),
            full((D, DIM_EMB)), full((1, DIM_EMB)),
            full((D, DIM_EMB)), full((1, DIM_EMB)),
            full((DIM_EMB, 64)), full((DIM_EMB, 64)), full((1, 64)),
            full((64, DIM_OUT)), full((1, DIM_OUT)),
        ],
        out_specs=[full((NG, DIM_OUT)), full((NG, 64))],
        out_shape=[jax.ShapeDtypeStruct((NG, DIM_OUT), jnp.float32),
                   jax.ShapeDtypeStruct((NG, 64), jnp.float32)],
        scratch_shapes=[
            pltpu.VMEM((NG, DIM_EMB), jnp.float32),
            pltpu.VMEM((NG, 1), jnp.float32),
            pltpu.VMEM((NG, DIM_EMB), jnp.float32),
            pltpu.VMEM((NG, 1), jnp.float32),
        ],
    )(agg0, deg0, batch0, agg1, deg1, batch1,
      W0, b0, W1, b1, f1a, f1b, f1bias, f2w, f2b)


def kernel(x0, edge_index0, batch0, x1, edge_index1, batch1,
           W0, b0, W1, b1, fc1_W, fc1_b, fc2_W, fc2_b):
    z128 = jnp.zeros((SLICE, D), jnp.float32)
    z16 = jnp.zeros((SLICE, DEGW), jnp.float32)
    ones16 = jnp.ones((CHUNK, DEGW), jnp.float32)

    agg0, deg0, agg1, deg1 = _sc_aggregate(
        x0, edge_index0, x1, edge_index1, z128, z16, ones16)

    out, h = _tc_head(
        agg0, deg0, batch0[:, None], agg1, deg1, batch1[:, None],
        W0, b0[None, :], W1, b1[None, :],
        fc1_W[:DIM_EMB], fc1_W[DIM_EMB:], fc1_b[None, :],
        fc2_W, fc2_b[None, :])
    return (out, h)

# --- scband reference (transcript-rebuilt; emitter-appended) ---
"""Pipeline reference for scband-signna-37099927503190 (READ-ONLY COPY).

The authoritative reference and input builder live on the scoring server;
editing this copy changes nothing except your own understanding.
"""

import jax, jax.numpy as jnp
import numpy as np

N = 10000
E = 320000
D = 128
NG = 64
DIM_EMB = 128
DIM_OUT = 16


def setup_inputs(seed: int = 0) -> dict:
    key = jax.random.key(seed)
    ks = jax.random.split(key, 16)
    x0 = jax.random.normal(ks[0], (N, D), dtype=jnp.float32)
    edge_index0 = jax.random.randint(ks[1], (2, E), 0, N, dtype=jnp.int32)
    batch0 = jnp.sort(jax.random.randint(ks[2], (N,), 0, NG, dtype=jnp.int32))
    x1 = jax.random.normal(ks[3], (N, D), dtype=jnp.float32)
    edge_index1 = jax.random.randint(ks[4], (2, E), 0, N, dtype=jnp.int32)
    batch1 = jnp.sort(jax.random.randint(ks[5], (N,), 0, NG, dtype=jnp.int32))
    W0 = jax.random.normal(ks[6], (D, DIM_EMB), dtype=jnp.float32) * 0.05
    b0 = jnp.zeros((DIM_EMB,), dtype=jnp.float32)
    W1 = jax.random.normal(ks[7], (D, DIM_EMB), dtype=jnp.float32) * 0.05
    b1 = jnp.zeros((DIM_EMB,), dtype=jnp.float32)
    fc1_W = jax.random.normal(ks[8], (2 * DIM_EMB, 64), dtype=jnp.float32) * 0.05
    fc1_b = jnp.zeros((64,), dtype=jnp.float32)
    fc2_W = jax.random.normal(ks[9], (64, DIM_OUT), dtype=jnp.float32) * 0.05
    fc2_b = jnp.zeros((DIM_OUT,), dtype=jnp.float32)
    return {"x0": x0, "edge_index0": edge_index0, "batch0": batch0,
            "x1": x1, "edge_index1": edge_index1, "batch1": batch1,
            "W0": W0, "b0": b0, "W1": W1, "b1": b1,
            "fc1_W": fc1_W, "fc1_b": fc1_b, "fc2_W": fc2_W, "fc2_b": fc2_b}


def _gcn(x, edge_index, W, b):
    src = edge_index[0]
    dst = edge_index[1]
    msgs = jnp.take(x, src, axis=0)
    agg = jax.ops.segment_sum(msgs, dst, num_segments=N)
    deg = jax.ops.segment_sum(jnp.ones((edge_index.shape[1],), x.dtype), dst, num_segments=N)
    agg = agg / jnp.maximum(deg, 1.0)[:, None]
    return jax.nn.relu(agg @ W + b)


def _global_mean_pool(h, batch):
    s = jax.ops.segment_sum(h, batch, num_segments=NG)
    c = jax.ops.segment_sum(jnp.ones((h.shape[0],), h.dtype), batch, num_segments=NG)
    return s / jnp.maximum(c, 1.0)[:, None]


def reference(x0, edge_index0, batch0, x1, edge_index1, batch1,
              W0, b0, W1, b1, fc1_W, fc1_b, fc2_W, fc2_b):
    h0 = _global_mean_pool(_gcn(x0, edge_index0, W0, b0), batch0)
    h1 = _global_mean_pool(_gcn(x1, edge_index1, W1, b1), batch1)
    h = jax.nn.relu(jnp.hstack([h0, h1]) @ fc1_W + fc1_b)
    out = h @ fc2_W + fc2_b
    return (out, h)

if __name__ == "__main__":
    import jax
    _d = setup_inputs()
    print(jax.jit(kernel)(*tuple(_d.values())))

</pallas_src>

<mosaic_0001>
#map = affine_map<(d0, d1) -> (0, 0)>
module attributes {stable_mosaic.version = 14 : i64} {
  func.func @sc_kernel(%arg0: i32, %arg1: i32, %arg2: memref<10000x128xf32, #tpu.memory_space<hbm>>, %arg3: memref<2x320000xi32, #tpu.memory_space<hbm>>, %arg4: memref<10000x128xf32, #tpu.memory_space<hbm>>, %arg5: memref<2x320000xi32, #tpu.memory_space<hbm>>, %arg6: memref<624x128xf32, #tpu.memory_space<hbm>>, %arg7: memref<624x16xf32, #tpu.memory_space<hbm>>, %arg8: memref<128x16xf32, #tpu.memory_space<hbm>>, %arg9: memref<10000x128xf32, #tpu.memory_space<hbm>>, %arg10: memref<10000x16xf32, #tpu.memory_space<hbm>>, %arg11: memref<10000x128xf32, #tpu.memory_space<hbm>>, %arg12: memref<10000x16xf32, #tpu.memory_space<hbm>>, %arg13: memref<2x128xi32, #tpu.memory_space<vmem>>, %arg14: memref<2x128xi32, #tpu.memory_space<vmem>>, %arg15: memref<128x128xf32, #tpu.memory_space<vmem>>, %arg16: memref<128x128xf32, #tpu.memory_space<vmem>>, %arg17: memref<128x16xf32, #tpu.memory_space<vmem>>, %arg18: memref<10000x128xf32, #tpu.memory_space<vmem_shared>>, %arg19: memref<10000x16xf32, #tpu.memory_space<vmem_shared>>, %arg20: memref<!tpu.dma_semaphore, #tpu.memory_space<semaphore_mem>>, %arg21: memref<!tpu.dma_semaphore, #tpu.memory_space<semaphore_mem>>, %arg22: memref<!tpu.dma_semaphore, #tpu.memory_space<semaphore_mem>>, %arg23: memref<!tpu.dma_semaphore, #tpu.memory_space<semaphore_mem>>, %arg24: memref<!tpu.dma_semaphore, #tpu.memory_space<semaphore_mem>>) attributes {dimension_semantics = [#tpu.dimension_semantics<core_parallel>, #tpu.dimension_semantics<subcore_parallel>], iteration_bounds = array<i64: 2, 16>, scalar_prefetch = 0 : i64, scratch_operands = 12 : i64, tpu.core_type = #tpu.core_type<sc_vector_subcore>, window_params = [{transform_indices = #map}, {transform_indices = #map}, {transform_indices = #map}, {transform_indices = #map}, {transform_indices = #map}, {transform_indices = #map}, {transform_indices = #map}, {transform_indices = #map}, {transform_indices = #map}, {transform_indices = #map}, {transform_indices = #map}]} {
    %mul3A = arith.constant 624 : i32
    %mul3A_0 = arith.muli %arg1, %mul3A : i32
    %eq3A = arith.constant 0 : i32
    %eq3A_1 = arith.cmpi eq, %arg0, %eq3A : i32
    %convert_element_type3A = arith.extui %eq3A_1 : i1 to i32
    %cond3A = arith.constant 0 : i32
    %cond3A_2 = arith.cmpi ne, %convert_element_type3A, %cond3A : i32
    scf.if %cond3A_2 {
      "tpu.region"() ({
        %run_scoped3A = tpu.sem_alloc : memref<!tpu.dma_semaphore, #tpu.memory_space<semaphore_mem>>
        %dma_start3A = arith.constant 0 : i32
        %dma_start3A_99 = arith.constant 0 : i32
        %dma_start3A_100 = tpu.memref_slice %arg6[%dma_start3A, %dma_start3A_99] : memref<624x128xf32, #tpu.memory_space<hbm>> -> memref<128x128xf32, #tpu.memory_space<hbm>>
        %dma_start3A_101 = arith.constant 0 : i32
        %dma_start3A_102 = arith.constant 0 : i32
        %dma_start3A_103 = tpu.memref_slice %arg6[%dma_start3A_101, %dma_start3A_102] : memref<624x128xf32, #tpu.memory_space<hbm>> -> memref<128x128xf32, #tpu.memory_space<hbm>>
        tpu.enqueue_dma source(%dma_start3A_103 : memref<128x128xf32, #tpu.memory_space<hbm>>) target(%arg15 : memref<128x128xf32, #tpu.memory_space<vmem>>) target_semaphore(%run_scoped3A : memref<!tpu.dma_semaphore, #tpu.memory_space<semaphore_mem>>)
        %dma_wait3A = arith.constant 0 : i32
        %dma_wait3A_104 = arith.constant 0 : i32
        %dma_wait3A_105 = tpu.memref_slice %arg6[%dma_wait3A, %dma_wait3A_104] : memref<624x128xf32, #tpu.memory_space<hbm>> -> memref<128x128xf32, #tpu.memory_space<hbm>>
        %dma_wait3A_106 = arith.constant 0 : i32
        %dma_wait3A_107 = arith.constant 0 : i32
        %dma_wait3A_108 = tpu.memref_slice %arg6[%dma_wait3A_106, %dma_wait3A_107] : memref<624x128xf32, #tpu.memory_space<hbm>> -> memref<128x128xf32, #tpu.memory_space<hbm>>
        tpu.wait_dma2 semaphore(%run_scoped3A : memref<!tpu.dma_semaphore, #tpu.memory_space<semaphore_mem>>) src(%dma_wait3A_108 : memref<128x128xf32, #tpu.memory_space<hbm>>) dst(%arg15 : memref<128x128xf32, #tpu.memory_space<vmem>>)
        tpu.yield
      }) : () -> ()
      "tpu.region"() ({
        %run_scoped3A = tpu.sem_alloc : memref<!tpu.dma_semaphore, #tpu.memory_space<semaphore_mem>>
        %dma_start3A = arith.constant 0 : i32
        %dma_start3A_99 = arith.constant 0 : i32
        %dma_start3A_100 = tpu.memref_slice %arg7[%dma_start3A, %dma_start3A_99] : memref<624x16xf32, #tpu.memory_space<hbm>> -> memref<128x16xf32, #tpu.memory_space<hbm>>
        %dma_start3A_101 = arith.constant 0 : i32
        %dma_start3A_102 = arith.constant 0 : i32
        %dma_start3A_103 = tpu.memref_slice %arg7[%dma_start3A_101, %dma_start3A_102] : memref<624x16xf32, #tpu.memory_space<hbm>> -> memref<128x16xf32, #tpu.memory_space<hbm>>
        tpu.enqueue_dma source(%dma_start3A_103 : memref<128x16xf32, #tpu.memory_space<hbm>>) target(%arg17 : memref<128x16xf32, #tpu.memory_space<vmem>>) target_semaphore(%run_scoped3A : memref<!tpu.dma_semaphore, #tpu.memory_space<semaphore_mem>>)
        %dma_wait3A = arith.constant 0 : i32
        %dma_wait3A_104 = arith.constant 0 : i32
        %dma_wait3A_105 = tpu.memref_slice %arg7[%dma_wait3A, %dma_wait3A_104] : memref<624x16xf32, #tpu.memory_space<hbm>> -> memref<128x16xf32, #tpu.memory_space<hbm>>
        %dma_wait3A_106 = arith.constant 0 : i32
        %dma_wait3A_107 = arith.constant 0 : i32
        %dma_wait3A_108 = tpu.memref_slice %arg7[%dma_wait3A_106, %dma_wait3A_107] : memref<624x16xf32, #tpu.memory_space<hbm>> -> memref<128x16xf32, #tpu.memory_space<hbm>>
        tpu.wait_dma2 semaphore(%run_scoped3A : memref<!tpu.dma_semaphore, #tpu.memory_space<semaphore_mem>>) src(%dma_wait3A_108 : memref<128x16xf32, #tpu.memory_space<hbm>>) dst(%arg17 : memref<128x16xf32, #tpu.memory_space<vmem>>)
        tpu.yield
      }) : () -> ()
      %add3A = arith.constant 0 : i32
      %add3A_8 = arith.addi %mul3A_0, %add3A : i32
      "tpu.region"() ({
        %run_scoped3A = tpu.sem_alloc : memref<!tpu.dma_semaphore, #tpu.memory_space<semaphore_mem>>
        %dma_start3A = arith.constant 0 : i32
        %dma_start3A_99 = arith.constant 0 : i32
        %dma_start3A_100 = tpu.memref_slice %arg15[%dma_start3A, %dma_start3A_99] : memref<128x128xf32, #tpu.memory_space<vmem>> -> memref<128x128xf32, #tpu.memory_space<vmem>>
        %dma_start3A_101 = arith.constant 0 : i32
        %dma_start3A_102 = tpu.memref_slice %arg18[%add3A_8, %dma_start3A_101] : memref<10000x128xf32, #tpu.memory_space<vmem_shared>> -> memref<128x128xf32, #tpu.memory_space<vmem_shared>>
        %dma_start3A_103 = arith.constant 0 : i32
        %dma_start3A_104 = tpu.memref_slice %arg18[%add3A_8, %dma_start3A_103] : memref<10000x128xf32, #tpu.memory_space<vmem_shared>> -> memref<128x128xf32, #tpu.memory_space<vmem_shared>>
        %dma_start3A_105 = arith.constant 0 : i32
        %dma_start3A_106 = arith.constant 0 : i32
        %dma_start3A_107 = tpu.memref_slice %arg15[%dma_start3A_105, %dma_start3A_106] : memref<128x128xf32, #tpu.memory_space<vmem>> -> memref<128x128xf32, #tpu.memory_space<vmem>>
        tpu.enqueue_dma source(%dma_start3A_107 : memref<128x128xf32, #tpu.memory_space<vmem>>) target(%dma_start3A_104 : memref<128x128xf32, #tpu.memory_space<vmem_shared>>) target_semaphore(%run_scoped3A : memref<!tpu.dma_semaphore, #tpu.memory_space<semaphore_mem>>)
        %dma_wait3A = arith.constant 0 : i32
        %dma_wait3A_108 = arith.constant 0 : i32
        %dma_wait3A_109 = tpu.memref_slice %arg15[%dma_wait3A, %dma_wait3A_108] : memref<128x128xf32, #tpu.memory_space<vmem>> -> memref<128x128xf32, #tpu.memory_space<vmem>>
        %dma_wait3A_110 = arith.constant 0 : i32
        %dma_wait3A_111 = tpu.memref_slice %arg18[%add3A_8, %dma_wait3A_110] : memref<10000x128xf32, #tpu.memory_space<vmem_shared>> -> memref<128x128xf32, #tpu.memory_space<vmem_shared>>
        %dma_wait3A_112 = arith.constant 0 : i32
        %dma_wait3A_113 = tpu.memref_slice %arg18[%add3A_8, %dma_wait3A_112] : memref<10000x128xf32, #tpu.memory_space<vmem_shared>> -> memref<128x128xf32, #tpu.memory_space<vmem_shared>>
        %dma_wait3A_114 = arith.constant 0 : i32
        %dma_wait3A_115 = arith.constant 0 : i32
        %dma_wait3A_116 = tpu.memref_slice %arg15[%dma_wait3A_114, %dma_wait3A_115] : memref<128x128xf32, #tpu.memory_space<vmem>> -> memref<128x128xf32, #tpu.memory_space<vmem>>
        tpu.wait_dma2 semaphore(%run_scoped3A : memref<!tpu.dma_semaphore, #tpu.memory_space<semaphore_mem>>) src(%dma_wait3A_116 : memref<128x128xf32, #tpu.memory_space<vmem>>) dst(%dma_wait3A_113 : memref<128x128xf32, #tpu.memory_space<vmem_shared>>)
        tpu.yield
      }) : () -> ()
      %add3A_9 = arith.constant 0 : i32
      %add3A_10 = arith.addi %mul3A_0, %add3A_9 : i32
      "tpu.region"() ({
        %run_scoped3A = tpu.sem_alloc : memref<!tpu.dma_semaphore, #tpu.memory_space<semaphore_mem>>
        %dma_start3A = arith.constant 0 : i32
        %dma_start3A_99 = arith.constant 0 : i32
        %dma_start3A_100 = tpu.memref_slice %arg17[%dma_start3A, %dma_start3A_99] : memref<128x16xf32, #tpu.memory_space<vmem>> -> memref<128x16xf32, #tpu.memory_space<vmem>>
        %dma_start3A_101 = arith.constant 0 : i32
        %dma_start3A_102 = tpu.memref_slice %arg19[%add3A_10, %dma_start3A_101] : memref<10000x16xf32, #tpu.memory_space<vmem_shared>> -> memref<128x16xf32, #tpu.memory_space<vmem_shared>>
        %dma_start3A_103 = arith.constant 0 : i32
        %dma_start3A_104 = tpu.memref_slice %arg19[%add3A_10, %dma_start3A_103] : memref<10000x16xf32, #tpu.memory_space<vmem_shared>> -> memref<128x16xf32, #tpu.memory_space<vmem_shared>>
        %dma_start3A_105 = arith.constant 0 : i32
        %dma_start3A_106 = arith.constant 0 : i32
        %dma_start3A_107 = tpu.memref_slice %arg17[%dma_start3A_105, %dma_start3A_106] : memref<128x16xf32, #tpu.memory_space<vmem>> -> memref<128x16xf32, #tpu.memory_space<vmem>>
        tpu.enqueue_dma source(%dma_start3A_107 : memref<128x16xf32, #tpu.memory_space<vmem>>) target(%dma_start3A_104 : memref<128x16xf32, #tpu.memory_space<vmem_shared>>) target_semaphore(%run_scoped3A : memref<!tpu.dma_semaphore, #tpu.memory_space<semaphore_mem>>)
        %dma_wait3A = arith.constant 0 : i32
        %dma_wait3A_108 = arith.constant 0 : i32
        %dma_wait3A_109 = tpu.memref_slice %arg17[%dma_wait3A, %dma_wait3A_108] : memref<128x16xf32, #tpu.memory_space<vmem>> -> memref<128x16xf32, #tpu.memory_space<vmem>>
        %dma_wait3A_110 = arith.constant 0 : i32
        %dma_wait3A_111 = tpu.memref_slice %arg19[%add3A_10, %dma_wait3A_110] : memref<10000x16xf32, #tpu.memory_space<vmem_shared>> -> memref<128x16xf32, #tpu.memory_space<vmem_shared>>
        %dma_wait3A_112 = arith.constant 0 : i32
        %dma_wait3A_113 = tpu.memref_slice %arg19[%add3A_10, %dma_wait3A_112] : memref<10000x16xf32, #tpu.memory_space<vmem_shared>> -> memref<128x16xf32, #tpu.memory_space<vmem_shared>>
        %dma_wait3A_114 = arith.constant 0 : i32
        %dma_wait3A_115 = arith.constant 0 : i32
        %dma_wait3A_116 = tpu.memref_slice %arg17[%dma_wait3A_114, %dma_wait3A_115] : memref<128x16xf32, #tpu.memory_space<vmem>> -> memref<128x16xf32, #tpu.memory_space<vmem>>
        tpu.wait_dma2 semaphore(%run_scoped3A : memref<!tpu.dma_semaphore, #tpu.memory_space<semaphore_mem>>) src(%dma_wait3A_116 : memref<128x16xf32, #tpu.memory_space<vmem>>) dst(%dma_wait3A_113 : memref<128x16xf32, #tpu.memory_space<vmem_shared>>)
        tpu.yield
      }) : () -> ()
      %add3A_11 = arith.constant 128 : i32
      %add3A_12 = arith.addi %mul3A_0, %add3A_11 : i32
      "tpu.region"() ({
        %run_scoped3A = tpu.sem_alloc : memref<!tpu.dma_semaphore, #tpu.memory_space<semaphore_mem>>
        %dma_start3A = arith.constant 0 : i32
        %dma_start3A_99 = arith.constant 0 : i32
        %dma_start3A_100 = tpu.memref_slice %arg15[%dma_start3A, %dma_start3A_99] : memref<128x128xf32, #tpu.memory_space<vmem>> -> memref<128x128xf32, #tpu.memory_space<vmem>>
        %dma_start3A_101 = arith.constant 0 : i32
        %dma_start3A_102 = tpu.memref_slice %arg18[%add3A_12, %dma_start3A_101] : memref<10000x128xf32, #tpu.memory_space<vmem_shared>> -> memref<128x128xf32, #tpu.memory_space<vmem_shared>>
        %dma_start3A_103 = arith.constant 0 : i32
        %dma_start3A_104 = tpu.memref_slice %arg18[%add3A_12, %dma_start3A_103] : memref<10000x128xf32, #tpu.memory_space<vmem_shared>> -> memref<128x128xf32, #tpu.memory_space<vmem_shared>>
        %dma_start3A_105 = arith.constant 0 : i32
        %dma_start3A_106 = arith.constant 0 : i32
        %dma_start3A_107 = tpu.memref_slice %arg15[%dma_start3A_105, %dma_start3A_106] : memref<128x128xf32, #tpu.memory_space<vmem>> -> memref<128x128xf32, #tpu.memory_space<vmem>>
        tpu.enqueue_dma source(%dma_start3A_107 : memref<128x128xf32, #tpu.memory_space<vmem>>) target(%dma_start3A_104 : memref<128x128xf32, #tpu.memory_space<vmem_shared>>) target_semaphore(%run_scoped3A : memref<!tpu.dma_semaphore, #tpu.memory_space<semaphore_mem>>)
        %dma_wait3A = arith.constant 0 : i32
        %dma_wait3A_108 = arith.constant 0 : i32
        %dma_wait3A_109 = tpu.memref_slice %arg15[%dma_wait3A, %dma_wait3A_108] : memref<128x128xf32, #tpu.memory_space<vmem>> -> memref<128x128xf32, #tpu.memory_space<vmem>>
        %dma_wait3A_110 = arith.constant 0 : i32
        %dma_wait3A_111 = tpu.memref_slice %arg18[%add3A_12, %dma_wait3A_110] : memref<10000x128xf32, #tpu.memory_space<vmem_shared>> -> memref<128x128xf32, #tpu.memory_space<vmem_shared>>
        %dma_wait3A_112 = arith.constant 0 : i32
        %dma_wait3A_113 = tpu.memref_slice %arg18[%add3A_12, %dma_wait3A_112] : memref<10000x128xf32, #tpu.memory_space<vmem_shared>> -> memref<128x128xf32, #tpu.memory_space<vmem_shared>>
        %dma_wait3A_114 = arith.constant 0 : i32
        %dma_wait3A_115 = arith.constant 0 : i32
        %dma_wait3A_116 = tpu.memref_slice %arg15[%dma_wait3A_114, %dma_wait3A_115] : memref<128x128xf32, #tpu.memory_space<vmem>> -> memref<128x128xf32, #tpu.memory_space<vmem>>
        tpu.wait_dma2 semaphore(%run_scoped3A : memref<!tpu.dma_semaphore, #tpu.memory_space<semaphore_mem>>) src(%dma_wait3A_116 : memref<128x128xf32, #tpu.memory_space<vmem>>) dst(%dma_wait3A_113 : memref<128x128xf32, #tpu.memory_space<vmem_shared>>)
        tpu.yield
      }) : () -> ()
      %add3A_13 = arith.constant 128 : i32
      %add3A_14 = arith.addi %mul3A_0, %add3A_13 : i32
      "tpu.region"() ({
        %run_scoped3A = tpu.sem_alloc : memref<!tpu.dma_semaphore, #tpu.memory_space<semaphore_mem>>
        %dma_start3A = arith.constant 0 : i32
        %dma_start3A_99 = arith.constant 0 : i32
        %dma_start3A_100 = tpu.memref_slice %arg17[%dma_start3A, %dma_start3A_99] : memref<128x16xf32, #tpu.memory_space<vmem>> -> memref<128x16xf32, #tpu.memory_space<vmem>>
        %dma_start3A_101 = arith.constant 0 : i32
        %dma_start3A_102 = tpu.memref_slice %arg19[%add3A_14, %dma_start3A_101] : memref<10000x16xf32, #tpu.memory_space<vmem_shared>> -> memref<128x16xf32, #tpu.memory_space<vmem_shared>>
        %dma_start3A_103 = arith.constant 0 : i32
        %dma_start3A_104 = tpu.memref_slice %arg19[%add3A_14, %dma_start3A_103] : memref<10000x16xf32, #tpu.memory_space<vmem_shared>> -> memref<128x16xf32, #tpu.memory_space<vmem_shared>>
        %dma_start3A_105 = arith.constant 0 : i32
        %dma_start3A_106 = arith.constant 0 : i32
        %dma_start3A_107 = tpu.memref_slice %arg17[%dma_start3A_105, %dma_start3A_106] : memref<128x16xf32, #tpu.memory_space<vmem>> -> memref<128x16xf32, #tpu.memory_space<vmem>>
        tpu.enqueue_dma source(%dma_start3A_107 : memref<128x16xf32, #tpu.memory_space<vmem>>) target(%dma_start3A_104 : memref<128x16xf32, #tpu.memory_space<vmem_shared>>) target_semaphore(%run_scoped3A : memref<!tpu.dma_semaphore, #tpu.memory_space<semaphore_mem>>)
        %dma_wait3A = arith.constant 0 : i32
        %dma_wait3A_108 = arith.constant 0 : i32
        %dma_wait3A_109 = tpu.memref_slice %arg17[%dma_wait3A, %dma_wait3A_108] : memref<128x16xf32, #tpu.memory_space<vmem>> -> memref<128x16xf32, #tpu.memory_space<vmem>>
        %dma_wait3A_110 = arith.constant 0 : i32
        %dma_wait3A_111 = tpu.memref_slice %arg19[%add3A_14, %dma_wait3A_110] : memref<10000x16xf32, #tpu.memory_space<vmem_shared>> -> memref<128x16xf32, #tpu.memory_space<vmem_shared>>
        %dma_wait3A_112 = arith.constant 0 : i32
        %dma_wait3A_113 = tpu.memref_slice %arg19[%add3A_14, %dma_wait3A_112] : memref<10000x16xf32, #tpu.memory_space<vmem_shared>> -> memref<128x16xf32, #tpu.memory_space<vmem_shared>>
        %dma_wait3A_114 = arith.constant 0 : i32
        %dma_wait3A_115 = arith.constant 0 : i32
        %dma_wait3A_116 = tpu.memref_slice %arg17[%dma_wait3A_114, %dma_wait3A_115] : memref<128x16xf32, #tpu.memory_space<vmem>> -> memref<128x16xf32, #tpu.memory_space<vmem>>
        tpu.wait_dma2 semaphore(%run_scoped3A : memref<!tpu.dma_semaphore, #tpu.memory_space<semaphore_mem>>) src(%dma_wait3A_116 : memref<128x16xf32, #tpu.memory_space<vmem>>) dst(%dma_wait3A_113 : memref<128x16xf32, #tpu.memory_space<vmem_shared>>)
        tpu.yield
      }) : () -> ()
      %add3A_15 = arith.constant 256 : i32
      %add3A_16 = arith.addi %mul3A_0, %add3A_15 : i32
      "tpu.region"() ({
        %run_scoped3A = tpu.sem_alloc : memref<!tpu.dma_semaphore, #tpu.memory_space<semaphore_mem>>
        %dma_start3A = arith.constant 0 : i32
        %dma_start3A_99 = arith.constant 0 : i32
        %dma_start3A_100 = tpu.memref_slice %arg15[%dma_start3A, %dma_start3A_99] : memref<128x128xf32, #tpu.memory_space<vmem>> -> memref<128x128xf32, #tpu.memory_space<vmem>>
        %dma_start3A_101 = arith.constant 0 : i32
        %dma_start3A_102 = tpu.memref_slice %arg18[%add3A_16, %dma_start3A_101] : memref<10000x128xf32, #tpu.memory_space<vmem_shared>> -> memref<128x128xf32, #tpu.memory_space<vmem_shared>>
        %dma_start3A_103 = arith.constant 0 : i32
        %dma_start3A_104 = tpu.memref_slice %arg18[%add3A_16, %dma_start3A_103] : memref<10000x128xf32, #tpu.memory_space<vmem_shared>> -> memref<128x128xf32, #tpu.memory_space<vmem_shared>>
        %dma_start3A_105 = arith.constant 0 : i32
        %dma_start3A_106 = arith.constant 0 : i32
        %dma_start3A_107 = tpu.memref_slice %arg15[%dma_start3A_105, %dma_start3A_106] : memref<128x128xf32, #tpu.memory_space<vmem>> -> memref<128x128xf32, #tpu.memory_space<vmem>>
        tpu.enqueue_dma source(%dma_start3A_107 : memref<128x128xf32, #tpu.memory_space<vmem>>) target(%dma_start3A_104 : memref<128x128xf32, #tpu.memory_space<vmem_shared>>) target_semaphore(%run_scoped3A : memref<!tpu.dma_semaphore, #tpu.memory_space<semaphore_mem>>)
        %dma_wait3A = arith.constant 0 : i32
        %dma_wait3A_108 = arith.constant 0 : i32
        %dma_wait3A_109 = tpu.memref_slice %arg15[%dma_wait3A, %dma_wait3A_108] : memref<128x128xf32, #tpu.memory_space<vmem>> -> memref<128x128xf32, #tpu.memory_space<vmem>>
        %dma_wait3A_110 = arith.constant 0 : i32
        %dma_wait3A_111 = tpu.memref_slice %arg18[%add3A_16, %dma_wait3A_110] : memref<10000x128xf32, #tpu.memory_space<vmem_shared>> -> memref<128x128xf32, #tpu.memory_space<vmem_shared>>
        %dma_wait3A_112 = arith.constant 0 : i32
        %dma_wait3A_113 = tpu.memref_slice %arg18[%add3A_16, %dma_wait3A_112] : memref<10000x128xf32, #tpu.memory_space<vmem_shared>> -> memref<128x128xf32, #tpu.memory_space<vmem_shared>>
        %dma_wait3A_114 = arith.constant 0 : i32
        %dma_wait3A_115 = arith.constant 0 : i32
        %dma_wait3A_116 = tpu.memref_slice %arg15[%dma_wait3A_114, %dma_wait3A_115] : memref<128x128xf32, #tpu.memory_space<vmem>> -> memref<128x128xf32, #tpu.memory_space<vmem>>
        tpu.wait_dma2 semaphore(%run_scoped3A : memref<!tpu.dma_semaphore, #tpu.memory_space<semaphore_mem>>) src(%dma_wait3A_116 : memref<128x128xf32, #tpu.memory_space<vmem>>) dst(%dma_wait3A_113 : memref<128x128xf32, #tpu.memory_space<vmem_shared>>)
        tpu.yield
      }) : () -> ()
      %add3A_17 = arith.constant 256 : i32
      %add3A_18 = arith.addi %mul3A_0, %add3A_17 : i32
      "tpu.region"() ({
        %run_scoped3A = tpu.sem_alloc : memref<!tpu.dma_semaphore, #tpu.memory_space<semaphore_mem>>
        %dma_start3A = arith.constant 0 : i32
        %dma_start3A_99 = arith.constant 0 : i32
        %dma_start3A_100 = tpu.memref_slice %arg17[%dma_start3A, %dma_start3A_99] : memref<128x16xf32, #tpu.memory_space<vmem>> -> memref<128x16xf32, #tpu.memory_space<vmem>>
        %dma_start3A_101 = arith.constant 0 : i32
        %dma_start3A_102 = tpu.memref_slice %arg19[%add3A_18, %dma_start3A_101] : memref<10000x16xf32, #tpu.memory_space<vmem_shared>> -> memref<128x16xf32, #tpu.memory_space<vmem_shared>>
        %dma_start3A_103 = arith.constant 0 : i32
        %dma_start3A_104 = tpu.memref_slice %arg19[%add3A_18, %dma_start3A_103] : memref<10000x16xf32, #tpu.memory_space<vmem_shared>> -> memref<128x16xf32, #tpu.memory_space<vmem_shared>>
        %dma_start3A_105 = arith.constant 0 : i32
        %dma_start3A_106 = arith.constant 0 : i32
        %dma_start3A_107 = tpu.memref_slice %arg17[%dma_start3A_105, %dma_start3A_106] : memref<128x16xf32, #tpu.memory_space<vmem>> -> memref<128x16xf32, #tpu.memory_space<vmem>>
        tpu.enqueue_dma source(%dma_start3A_107 : memref<128x16xf32, #tpu.memory_space<vmem>>) target(%dma_start3A_104 : memref<128x16xf32, #tpu.memory_space<vmem_shared>>) target_semaphore(%run_scoped3A : memref<!tpu.dma_semaphore, #tpu.memory_space<semaphore_mem>>)
        %dma_wait3A = arith.constant 0 : i32
        %dma_wait3A_108 = arith.constant 0 : i32
        %dma_wait3A_109 = tpu.memref_slice %arg17[%dma_wait3A, %dma_wait3A_108] : memref<128x16xf32, #tpu.memory_space<vmem>> -> memref<128x16xf32, #tpu.memory_space<vmem>>
        %dma_wait3A_110 = arith.constant 0 : i32
        %dma_wait3A_111 = tpu.memref_slice %arg19[%add3A_18, %dma_wait3A_110] : memref<10000x16xf32, #tpu.memory_space<vmem_shared>> -> memref<128x16xf32, #tpu.memory_space<vmem_shared>>
        %dma_wait3A_112 = arith.constant 0 : i32
        %dma_wait3A_113 = tpu.memref_slice %arg19[%add3A_18, %dma_wait3A_112] : memref<10000x16xf32, #tpu.memory_space<vmem_shared>> -> memref<128x16xf32, #tpu.memory_space<vmem_shared>>
        %dma_wait3A_114 = arith.constant 0 : i32
        %dma_wait3A_115 = arith.constant 0 : i32
        %dma_wait3A_116 = tpu.memref_slice %arg17[%dma_wait3A_114, %dma_wait3A_115] : memref<128x16xf32, #tpu.memory_space<vmem>> -> memref<128x16xf32, #tpu.memory_space<vmem>>
        tpu.wait_dma2 semaphore(%run_scoped3A : memref<!tpu.dma_semaphore, #tpu.memory_space<semaphore_mem>>) src(%dma_wait3A_116 : memref<128x16xf32, #tpu.memory_space<vmem>>) dst(%dma_wait3A_113 : memref<128x16xf32, #tpu.memory_space<vmem_shared>>)
        tpu.yield
      }) : () -> ()
      %add3A_19 = arith.constant 384 : i32
      %add3A_20 = arith.addi %mul3A_0, %add3A_19 : i32
      "tpu.region"() ({
        %run_scoped3A = tpu.sem_alloc : memref<!tpu.dma_semaphore, #tpu.memory_space<semaphore_mem>>
        %dma_start3A = arith.constant 0 : i32
        %dma_start3A_99 = arith.constant 0 : i32
        %dma_start3A_100 = tpu.memref_slice %arg15[%dma_start3A, %dma_start3A_99] : memref<128x128xf32, #tpu.memory_space<vmem>> -> memref<128x128xf32, #tpu.memory_space<vmem>>
        %dma_start3A_101 = arith.constant 0 : i32
        %dma_start3A_102 = tpu.memref_slice %arg18[%add3A_20, %dma_start3A_101] : memref<10000x128xf32, #tpu.memory_space<vmem_shared>> -> memref<128x128xf32, #tpu.memory_space<vmem_shared>>
        %dma_start3A_103 = arith.constant 0 : i32
        %dma_start3A_104 = tpu.memref_slice %arg18[%add3A_20, %dma_start3A_103] : memref<10000x128xf32, #tpu.memory_space<vmem_shared>> -> memref<128x128xf32, #tpu.memory_space<vmem_shared>>
        %dma_start3A_105 = arith.constant 0 : i32
        %dma_start3A_106 = arith.constant 0 : i32
        %dma_start3A_107 = tpu.memref_slice %arg15[%dma_start3A_105, %dma_start3A_106] : memref<128x128xf32, #tpu.memory_space<vmem>> -> memref<128x128xf32, #tpu.memory_space<vmem>>
        tpu.enqueue_dma source(%dma_start3A_107 : memref<128x128xf32, #tpu.memory_space<vmem>>) target(%dma_start3A_104 : memref<128x128xf32, #tpu.memory_space<vmem_shared>>) target_semaphore(%run_scoped3A : memref<!tpu.dma_semaphore, #tpu.memory_space<semaphore_mem>>)
        %dma_wait3A = arith.constant 0 : i32
        %dma_wait3A_108 = arith.constant 0 : i32
        %dma_wait3A_109 = tpu.memref_slice %arg15[%dma_wait3A, %dma_wait3A_108] : memref<128x128xf32, #tpu.memory_space<vmem>> -> memref<128x128xf32, #tpu.memory_space<vmem>>
        %dma_wait3A_110 = arith.constant 0 : i32
        %dma_wait3A_111 = tpu.memref_slice %arg18[%add3A_20, %dma_wait3A_110] : memref<10000x128xf32, #tpu.memory_space<vmem_shared>> -> memref<128x128xf32, #tpu.memory_space<vmem_shared>>
        %dma_wait3A_112 = arith.constant 0 : i32
        %dma_wait3A_113 = tpu.memref_slice %arg18[%add3A_20, %dma_wait3A_112] : memref<10000x128xf32, #tpu.memory_space<vmem_shared>> -> memref<128x128xf32, #tpu.memory_space<vmem_shared>>
        %dma_wait3A_114 = arith.constant 0 : i32
        %dma_wait3A_115 = arith.constant 0 : i32
        %dma_wait3A_116 = tpu.memref_slice %arg15[%dma_wait3A_114, %dma_wait3A_115] : memref<128x128xf32, #tpu.memory_space<vmem>> -> memref<128x128xf32, #tpu.memory_space<vmem>>
        tpu.wait_dma2 semaphore(%run_scoped3A : memref<!tpu.dma_semaphore, #tpu.memory_space<semaphore_mem>>) src(%dma_wait3A_116 : memref<128x128xf32, #tpu.memory_space<vmem>>) dst(%dma_wait3A_113 : memref<128x128xf32, #tpu.memory_space<vmem_shared>>)
        tpu.yield
      }) : () -> ()
      %add3A_21 = arith.constant 384 : i32
      %add3A_22 = arith.addi %mul3A_0, %add3A_21 : i32
      "tpu.region"() ({
        %run_scoped3A = tpu.sem_alloc : memref<!tpu.dma_semaphore, #tpu.memory_space<semaphore_mem>>
        %dma_start3A = arith.constant 0 : i32
        %dma_start3A_99 = arith.constant 0 : i32
        %dma_start3A_100 = tpu.memref_slice %arg17[%dma_start3A, %dma_start3A_99] : memref<128x16xf32, #tpu.memory_space<vmem>> -> memref<128x16xf32, #tpu.memory_space<vmem>>
        %dma_start3A_101 = arith.constant 0 : i32
        %dma_start3A_102 = tpu.memref_slice %arg19[%add3A_22, %dma_start3A_101] : memref<10000x16xf32, #tpu.memory_space<vmem_shared>> -> memref<128x16xf32, #tpu.memory_space<vmem_shared>>
        %dma_start3A_103 = arith.constant 0 : i32
        %dma_start3A_104 = tpu.memref_slice %arg19[%add3A_22, %dma_start3A_103] : memref<10000x16xf32, #tpu.memory_space<vmem_shared>> -> memref<128x16xf32, #tpu.memory_space<vmem_shared>>
        %dma_start3A_105 = arith.constant 0 : i32
        %dma_start3A_106 = arith.constant 0 : i32
        %dma_start3A_107 = tpu.memref_slice %arg17[%dma_start3A_105, %dma_start3A_106] : memref<128x16xf32, #tpu.memory_space<vmem>> -> memref<128x16xf32, #tpu.memory_space<vmem>>
        tpu.enqueue_dma source(%dma_start3A_107 : memref<128x16xf32, #tpu.memory_space<vmem>>) target(%dma_start3A_104 : memref<128x16xf32, #tpu.memory_space<vmem_shared>>) target_semaphore(%run_scoped3A : memref<!tpu.dma_semaphore, #tpu.memory_space<semaphore_mem>>)
        %dma_wait3A = arith.constant 0 : i32
        %dma_wait3A_108 = arith.constant 0 : i32
        %dma_wait3A_109 = tpu.memref_slice %arg17[%dma_wait3A, %dma_wait3A_108] : memref<128x16xf32, #tpu.memory_space<vmem>> -> memref<128x16xf32, #tpu.memory_space<vmem>>
        %dma_wait3A_110 = arith.constant 0 : i32
        %dma_wait3A_111 = tpu.memref_slice %arg19[%add3A_22, %dma_wait3A_110] : memref<10000x16xf32, #tpu.memory_space<vmem_shared>> -> memref<128x16xf32, #tpu.memory_space<vmem_shared>>
        %dma_wait3A_112 = arith.constant 0 : i32
        %dma_wait3A_113 = tpu.memref_slice %arg19[%add3A_22, %dma_wait3A_112] : memref<10000x16xf32, #tpu.memory_space<vmem_shared>> -> memref<128x16xf32, #tpu.memory_space<vmem_shared>>
        %dma_wait3A_114 = arith.constant 0 : i32
        %dma_wait3A_115 = arith.constant 0 : i32
        %dma_wait3A_116 = tpu.memref_slice %arg17[%dma_wait3A_114, %dma_wait3A_115] : memref<128x16xf32, #tpu.memory_space<vmem>> -> memref<128x16xf32, #tpu.memory_space<vmem>>
        tpu.wait_dma2 semaphore(%run_scoped3A : memref<!tpu.dma_semaphore, #tpu.memory_space<semaphore_mem>>) src(%dma_wait3A_116 : memref<128x16xf32, #tpu.memory_space<vmem>>) dst(%dma_wait3A_113 : memref<128x16xf32, #tpu.memory_space<vmem_shared>>)
        tpu.yield
      }) : () -> ()
      %add3A_23 = arith.constant 512 : i32
      %add3A_24 = arith.addi %mul3A_0, %add3A_23 : i32
      "tpu.region"() ({
        %run_scoped3A = tpu.sem_alloc : memref<!tpu.dma_semaphore, #tpu.memory_space<semaphore_mem>>
        %dma_start3A = arith.constant 0 : i32
        %dma_start3A_99 = arith.constant 0 : i32
        %dma_start3A_100 = tpu.memref_slice %arg15[%dma_start3A, %dma_start3A_99] : memref<128x128xf32, #tpu.memory_space<vmem>> -> memref<112x128xf32, #tpu.memory_space<vmem>>
        %dma_start3A_101 = arith.constant 0 : i32
        %dma_start3A_102 = tpu.memref_slice %arg18[%add3A_24, %dma_start3A_101] : memref<10000x128xf32, #tpu.memory_space<vmem_shared>> -> memref<112x128xf32, #tpu.memory_space<vmem_shared>>
        %dma_start3A_103 = arith.constant 0 : i32
        %dma_start3A_104 = tpu.memref_slice %arg18[%add3A_24, %dma_start3A_103] : memref<10000x128xf32, #tpu.memory_space<vmem_shared>> -> memref<112x128xf32, #tpu.memory_space<vmem_shared>>
        %dma_start3A_105 = arith.constant 0 : i32
        %dma_start3A_106 = arith.constant 0 : i32
        %dma_start3A_107 = tpu.memref_slice %arg15[%dma_start3A_105, %dma_start3A_106] : memref<128x128xf32, #tpu.memory_space<vmem>> -> memref<112x128xf32, #tpu.memory_space<vmem>>
        tpu.enqueue_dma source(%dma_start3A_107 : memref<112x128xf32, #tpu.memory_space<vmem>>) target(%dma_start3A_104 : memref<112x128xf32, #tpu.memory_space<vmem_shared>>) target_semaphore(%run_scoped3A : memref<!tpu.dma_semaphore, #tpu.memory_space<semaphore_mem>>)
        %dma_wait3A = arith.constant 0 : i32
        %dma_wait3A_108 = arith.constant 0 : i32
        %dma_wait3A_109 = tpu.memref_slice %arg15[%dma_wait3A, %dma_wait3A_108] : memref<128x128xf32, #tpu.memory_space<vmem>> -> memref<112x128xf32, #tpu.memory_space<vmem>>
        %dma_wait3A_110 = arith.constant 0 : i32
        %dma_wait3A_111 = tpu.memref_slice %arg18[%add3A_24, %dma_wait3A_110] : memref<10000x128xf32, #tpu.memory_space<vmem_shared>> -> memref<112x128xf32, #tpu.memory_space<vmem_shared>>
        %dma_wait3A_112 = arith.constant 0 : i32
        %dma_wait3A_113 = tpu.memref_slice %arg18[%add3A_24, %dma_wait3A_112] : memref<10000x128xf32, #tpu.memory_space<vmem_shared>> -> memref<112x128xf32, #tpu.memory_space<vmem_shared>>
        %dma_wait3A_114 = arith.constant 0 : i32
        %dma_wait3A_115 = arith.constant 0 : i32
        %dma_wait3A_116 = tpu.memref_slice %arg15[%dma_wait3A_114, %dma_wait3A_115] : memref<128x128xf32, #tpu.memory_space<vmem>> -> memref<112x128xf32, #tpu.memory_space<vmem>>
        tpu.wait_dma2 semaphore(%run_scoped3A : memref<!tpu.dma_semaphore, #tpu.memory_space<semaphore_mem>>) src(%dma_wait3A_116 : memref<112x128xf32, #tpu.memory_space<vmem>>) dst(%dma_wait3A_113 : memref<112x128xf32, #tpu.memory_space<vmem_shared>>)
        tpu.yield
      }) : () -> ()
      %add3A_25 = arith.constant 512 : i32
      %add3A_26 = arith.addi %mul3A_0, %add3A_25 : i32
      "tpu.region"() ({
        %run_scoped3A = tpu.sem_alloc : memref<!tpu.dma_semaphore, #tpu.memory_space<semaphore_mem>>
        %dma_start3A = arith.constant 0 : i32
        %dma_start3A_99 = arith.constant 0 : i32
        %dma_start3A_100 = tpu.memref_slice %arg17[%dma_start3A, %dma_start3A_99] : memref<128x16xf32, #tpu.memory_space<vmem>> -> memref<112x16xf32, #tpu.memory_space<vmem>>
        %dma_start3A_101 = arith.constant 0 : i32
        %dma_start3A_102 = tpu.memref_slice %arg19[%add3A_26, %dma_start3A_101] : memref<10000x16xf32, #tpu.memory_space<vmem_shared>> -> memref<112x16xf32, #tpu.memory_space<vmem_shared>>
        %dma_start3A_103 = arith.constant 0 : i32
        %dma_start3A_104 = tpu.memref_slice %arg19[%add3A_26, %dma_start3A_103] : memref<10000x16xf32, #tpu.memory_space<vmem_shared>> -> memref<112x16xf32, #tpu.memory_space<vmem_shared>>
        %dma_start3A_105 = arith.constant 0 : i32
        %dma_start3A_106 = arith.constant 0 : i32
        %dma_start3A_107 = tpu.memref_slice %arg17[%dma_start3A_105, %dma_start3A_106] : memref<128x16xf32, #tpu.memory_space<vmem>> -> memref<112x16xf32, #tpu.memory_space<vmem>>
        tpu.enqueue_dma source(%dma_start3A_107 : memref<112x16xf32, #tpu.memory_space<vmem>>) target(%dma_start3A_104 : memref<112x16xf32, #tpu.memory_space<vmem_shared>>) target_semaphore(%run_scoped3A : memref<!tpu.dma_semaphore, #tpu.memory_space<semaphore_mem>>)
        %dma_wait3A = arith.constant 0 : i32
        %dma_wait3A_108 = arith.constant 0 : i32
        %dma_wait3A_109 = tpu.memref_slice %arg17[%dma_wait3A, %dma_wait3A_108] : memref<128x16xf32, #tpu.memory_space<vmem>> -> memref<112x16xf32, #tpu.memory_space<vmem>>
        %dma_wait3A_110 = arith.constant 0 : i32
        %dma_wait3A_111 = tpu.memref_slice %arg19[%add3A_26, %dma_wait3A_110] : memref<10000x16xf32, #tpu.memory_space<vmem_shared>> -> memref<112x16xf32, #tpu.memory_space<vmem_shared>>
        %dma_wait3A_112 = arith.constant 0 : i32
        %dma_wait3A_113 = tpu.memref_slice %arg19[%add3A_26, %dma_wait3A_112] : memref<10000x16xf32, #tpu.memory_space<vmem_shared>> -> memref<112x16xf32, #tpu.memory_space<vmem_shared>>
        %dma_wait3A_114 = arith.constant 0 : i32
        %dma_wait3A_115 = arith.constant 0 : i32
        %dma_wait3A_116 = tpu.memref_slice %arg17[%dma_wait3A_114, %dma_wait3A_115] : memref<128x16xf32, #tpu.memory_space<vmem>> -> memref<112x16xf32, #tpu.memory_space<vmem>>
        tpu.wait_dma2 semaphore(%run_scoped3A : memref<!tpu.dma_semaphore, #tpu.memory_space<semaphore_mem>>) src(%dma_wait3A_116 : memref<112x16xf32, #tpu.memory_space<vmem>>) dst(%dma_wait3A_113 : memref<112x16xf32, #tpu.memory_space<vmem_shared>>)
        tpu.yield
      }) : () -> ()
      %eq3A_27 = arith.constant 15 : i32
      %eq3A_28 = arith.cmpi eq, %arg1, %eq3A_27 : i32
      %convert_element_type3A_29 = arith.extui %eq3A_28 : i1 to i32
      %cond3A_30 = arith.constant 0 : i32
      %cond3A_31 = arith.cmpi ne, %convert_element_type3A_29, %cond3A_30 : i32
      scf.if %cond3A_31 {
        "tpu.region"() ({
          %run_scoped3A = tpu.sem_alloc : memref<!tpu.dma_semaphore, #tpu.memory_space<semaphore_mem>>
          %dma_start3A = arith.constant 0 : i32
          %dma_start3A_99 = arith.constant 0 : i32
          %dma_start3A_100 = tpu.memref_slice %arg15[%dma_start3A, %dma_start3A_99] : memref<128x128xf32, #tpu.memory_space<vmem>> -> memref<16x128xf32, #tpu.memory_space<vmem>>
          %dma_start3A_101 = arith.constant 9984 : i32
          %dma_start3A_102 = arith.constant 0 : i32
          %dma_start3A_103 = tpu.memref_slice %arg18[%dma_start3A_101, %dma_start3A_102] : memref<10000x128xf32, #tpu.memory_space<vmem_shared>> -> memref<16x128xf32, #tpu.memory_space<vmem_shared>>
          %dma_start3A_104 = arith.constant 9984 : i32
          %dma_start3A_105 = arith.constant 0 : i32
          %dma_start3A_106 = tpu.memref_slice %arg18[%dma_start3A_104, %dma_start3A_105] : memref<10000x128xf32, #tpu.memory_space<vmem_shared>> -> memref<16x128xf32, #tpu.memory_space<vmem_shared>>
          %dma_start3A_107 = arith.constant 0 : i32
          %dma_start3A_108 = arith.constant 0 : i32
          %dma_start3A_109 = tpu.memref_slice %arg15[%dma_start3A_107, %dma_start3A_108] : memref<128x128xf32, #tpu.memory_space<vmem>> -> memref<16x128xf32, #tpu.memory_space<vmem>>
          tpu.enqueue_dma source(%dma_start3A_109 : memref<16x128xf32, #tpu.memory_space<vmem>>) target(%dma_start3A_106 : memref<16x128xf32, #tpu.memory_space<vmem_shared>>) target_semaphore(%run_scoped3A : memref<!tpu.dma_semaphore, #tpu.memory_space<semaphore_mem>>)
          %dma_wait3A = arith.constant 0 : i32
          %dma_wait3A_110 = arith.constant 0 : i32
          %dma_wait3A_111 = tpu.memref_slice %arg15[%dma_wait3A, %dma_wait3A_110] : memref<128x128xf32, #tpu.memory_space<vmem>> -> memref<16x128xf32, #tpu.memory_space<vmem>>
          %dma_wait3A_112 = arith.constant 9984 : i32
          %dma_wait3A_113 = arith.constant 0 : i32
          %dma_wait3A_114 = tpu.memref_slice %arg18[%dma_wait3A_112, %dma_wait3A_113] : memref<10000x128xf32, #tpu.memory_space<vmem_shared>> -> memref<16x128xf32, #tpu.memory_space<vmem_shared>>
          %dma_wait3A_115 = arith.constant 9984 : i32
          %dma_wait3A_116 = arith.constant 0 : i32
          %dma_wait3A_117 = tpu.memref_slice %arg18[%dma_wait3A_115, %dma_wait3A_116] : memref<10000x128xf32, #tpu.memory_space<vmem_shared>> -> memref<16x128xf32, #tpu.memory_space<vmem_shared>>
          %dma_wait3A_118 = arith.constant 0 : i32
          %dma_wait3A_119 = arith.constant 0 : i32
          %dma_wait3A_120 = tpu.memref_slice %arg15[%dma_wait3A_118, %dma_wait3A_119] : memref<128x128xf32, #tpu.memory_space<vmem>> -> memref<16x128xf32, #tpu.memory_space<vmem>>
          tpu.wait_dma2 semaphore(%run_scoped3A : memref<!tpu.dma_semaphore, #tpu.memory_space<semaphore_mem>>) src(%dma_wait3A_120 : memref<16x128xf32, #tpu.memory_space<vmem>>) dst(%dma_wait3A_117 : memref<16x128xf32, #tpu.memory_space<vmem_shared>>)
          tpu.yield
        }) : () -> ()
        "tpu.region"() ({
          %run_scoped3A = tpu.sem_alloc : memref<!tpu.dma_semaphore, #tpu.memory_space<semaphore_mem>>
          %dma_start3A = arith.constant 0 : i32
          %dma_start3A_99 = arith.constant 0 : i32
          %dma_start3A_100 = tpu.memref_slice %arg17[%dma_start3A, %dma_start3A_99] : memref<128x16xf32, #tpu.memory_space<vmem>> -> memref<16x16xf32, #tpu.memory_space<vmem>>
          %dma_start3A_101 = arith.constant 9984 : i32
          %dma_start3A_102 = arith.constant 0 : i32
          %dma_start3A_103 = tpu.memref_slice %arg19[%dma_start3A_101, %dma_start3A_102] : memref<10000x16xf32, #tpu.memory_space<vmem_shared>> -> memref<16x16xf32, #tpu.memory_space<vmem_shared>>
          %dma_start3A_104 = arith.constant 9984 : i32
          %dma_start3A_105 = arith.constant 0 : i32
          %dma_start3A_106 = tpu.memref_slice %arg19[%dma_start3A_104, %dma_start3A_105] : memref<10000x16xf32, #tpu.memory_space<vmem_shared>> -> memref<16x16xf32, #tpu.memory_space<vmem_shared>>
          %dma_start3A_107 = arith.constant 0 : i32
          %dma_start3A_108 = arith.constant 0 : i32
          %dma_start3A_109 = tpu.memref_slice %arg17[%dma_start3A_107, %dma_start3A_108] : memref<128x16xf32, #tpu.memory_space<vmem>> -> memref<16x16xf32, #tpu.memory_space<vmem>>
          tpu.enqueue_dma source(%dma_start3A_109 : memref<16x16xf32, #tpu.memory_space<vmem>>) target(%dma_start3A_106 : memref<16x16xf32, #tpu.memory_space<vmem_shared>>) target_semaphore(%run_scoped3A : memref<!tpu.dma_semaphore, #tpu.memory_space<semaphore_mem>>)
          %dma_wait3A = arith.constant 0 : i32
          %dma_wait3A_110 = arith.constant 0 : i32
          %dma_wait3A_111 = tpu.memref_slice %arg17[%dma_wait3A, %dma_wait3A_110] : memref<128x16xf32, #tpu.memory_space<vmem>> -> memref<16x16xf32, #tpu.memory_space<vmem>>
          %dma_wait3A_112 = arith.constant 9984 : i32
          %dma_wait3A_113 = arith.constant 0 : i32
          %dma_wait3A_114 = tpu.memref_slice %arg19[%dma_wait3A_112, %dma_wait3A_113] : memref<10000x16xf32, #tpu.memory_space<vmem_shared>> -> memref<16x16xf32, #tpu.memory_space<vmem_shared>>
          %dma_wait3A_115 = arith.constant 9984 : i32
          %dma_wait3A_116 = arith.constant 0 : i32
          %dma_wait3A_117 = tpu.memref_slice %arg19[%dma_wait3A_115, %dma_wait3A_116] : memref<10000x16xf32, #tpu.memory_space<vmem_shared>> -> memref<16x16xf32, #tpu.memory_space<vmem_shared>>
          %dma_wait3A_118 = arith.constant 0 : i32
          %dma_wait3A_119 = arith.constant 0 : i32
          %dma_wait3A_120 = tpu.memref_slice %arg17[%dma_wait3A_118, %dma_wait3A_119] : memref<128x16xf32, #tpu.memory_space<vmem>> -> memref<16x16xf32, #tpu.memory_space<vmem>>
          tpu.wait_dma2 semaphore(%run_scoped3A : memref<!tpu.dma_semaphore, #tpu.memory_space<semaphore_mem>>) src(%dma_wait3A_120 : memref<16x16xf32, #tpu.memory_space<vmem>>) dst(%dma_wait3A_117 : memref<16x16xf32, #tpu.memory_space<vmem_shared>>)
          tpu.yield
        }) : () -> ()
      } else {
      }
      "tpu.region"() ({
        %run_scoped3A = tpu.sem_alloc : memref<!tpu.dma_semaphore, #tpu.memory_space<semaphore_mem>>
        tpu.enqueue_dma source(%arg8 : memref<128x16xf32, #tpu.memory_space<hbm>>) target(%arg17 : memref<128x16xf32, #tpu.memory_space<vmem>>) target_semaphore(%run_scoped3A : memref<!tpu.dma_semaphore, #tpu.memory_space<semaphore_mem>>)
        tpu.wait_dma2 semaphore(%run_scoped3A : memref<!tpu.dma_semaphore, #tpu.memory_space<semaphore_mem>>) src(%arg8 : memref<128x16xf32, #tpu.memory_space<hbm>>) dst(%arg17 : memref<128x16xf32, #tpu.memory_space<vmem>>)
        tpu.yield
      }) : () -> ()
      %barrier3A = arith.constant 0 : index
      tpu.barrier barrier_id(%barrier3A)
      %lt3A = arith.constant 2500 : i32
      %lt3A_32 = arith.cmpi slt, %arg1, %lt3A : i32
      %convert_element_type3A_33 = arith.extui %lt3A_32 : i1 to i32
      %cond3A_34 = arith.constant 0 : i32
      %cond3A_35 = arith.cmpi ne, %convert_element_type3A_33, %cond3A_34 : i32
      scf.if %cond3A_35 {
        %mul3A_99 = arith.constant 128 : i32
        %mul3A_100 = arith.muli %arg1, %mul3A_99 : i32
        %dma_start3A = arith.constant 0 : i32
        %dma_start3A_101 = tpu.memref_slice %arg3[%dma_start3A, %mul3A_100] : memref<2x320000xi32, #tpu.memory_space<hbm>> -> memref<2x128xi32, #tpu.memory_space<hbm>>
        %dma_start3A_102 = arith.constant 0 : i32
        %dma_start3A_103 = tpu.memref_slice %arg3[%dma_start3A_102, %mul3A_100] : memref<2x320000xi32, #tpu.memory_space<hbm>> -> memref<2x128xi32, #tpu.memory_space<hbm>>
        tpu.enqueue_dma source(%dma_start3A_103 : memref<2x128xi32, #tpu.memory_space<hbm>>) target(%arg13 : memref<2x128xi32, #tpu.memory_space<vmem>>) target_semaphore(%arg20 : memref<!tpu.dma_semaphore, #tpu.memory_space<semaphore_mem>>)
      } else {
      }
      %add3A_36 = arith.constant 16 : i32
      %add3A_37 = arith.addi %arg1, %add3A_36 : i32
      %lt3A_38 = arith.constant 2500 : i32
      %lt3A_39 = arith.cmpi slt, %add3A_37, %lt3A_38 : i32
      %convert_element_type3A_40 = arith.extui %lt3A_39 : i1 to i32
      %cond3A_41 = arith.constant 0 : i32
      %cond3A_42 = arith.cmpi ne, %convert_element_type3A_40, %cond3A_41 : i32
      scf.if %cond3A_42 {
        %add3A_99 = arith.constant 16 : i32
        %add3A_100 = arith.addi %arg1, %add3A_99 : i32
        %mul3A_101 = arith.constant 128 : i32
        %mul3A_102 = arith.muli %add3A_100, %mul3A_101 : i32
        %dma_start3A = arith.constant 0 : i32
        %dma_start3A_103 = tpu.memref_slice %arg3[%dma_start3A, %mul3A_102] : memref<2x320000xi32, #tpu.memory_space<hbm>> -> memref<2x128xi32, #tpu.memory_space<hbm>>
        %dma_start3A_104 = arith.constant 0 : i32
        %dma_start3A_105 = tpu.memref_slice %arg3[%dma_start3A_104, %mul3A_102] : memref<2x320000xi32, #tpu.memory_space<hbm>> -> memref<2x128xi32, #tpu.memory_space<hbm>>
        tpu.enqueue_dma source(%dma_start3A_105 : memref<2x128xi32, #tpu.memory_space<hbm>>) target(%arg14 : memref<2x128xi32, #tpu.memory_space<vmem>>) target_semaphore(%arg22 : memref<!tpu.dma_semaphore, #tpu.memory_space<semaphore_mem>>)
      } else {
      }
      %lt3A_43 = arith.constant 2500 : i32
      %lt3A_44 = arith.cmpi slt, %arg1, %lt3A_43 : i32
      %convert_element_type3A_45 = arith.extui %lt3A_44 : i1 to i32
      %cond3A_46 = arith.constant 0 : i32
      %cond3A_47 = arith.cmpi ne, %convert_element_type3A_45, %cond3A_46 : i32
      scf.if %cond3A_47 {
        %mul3A_99 = arith.constant 128 : i32
        %mul3A_100 = arith.muli %arg1, %mul3A_99 : i32
        %dma_wait3A = arith.constant 0 : i32
        %dma_wait3A_101 = tpu.memref_slice %arg3[%dma_wait3A, %mul3A_100] : memref<2x320000xi32, #tpu.memory_space<hbm>> -> memref<2x128xi32, #tpu.memory_space<hbm>>
        %dma_wait3A_102 = arith.constant 0 : i32
        %dma_wait3A_103 = tpu.memref_slice %arg3[%dma_wait3A_102, %mul3A_100] : memref<2x320000xi32, #tpu.memory_space<hbm>> -> memref<2x128xi32, #tpu.memory_space<hbm>>
        tpu.wait_dma2 semaphore(%arg20 : memref<!tpu.dma_semaphore, #tpu.memory_space<semaphore_mem>>) src(%dma_wait3A_103 : memref<2x128xi32, #tpu.memory_space<hbm>>) dst(%arg13 : memref<2x128xi32, #tpu.memory_space<vmem>>)
        %dma_start3A = arith.constant 0 : i32
        %dma_start3A_104 = arith.constant 0 : i32
        %dma_start3A_105 = tpu.memref_slice %arg13[%dma_start3A, %dma_start3A_104] : memref<2x128xi32, #tpu.memory_space<vmem>> -> memref<1x128xi32, #tpu.memory_space<vmem>>
        %dma_start3A_106 = tpu.memref_squeeze %dma_start3A_105 : memref<1x128xi32, #tpu.memory_space<vmem>> -> memref<128xi32, #tpu.memory_space<vmem>>
        %dma_start3A_107 = arith.constant 0 : i32
        %dma_start3A_108 = arith.constant 0 : i32
        %dma_start3A_109 = tpu.memref_slice %arg2[%dma_start3A_107, %dma_start3A_108] : memref<10000x128xf32, #tpu.memory_space<hbm>> -> memref<10000x128xf32, #tpu.memory_space<hbm>>
        tpu.enqueue_indirect_dma source(%dma_start3A_109 : memref<10000x128xf32, #tpu.memory_space<hbm>>) target(%arg15 : memref<128x128xf32, #tpu.memory_space<vmem>>) offsets(%dma_start3A_106 : memref<128xi32, #tpu.memory_space<vmem>>) semaphore(%arg23 : memref<!tpu.dma_semaphore, #tpu.memory_space<semaphore_mem>>)
      } else {
      }
      %scan3A = arith.constant 0 : i32
      %scan3A_48 = arith.constant 0 : i32
      %scan3A_49 = arith.constant 79 : i32
      %scan3A_50 = arith.addi %scan3A_48, %scan3A_49 : i32
      %scan3A_51 = arith.constant 1 : i32
      scf.for %scan3A_99 = %scan3A_48 to %scan3A_50 step %scan3A_51  : i32 {
        %mul3A_100 = arith.constant 2 : i32
        %mul3A_101 = arith.muli %mul3A_100, %scan3A_99 : i32
        %mul3A_102 = arith.constant 16 : i32
        %mul3A_103 = arith.muli %mul3A_101, %mul3A_102 : i32
        %add3A_104 = arith.addi %mul3A_103, %arg1 : i32
        %add3A_105 = arith.constant 16 : i32
        %add3A_106 = arith.addi %add3A_104, %add3A_105 : i32
        %add3A_107 = arith.constant 32 : i32
        %add3A_108 = arith.addi %add3A_104, %add3A_107 : i32
        %add3A_109 = arith.constant 48 : i32
        %add3A_110 = arith.addi %add3A_104, %add3A_109 : i32
        %lt3A_111 = arith.constant 2500 : i32
        %lt3A_112 = arith.cmpi slt, %add3A_104, %lt3A_111 : i32
        %convert_element_type3A_113 = arith.extui %lt3A_112 : i1 to i32
        %cond3A_114 = arith.constant 0 : i32
        %cond3A_115 = arith.cmpi ne, %convert_element_type3A_113, %cond3A_114 : i32
        scf.if %cond3A_115 {
          %dma_wait3A = arith.constant 0 : i32
          %dma_wait3A_131 = arith.constant 0 : i32
          %dma_wait3A_132 = tpu.memref_slice %arg13[%dma_wait3A, %dma_wait3A_131] : memref<2x128xi32, #tpu.memory_space<vmem>> -> memref<1x128xi32, #tpu.memory_space<vmem>>
          %dma_wait3A_133 = tpu.memref_squeeze %dma_wait3A_132 : memref<1x128xi32, #tpu.memory_space<vmem>> -> memref<128xi32, #tpu.memory_space<vmem>>
          %dma_wait3A_134 = arith.constant 0 : i32
          %dma_wait3A_135 = arith.constant 0 : i32
          %dma_wait3A_136 = tpu.memref_slice %arg2[%dma_wait3A_134, %dma_wait3A_135] : memref<10000x128xf32, #tpu.memory_space<hbm>> -> memref<10000x128xf32, #tpu.memory_space<hbm>>
          tpu.wait_indirect_dma semaphore(%arg23 : memref<!tpu.dma_semaphore, #tpu.memory_space<semaphore_mem>>) src(%dma_wait3A_136 : memref<10000x128xf32, #tpu.memory_space<hbm>>) dst(%arg15 : memref<128x128xf32, #tpu.memory_space<vmem>>)
          %lt3A_137 = arith.constant 2500 : i32
          %lt3A_138 = arith.cmpi slt, %add3A_106, %lt3A_137 : i32
          %convert_element_type3A_139 = arith.extui %lt3A_138 : i1 to i32
          %cond3A_140 = arith.constant 0 : i32
          %cond3A_141 = arith.cmpi ne, %convert_element_type3A_139, %cond3A_140 : i32
          scf.if %cond3A_141 {
            %mul3A_169 = arith.constant 128 : i32
            %mul3A_170 = arith.muli %add3A_106, %mul3A_169 : i32
            %dma_wait3A_171 = arith.constant 0 : i32
            %dma_wait3A_172 = tpu.memref_slice %arg3[%dma_wait3A_171, %mul3A_170] : memref<2x320000xi32, #tpu.memory_space<hbm>> -> memref<2x128xi32, #tpu.memory_space<hbm>>
            %dma_wait3A_173 = arith.constant 0 : i32
            %dma_wait3A_174 = tpu.memref_slice %arg3[%dma_wait3A_173, %mul3A_170] : memref<2x320000xi32, #tpu.memory_space<hbm>> -> memref<2x128xi32, #tpu.memory_space<hbm>>
            tpu.wait_dma2 semaphore(%arg22 : memref<!tpu.dma_semaphore, #tpu.memory_space<semaphore_mem>>) src(%dma_wait3A_174 : memref<2x128xi32, #tpu.memory_space<hbm>>) dst(%arg14 : memref<2x128xi32, #tpu.memory_space<vmem>>)
            %dma_start3A_175 = arith.constant 0 : i32
            %dma_start3A_176 = arith.constant 0 : i32
            %dma_start3A_177 = tpu.memref_slice %arg14[%dma_start3A_175, %dma_start3A_176] : memref<2x128xi32, #tpu.memory_space<vmem>> -> memref<1x128xi32, #tpu.memory_space<vmem>>
            %dma_start3A_178 = tpu.memref_squeeze %dma_start3A_177 : memref<1x128xi32, #tpu.memory_space<vmem>> -> memref<128xi32, #tpu.memory_space<vmem>>
            %dma_start3A_179 = arith.constant 0 : i32
            %dma_start3A_180 = arith.constant 0 : i32
            %dma_start3A_181 = tpu.memref_slice %arg2[%dma_start3A_179, %dma_start3A_180] : memref<10000x128xf32, #tpu.memory_space<hbm>> -> memref<10000x128xf32, #tpu.memory_space<hbm>>
            tpu.enqueue_indirect_dma source(%dma_start3A_181 : memref<10000x128xf32, #tpu.memory_space<hbm>>) target(%arg16 : memref<128x128xf32, #tpu.memory_space<vmem>>) offsets(%dma_start3A_178 : memref<128xi32, #tpu.memory_space<vmem>>) semaphore(%arg24 : memref<!tpu.dma_semaphore, #tpu.memory_space<semaphore_mem>>)
          } else {
          }
          %dma_start3A = arith.constant 1 : i32
          %dma_start3A_142 = arith.constant 0 : i32
          %dma_start3A_143 = tpu.memref_slice %arg13[%dma_start3A, %dma_start3A_142] : memref<2x128xi32, #tpu.memory_space<vmem>> -> memref<1x128xi32, #tpu.memory_space<vmem>>
          %dma_start3A_144 = tpu.memref_squeeze %dma_start3A_143 : memref<1x128xi32, #tpu.memory_space<vmem>> -> memref<128xi32, #tpu.memory_space<vmem>>
          %dma_start3A_145 = arith.constant 0 : i32
          %dma_start3A_146 = arith.constant 0 : i32
          %dma_start3A_147 = tpu.memref_slice %arg18[%dma_start3A_145, %dma_start3A_146] : memref<10000x128xf32, #tpu.memory_space<vmem_shared>> -> memref<10000x128xf32, #tpu.memory_space<vmem_shared>>
          tpu.enqueue_indirect_dma source(%arg15 : memref<128x128xf32, #tpu.memory_space<vmem>>) target(%dma_start3A_147 : memref<10000x128xf32, #tpu.memory_space<vmem_shared>>) offsets(%dma_start3A_144 : memref<128xi32, #tpu.memory_space<vmem>>) semaphore(%arg21 : memref<!tpu.dma_semaphore, #tpu.memory_space<semaphore_mem>>) {add = true}
          %dma_start3A_148 = arith.constant 1 : i32
          %dma_start3A_149 = arith.constant 0 : i32
          %dma_start3A_150 = tpu.memref_slice %arg13[%dma_start3A_148, %dma_start3A_149] : memref<2x128xi32, #tpu.memory_space<vmem>> -> memref<1x128xi32, #tpu.memory_space<vmem>>
          %dma_start3A_151 = tpu.memref_squeeze %dma_start3A_150 : memref<1x128xi32, #tpu.memory_space<vmem>> -> memref<128xi32, #tpu.memory_space<vmem>>
          %dma_start3A_152 = arith.constant 0 : i32
          %dma_start3A_153 = arith.constant 0 : i32
          %dma_start3A_154 = tpu.memref_slice %arg19[%dma_start3A_152, %dma_start3A_153] : memref<10000x16xf32, #tpu.memory_space<vmem_shared>> -> memref<10000x16xf32, #tpu.memory_space<vmem_shared>>
          tpu.enqueue_indirect_dma source(%arg17 : memref<128x16xf32, #tpu.memory_space<vmem>>) target(%dma_start3A_154 : memref<10000x16xf32, #tpu.memory_space<vmem_shared>>) offsets(%dma_start3A_151 : memref<128xi32, #tpu.memory_space<vmem>>) semaphore(%arg21 : memref<!tpu.dma_semaphore, #tpu.memory_space<semaphore_mem>>) {add = true}
          %dma_wait3A_155 = arith.constant 1 : i32
          %dma_wait3A_156 = arith.constant 0 : i32
          %dma_wait3A_157 = tpu.memref_slice %arg13[%dma_wait3A_155, %dma_wait3A_156] : memref<2x128xi32, #tpu.memory_space<vmem>> -> memref<1x128xi32, #tpu.memory_space<vmem>>
          %dma_wait3A_158 = tpu.memref_squeeze %dma_wait3A_157 : memref<1x128xi32, #tpu.memory_space<vmem>> -> memref<128xi32, #tpu.memory_space<vmem>>
          %dma_wait3A_159 = arith.constant 0 : i32
          %dma_wait3A_160 = arith.constant 0 : i32
          %dma_wait3A_161 = tpu.memref_slice %arg18[%dma_wait3A_159, %dma_wait3A_160] : memref<10000x128xf32, #tpu.memory_space<vmem_shared>> -> memref<10000x128xf32, #tpu.memory_space<vmem_shared>>
          tpu.wait_indirect_dma semaphore(%arg21 : memref<!tpu.dma_semaphore, #tpu.memory_space<semaphore_mem>>) src(%arg15 : memref<128x128xf32, #tpu.memory_space<vmem>>) dst(%dma_wait3A_161 : memref<10000x128xf32, #tpu.memory_space<vmem_shared>>)
          %dma_wait3A_162 = arith.constant 1 : i32
          %dma_wait3A_163 = arith.constant 0 : i32
          %dma_wait3A_164 = tpu.memref_slice %arg13[%dma_wait3A_162, %dma_wait3A_163] : memref<2x128xi32, #tpu.memory_space<vmem>> -> memref<1x128xi32, #tpu.memory_space<vmem>>
          %dma_wait3A_165 = tpu.memref_squeeze %dma_wait3A_164 : memref<1x128xi32, #tpu.memory_space<vmem>> -> memref<128xi32, #tpu.memory_space<vmem>>
          %dma_wait3A_166 = arith.constant 0 : i32
          %dma_wait3A_167 = arith.constant 0 : i32
          %dma_wait3A_168 = tpu.memref_slice %arg19[%dma_wait3A_166, %dma_wait3A_167] : memref<10000x16xf32, #tpu.memory_space<vmem_shared>> -> memref<10000x16xf32, #tpu.memory_space<vmem_shared>>
          tpu.wait_indirect_dma semaphore(%arg21 : memref<!tpu.dma_semaphore, #tpu.memory_space<semaphore_mem>>) src(%arg17 : memref<128x16xf32, #tpu.memory_space<vmem>>) dst(%dma_wait3A_168 : memref<10000x16xf32, #tpu.memory_space<vmem_shared>>)
        } else {
        }
        %lt3A_116 = arith.constant 2500 : i32
        %lt3A_117 = arith.cmpi slt, %add3A_108, %lt3A_116 : i32
        %convert_element_type3A_118 = arith.extui %lt3A_117 : i1 to i32
        %cond3A_119 = arith.constant 0 : i32
        %cond3A_120 = arith.cmpi ne, %convert_element_type3A_118, %cond3A_119 : i32
        scf.if %cond3A_120 {
          %mul3A_131 = arith.constant 128 : i32
          %mul3A_132 = arith.muli %add3A_108, %mul3A_131 : i32
          %dma_start3A = arith.constant 0 : i32
          %dma_start3A_133 = tpu.memref_slice %arg3[%dma_start3A, %mul3A_132] : memref<2x320000xi32, #tpu.memory_space<hbm>> -> memref<2x128xi32, #tpu.memory_space<hbm>>
          %dma_start3A_134 = arith.constant 0 : i32
          %dma_start3A_135 = tpu.memref_slice %arg3[%dma_start3A_134, %mul3A_132] : memref<2x320000xi32, #tpu.memory_space<hbm>> -> memref<2x128xi32, #tpu.memory_space<hbm>>
          tpu.enqueue_dma source(%dma_start3A_135 : memref<2x128xi32, #tpu.memory_space<hbm>>) target(%arg13 : memref<2x128xi32, #tpu.memory_space<vmem>>) target_semaphore(%arg20 : memref<!tpu.dma_semaphore, #tpu.memory_space<semaphore_mem>>)
        } else {
        }
        %lt3A_121 = arith.constant 2500 : i32
        %lt3A_122 = arith.cmpi slt, %add3A_106, %lt3A_121 : i32
        %convert_element_type3A_123 = arith.extui %lt3A_122 : i1 to i32
        %cond3A_124 = arith.constant 0 : i32
        %cond3A_125 = arith.cmpi ne, %convert_element_type3A_123, %cond3A_124 : i32
        scf.if %cond3A_125 {
          %dma_wait3A = arith.constant 0 : i32
          %dma_wait3A_131 = arith.constant 0 : i32
          %dma_wait3A_132 = tpu.memref_slice %arg14[%dma_wait3A, %dma_wait3A_131] : memref<2x128xi32, #tpu.memory_space<vmem>> -> memref<1x128xi32, #tpu.memory_space<vmem>>
          %dma_wait3A_133 = tpu.memref_squeeze %dma_wait3A_132 : memref<1x128xi32, #tpu.memory_space<vmem>> -> memref<128xi32, #tpu.memory_space<vmem>>
          %dma_wait3A_134 = arith.constant 0 : i32
          %dma_wait3A_135 = arith.constant 0 : i32
          %dma_wait3A_136 = tpu.memref_slice %arg2[%dma_wait3A_134, %dma_wait3A_135] : memref<10000x128xf32, #tpu.memory_space<hbm>> -> memref<10000x128xf32, #tpu.memory_space<hbm>>
          tpu.wait_indirect_dma semaphore(%arg24 : memref<!tpu.dma_semaphore, #tpu.memory_space<semaphore_mem>>) src(%dma_wait3A_136 : memref<10000x128xf32, #tpu.memory_space<hbm>>) dst(%arg16 : memref<128x128xf32, #tpu.memory_space<vmem>>)
          %lt3A_137 = arith.constant 2500 : i32
          %lt3A_138 = arith.cmpi slt, %add3A_108, %lt3A_137 : i32
          %convert_element_type3A_139 = arith.extui %lt3A_138 : i1 to i32
          %cond3A_140 = arith.constant 0 : i32
          %cond3A_141 = arith.cmpi ne, %convert_element_type3A_139, %cond3A_140 : i32
          scf.if %cond3A_141 {
            %mul3A_169 = arith.constant 128 : i32
            %mul3A_170 = arith.muli %add3A_108, %mul3A_169 : i32
            %dma_wait3A_171 = arith.constant 0 : i32
            %dma_wait3A_172 = tpu.memref_slice %arg3[%dma_wait3A_171, %mul3A_170] : memref<2x320000xi32, #tpu.memory_space<hbm>> -> memref<2x128xi32, #tpu.memory_space<hbm>>
            %dma_wait3A_173 = arith.constant 0 : i32
            %dma_wait3A_174 = tpu.memref_slice %arg3[%dma_wait3A_173, %mul3A_170] : memref<2x320000xi32, #tpu.memory_space<hbm>> -> memref<2x128xi32, #tpu.memory_space<hbm>>
            tpu.wait_dma2 semaphore(%arg20 : memref<!tpu.dma_semaphore, #tpu.memory_space<semaphore_mem>>) src(%dma_wait3A_174 : memref<2x128xi32, #tpu.memory_space<hbm>>) dst(%arg13 : memref<2x128xi32, #tpu.memory_space<vmem>>)
            %dma_start3A_175 = arith.constant 0 : i32
            %dma_start3A_176 = arith.constant 0 : i32
            %dma_start3A_177 = tpu.memref_slice %arg13[%dma_start3A_175, %dma_start3A_176] : memref<2x128xi32, #tpu.memory_space<vmem>> -> memref<1x128xi32, #tpu.memory_space<vmem>>
            %dma_start3A_178 = tpu.memref_squeeze %dma_start3A_177 : memref<1x128xi32, #tpu.memory_space<vmem>> -> memref<128xi32, #tpu.memory_space<vmem>>
            %dma_start3A_179 = arith.constant 0 : i32
            %dma_start3A_180 = arith.constant 0 : i32
            %dma_start3A_181 = tpu.memref_slice %arg2[%dma_start3A_179, %dma_start3A_180] : memref<10000x128xf32, #tpu.memory_space<hbm>> -> memref<10000x128xf32, #tpu.memory_space<hbm>>
            tpu.enqueue_indirect_dma source(%dma_start3A_181 : memref<10000x128xf32, #tpu.memory_space<hbm>>) target(%arg15 : memref<128x128xf32, #tpu.memory_space<vmem>>) offsets(%dma_start3A_178 : memref<128xi32, #tpu.memory_space<vmem>>) semaphore(%arg23 : memref<!tpu.dma_semaphore, #tpu.memory_space<semaphore_mem>>)
          } else {
          }
          %dma_start3A = arith.constant 1 : i32
          %dma_start3A_142 = arith.constant 0 : i32
          %dma_start3A_143 = tpu.memref_slice %arg14[%dma_start3A, %dma_start3A_142] : memref<2x128xi32, #tpu.memory_space<vmem>> -> memref<1x128xi32, #tpu.memory_space<vmem>>
          %dma_start3A_144 = tpu.memref_squeeze %dma_start3A_143 : memref<1x128xi32, #tpu.memory_space<vmem>> -> memref<128xi32, #tpu.memory_space<vmem>>
          %dma_start3A_145 = arith.constant 0 : i32
          %dma_start3A_146 = arith.constant 0 : i32
          %dma_start3A_147 = tpu.memref_slice %arg18[%dma_start3A_145, %dma_start3A_146] : memref<10000x128xf32, #tpu.memory_space<vmem_shared>> -> memref<10000x128xf32, #tpu.memory_space<vmem_shared>>
          tpu.enqueue_indirect_dma source(%arg16 : memref<128x128xf32, #tpu.memory_space<vmem>>) target(%dma_start3A_147 : memref<10000x128xf32, #tpu.memory_space<vmem_shared>>) offsets(%dma_start3A_144 : memref<128xi32, #tpu.memory_space<vmem>>) semaphore(%arg21 : memref<!tpu.dma_semaphore, #tpu.memory_space<semaphore_mem>>) {add = true}
          %dma_start3A_148 = arith.constant 1 : i32
          %dma_start3A_149 = arith.constant 0 : i32
          %dma_start3A_150 = tpu.memref_slice %arg14[%dma_start3A_148, %dma_start3A_149] : memref<2x128xi32, #tpu.memory_space<vmem>> -> memref<1x128xi32, #tpu.memory_space<vmem>>
          %dma_start3A_151 = tpu.memref_squeeze %dma_start3A_150 : memref<1x128xi32, #tpu.memory_space<vmem>> -> memref<128xi32, #tpu.memory_space<vmem>>
          %dma_start3A_152 = arith.constant 0 : i32
          %dma_start3A_153 = arith.constant 0 : i32
          %dma_start3A_154 = tpu.memref_slice %arg19[%dma_start3A_152, %dma_start3A_153] : memref<10000x16xf32, #tpu.memory_space<vmem_shared>> -> memref<10000x16xf32, #tpu.memory_space<vmem_shared>>
          tpu.enqueue_indirect_dma source(%arg17 : memref<128x16xf32, #tpu.memory_space<vmem>>) target(%dma_start3A_154 : memref<10000x16xf32, #tpu.memory_space<vmem_shared>>) offsets(%dma_start3A_151 : memref<128xi32, #tpu.memory_space<vmem>>) semaphore(%arg21 : memref<!tpu.dma_semaphore, #tpu.memory_space<semaphore_mem>>) {add = true}
          %dma_wait3A_155 = arith.constant 1 : i32
          %dma_wait3A_156 = arith.constant 0 : i32
          %dma_wait3A_157 = tpu.memref_slice %arg14[%dma_wait3A_155, %dma_wait3A_156] : memref<2x128xi32, #tpu.memory_space<vmem>> -> memref<1x128xi32, #tpu.memory_space<vmem>>
          %dma_wait3A_158 = tpu.memref_squeeze %dma_wait3A_157 : memref<1x128xi32, #tpu.memory_space<vmem>> -> memref<128xi32, #tpu.memory_space<vmem>>
          %dma_wait3A_159 = arith.constant 0 : i32
          %dma_wait3A_160 = arith.constant 0 : i32
          %dma_wait3A_161 = tpu.memref_slice %arg18[%dma_wait3A_159, %dma_wait3A_160] : memref<10000x128xf32, #tpu.memory_space<vmem_shared>> -> memref<10000x128xf32, #tpu.memory_space<vmem_shared>>
          tpu.wait_indirect_dma semaphore(%arg21 : memref<!tpu.dma_semaphore, #tpu.memory_space<semaphore_mem>>) src(%arg16 : memref<128x128xf32, #tpu.memory_space<vmem>>) dst(%dma_wait3A_161 : memref<10000x128xf32, #tpu.memory_space<vmem_shared>>)
          %dma_wait3A_162 = arith.constant 1 : i32
          %dma_wait3A_163 = arith.constant 0 : i32
          %dma_wait3A_164 = tpu.memref_slice %arg14[%dma_wait3A_162, %dma_wait3A_163] : memref<2x128xi32, #tpu.memory_space<vmem>> -> memref<1x128xi32, #tpu.memory_space<vmem>>
          %dma_wait3A_165 = tpu.memref_squeeze %dma_wait3A_164 : memref<1x128xi32, #tpu.memory_space<vmem>> -> memref<128xi32, #tpu.memory_space<vmem>>
          %dma_wait3A_166 = arith.constant 0 : i32
          %dma_wait3A_167 = arith.constant 0 : i32
          %dma_wait3A_168 = tpu.memref_slice %arg19[%dma_wait3A_166, %dma_wait3A_167] : memref<10000x16xf32, #tpu.memory_space<vmem_shared>> -> memref<10000x16xf32, #tpu.memory_space<vmem_shared>>
          tpu.wait_indirect_dma semaphore(%arg21 : memref<!tpu.dma_semaphore, #tpu.memory_space<semaphore_mem>>) src(%arg17 : memref<128x16xf32, #tpu.memory_space<vmem>>) dst(%dma_wait3A_168 : memref<10000x16xf32, #tpu.memory_space<vmem_shared>>)
        } else {
        }
        %lt3A_126 = arith.constant 2500 : i32
        %lt3A_127 = arith.cmpi slt, %add3A_110, %lt3A_126 : i32
        %convert_element_type3A_128 = arith.extui %lt3A_127 : i1 to i32
        %cond3A_129 = arith.constant 0 : i32
        %cond3A_130 = arith.cmpi ne, %convert_element_type3A_128, %cond3A_129 : i32
        scf.if %cond3A_130 {
          %mul3A_131 = arith.constant 128 : i32
          %mul3A_132 = arith.muli %add3A_110, %mul3A_131 : i32
          %dma_start3A = arith.constant 0 : i32
          %dma_start3A_133 = tpu.memref_slice %arg3[%dma_start3A, %mul3A_132] : memref<2x320000xi32, #tpu.memory_space<hbm>> -> memref<2x128xi32, #tpu.memory_space<hbm>>
          %dma_start3A_134 = arith.constant 0 : i32
          %dma_start3A_135 = tpu.memref_slice %arg3[%dma_start3A_134, %mul3A_132] : memref<2x320000xi32, #tpu.memory_space<hbm>> -> memref<2x128xi32, #tpu.memory_space<hbm>>
          tpu.enqueue_dma source(%dma_start3A_135 : memref<2x128xi32, #tpu.memory_space<hbm>>) target(%arg14 : memref<2x128xi32, #tpu.memory_space<vmem>>) target_semaphore(%arg22 : memref<!tpu.dma_semaphore, #tpu.memory_space<semaphore_mem>>)
        } else {
        }
      }
      %scan3A_52 = arith.constant 79 : i32
      %barrier3A_53 = arith.constant 0 : index
      tpu.barrier barrier_id(%barrier3A_53)
      %add3A_54 = arith.constant 0 : i32
      %add3A_55 = arith.addi %mul3A_0, %add3A_54 : i32
      "tpu.region"() ({
        %run_scoped3A = tpu.sem_alloc : memref<!tpu.dma_semaphore, #tpu.memory_space<semaphore_mem>>
        %dma_start3A = arith.constant 0 : i32
        %dma_start3A_99 = arith.constant 0 : i32
        %dma_start3A_100 = tpu.memref_slice %arg15[%dma_start3A, %dma_start3A_99] : memref<128x128xf32, #tpu.memory_space<vmem>> -> memref<128x128xf32, #tpu.memory_space<vmem>>
        %dma_start3A_101 = arith.constant 0 : i32
        %dma_start3A_102 = tpu.memref_slice %arg18[%add3A_55, %dma_start3A_101] : memref<10000x128xf32, #tpu.memory_space<vmem_shared>> -> memref<128x128xf32, #tpu.memory_space<vmem_shared>>
        %dma_start3A_103 = arith.constant 0 : i32
        %dma_start3A_104 = arith.constant 0 : i32
        %dma_start3A_105 = tpu.memref_slice %arg15[%dma_start3A_103, %dma_start3A_104] : memref<128x128xf32, #tpu.memory_space<vmem>> -> memref<128x128xf32, #tpu.memory_space<vmem>>
        %dma_start3A_106 = arith.constant 0 : i32
        %dma_start3A_107 = tpu.memref_slice %arg18[%add3A_55, %dma_start3A_106] : memref<10000x128xf32, #tpu.memory_space<vmem_shared>> -> memref<128x128xf32, #tpu.memory_space<vmem_shared>>
        tpu.enqueue_dma source(%dma_start3A_107 : memref<128x128xf32, #tpu.memory_space<vmem_shared>>) target(%dma_start3A_105 : memref<128x128xf32, #tpu.memory_space<vmem>>) target_semaphore(%run_scoped3A : memref<!tpu.dma_semaphore, #tpu.memory_space<semaphore_mem>>)
        %dma_wait3A = arith.constant 0 : i32
        %dma_wait3A_108 = arith.constant 0 : i32
        %dma_wait3A_109 = tpu.memref_slice %arg15[%dma_wait3A, %dma_wait3A_108] : memref<128x128xf32, #tpu.memory_space<vmem>> -> memref<128x128xf32, #tpu.memory_space<vmem>>
        %dma_wait3A_110 = arith.constant 0 : i32
        %dma_wait3A_111 = tpu.memref_slice %arg18[%add3A_55, %dma_wait3A_110] : memref<10000x128xf32, #tpu.memory_space<vmem_shared>> -> memref<128x128xf32, #tpu.memory_space<vmem_shared>>
        %dma_wait3A_112 = arith.constant 0 : i32
        %dma_wait3A_113 = arith.constant 0 : i32
        %dma_wait3A_114 = tpu.memref_slice %arg15[%dma_wait3A_112, %dma_wait3A_113] : memref<128x128xf32, #tpu.memory_space<vmem>> -> memref<128x128xf32, #tpu.memory_space<vmem>>
        %dma_wait3A_115 = arith.constant 0 : i32
        %dma_wait3A_116 = tpu.memref_slice %arg18[%add3A_55, %dma_wait3A_115] : memref<10000x128xf32, #tpu.memory_space<vmem_shared>> -> memref<128x128xf32, #tpu.memory_space<vmem_shared>>
        tpu.wait_dma2 semaphore(%run_scoped3A : memref<!tpu.dma_semaphore, #tpu.memory_space<semaphore_mem>>) src(%dma_wait3A_116 : memref<128x128xf32, #tpu.memory_space<vmem_shared>>) dst(%dma_wait3A_114 : memref<128x128xf32, #tpu.memory_space<vmem>>)
        tpu.yield
      }) : () -> ()
      %add3A_56 = arith.constant 0 : i32
      %add3A_57 = arith.addi %mul3A_0, %add3A_56 : i32
      "tpu.region"() ({
        %run_scoped3A = tpu.sem_alloc : memref<!tpu.dma_semaphore, #tpu.memory_space<semaphore_mem>>
        %dma_start3A = arith.constant 0 : i32
        %dma_start3A_99 = arith.constant 0 : i32
        %dma_start3A_100 = tpu.memref_slice %arg15[%dma_start3A, %dma_start3A_99] : memref<128x128xf32, #tpu.memory_space<vmem>> -> memref<128x128xf32, #tpu.memory_space<vmem>>
        %dma_start3A_101 = arith.constant 0 : i32
        %dma_start3A_102 = tpu.memref_slice %arg9[%add3A_57, %dma_start3A_101] : memref<10000x128xf32, #tpu.memory_space<hbm>> -> memref<128x128xf32, #tpu.memory_space<hbm>>
        %dma_start3A_103 = arith.constant 0 : i32
        %dma_start3A_104 = tpu.memref_slice %arg9[%add3A_57, %dma_start3A_103] : memref<10000x128xf32, #tpu.memory_space<hbm>> -> memref<128x128xf32, #tpu.memory_space<hbm>>
        %dma_start3A_105 = arith.constant 0 : i32
        %dma_start3A_106 = arith.constant 0 : i32
        %dma_start3A_107 = tpu.memref_slice %arg15[%dma_start3A_105, %dma_start3A_106] : memref<128x128xf32, #tpu.memory_space<vmem>> -> memref<128x128xf32, #tpu.memory_space<vmem>>
        tpu.enqueue_dma source(%dma_start3A_107 : memref<128x128xf32, #tpu.memory_space<vmem>>) target(%dma_start3A_104 : memref<128x128xf32, #tpu.memory_space<hbm>>) target_semaphore(%run_scoped3A : memref<!tpu.dma_semaphore, #tpu.memory_space<semaphore_mem>>)
        %dma_wait3A = arith.constant 0 : i32
        %dma_wait3A_108 = arith.constant 0 : i32
        %dma_wait3A_109 = tpu.memref_slice %arg15[%dma_wait3A, %dma_wait3A_108] : memref<128x128xf32, #tpu.memory_space<vmem>> -> memref<128x128xf32, #tpu.memory_space<vmem>>
        %dma_wait3A_110 = arith.constant 0 : i32
        %dma_wait3A_111 = tpu.memref_slice %arg9[%add3A_57, %dma_wait3A_110] : memref<10000x128xf32, #tpu.memory_space<hbm>> -> memref<128x128xf32, #tpu.memory_space<hbm>>
        %dma_wait3A_112 = arith.constant 0 : i32
        %dma_wait3A_113 = tpu.memref_slice %arg9[%add3A_57, %dma_wait3A_112] : memref<10000x128xf32, #tpu.memory_space<hbm>> -> memref<128x128xf32, #tpu.memory_space<hbm>>
        %dma_wait3A_114 = arith.constant 0 : i32
        %dma_wait3A_115 = arith.constant 0 : i32
        %dma_wait3A_116 = tpu.memref_slice %arg15[%dma_wait3A_114, %dma_wait3A_115] : memref<128x128xf32, #tpu.memory_space<vmem>> -> memref<128x128xf32, #tpu.memory_space<vmem>>
        tpu.wait_dma2 semaphore(%run_scoped3A : memref<!tpu.dma_semaphore, #tpu.memory_space<semaphore_mem>>) src(%dma_wait3A_116 : memref<128x128xf32, #tpu.memory_space<vmem>>) dst(%dma_wait3A_113 : memref<128x128xf32, #tpu.memory_space<hbm>>)
        tpu.yield
      }) : () -> ()
      %add3A_58 = arith.constant 0 : i32
      %add3A_59 = arith.addi %mul3A_0, %add3A_58 : i32
      "tpu.region"() ({
        %run_scoped3A = tpu.sem_alloc : memref<!tpu.dma_semaphore, #tpu.memory_space<semaphore_mem>>
        %dma_start3A = arith.constant 0 : i32
        %dma_start3A_99 = arith.constant 0 : i32
        %dma_start3A_100 = tpu.memref_slice %arg17[%dma_start3A, %dma_start3A_99] : memref<128x16xf32, #tpu.memory_space<vmem>> -> memref<128x16xf32, #tpu.memory_space<vmem>>
        %dma_start3A_101 = arith.constant 0 : i32
        %dma_start3A_102 = tpu.memref_slice %arg19[%add3A_59, %dma_start3A_101] : memref<10000x16xf32, #tpu.memory_space<vmem_shared>> -> memref<128x16xf32, #tpu.memory_space<vmem_shared>>
        %dma_start3A_103 = arith.constant 0 : i32
        %dma_start3A_104 = arith.constant 0 : i32
        %dma_start3A_105 = tpu.memref_slice %arg17[%dma_start3A_103, %dma_start3A_104] : memref<128x16xf32, #tpu.memory_space<vmem>> -> memref<128x16xf32, #tpu.memory_space<vmem>>
        %dma_start3A_106 = arith.constant 0 : i32
        %dma_start3A_107 = tpu.memref_slice %arg19[%add3A_59, %dma_start3A_106] : memref<10000x16xf32, #tpu.memory_space<vmem_shared>> -> memref<128x16xf32, #tpu.memory_space<vmem_shared>>
        tpu.enqueue_dma source(%dma_start3A_107 : memref<128x16xf32, #tpu.memory_space<vmem_shared>>) target(%dma_start3A_105 : memref<128x16xf32, #tpu.memory_space<vmem>>) target_semaphore(%run_scoped3A : memref<!tpu.dma_semaphore, #tpu.memory_space<semaphore_mem>>)
        %dma_wait3A = arith.constant 0 : i32
        %dma_wait3A_108 = arith.constant 0 : i32
        %dma_wait3A_109 = tpu.memref_slice %arg17[%dma_wait3A, %dma_wait3A_108] : memref<128x16xf32, #tpu.memory_space<vmem>> -> memref<128x16xf32, #tpu.memory_space<vmem>>
        %dma_wait3A_110 = arith.constant 0 : i32
        %dma_wait3A_111 = tpu.memref_slice %arg19[%add3A_59, %dma_wait3A_110] : memref<10000x16xf32, #tpu.memory_space<vmem_shared>> -> memref<128x16xf32, #tpu.memory_space<vmem_shared>>
        %dma_wait3A_112 = arith.constant 0 : i32
        %dma_wait3A_113 = arith.constant 0 : i32
        %dma_wait3A_114 = tpu.memref_slice %arg17[%dma_wait3A_112, %dma_wait3A_113] : memref<128x16xf32, #tpu.memory_space<vmem>> -> memref<128x16xf32, #tpu.memory_space<vmem>>
        %dma_wait3A_115 = arith.constant 0 : i32
        %dma_wait3A_116 = tpu.memref_slice %arg19[%add3A_59, %dma_wait3A_115] : memref<10000x16xf32, #tpu.memory_space<vmem_shared>> -> memref<128x16xf32, #tpu.memory_space<vmem_shared>>
        tpu.wait_dma2 semaphore(%run_scoped3A : memref<!tpu.dma_semaphore, #tpu.memory_space<semaphore_mem>>) src(%dma_wait3A_116 : memref<128x16xf32, #tpu.memory_space<vmem_shared>>) dst(%dma_wait3A_114 : memref<128x16xf32, #tpu.memory_space<vmem>>)
        tpu.yield
      }) : () -> ()
      %add3A_60 = arith.constant 0 : i32
      %add3A_61 = arith.addi %mul3A_0, %add3A_60 : i32
      "tpu.region"() ({
        %run_scoped3A = tpu.sem_alloc : memref<!tpu.dma_semaphore, #tpu.memory_space<semaphore_mem>>
        %dma_start3A = arith.constant 0 : i32
        %dma_start3A_99 = arith.constant 0 : i32
        %dma_start3A_100 = tpu.memref_slice %arg17[%dma_start3A, %dma_start3A_99] : memref<128x16xf32, #tpu.memory_space<vmem>> -> memref<128x16xf32, #tpu.memory_space<vmem>>
        %dma_start3A_101 = arith.constant 0 : i32
        %dma_start3A_102 = tpu.memref_slice %arg10[%add3A_61, %dma_start3A_101] : memref<10000x16xf32, #tpu.memory_space<hbm>> -> memref<128x16xf32, #tpu.memory_space<hbm>>
        %dma_start3A_103 = arith.constant 0 : i32
        %dma_start3A_104 = tpu.memref_slice %arg10[%add3A_61, %dma_start3A_103] : memref<10000x16xf32, #tpu.memory_space<hbm>> -> memref<128x16xf32, #tpu.memory_space<hbm>>
        %dma_start3A_105 = arith.constant 0 : i32
        %dma_start3A_106 = arith.constant 0 : i32
        %dma_start3A_107 = tpu.memref_slice %arg17[%dma_start3A_105, %dma_start3A_106] : memref<128x16xf32, #tpu.memory_space<vmem>> -> memref<128x16xf32, #tpu.memory_space<vmem>>
        tpu.enqueue_dma source(%dma_start3A_107 : memref<128x16xf32, #tpu.memory_space<vmem>>) target(%dma_start3A_104 : memref<128x16xf32, #tpu.memory_space<hbm>>) target_semaphore(%run_scoped3A : memref<!tpu.dma_semaphore, #tpu.memory_space<semaphore_mem>>)
        %dma_wait3A = arith.constant 0 : i32
        %dma_wait3A_108 = arith.constant 0 : i32
        %dma_wait3A_109 = tpu.memref_slice %arg17[%dma_wait3A, %dma_wait3A_108] : memref<128x16xf32, #tpu.memory_space<vmem>> -> memref<128x16xf32, #tpu.memory_space<vmem>>
        %dma_wait3A_110 = arith.constant 0 : i32
        %dma_wait3A_111 = tpu.memref_slice %arg10[%add3A_61, %dma_wait3A_110] : memref<10000x16xf32, #tpu.memory_space<hbm>> -> memref<128x16xf32, #tpu.memory_space<hbm>>
        %dma_wait3A_112 = arith.constant 0 : i32
        %dma_wait3A_113 = tpu.memref_slice %arg10[%add3A_61, %dma_wait3A_112] : memref<10000x16xf32, #tpu.memory_space<hbm>> -> memref<128x16xf32, #tpu.memory_space<hbm>>
        %dma_wait3A_114 = arith.constant 0 : i32
        %dma_wait3A_115 = arith.constant 0 : i32
        %dma_wait3A_116 = tpu.memref_slice %arg17[%dma_wait3A_114, %dma_wait3A_115] : memref<128x16xf32, #tpu.memory_space<vmem>> -> memref<128x16xf32, #tpu.memory_space<vmem>>
        tpu.wait_dma2 semaphore(%run_scoped3A : memref<!tpu.dma_semaphore, #tpu.memory_space<semaphore_mem>>) src(%dma_wait3A_116 : memref<128x16xf32, #tpu.memory_space<vmem>>) dst(%dma_wait3A_113 : memref<128x16xf32, #tpu.memory_space<hbm>>)
        tpu.yield
      }) : () -> ()
      %add3A_62 = arith.constant 128 : i32
      %add3A_63 = arith.addi %mul3A_0, %add3A_62 : i32
      "tpu.region"() ({
        %run_scoped3A = tpu.sem_alloc : memref<!tpu.dma_semaphore, #tpu.memory_space<semaphore_mem>>
        %dma_start3A = arith.constant 0 : i32
        %dma_start3A_99 = arith.constant 0 : i32
        %dma_start3A_100 = tpu.memref_slice %arg15[%dma_start3A, %dma_start3A_99] : memref<128x128xf32, #tpu.memory_space<vmem>> -> memref<128x128xf32, #tpu.memory_space<vmem>>
        %dma_start3A_101 = arith.constant 0 : i32
        %dma_start3A_102 = tpu.memref_slice %arg18[%add3A_63, %dma_start3A_101] : memref<10000x128xf32, #tpu.memory_space<vmem_shared>> -> memref<128x128xf32, #tpu.memory_space<vmem_shared>>
        %dma_start3A_103 = arith.constant 0 : i32
        %dma_start3A_104 = arith.constant 0 : i32
        %dma_start3A_105 = tpu.memref_slice %arg15[%dma_start3A_103, %dma_start3A_104] : memref<128x128xf32, #tpu.memory_space<vmem>> -> memref<128x128xf32, #tpu.memory_space<vmem>>
        %dma_start3A_106 = arith.constant 0 : i32
        %dma_start3A_107 = tpu.memref_slice %arg18[%add3A_63, %dma_start3A_106] : memref<10000x128xf32, #tpu.memory_space<vmem_shared>> -> memref<128x128xf32, #tpu.memory_space<vmem_shared>>
        tpu.enqueue_dma source(%dma_start3A_107 : memref<128x128xf32, #tpu.memory_space<vmem_shared>>) target(%dma_start3A_105 : memref<128x128xf32, #tpu.memory_space<vmem>>) target_semaphore(%run_scoped3A : memref<!tpu.dma_semaphore, #tpu.memory_space<semaphore_mem>>)
        %dma_wait3A = arith.constant 0 : i32
        %dma_wait3A_108 = arith.constant 0 : i32
        %dma_wait3A_109 = tpu.memref_slice %arg15[%dma_wait3A, %dma_wait3A_108] : memref<128x128xf32, #tpu.memory_space<vmem>> -> memref<128x128xf32, #tpu.memory_space<vmem>>
        %dma_wait3A_110 = arith.constant 0 : i32
        %dma_wait3A_111 = tpu.memref_slice %arg18[%add3A_63, %dma_wait3A_110] : memref<10000x128xf32, #tpu.memory_space<vmem_shared>> -> memref<128x128xf32, #tpu.memory_space<vmem_shared>>
        %dma_wait3A_112 = arith.constant 0 : i32
        %dma_wait3A_113 = arith.constant 0 : i32
        %dma_wait3A_114 = tpu.memref_slice %arg15[%dma_wait3A_112, %dma_wait3A_113] : memref<128x128xf32, #tpu.memory_space<vmem>> -> memref<128x128xf32, #tpu.memory_space<vmem>>
        %dma_wait3A_115 = arith.constant 0 : i32
        %dma_wait3A_116 = tpu.memref_slice %arg18[%add3A_63, %dma_wait3A_115] : memref<10000x128xf32, #tpu.memory_space<vmem_shared>> -> memref<128x128xf32, #tpu.memory_space<vmem_shared>>
        tpu.wait_dma2 semaphore(%run_scoped3A : memref<!tpu.dma_semaphore, #tpu.memory_space<semaphore_mem>>) src(%dma_wait3A_116 : memref<128x128xf32, #tpu.memory_space<vmem_shared>>) dst(%dma_wait3A_114 : memref<128x128xf32, #tpu.memory_space<vmem>>)
        tpu.yield
      }) : () -> ()
      %add3A_64 = arith.constant 128 : i32
      %add3A_65 = arith.addi %mul3A_0, %add3A_64 : i32
      "tpu.region"() ({
        %run_scoped3A = tpu.sem_alloc : memref<!tpu.dma_semaphore, #tpu.memory_space<semaphore_mem>>
        %dma_start3A = arith.constant 0 : i32
        %dma_start3A_99 = arith.constant 0 : i32
        %dma_start3A_100 = tpu.memref_slice %arg15[%dma_start3A, %dma_start3A_99] : memref<128x128xf32, #tpu.memory_space<vmem>> -> memref<128x128xf32, #tpu.memory_space<vmem>>
        %dma_start3A_101 = arith.constant 0 : i32
        %dma_start3A_102 = tpu.memref_slice %arg9[%add3A_65, %dma_start3A_101] : memref<10000x128xf32, #tpu.memory_space<hbm>> -> memref<128x128xf32, #tpu.memory_space<hbm>>
        %dma_start3A_103 = arith.constant 0 : i32
        %dma_start3A_104 = tpu.memref_slice %arg9[%add3A_65, %dma_start3A_103] : memref<10000x128xf32, #tpu.memory_space<hbm>> -> memref<128x128xf32, #tpu.memory_space<hbm>>
        %dma_start3A_105 = arith.constant 0 : i32
        %dma_start3A_106 = arith.constant 0 : i32
        %dma_start3A_107 = tpu.memref_slice %arg15[%dma_start3A_105, %dma_start3A_106] : memref<128x128xf32, #tpu.memory_space<vmem>> -> memref<128x128xf32, #tpu.memory_space<vmem>>
        tpu.enqueue_dma source(%dma_start3A_107 : memref<128x128xf32, #tpu.memory_space<vmem>>) target(%dma_start3A_104 : memref<128x128xf32, #tpu.memory_space<hbm>>) target_semaphore(%run_scoped3A : memref<!tpu.dma_semaphore, #tpu.memory_space<semaphore_mem>>)
        %dma_wait3A = arith.constant 0 : i32
        %dma_wait3A_108 = arith.constant 0 : i32
        %dma_wait3A_109 = tpu.memref_slice %arg15[%dma_wait3A, %dma_wait3A_108] : memref<128x128xf32, #tpu.memory_space<vmem>> -> memref<128x128xf32, #tpu.memory_space<vmem>>
        %dma_wait3A_110 = arith.constant 0 : i32
        %dma_wait3A_111 = tpu.memref_slice %arg9[%add3A_65, %dma_wait3A_110] : memref<10000x128xf32, #tpu.memory_space<hbm>> -> memref<128x128xf32, #tpu.memory_space<hbm>>
        %dma_wait3A_112 = arith.constant 0 : i32
        %dma_wait3A_113 = tpu.memref_slice %arg9[%add3A_65, %dma_wait3A_112] : memref<10000x128xf32, #tpu.memory_space<hbm>> -> memref<128x128xf32, #tpu.memory_space<hbm>>
        %dma_wait3A_114 = arith.constant 0 : i32
        %dma_wait3A_115 = arith.constant 0 : i32
        %dma_wait3A_116 = tpu.memref_slice %arg15[%dma_wait3A_114, %dma_wait3A_115] : memref<128x128xf32, #tpu.memory_space<vmem>> -> memref<128x128xf32, #tpu.memory_space<vmem>>
        tpu.wait_dma2 semaphore(%run_scoped3A : memref<!tpu.dma_semaphore, #tpu.memory_space<semaphore_mem>>) src(%dma_wait3A_116 : memref<128x128xf32, #tpu.memory_space<vmem>>) dst(%dma_wait3A_113 : memref<128x128xf32, #tpu.memory_space<hbm>>)
        tpu.yield
      }) : () -> ()
      %add3A_66 = arith.constant 128 : i32
      %add3A_67 = arith.addi %mul3A_0, %add3A_66 : i32
      "tpu.region"() ({
        %run_scoped3A = tpu.sem_alloc : memref<!tpu.dma_semaphore, #tpu.memory_space<semaphore_mem>>
        %dma_start3A = arith.constant 0 : i32
        %dma_start3A_99 = arith.constant 0 : i32
        %dma_start3A_100 = tpu.memref_slice %arg17[%dma_start3A, %dma_start3A_99] : memref<128x16xf32, #tpu.memory_space<vmem>> -> memref<128x16xf32, #tpu.memory_space<vmem>>
        %dma_start3A_101 = arith.constant 0 : i32
        %dma_start3A_102 = tpu.memref_slice %arg19[%add3A_67, %dma_start3A_101] : memref<10000x16xf32, #tpu.memory_space<vmem_shared>> -> memref<128x16xf32, #tpu.memory_space<vmem_shared>>
        %dma_start3A_103 = arith.constant 0 : i32
        %dma_start3A_104 = arith.constant 0 : i32
        %dma_start3A_105 = tpu.memref_slice %arg17[%dma_start3A_103, %dma_start3A_104] : memref<128x16xf32, #tpu.memory_space<vmem>> -> memref<128x16xf32, #tpu.memory_space<vmem>>
        %dma_start3A_106 = arith.constant 0 : i32
        %dma_start3A_107 = tpu.memref_slice %arg19[%add3A_67, %dma_start3A_106] : memref<10000x16xf32, #tpu.memory_space<vmem_shared>> -> memref<128x16xf32, #tpu.memory_space<vmem_shared>>
        tpu.enqueue_dma source(%dma_start3A_107 : memref<128x16xf32, #tpu.memory_space<vmem_shared>>) target(%dma_start3A_105 : memref<128x16xf32, #tpu.memory_space<vmem>>) target_semaphore(%run_scoped3A : memref<!tpu.dma_semaphore, #tpu.memory_space<semaphore_mem>>)
        %dma_wait3A = arith.constant 0 : i32
        %dma_wait3A_108 = arith.constant 0 : i32
        %dma_wait3A_109 = tpu.memref_slice %arg17[%dma_wait3A, %dma_wait3A_108] : memref<128x16xf32, #tpu.memory_space<vmem>> -> memref<128x16xf32, #tpu.memory_space<vmem>>
        %dma_wait3A_110 = arith.constant 0 : i32
        %dma_wait3A_111 = tpu.memref_slice %arg19[%add3A_67, %dma_wait3A_110] : memref<10000x16xf32, #tpu.memory_space<vmem_shared>> -> memref<128x16xf32, #tpu.memory_space<vmem_shared>>
        %dma_wait3A_112 = arith.constant 0 : i32
        %dma_wait3A_113 = arith.constant 0 : i32
        %dma_wait3A_114 = tpu.memref_slice %arg17[%dma_wait3A_112, %dma_wait3A_113] : memref<128x16xf32, #tpu.memory_space<vmem>> -> memref<128x16xf32, #tpu.memory_space<vmem>>
        %dma_wait3A_115 = arith.constant 0 : i32
        %dma_wait3A_116 = tpu.memref_slice %arg19[%add3A_67, %dma_wait3A_115] : memref<10000x16xf32, #tpu.memory_space<vmem_shared>> -> memref<128x16xf32, #tpu.memory_space<vmem_shared>>
        tpu.wait_dma2 semaphore(%run_scoped3A : memref<!tpu.dma_semaphore, #tpu.memory_space<semaphore_mem>>) src(%dma_wait3A_116 : memref<128x16xf32, #tpu.memory_space<vmem_shared>>) dst(%dma_wait3A_114 : memref<128x16xf32, #tpu.memory_space<vmem>>)
        tpu.yield
      }) : () -> ()
      %add3A_68 = arith.constant 128 : i32
      %add3A_69 = arith.addi %mul3A_0, %add3A_68 : i32
      "tpu.region"() ({
        %run_scoped3A = tpu.sem_alloc : memref<!tpu.dma_semaphore, #tpu.memory_space<semaphore_mem>>
        %dma_start3A = arith.constant 0 : i32
        %dma_start3A_99 = arith.constant 0 : i32
        %dma_start3A_100 = tpu.memref_slice %arg17[%dma_start3A, %dma_start3A_99] : memref<128x16xf32, #tpu.memory_space<vmem>> -> memref<128x16xf32, #tpu.memory_space<vmem>>
        %dma_start3A_101 = arith.constant 0 : i32
        %dma_start3A_102 = tpu.memref_slice %arg10[%add3A_69, %dma_start3A_101] : memref<10000x16xf32, #tpu.memory_space<hbm>> -> memref<128x16xf32, #tpu.memory_space<hbm>>
        %dma_start3A_103 = arith.constant 0 : i32
        %dma_start3A_104 = tpu.memref_slice %arg10[%add3A_69, %dma_start3A_103] : memref<10000x16xf32, #tpu.memory_space<hbm>> -> memref<128x16xf32, #tpu.memory_space<hbm>>
        %dma_start3A_105 = arith.constant 0 : i32
        %dma_start3A_106 = arith.constant 0 : i32
        %dma_start3A_107 = tpu.memref_slice %arg17[%dma_start3A_105, %dma_start3A_106] : memref<128x16xf32, #tpu.memory_space<vmem>> -> memref<128x16xf32, #tpu.memory_space<vmem>>
        tpu.enqueue_dma source(%dma_start3A_107 : memref<128x16xf32, #tpu.memory_space<vmem>>) target(%dma_start3A_104 : memref<128x16xf32, #tpu.memory_space<hbm>>) target_semaphore(%run_scoped3A : memref<!tpu.dma_semaphore, #tpu.memory_space<semaphore_mem>>)
        %dma_wait3A = arith.constant 0 : i32
        %dma_wait3A_108 = arith.constant 0 : i32
        %dma_wait3A_109 = tpu.memref_slice %arg17[%dma_wait3A, %dma_wait3A_108] : memref<128x16xf32, #tpu.memory_space<vmem>> -> memref<128x16xf32, #tpu.memory_space<vmem>>
        %dma_wait3A_110 = arith.constant 0 : i32
        %dma_wait3A_111 = tpu.memref_slice %arg10[%add3A_69, %dma_wait3A_110] : memref<10000x16xf32, #tpu.memory_space<hbm>> -> memref<128x16xf32, #tpu.memory_space<hbm>>
        %dma_wait3A_112 = arith.constant 0 : i32
        %dma_wait3A_113 = tpu.memref_slice %arg10[%add3A_69, %dma_wait3A_112] : memref<10000x16xf32, #tpu.memory_space<hbm>> -> memref<128x16xf32, #tpu.memory_space<hbm>>
        %dma_wait3A_114 = arith.constant 0 : i32
        %dma_wait3A_115 = arith.constant 0 : i32
        %dma_wait3A_116 = tpu.memref_slice %arg17[%dma_wait3A_114, %dma_wait3A_115] : memref<128x16xf32, #tpu.memory_space<vmem>> -> memref<128x16xf32, #tpu.memory_space<vmem>>
        tpu.wait_dma2 semaphore(%run_scoped3A : memref<!tpu.dma_semaphore, #tpu.memory_space<semaphore_mem>>) src(%dma_wait3A_116 : memref<128x16xf32, #tpu.memory_space<vmem>>) dst(%dma_wait3A_113 : memref<128x16xf32, #tpu.memory_space<hbm>>)
        tpu.yield
      }) : () -> ()
      %add3A_70 = arith.constant 256 : i32
      %add3A_71 = arith.addi %mul3A_0, %add3A_70 : i32
      "tpu.region"() ({
        %run_scoped3A = tpu.sem_alloc : memref<!tpu.dma_semaphore, #tpu.memory_space<semaphore_mem>>
        %dma_start3A = arith.constant 0 : i32
        %dma_start3A_99 = arith.constant 0 : i32
        %dma_start3A_100 = tpu.memref_slice %arg15[%dma_start3A, %dma_start3A_99] : memref<128x128xf32, #tpu.memory_space<vmem>> -> memref<128x128xf32, #tpu.memory_space<vmem>>
        %dma_start3A_101 = arith.constant 0 : i32
        %dma_start3A_102 = tpu.memref_slice %arg18[%add3A_71, %dma_start3A_101] : memref<10000x128xf32, #tpu.memory_space<vmem_shared>> -> memref<128x128xf32, #tpu.memory_space<vmem_shared>>
        %dma_start3A_103 = arith.constant 0 : i32
        %dma_start3A_104 = arith.constant 0 : i32
        %dma_start3A_105 = tpu.memref_slice %arg15[%dma_start3A_103, %dma_start3A_104] : memref<128x128xf32, #tpu.memory_space<vmem>> -> memref<128x128xf32, #tpu.memory_space<vmem>>
        %dma_start3A_106 = arith.constant 0 : i32
        %dma_start3A_107 = tpu.memref_slice %arg18[%add3A_71, %dma_start3A_106] : memref<10000x128xf32, #tpu.memory_space<vmem_shared>> -> memref<128x128xf32, #tpu.memory_space<vmem_shared>>
        tpu.enqueue_dma source(%dma_start3A_107 : memref<128x128xf32, #tpu.memory_space<vmem_shared>>) target(%dma_start3A_105 : memref<128x128xf32, #tpu.memory_space<vmem>>) target_semaphore(%run_scoped3A : memref<!tpu.dma_semaphore, #tpu.memory_space<semaphore_mem>>)
        %dma_wait3A = arith.constant 0 : i32
        %dma_wait3A_108 = arith.constant 0 : i32
        %dma_wait3A_109 = tpu.memref_slice %arg15[%dma_wait3A, %dma_wait3A_108] : memref<128x128xf32, #tpu.memory_space<vmem>> -> memref<128x128xf32, #tpu.memory_space<vmem>>
        %dma_wait3A_110 = arith.constant 0 : i32
        %dma_wait3A_111 = tpu.memref_slice %arg18[%add3A_71, %dma_wait3A_110] : memref<10000x128xf32, #tpu.memory_space<vmem_shared>> -> memref<128x128xf32, #tpu.memory_space<vmem_shared>>
        %dma_wait3A_112 = arith.constant 0 : i32
        %dma_wait3A_113 = arith.constant 0 : i32
        %dma_wait3A_114 = tpu.memref_slice %arg15[%dma_wait3A_112, %dma_wait3A_113] : memref<128x128xf32, #tpu.memory_space<vmem>> -> memref<128x128xf32, #tpu.memory_space<vmem>>
        %dma_wait3A_115 = arith.constant 0 : i32
        %dma_wait3A_116 = tpu.memref_slice %arg18[%add3A_71, %dma_wait3A_115] : memref<10000x128xf32, #tpu.memory_space<vmem_shared>> -> memref<128x128xf32, #tpu.memory_space<vmem_shared>>
        tpu.wait_dma2 semaphore(%run_scoped3A : memref<!tpu.dma_semaphore, #tpu.memory_space<semaphore_mem>>) src(%dma_wait3A_116 : memref<128x128xf32, #tpu.memory_space<vmem_shared>>) dst(%dma_wait3A_114 : memref<128x128xf32, #tpu.memory_space<vmem>>)
        tpu.yield
      }) : () -> ()
      %add3A_72 = arith.constant 256 : i32
      %add3A_73 = arith.addi %mul3A_0, %add3A_72 : i32
      "tpu.region"() ({
        %run_scoped3A = tpu.sem_alloc : memref<!tpu.dma_semaphore, #tpu.memory_space<semaphore_mem>>
        %dma_start3A = arith.constant 0 : i32
        %dma_start3A_99 = arith.constant 0 : i32
        %dma_start3A_100 = tpu.memref_slice %arg15[%dma_start3A, %dma_start3A_99] : memref<128x128xf32, #tpu.memory_space<vmem>> -> memref<128x128xf32, #tpu.memory_space<vmem>>
        %dma_start3A_101 = arith.constant 0 : i32
        %dma_start3A_102 = tpu.memref_slice %arg9[%add3A_73, %dma_start3A_101] : memref<10000x128xf32, #tpu.memory_space<hbm>> -> memref<128x128xf32, #tpu.memory_space<hbm>>
        %dma_start3A_103 = arith.constant 0 : i32
        %dma_start3A_104 = tpu.memref_slice %arg9[%add3A_73, %dma_start3A_103] : memref<10000x128xf32, #tpu.memory_space<hbm>> -> memref<128x128xf32, #tpu.memory_space<hbm>>
        %dma_start3A_105 = arith.constant 0 : i32
        %dma_start3A_106 = arith.constant 0 : i32
        %dma_start3A_107 = tpu.memref_slice %arg15[%dma_start3A_105, %dma_start3A_106] : memref<128x128xf32, #tpu.memory_space<vmem>> -> memref<128x128xf32, #tpu.memory_space<vmem>>
        tpu.enqueue_dma source(%dma_start3A_107 : memref<128x128xf32, #tpu.memory_space<vmem>>) target(%dma_start3A_104 : memref<128x128xf32, #tpu.memory_space<hbm>>) target_semaphore(%run_scoped3A : memref<!tpu.dma_semaphore, #tpu.memory_space<semaphore_mem>>)
        %dma_wait3A = arith.constant 0 : i32
        %dma_wait3A_108 = arith.constant 0 : i32
        %dma_wait3A_109 = tpu.memref_slice %arg15[%dma_wait3A, %dma_wait3A_108] : memref<128x128xf32, #tpu.memory_space<vmem>> -> memref<128x128xf32, #tpu.memory_space<vmem>>
        %dma_wait3A_110 = arith.constant 0 : i32
        %dma_wait3A_111 = tpu.memref_slice %arg9[%add3A_73, %dma_wait3A_110] : memref<10000x128xf32, #tpu.memory_space<hbm>> -> memref<128x128xf32, #tpu.memory_space<hbm>>
        %dma_wait3A_112 = arith.constant 0 : i32
        %dma_wait3A_113 = tpu.memref_slice %arg9[%add3A_73, %dma_wait3A_112] : memref<10000x128xf32, #tpu.memory_space<hbm>> -> memref<128x128xf32, #tpu.memory_space<hbm>>
        %dma_wait3A_114 = arith.constant 0 : i32
        %dma_wait3A_115 = arith.constant 0 : i32
        %dma_wait3A_116 = tpu.memref_slice %arg15[%dma_wait3A_114, %dma_wait3A_115] : memref<128x128xf32, #tpu.memory_space<vmem>> -> memref<128x128xf32, #tpu.memory_space<vmem>>
        tpu.wait_dma2 semaphore(%run_scoped3A : memref<!tpu.dma_semaphore, #tpu.memory_space<semaphore_mem>>) src(%dma_wait3A_116 : memref<128x128xf32, #tpu.memory_space<vmem>>) dst(%dma_wait3A_113 : memref<128x128xf32, #tpu.memory_space<hbm>>)
        tpu.yield
      }) : () -> ()
      %add3A_74 = arith.constant 256 : i32
      %add3A_75 = arith.addi %mul3A_0, %add3A_74 : i32
      "tpu.region"() ({
        %run_scoped3A = tpu.sem_alloc : memref<!tpu.dma_semaphore, #tpu.memory_space<semaphore_mem>>
        %dma_start3A = arith.constant 0 : i32
        %dma_start3A_99 = arith.constant 0 : i32
        %dma_start3A_100 = tpu.memref_slice %arg17[%dma_start3A, %dma_start3A_99] : memref<128x16xf32, #tpu.memory_space<vmem>> -> memref<128x16xf32, #tpu.memory_space<vmem>>
        %dma_start3A_101 = arith.constant 0 : i32
        %dma_start3A_102 = tpu.memref_slice %arg19[%add3A_75, %dma_start3A_101] : memref<10000x16xf32, #tpu.memory_space<vmem_shared>> -> memref<128x16xf32, #tpu.memory_space<vmem_shared>>
        %dma_start3A_103 = arith.constant 0 : i32
        %dma_start3A_104 = arith.constant 0 : i32
        %dma_start3A_105 = tpu.memref_slice %arg17[%dma_start3A_103, %dma_start3A_104] : memref<128x16xf32, #tpu.memory_space<vmem>> -> memref<128x16xf32, #tpu.memory_space<vmem>>
        %dma_start3A_106 = arith.constant 0 : i32
        %dma_start3A_107 = tpu.memref_slice %arg19[%add3A_75, %dma_start3A_106] : memref<10000x16xf32, #tpu.memory_space<vmem_shared>> -> memref<128x16xf32, #tpu.memory_space<vmem_shared>>
        tpu.enqueue_dma source(%dma_start3A_107 : memref<128x16xf32, #tpu.memory_space<vmem_shared>>) target(%dma_start3A_105 : memref<128x16xf32, #tpu.memory_space<vmem>>) target_semaphore(%run_scoped3A : memref<!tpu.dma_semaphore, #tpu.memory_space<semaphore_mem>>)
        %dma_wait3A = arith.constant 0 : i32
        %dma_wait3A_108 = arith.constant 0 : i32
        %dma_wait3A_109 = tpu.memref_slice %arg17[%dma_wait3A, %dma_wait3A_108] : memref<128x16xf32, #tpu.memory_space<vmem>> -> memref<128x16xf32, #tpu.memory_space<vmem>>
        %dma_wait3A_110 = arith.constant 0 : i32
        %dma_wait3A_111 = tpu.memref_slice %arg19[%add3A_75, %dma_wait3A_110] : memref<10000x16xf32, #tpu.memory_space<vmem_shared>> -> memref<128x16xf32, #tpu.memory_space<vmem_shared>>
        %dma_wait3A_112 = arith.constant 0 : i32
        %dma_wait3A_113 = arith.constant 0 : i32
        %dma_wait3A_114 = tpu.memref_slice %arg17[%dma_wait3A_112, %dma_wait3A_113] : memref<128x16xf32, #tpu.memory_space<vmem>> -> memref<128x16xf32, #tpu.memory_space<vmem>>
        %dma_wait3A_115 = arith.constant 0 : i32
        %dma_wait3A_116 = tpu.memref_slice %arg19[%add3A_75, %dma_wait3A_115] : memref<10000x16xf32, #tpu.memory_space<vmem_shared>> -> memref<128x16xf32, #tpu.memory_space<vmem_shared>>
        tpu.wait_dma2 semaphore(%run_scoped3A : memref<!tpu.dma_semaphore, #tpu.memory_space<semaphore_mem>>) src(%dma_wait3A_116 : memref<128x16xf32, #tpu.memory_space<vmem_shared>>) dst(%dma_wait3A_114 : memref<128x16xf32, #tpu.memory_space<vmem>>)
        tpu.yield
      }) : () -> ()
      %add3A_76 = arith.constant 256 : i32
      %add3A_77 = arith.addi %mul3A_0, %add3A_76 : i32
      "tpu.region"() ({
        %run_scoped3A = tpu.sem_alloc : memref<!tpu.dma_semaphore, #tpu.memory_space<semaphore_mem>>
        %dma_start3A = arith.constant 0 : i32
        %dma_start3A_99 = arith.constant 0 : i32
        %dma_start3A_100 = tpu.memref_slice %arg17[%dma_start3A, %dma_start3A_99] : memref<128x16xf32, #tpu.memory_space<vmem>> -> memref<128x16xf32, #tpu.memory_space<vmem>>
        %dma_start3A_101 = arith.constant 0 : i32
        %dma_start3A_102 = tpu.memref_slice %arg10[%add3A_77, %dma_start3A_101] : memref<10000x16xf32, #tpu.memory_space<hbm>> -> memref<128x16xf32, #tpu.memory_space<hbm>>
        %dma_start3A_103 = arith.constant 0 : i32
        %dma_start3A_104 = tpu.memref_slice %arg10[%add3A_77, %dma_start3A_103] : memref<10000x16xf32, #tpu.memory_space<hbm>> -> memref<128x16xf32, #tpu.memory_space<hbm>>
        %dma_start3A_105 = arith.constant 0 : i32
        %dma_start3A_106 = arith.constant 0 : i32
        %dma_start3A_107 = tpu.memref_slice %arg17[%dma_start3A_105, %dma_start3A_106] : memref<128x16xf32, #tpu.memory_space<vmem>> -> memref<128x16xf32, #tpu.memory_space<vmem>>
        tpu.enqueue_dma source(%dma_start3A_107 : memref<128x16xf32, #tpu.memory_space<vmem>>) target(%dma_start3A_104 : memref<128x16xf32, #tpu.memory_space<hbm>>) target_semaphore(%run_scoped3A : memref<!tpu.dma_semaphore, #tpu.memory_space<semaphore_mem>>)
        %dma_wait3A = arith.constant 0 : i32
        %dma_wait3A_108 = arith.constant 0 : i32
        %dma_wait3A_109 = tpu.memref_slice %arg17[%dma_wait3A, %dma_wait3A_108] : memref<128x16xf32, #tpu.memory_space<vmem>> -> memref<128x16xf32, #tpu.memory_space<vmem>>
        %dma_wait3A_110 = arith.constant 0 : i32
        %dma_wait3A_111 = tpu.memref_slice %arg10[%add3A_77, %dma_wait3A_110] : memref<10000x16xf32, #tpu.memory_space<hbm>> -> memref<128x16xf32, #tpu.memory_space<hbm>>
        %dma_wait3A_112 = arith.constant 0 : i32
        %dma_wait3A_113 = tpu.memref_slice %arg10[%add3A_77, %dma_wait3A_112] : memref<10000x16xf32, #tpu.memory_space<hbm>> -> memref<128x16xf32, #tpu.memory_space<hbm>>
        %dma_wait3A_114 = arith.constant 0 : i32
        %dma_wait3A_115 = arith.constant 0 : i32
        %dma_wait3A_116 = tpu.memref_slice %arg17[%dma_wait3A_114, %dma_wait3A_115] : memref<128x16xf32, #tpu.memory_space<vmem>> -> memref<128x16xf32, #tpu.memory_space<vmem>>
        tpu.wait_dma2 semaphore(%run_scoped3A : memref<!tpu.dma_semaphore, #tpu.memory_space<semaphore_mem>>) src(%dma_wait3A_116 : memref<128x16xf32, #tpu.memory_space<vmem>>) dst(%dma_wait3A_113 : memref<128x16xf32, #tpu.memory_space<hbm>>)
        tpu.yield
      }) : () -> ()
      %add3A_78 = arith.constant 384 : i32
      %add3A_79 = arith.addi %mul3A_0, %add3A_78 : i32
      "tpu.region"() ({
        %run_scoped3A = tpu.sem_alloc : memref<!tpu.dma_semaphore, #tpu.memory_space<semaphore_mem>>
        %dma_start3A = arith.constant 0 : i32
        %dma_start3A_99 = arith.constant 0 : i32
        %dma_start3A_100 = tpu.memref_slice %arg15[%dma_start3A, %dma_start3A_99] : memref<128x128xf32, #tpu.memory_space<vmem>> -> memref<128x128xf32, #tpu.memory_space<vmem>>
        %dma_start3A_101 = arith.constant 0 : i32
        %dma_start3A_102 = tpu.memref_slice %arg18[%add3A_79, %dma_start3A_101] : memref<10000x128xf32, #tpu.memory_space<vmem_shared>> -> memref<128x128xf32, #tpu.memory_space<vmem_shared>>
        %dma_start3A_103 = arith.constant 0 : i32
        %dma_start3A_104 = arith.constant 0 : i32
        %dma_start3A_105 = tpu.memref_slice %arg15[%dma_start3A_103, %dma_start3A_104] : memref<128x128xf32, #tpu.memory_space<vmem>> -> memref<128x128xf32, #tpu.memory_space<vmem>>
        %dma_start3A_106 = arith.constant 0 : i32
        %dma_start3A_107 = tpu.memref_slice %arg18[%add3A_79, %dma_start3A_106] : memref<10000x128xf32, #tpu.memory_space<vmem_shared>> -> memref<128x128xf32, #tpu.memory_space<vmem_shared>>
        tpu.enqueue_dma source(%dma_start3A_107 : memref<128x128xf32, #tpu.memory_space<vmem_shared>>) target(%dma_start3A_105 : memref<128x128xf32, #tpu.memory_space<vmem>>) target_semaphore(%run_scoped3A : memref<!tpu.dma_semaphore, #tpu.memory_space<semaphore_mem>>)
        %dma_wait3A = arith.constant 0 : i32
        %dma_wait3A_108 = arith.constant 0 : i32
        %dma_wait3A_109 = tpu.memref_slice %arg15[%dma_wait3A, %dma_wait3A_108] : memref<128x128xf32, #tpu.memory_space<vmem>> -> memref<128x128xf32, #tpu.memory_space<vmem>>
        %dma_wait3A_110 = arith.constant 0 : i32
        %dma_wait3A_111 = tpu.memref_slice %arg18[%add3A_79, %dma_wait3A_110] : memref<10000x128xf32, #tpu.memory_space<vmem_shared>> -> memref<128x128xf32, #tpu.memory_space<vmem_shared>>
        %dma_wait3A_112 = arith.constant 0 : i32
        %dma_wait3A_113 = arith.constant 0 : i32
        %dma_wait3A_114 = tpu.memref_slice %arg15[%dma_wait3A_112, %dma_wait3A_113] : memref<128x128xf32, #tpu.memory_space<vmem>> -> memref<128x128xf32, #tpu.memory_space<vmem>>
        %dma_wait3A_115 = arith.constant 0 : i32
        %dma_wait3A_116 = tpu.memref_slice %arg18[%add3A_79, %dma_wait3A_115] : memref<10000x128xf32, #tpu.memory_space<vmem_shared>> -> memref<128x128xf32, #tpu.memory_space<vmem_shared>>
        tpu.wait_dma2 semaphore(%run_scoped3A : memref<!tpu.dma_semaphore, #tpu.memory_space<semaphore_mem>>) src(%dma_wait3A_116 : memref<128x128xf32, #tpu.memory_space<vmem_shared>>) dst(%dma_wait3A_114 : memref<128x128xf32, #tpu.memory_space<vmem>>)
        tpu.yield
      }) : () -> ()
      %add3A_80 = arith.constant 384 : i32
      %add3A_81 = arith.addi %mul3A_0, %add3A_80 : i32
      "tpu.region"() ({
        %run_scoped3A = tpu.sem_alloc : memref<!tpu.dma_semaphore, #tpu.memory_space<semaphore_mem>>
        %dma_start3A = arith.constant 0 : i32
        %dma_start3A_99 = arith.constant 0 : i32
        %dma_start3A_100 = tpu.memref_slice %arg15[%dma_start3A, %dma_start3A_99] : memref<128x128xf32, #tpu.memory_space<vmem>> -> memref<128x128xf32, #tpu.memory_space<vmem>>
        %dma_start3A_101 = arith.constant 0 : i32
        %dma_start3A_102 = tpu.memref_slice %arg9[%add3A_81, %dma_start3A_101] : memref<10000x128xf32, #tpu.memory_space<hbm>> -> memref<128x128xf32, #tpu.memory_space<hbm>>
        %dma_start3A_103 = arith.constant 0 : i32
        %dma_start3A_104 = tpu.memref_slice %arg9[%add3A_81, %dma_start3A_103] : memref<10000x128xf32, #tpu.memory_space<hbm>> -> memref<128x128xf32, #tpu.memory_space<hbm>>
        %dma_start3A_105 = arith.constant 0 : i32
        %dma_start3A_106 = arith.constant 0 : i32
        %dma_start3A_107 = tpu.memref_slice %arg15[%dma_start3A_105, %dma_start3A_106] : memref<128x128xf32, #tpu.memory_space<vmem>> -> memref<128x128xf32, #tpu.memory_space<vmem>>
        tpu.enqueue_dma source(%dma_start3A_107 : memref<128x128xf32, #tpu.memory_space<vmem>>) target(%dma_start3A_104 : memref<128x128xf32, #tpu.memory_space<hbm>>) target_semaphore(%run_scoped3A : memref<!tpu.dma_semaphore, #tpu.memory_space<semaphore_mem>>)
        %dma_wait3A = arith.constant 0 : i32
        %dma_wait3A_108 = arith.constant 0 : i32
        %dma_wait3A_109 = tpu.memref_slice %arg15[%dma_wait3A, %dma_wait3A_108] : memref<128x128xf32, #tpu.memory_space<vmem>> -> memref<128x128xf32, #tpu.memory_space<vmem>>
        %dma_wait3A_110 = arith.constant 0 : i32
        %dma_wait3A_111 = tpu.memref_slice %arg9[%add3A_81, %dma_wait3A_110] : memref<10000x128xf32, #tpu.memory_space<hbm>> -> memref<128x128xf32, #tpu.memory_space<hbm>>
        %dma_wait3A_112 = arith.constant 0 : i32
        %dma_wait3A_113 = tpu.memref_slice %arg9[%add3A_81, %dma_wait3A_112] : memref<10000x128xf32, #tpu.memory_space<hbm>> -> memref<128x128xf32, #tpu.memory_space<hbm>>
        %dma_wait3A_114 = arith.constant 0 : i32
        %dma_wait3A_115 = arith.constant 0 : i32
        %dma_wait3A_116 = tpu.memref_slice %arg15[%dma_wait3A_114, %dma_wait3A_115] : memref<128x128xf32, #tpu.memory_space<vmem>> -> memref<128x128xf32, #tpu.memory_space<vmem>>
        tpu.wait_dma2 semaphore(%run_scoped3A : memref<!tpu.dma_semaphore, #tpu.memory_space<semaphore_mem>>) src(%dma_wait3A_116 : memref<128x128xf32, #tpu.memory_space<vmem>>) dst(%dma_wait3A_113 : memref<128x128xf32, #tpu.memory_space<hbm>>)
        tpu.yield
      }) : () -> ()
      %add3A_82 = arith.constant 384 : i32
      %add3A_83 = arith.addi %mul3A_0, %add3A_82 : i32
      "tpu.region"() ({
        %run_scoped3A = tpu.sem_alloc : memref<!tpu.dma_semaphore, #tpu.memory_space<semaphore_mem>>
        %dma_start3A = arith.constant 0 : i32
        %dma_start3A_99 = arith.constant 0 : i32
        %dma_start3A_100 = tpu.memref_slice %arg17[%dma_start3A, %dma_start3A_99] : memref<128x16xf32, #tpu.memory_space<vmem>> -> memref<128x16xf32, #tpu.memory_space<vmem>>
        %dma_start3A_101 = arith.constant 0 : i32
        %dma_start3A_102 = tpu.memref_slice %arg19[%add3A_83, %dma_start3A_101] : memref<10000x16xf32, #tpu.memory_space<vmem_shared>> -> memref<128x16xf32, #tpu.memory_space<vmem_shared>>
        %dma_start3A_103 = arith.constant 0 : i32
        %dma_start3A_104 = arith.constant 0 : i32
        %dma_start3A_105 = tpu.memref_slice %arg17[%dma_start3A_103, %dma_start3A_104] : memref<128x16xf32, #tpu.memory_space<vmem>> -> memref<128x16xf32, #tpu.memory_space<vmem>>
        %dma_start3A_106 = arith.constant 0 : i32
        %dma_start3A_107 = tpu.memref_slice %arg19[%add3A_83, %dma_start3A_106] : memref<10000x16xf32, #tpu.memory_space<vmem_shared>> -> memref<128x16xf32, #tpu.memory_space<vmem_shared>>
        tpu.enqueue_dma source(%dma_start3A_107 : memref<128x16xf32, #tpu.memory_space<vmem_shared>>) target(%dma_start3A_105 : memref<128x16xf32, #tpu.memory_space<vmem>>) target_semaphore(%run_scoped3A : memref<!tpu.dma_semaphore, #tpu.memory_space<semaphore_mem>>)
        %dma_wait3A = arith.constant 0 : i32
        %dma_wait3A_108 = arith.constant 0 : i32
        %dma_wait3A_109 = tpu.memref_slice %arg17[%dma_wait3A, %dma_wait3A_108] : memref<128x16xf32, #tpu.memory_space<vmem>> -> memref<128x16xf32, #tpu.memory_space<vmem>>
        %dma_wait3A_110 = arith.constant 0 : i32
        %dma_wait3A_111 = tpu.memref_slice %arg19[%add3A_83, %dma_wait3A_110] : memref<10000x16xf32, #tpu.memory_space<vmem_shared>> -> memref<128x16xf32, #tpu.memory_space<vmem_shared>>
        %dma_wait3A_112 = arith.constant 0 : i32
        %dma_wait3A_113 = arith.constant 0 : i32
        %dma_wait3A_114 = tpu.memref_slice %arg17[%dma_wait3A_112, %dma_wait3A_113] : memref<128x16xf32, #tpu.memory_space<vmem>> -> memref<128x16xf32, #tpu.memory_space<vmem>>
        %dma_wait3A_115 = arith.constant 0 : i32
        %dma_wait3A_116 = tpu.memref_slice %arg19[%add3A_83, %dma_wait3A_115] : memref<10000x16xf32, #tpu.memory_space<vmem_shared>> -> memref<128x16xf32, #tpu.memory_space<vmem_shared>>
        tpu.wait_dma2 semaphore(%run_scoped3A : memref<!tpu.dma_semaphore, #tpu.memory_space<semaphore_mem>>) src(%dma_wait3A_116 : memref<128x16xf32, #tpu.memory_space<vmem_shared>>) dst(%dma_wait3A_114 : memref<128x16xf32, #tpu.memory_space<vmem>>)
        tpu.yield
      }) : () -> ()
      %add3A_84 = arith.constant 384 : i32
      %add3A_85 = arith.addi %mul3A_0, %add3A_84 : i32
      "tpu.region"() ({
        %run_scoped3A = tpu.sem_alloc : memref<!tpu.dma_semaphore, #tpu.memory_space<semaphore_mem>>
        %dma_start3A = arith.constant 0 : i32
        %dma_start3A_99 = arith.constant 0 : i32
        %dma_start3A_100 = tpu.memref_slice %arg17[%dma_start3A, %dma_start3A_99] : memref<128x16xf32, #tpu.memory_space<vmem>> -> memref<128x16xf32, #tpu.memory_space<vmem>>
        %dma_start3A_101 = arith.constant 0 : i32
        %dma_start3A_102 = tpu.memref_slice %arg10[%add3A_85, %dma_start3A_101] : memref<10000x16xf32, #tpu.memory_space<hbm>> -> memref<128x16xf32, #tpu.memory_space<hbm>>
        %dma_start3A_103 = arith.constant 0 : i32
        %dma_start3A_104 = tpu.memref_slice %arg10[%add3A_85, %dma_start3A_103] : memref<10000x16xf32, #tpu.memory_space<hbm>> -> memref<128x16xf32, #tpu.memory_space<hbm>>
        %dma_start3A_105 = arith.constant 0 : i32
        %dma_start3A_106 = arith.constant 0 : i32
        %dma_start3A_107 = tpu.memref_slice %arg17[%dma_start3A_105, %dma_start3A_106] : memref<128x16xf32, #tpu.memory_space<vmem>> -> memref<128x16xf32, #tpu.memory_space<vmem>>
        tpu.enqueue_dma source(%dma_start3A_107 : memref<128x16xf32, #tpu.memory_space<vmem>>) target(%dma_start3A_104 : memref<128x16xf32, #tpu.memory_space<hbm>>) target_semaphore(%run_scoped3A : memref<!tpu.dma_semaphore, #tpu.memory_space<semaphore_mem>>)
        %dma_wait3A = arith.constant 0 : i32
        %dma_wait3A_108 = arith.constant 0 : i32
        %dma_wait3A_109 = tpu.memref_slice %arg17[%dma_wait3A, %dma_wait3A_108] : memref<128x16xf32, #tpu.memory_space<vmem>> -> memref<128x16xf32, #tpu.memory_space<vmem>>
        %dma_wait3A_110 = arith.constant 0 : i32
        %dma_wait3A_111 = tpu.memref_slice %arg10[%add3A_85, %dma_wait3A_110] : memref<10000x16xf32, #tpu.memory_space<hbm>> -> memref<128x16xf32, #tpu.memory_space<hbm>>
        %dma_wait3A_112 = arith.constant 0 : i32
        %dma_wait3A_113 = tpu.memref_slice %arg10[%add3A_85, %dma_wait3A_112] : memref<10000x16xf32, #tpu.memory_space<hbm>> -> memref<128x16xf32, #tpu.memory_space<hbm>>
        %dma_wait3A_114 = arith.constant 0 : i32
        %dma_wait3A_115 = arith.constant 0 : i32
        %dma_wait3A_116 = tpu.memref_slice %arg17[%dma_wait3A_114, %dma_wait3A_115] : memref<128x16xf32, #tpu.memory_space<vmem>> -> memref<128x16xf32, #tpu.memory_space<vmem>>
        tpu.wait_dma2 semaphore(%run_scoped3A : memref<!tpu.dma_semaphore, #tpu.memory_space<semaphore_mem>>) src(%dma_wait3A_116 : memref<128x16xf32, #tpu.memory_space<vmem>>) dst(%dma_wait3A_113 : memref<128x16xf32, #tpu.memory_space<hbm>>)
        tpu.yield
      }) : () -> ()
      %add3A_86 = arith.constant 512 : i32
      %add3A_87 = arith.addi %mul3A_0, %add3A_86 : i32
      "tpu.region"() ({
        %run_scoped3A = tpu.sem_alloc : memref<!tpu.dma_semaphore, #tpu.memory_space<semaphore_mem>>
        %dma_start3A = arith.constant 0 : i32
        %dma_start3A_99 = arith.constant 0 : i32
        %dma_start3A_100 = tpu.memref_slice %arg15[%dma_start3A, %dma_start3A_99] : memref<128x128xf32, #tpu.memory_space<vmem>> -> memref<112x128xf32, #tpu.memory_space<vmem>>
        %dma_start3A_101 = arith.constant 0 : i32
        %dma_start3A_102 = tpu.memref_slice %arg18[%add3A_87, %dma_start3A_101] : memref<10000x128xf32, #tpu.memory_space<vmem_shared>> -> memref<112x128xf32, #tpu.memory_space<vmem_shared>>
        %dma_start3A_103 = arith.constant 0 : i32
        %dma_start3A_104 = arith.constant 0 : i32
        %dma_start3A_105 = tpu.memref_slice %arg15[%dma_start3A_103, %dma_start3A_104] : memref<128x128xf32, #tpu.memory_space<vmem>> -> memref<112x128xf32, #tpu.memory_space<vmem>>
        %dma_start3A_106 = arith.constant 0 : i32
        %dma_start3A_107 = tpu.memref_slice %arg18[%add3A_87, %dma_start3A_106] : memref<10000x128xf32, #tpu.memory_space<vmem_shared>> -> memref<112x128xf32, #tpu.memory_space<vmem_shared>>
        tpu.enqueue_dma source(%dma_start3A_107 : memref<112x128xf32, #tpu.memory_space<vmem_shared>>) target(%dma_start3A_105 : memref<112x128xf32, #tpu.memory_space<vmem>>) target_semaphore(%run_scoped3A : memref<!tpu.dma_semaphore, #tpu.memory_space<semaphore_mem>>)
        %dma_wait3A = arith.constant 0 : i32
        %dma_wait3A_108 = arith.constant 0 : i32
        %dma_wait3A_109 = tpu.memref_slice %arg15[%dma_wait3A, %dma_wait3A_108] : memref<128x128xf32, #tpu.memory_space<vmem>> -> memref<112x128xf32, #tpu.memory_space<vmem>>
        %dma_wait3A_110 = arith.constant 0 : i32
        %dma_wait3A_111 = tpu.memref_slice %arg18[%add3A_87, %dma_wait3A_110] : memref<10000x128xf32, #tpu.memory_space<vmem_shared>> -> memref<112x128xf32, #tpu.memory_space<vmem_shared>>
        %dma_wait3A_112 = arith.constant 0 : i32
        %dma_wait3A_113 = arith.constant 0 : i32
        %dma_wait3A_114 = tpu.memref_slice %arg15[%dma_wait3A_112, %dma_wait3A_113] : memref<128x128xf32, #tpu.memory_space<vmem>> -> memref<112x128xf32, #tpu.memory_space<vmem>>
        %dma_wait3A_115 = arith.constant 0 : i32
        %dma_wait3A_116 = tpu.memref_slice %arg18[%add3A_87, %dma_wait3A_115] : memref<10000x128xf32, #tpu.memory_space<vmem_shared>> -> memref<112x128xf32, #tpu.memory_space<vmem_shared>>
        tpu.wait_dma2 semaphore(%run_scoped3A : memref<!tpu.dma_semaphore, #tpu.memory_space<semaphore_mem>>) src(%dma_wait3A_116 : memref<112x128xf32, #tpu.memory_space<vmem_shared>>) dst(%dma_wait3A_114 : memref<112x128xf32, #tpu.memory_space<vmem>>)
        tpu.yield
      }) : () -> ()
      %add3A_88 = arith.constant 512 : i32
      %add3A_89 = arith.addi %mul3A_0, %add3A_88 : i32
      "tpu.region"() ({
        %run_scoped3A = tpu.sem_alloc : memref<!tpu.dma_semaphore, #tpu.memory_space<semaphore_mem>>
        %dma_start3A = arith.constant 0 : i32
        %dma_start3A_99 = arith.constant 0 : i32
        %dma_start3A_100 = tpu.memref_slice %arg15[%dma_start3A, %dma_start3A_99] : memref<128x128xf32, #tpu.memory_space<vmem>> -> memref<112x128xf32, #tpu.memory_space<vmem>>
        %dma_start3A_101 = arith.constant 0 : i32
        %dma_start3A_102 = tpu.memref_slice %arg9[%add3A_89, %dma_start3A_101] : memref<10000x128xf32, #tpu.memory_space<hbm>> -> memref<112x128xf32, #tpu.memory_space<hbm>>
        %dma_start3A_103 = arith.constant 0 : i32
        %dma_start3A_104 = tpu.memref_slice %arg9[%add3A_89, %dma_start3A_103] : memref<10000x128xf32, #tpu.memory_space<hbm>> -> memref<112x128xf32, #tpu.memory_space<hbm>>
        %dma_start3A_105 = arith.constant 0 : i32
        %dma_start3A_106 = arith.constant 0 : i32
        %dma_start3A_107 = tpu.memref_slice %arg15[%dma_start3A_105, %dma_start3A_106] : memref<128x128xf32, #tpu.memory_space<vmem>> -> memref<112x128xf32, #tpu.memory_space<vmem>>
        tpu.enqueue_dma source(%dma_start3A_107 : memref<112x128xf32, #tpu.memory_space<vmem>>) target(%dma_start3A_104 : memref<112x128xf32, #tpu.memory_space<hbm>>) target_semaphore(%run_scoped3A : memref<!tpu.dma_semaphore, #tpu.memory_space<semaphore_mem>>)
        %dma_wait3A = arith.constant 0 : i32
        %dma_wait3A_108 = arith.constant 0 : i32
        %dma_wait3A_109 = tpu.memref_slice %arg15[%dma_wait3A, %dma_wait3A_108] : memref<128x128xf32, #tpu.memory_space<vmem>> -> memref<112x128xf32, #tpu.memory_space<vmem>>
        %dma_wait3A_110 = arith.constant 0 : i32
        %dma_wait3A_111 = tpu.memref_slice %arg9[%add3A_89, %dma_wait3A_110] : memref<10000x128xf32, #tpu.memory_space<hbm>> -> memref<112x128xf32, #tpu.memory_space<hbm>>
        %dma_wait3A_112 = arith.constant 0 : i32
        %dma_wait3A_113 = tpu.memref_slice %arg9[%add3A_89, %dma_wait3A_112] : memref<10000x128xf32, #tpu.memory_space<hbm>> -> memref<112x128xf32, #tpu.memory_space<hbm>>
        %dma_wait3A_114 = arith.constant 0 : i32
        %dma_wait3A_115 = arith.constant 0 : i32
        %dma_wait3A_116 = tpu.memref_slice %arg15[%dma_wait3A_114, %dma_wait3A_115] : memref<128x128xf32, #tpu.memory_space<vmem>> -> memref<112x128xf32, #tpu.memory_space<vmem>>
        tpu.wait_dma2 semaphore(%run_scoped3A : memref<!tpu.dma_semaphore, #tpu.memory_space<semaphore_mem>>) src(%dma_wait3A_116 : memref<112x128xf32, #tpu.memory_space<vmem>>) dst(%dma_wait3A_113 : memref<112x128xf32, #tpu.memory_space<hbm>>)
        tpu.yield
      }) : () -> ()
      %add3A_90 = arith.constant 512 : i32
      %add3A_91 = arith.addi %mul3A_0, %add3A_90 : i32
      "tpu.region"() ({
        %run_scoped3A = tpu.sem_alloc : memref<!tpu.dma_semaphore, #tpu.memory_space<semaphore_mem>>
        %dma_start3A = arith.constant 0 : i32
        %dma_start3A_99 = arith.constant 0 : i32
        %dma_start3A_100 = tpu.memref_slice %arg17[%dma_start3A, %dma_start3A_99] : memref<128x16xf32, #tpu.memory_space<vmem>> -> memref<112x16xf32, #tpu.memory_space<vmem>>
        %dma_start3A_101 = arith.constant 0 : i32
        %dma_start3A_102 = tpu.memref_slice %arg19[%add3A_91, %dma_start3A_101] : memref<10000x16xf32, #tpu.memory_space<vmem_shared>> -> memref<112x16xf32, #tpu.memory_space<vmem_shared>>
        %dma_start3A_103 = arith.constant 0 : i32
        %dma_start3A_104 = arith.constant 0 : i32
        %dma_start3A_105 = tpu.memref_slice %arg17[%dma_start3A_103, %dma_start3A_104] : memref<128x16xf32, #tpu.memory_space<vmem>> -> memref<112x16xf32, #tpu.memory_space<vmem>>
        %dma_start3A_106 = arith.constant 0 : i32
        %dma_start3A_107 = tpu.memref_slice %arg19[%add3A_91, %dma_start3A_106] : memref<10000x16xf32, #tpu.memory_space<vmem_shared>> -> memref<112x16xf32, #tpu.memory_space<vmem_shared>>
        tpu.enqueue_dma source(%dma_start3A_107 : memref<112x16xf32, #tpu.memory_space<vmem_shared>>) target(%dma_start3A_105 : memref<112x16xf32, #tpu.memory_space<vmem>>) target_semaphore(%run_scoped3A : memref<!tpu.dma_semaphore, #tpu.memory_space<semaphore_mem>>)
        %dma_wait3A = arith.constant 0 : i32
        %dma_wait3A_108 = arith.constant 0 : i32
        %dma_wait3A_109 = tpu.memref_slice %arg17[%dma_wait3A, %dma_wait3A_108] : memref<128x16xf32, #tpu.memory_space<vmem>> -> memref<112x16xf32, #tpu.memory_space<vmem>>
        %dma_wait3A_110 = arith.constant 0 : i32
        %dma_wait3A_111 = tpu.memref_slice %arg19[%add3A_91, %dma_wait3A_110] : memref<10000x16xf32, #tpu.memory_space<vmem_shared>> -> memref<112x16xf32, #tpu.memory_space<vmem_shared>>
        %dma_wait3A_112 = arith.constant 0 : i32
        %dma_wait3A_113 = arith.constant 0 : i32
        %dma_wait3A_114 = tpu.memref_slice %arg17[%dma_wait3A_112, %dma_wait3A_113] : memref<128x16xf32, #tpu.memory_space<vmem>> -> memref<112x16xf32, #tpu.memory_space<vmem>>
        %dma_wait3A_115 = arith.constant 0 : i32
        %dma_wait3A_116 = tpu.memref_slice %arg19[%add3A_91, %dma_wait3A_115] : memref<10000x16xf32, #tpu.memory_space<vmem_shared>> -> memref<112x16xf32, #tpu.memory_space<vmem_shared>>
        tpu.wait_dma2 semaphore(%run_scoped3A : memref<!tpu.dma_semaphore, #tpu.memory_space<semaphore_mem>>) src(%dma_wait3A_116 : memref<112x16xf32, #tpu.memory_space<vmem_shared>>) dst(%dma_wait3A_114 : memref<112x16xf32, #tpu.memory_space<vmem>>)
        tpu.yield
      }) : () -> ()
      %add3A_92 = arith.constant 512 : i32
      %add3A_93 = arith.addi %mul3A_0, %add3A_92 : i32
      "tpu.region"() ({
        %run_scoped3A = tpu.sem_alloc : memref<!tpu.dma_semaphore, #tpu.memory_space<semaphore_mem>>
        %dma_start3A = arith.constant 0 : i32
        %dma_start3A_99 = arith.constant 0 : i32
        %dma_start3A_100 = tpu.memref_slice %arg17[%dma_start3A, %dma_start3A_99] : memref<128x16xf32, #tpu.memory_space<vmem>> -> memref<112x16xf32, #tpu.memory_space<vmem>>
        %dma_start3A_101 = arith.constant 0 : i32
        %dma_start3A_102 = tpu.memref_slice %arg10[%add3A_93, %dma_start3A_101] : memref<10000x16xf32, #tpu.memory_space<hbm>> -> memref<112x16xf32, #tpu.memory_space<hbm>>
        %dma_start3A_103 = arith.constant 0 : i32
        %dma_start3A_104 = tpu.memref_slice %arg10[%add3A_93, %dma_start3A_103] : memref<10000x16xf32, #tpu.memory_space<hbm>> -> memref<112x16xf32, #tpu.memory_space<hbm>>
        %dma_start3A_105 = arith.constant 0 : i32
        %dma_start3A_106 = arith.constant 0 : i32
        %dma_start3A_107 = tpu.memref_slice %arg17[%dma_start3A_105, %dma_start3A_106] : memref<128x16xf32, #tpu.memory_space<vmem>> -> memref<112x16xf32, #tpu.memory_space<vmem>>
        tpu.enqueue_dma source(%dma_start3A_107 : memref<112x16xf32, #tpu.memory_space<vmem>>) target(%dma_start3A_104 : memref<112x16xf32, #tpu.memory_space<hbm>>) target_semaphore(%run_scoped3A : memref<!tpu.dma_semaphore, #tpu.memory_space<semaphore_mem>>)
        %dma_wait3A = arith.constant 0 : i32
        %dma_wait3A_108 = arith.constant 0 : i32
        %dma_wait3A_109 = tpu.memref_slice %arg17[%dma_wait3A, %dma_wait3A_108] : memref<128x16xf32, #tpu.memory_space<vmem>> -> memref<112x16xf32, #tpu.memory_space<vmem>>
        %dma_wait3A_110 = arith.constant 0 : i32
        %dma_wait3A_111 = tpu.memref_slice %arg10[%add3A_93, %dma_wait3A_110] : memref<10000x16xf32, #tpu.memory_space<hbm>> -> memref<112x16xf32, #tpu.memory_space<hbm>>
        %dma_wait3A_112 = arith.constant 0 : i32
        %dma_wait3A_113 = tpu.memref_slice %arg10[%add3A_93, %dma_wait3A_112] : memref<10000x16xf32, #tpu.memory_space<hbm>> -> memref<112x16xf32, #tpu.memory_space<hbm>>
        %dma_wait3A_114 = arith.constant 0 : i32
        %dma_wait3A_115 = arith.constant 0 : i32
        %dma_wait3A_116 = tpu.memref_slice %arg17[%dma_wait3A_114, %dma_wait3A_115] : memref<128x16xf32, #tpu.memory_space<vmem>> -> memref<112x16xf32, #tpu.memory_space<vmem>>
        tpu.wait_dma2 semaphore(%run_scoped3A : memref<!tpu.dma_semaphore, #tpu.memory_space<semaphore_mem>>) src(%dma_wait3A_116 : memref<112x16xf32, #tpu.memory_space<vmem>>) dst(%dma_wait3A_113 : memref<112x16xf32, #tpu.memory_space<hbm>>)
        tpu.yield
      }) : () -> ()
      %eq3A_94 = arith.constant 15 : i32
      %eq3A_95 = arith.cmpi eq, %arg1, %eq3A_94 : i32
      %convert_element_type3A_96 = arith.extui %eq3A_95 : i1 to i32
      %cond3A_97 = arith.constant 0 : i32
      %cond3A_98 = arith.cmpi ne, %convert_element_type3A_96, %cond3A_97 : i32
      scf.if %cond3A_98 {
        "tpu.region"() ({
          %run_scoped3A = tpu.sem_alloc : memref<!tpu.dma_semaphore, #tpu.memory_space<semaphore_mem>>
          %dma_start3A = arith.constant 0 : i32
          %dma_start3A_99 = arith.constant 0 : i32
          %dma_start3A_100 = tpu.memref_slice %arg15[%dma_start3A, %dma_start3A_99] : memref<128x128xf32, #tpu.memory_space<vmem>> -> memref<16x128xf32, #tpu.memory_space<vmem>>
          %dma_start3A_101 = arith.constant 9984 : i32
          %dma_start3A_102 = arith.constant 0 : i32
          %dma_start3A_103 = tpu.memref_slice %arg18[%dma_start3A_101, %dma_start3A_102] : memref<10000x128xf32, #tpu.memory_space<vmem_shared>> -> memref<16x128xf32, #tpu.memory_space<vmem_shared>>
          %dma_start3A_104 = arith.constant 0 : i32
          %dma_start3A_105 = arith.constant 0 : i32
          %dma_start3A_106 = tpu.memref_slice %arg15[%dma_start3A_104, %dma_start3A_105] : memref<128x128xf32, #tpu.memory_space<vmem>> -> memref<16x128xf32, #tpu.memory_space<vmem>>
          %dma_start3A_107 = arith.constant 9984 : i32
          %dma_start3A_108 = arith.constant 0 : i32
          %dma_start3A_109 = tpu.memref_slice %arg18[%dma_start3A_107, %dma_start3A_108] : memref<10000x128xf32, #tpu.memory_space<vmem_shared>> -> memref<16x128xf32, #tpu.memory_space<vmem_shared>>
          tpu.enqueue_dma source(%dma_start3A_109 : memref<16x128xf32, #tpu.memory_space<vmem_shared>>) target(%dma_start3A_106 : memref<16x128xf32, #tpu.memory_space<vmem>>) target_semaphore(%run_scoped3A : memref<!tpu.dma_semaphore, #tpu.memory_space<semaphore_mem>>)
          %dma_wait3A = arith.constant 0 : i32
          %dma_wait3A_110 = arith.constant 0 : i32
          %dma_wait3A_111 = tpu.memref_slice %arg15[%dma_wait3A, %dma_wait3A_110] : memref<128x128xf32, #tpu.memory_space<vmem>> -> memref<16x128xf32, #tpu.memory_space<vmem>>
          %dma_wait3A_112 = arith.constant 9984 : i32
          %dma_wait3A_113 = arith.constant 0 : i32
          %dma_wait3A_114 = tpu.memref_slice %arg18[%dma_wait3A_112, %dma_wait3A_113] : memref<10000x128xf32, #tpu.memory_space<vmem_shared>> -> memref<16x128xf32, #tpu.memory_space<vmem_shared>>
          %dma_wait3A_115 = arith.constant 0 : i32
          %dma_wait3A_116 = arith.constant 0 : i32
          %dma_wait3A_117 = tpu.memref_slice %arg15[%dma_wait3A_115, %dma_wait3A_116] : memref<128x128xf32, #tpu.memory_space<vmem>> -> memref<16x128xf32, #tpu.memory_space<vmem>>
          %dma_wait3A_118 = arith.constant 9984 : i32
          %dma_wait3A_119 = arith.constant 0 : i32
          %dma_wait3A_120 = tpu.memref_slice %arg18[%dma_wait3A_118, %dma_wait3A_119] : memref<10000x128xf32, #tpu.memory_space<vmem_shared>> -> memref<16x128xf32, #tpu.memory_space<vmem_shared>>
          tpu.wait_dma2 semaphore(%run_scoped3A : memref<!tpu.dma_semaphore, #tpu.memory_space<semaphore_mem>>) src(%dma_wait3A_120 : memref<16x128xf32, #tpu.memory_space<vmem_shared>>) dst(%dma_wait3A_117 : memref<16x128xf32, #tpu.memory_space<vmem>>)
          tpu.yield
        }) : () -> ()
        "tpu.region"() ({
          %run_scoped3A = tpu.sem_alloc : memref<!tpu.dma_semaphore, #tpu.memory_space<semaphore_mem>>
          %dma_start3A = arith.constant 0 : i32
          %dma_start3A_99 = arith.constant 0 : i32
          %dma_start3A_100 = tpu.memref_slice %arg15[%dma_start3A, %dma_start3A_99] : memref<128x128xf32, #tpu.memory_space<vmem>> -> memref<16x128xf32, #tpu.memory_space<vmem>>
          %dma_start3A_101 = arith.constant 9984 : i32
          %dma_start3A_102 = arith.constant 0 : i32
          %dma_start3A_103 = tpu.memref_slice %arg9[%dma_start3A_101, %dma_start3A_102] : memref<10000x128xf32, #tpu.memory_space<hbm>> -> memref<16x128xf32, #tpu.memory_space<hbm>>
          %dma_start3A_104 = arith.constant 9984 : i32
          %dma_start3A_105 = arith.constant 0 : i32
          %dma_start3A_106 = tpu.memref_slice %arg9[%dma_start3A_104, %dma_start3A_105] : memref<10000x128xf32, #tpu.memory_space<hbm>> -> memref<16x128xf32, #tpu.memory_space<hbm>>
          %dma_start3A_107 = arith.constant 0 : i32
          %dma_start3A_108 = arith.constant 0 : i32
          %dma_start3A_109 = tpu.memref_slice %arg15[%dma_start3A_107, %dma_start3A_108] : memref<128x128xf32, #tpu.memory_space<vmem>> -> memref<16x128xf32, #tpu.memory_space<vmem>>
          tpu.enqueue_dma source(%dma_start3A_109 : memref<16x128xf32, #tpu.memory_space<vmem>>) target(%dma_start3A_106 : memref<16x128xf32, #tpu.memory_space<hbm>>) target_semaphore(%run_scoped3A : memref<!tpu.dma_semaphore, #tpu.memory_space<semaphore_mem>>)
          %dma_wait3A = arith.constant 0 : i32
          %dma_wait3A_110 = arith.constant 0 : i32
          %dma_wait3A_111 = tpu.memref_slice %arg15[%dma_wait3A, %dma_wait3A_110] : memref<128x128xf32, #tpu.memory_space<vmem>> -> memref<16x128xf32, #tpu.memory_space<vmem>>
          %dma_wait3A_112 = arith.constant 9984 : i32
          %dma_wait3A_113 = arith.constant 0 : i32
          %dma_wait3A_114 = tpu.memref_slice %arg9[%dma_wait3A_112, %dma_wait3A_113] : memref<10000x128xf32, #tpu.memory_space<hbm>> -> memref<16x128xf32, #tpu.memory_space<hbm>>
          %dma_wait3A_115 = arith.constant 9984 : i32
          %dma_wait3A_116 = arith.constant 0 : i32
          %dma_wait3A_117 = tpu.memref_slice %arg9[%dma_wait3A_115, %dma_wait3A_116] : memref<10000x128xf32, #tpu.memory_space<hbm>> -> memref<16x128xf32, #tpu.memory_space<hbm>>
          %dma_wait3A_118 = arith.constant 0 : i32
          %dma_wait3A_119 = arith.constant 0 : i32
          %dma_wait3A_120 = tpu.memref_slice %arg15[%dma_wait3A_118, %dma_wait3A_119] : memref<128x128xf32, #tpu.memory_space<vmem>> -> memref<16x128xf32, #tpu.memory_space<vmem>>
          tpu.wait_dma2 semaphore(%run_scoped3A : memref<!tpu.dma_semaphore, #tpu.memory_space<semaphore_mem>>) src(%dma_wait3A_120 : memref<16x128xf32, #tpu.memory_space<vmem>>) dst(%dma_wait3A_117 : memref<16x128xf32, #tpu.memory_space<hbm>>)
          tpu.yield
        }) : () -> ()
        "tpu.region"() ({
          %run_scoped3A = tpu.sem_alloc : memref<!tpu.dma_semaphore, #tpu.memory_space<semaphore_mem>>
          %dma_start3A = arith.constant 0 : i32
          %dma_start3A_99 = arith.constant 0 : i32
          %dma_start3A_100 = tpu.memref_slice %arg17[%dma_start3A, %dma_start3A_99] : memref<128x16xf32, #tpu.memory_space<vmem>> -> memref<16x16xf32, #tpu.memory_space<vmem>>
          %dma_start3A_101 = arith.constant 9984 : i32
          %dma_start3A_102 = arith.constant 0 : i32
          %dma_start3A_103 = tpu.memref_slice %arg19[%dma_start3A_101, %dma_start3A_102] : memref<10000x16xf32, #tpu.memory_space<vmem_shared>> -> memref<16x16xf32, #tpu.memory_space<vmem_shared>>
          %dma_start3A_104 = arith.constant 0 : i32
          %dma_start3A_105 = arith.constant 0 : i32
          %dma_start3A_106 = tpu.memref_slice %arg17[%dma_start3A_104, %dma_start3A_105] : memref<128x16xf32, #tpu.memory_space<vmem>> -> memref<16x16xf32, #tpu.memory_space<vmem>>
          %dma_start3A_107 = arith.constant 9984 : i32
          %dma_start3A_108 = arith.constant 0 : i32
          %dma_start3A_109 = tpu.memref_slice %arg19[%dma_start3A_107, %dma_start3A_108] : memref<10000x16xf32, #tpu.memory_space<vmem_shared>> -> memref<16x16xf32, #tpu.memory_space<vmem_shared>>
          tpu.enqueue_dma source(%dma_start3A_109 : memref<16x16xf32, #tpu.memory_space<vmem_shared>>) target(%dma_start3A_106 : memref<16x16xf32, #tpu.memory_space<vmem>>) target_semaphore(%run_scoped3A : memref<!tpu.dma_semaphore, #tpu.memory_space<semaphore_mem>>)
          %dma_wait3A = arith.constant 0 : i32
          %dma_wait3A_110 = arith.constant 0 : i32
          %dma_wait3A_111 = tpu.memref_slice %arg17[%dma_wait3A, %dma_wait3A_110] : memref<128x16xf32, #tpu.memory_space<vmem>> -> memref<16x16xf32, #tpu.memory_space<vmem>>
          %dma_wait3A_112 = arith.constant 9984 : i32
          %dma_wait3A_113 = arith.constant 0 : i32
          %dma_wait3A_114 = tpu.memref_slice %arg19[%dma_wait3A_112, %dma_wait3A_113] : memref<10000x16xf32, #tpu.memory_space<vmem_shared>> -> memref<16x16xf32, #tpu.memory_space<vmem_shared>>
          %dma_wait3A_115 = arith.constant 0 : i32
          %dma_wait3A_116 = arith.constant 0 : i32
          %dma_wait3A_117 = tpu.memref_slice %arg17[%dma_wait3A_115, %dma_wait3A_116] : memref<128x16xf32, #tpu.memory_space<vmem>> -> memref<16x16xf32, #tpu.memory_space<vmem>>
          %dma_wait3A_118 = arith.constant 9984 : i32
          %dma_wait3A_119 = arith.constant 0 : i32
          %dma_wait3A_120 = tpu.memref_slice %arg19[%dma_wait3A_118, %dma_wait3A_119] : memref<10000x16xf32, #tpu.memory_space<vmem_shared>> -> memref<16x16xf32, #tpu.memory_space<vmem_shared>>
          tpu.wait_dma2 semaphore(%run_scoped3A : memref<!tpu.dma_semaphore, #tpu.memory_space<semaphore_mem>>) src(%dma_wait3A_120 : memref<16x16xf32, #tpu.memory_space<vmem_shared>>) dst(%dma_wait3A_117 : memref<16x16xf32, #tpu.memory_space<vmem>>)
          tpu.yield
        }) : () -> ()
        "tpu.region"() ({
          %run_scoped3A = tpu.sem_alloc : memref<!tpu.dma_semaphore, #tpu.memory_space<semaphore_mem>>
          %dma_start3A = arith.constant 0 : i32
          %dma_start3A_99 = arith.constant 0 : i32
          %dma_start3A_100 = tpu.memref_slice %arg17[%dma_start3A, %dma_start3A_99] : memref<128x16xf32, #tpu.memory_space<vmem>> -> memref<16x16xf32, #tpu.memory_space<vmem>>
          %dma_start3A_101 = arith.constant 9984 : i32
          %dma_start3A_102 = arith.constant 0 : i32
          %dma_start3A_103 = tpu.memref_slice %arg10[%dma_start3A_101, %dma_start3A_102] : memref<10000x16xf32, #tpu.memory_space<hbm>> -> memref<16x16xf32, #tpu.memory_space<hbm>>
          %dma_start3A_104 = arith.constant 9984 : i32
          %dma_start3A_105 = arith.constant 0 : i32
          %dma_start3A_106 = tpu.memref_slice %arg10[%dma_start3A_104, %dma_start3A_105] : memref<10000x16xf32, #tpu.memory_space<hbm>> -> memref<16x16xf32, #tpu.memory_space<hbm>>
          %dma_start3A_107 = arith.constant 0 : i32
          %dma_start3A_108 = arith.constant 0 : i32
          %dma_start3A_109 = tpu.memref_slice %arg17[%dma_start3A_107, %dma_start3A_108] : memref<128x16xf32, #tpu.memory_space<vmem>> -> memref<16x16xf32, #tpu.memory_space<vmem>>
          tpu.enqueue_dma source(%dma_start3A_109 : memref<16x16xf32, #tpu.memory_space<vmem>>) target(%dma_start3A_106 : memref<16x16xf32, #tpu.memory_space<hbm>>) target_semaphore(%run_scoped3A : memref<!tpu.dma_semaphore, #tpu.memory_space<semaphore_mem>>)
          %dma_wait3A = arith.constant 0 : i32
          %dma_wait3A_110 = arith.constant 0 : i32
          %dma_wait3A_111 = tpu.memref_slice %arg17[%dma_wait3A, %dma_wait3A_110] : memref<128x16xf32, #tpu.memory_space<vmem>> -> memref<16x16xf32, #tpu.memory_space<vmem>>
          %dma_wait3A_112 = arith.constant 9984 : i32
          %dma_wait3A_113 = arith.constant 0 : i32
          %dma_wait3A_114 = tpu.memref_slice %arg10[%dma_wait3A_112, %dma_wait3A_113] : memref<10000x16xf32, #tpu.memory_space<hbm>> -> memref<16x16xf32, #tpu.memory_space<hbm>>
          %dma_wait3A_115 = arith.constant 9984 : i32
          %dma_wait3A_116 = arith.constant 0 : i32
          %dma_wait3A_117 = tpu.memref_slice %arg10[%dma_wait3A_115, %dma_wait3A_116] : memref<10000x16xf32, #tpu.memory_space<hbm>> -> memref<16x16xf32, #tpu.memory_space<hbm>>
          %dma_wait3A_118 = arith.constant 0 : i32
          %dma_wait3A_119 = arith.constant 0 : i32
          %dma_wait3A_120 = tpu.memref_slice %arg17[%dma_wait3A_118, %dma_wait3A_119] : memref<128x16xf32, #tpu.memory_space<vmem>> -> memref<16x16xf32, #tpu.memory_space<vmem>>
          tpu.wait_dma2 semaphore(%run_scoped3A : memref<!tpu.dma_semaphore, #tpu.memory_space<semaphore_mem>>) src(%dma_wait3A_120 : memref<16x16xf32, #tpu.memory_space<vmem>>) dst(%dma_wait3A_117 : memref<16x16xf32, #tpu.memory_space<hbm>>)
          tpu.yield
        }) : () -> ()
      } else {
      }
    } else {
    }
    %eq3A_3 = arith.constant 1 : i32
    %eq3A_4 = arith.cmpi eq, %arg0, %eq3A_3 : i32
    %convert_element_type3A_5 = arith.extui %eq3A_4 : i1 to i32
    %cond3A_6 = arith.constant 0 : i32
    %cond3A_7 = arith.cmpi ne, %convert_element_type3A_5, %cond3A_6 : i32
    scf.if %cond3A_7 {
      "tpu.region"() ({
        %run_scoped3A = tpu.sem_alloc : memref<!tpu.dma_semaphore, #tpu.memory_space<semaphore_mem>>
        %dma_start3A = arith.constant 0 : i32
        %dma_start3A_99 = arith.constant 0 : i32
        %dma_start3A_100 = tpu.memref_slice %arg6[%dma_start3A, %dma_start3A_99] : memref<624x128xf32, #tpu.memory_space<hbm>> -> memref<128x128xf32, #tpu.memory_space<hbm>>
        %dma_start3A_101 = arith.constant 0 : i32
        %dma_start3A_102 = arith.constant 0 : i32
        %dma_start3A_103 = tpu.memref_slice %arg6[%dma_start3A_101, %dma_start3A_102] : memref<624x128xf32, #tpu.memory_space<hbm>> -> memref<128x128xf32, #tpu.memory_space<hbm>>
        tpu.enqueue_dma source(%dma_start3A_103 : memref<128x128xf32, #tpu.memory_space<hbm>>) target(%arg15 : memref<128x128xf32, #tpu.memory_space<vmem>>) target_semaphore(%run_scoped3A : memref<!tpu.dma_semaphore, #tpu.memory_space<semaphore_mem>>)
        %dma_wait3A = arith.constant 0 : i32
        %dma_wait3A_104 = arith.constant 0 : i32
        %dma_wait3A_105 = tpu.memref_slice %arg6[%dma_wait3A, %dma_wait3A_104] : memref<624x128xf32, #tpu.memory_space<hbm>> -> memref<128x128xf32, #tpu.memory_space<hbm>>
        %dma_wait3A_106 = arith.constant 0 : i32
        %dma_wait3A_107 = arith.constant 0 : i32
        %dma_wait3A_108 = tpu.memref_slice %arg6[%dma_wait3A_106, %dma_wait3A_107] : memref<624x128xf32, #tpu.memory_space<hbm>> -> memref<128x128xf32, #tpu.memory_space<hbm>>
        tpu.wait_dma2 semaphore(%run_scoped3A : memref<!tpu.dma_semaphore, #tpu.memory_space<semaphore_mem>>) src(%dma_wait3A_108 : memref<128x128xf32, #tpu.memory_space<hbm>>) dst(%arg15 : memref<128x128xf32, #tpu.memory_space<vmem>>)
        tpu.yield
      }) : () -> ()
      "tpu.region"() ({
        %run_scoped3A = tpu.sem_alloc : memref<!tpu.dma_semaphore, #tpu.memory_space<semaphore_mem>>
        %dma_start3A = arith.constant 0 : i32
        %dma_start3A_99 = arith.constant 0 : i32
        %dma_start3A_100 = tpu.memref_slice %arg7[%dma_start3A, %dma_start3A_99] : memref<624x16xf32, #tpu.memory_space<hbm>> -> memref<128x16xf32, #tpu.memory_space<hbm>>
        %dma_start3A_101 = arith.constant 0 : i32
        %dma_start3A_102 = arith.constant 0 : i32
        %dma_start3A_103 = tpu.memref_slice %arg7[%dma_start3A_101, %dma_start3A_102] : memref<624x16xf32, #tpu.memory_space<hbm>> -> memref<128x16xf32, #tpu.memory_space<hbm>>
        tpu.enqueue_dma source(%dma_start3A_103 : memref<128x16xf32, #tpu.memory_space<hbm>>) target(%arg17 : memref<128x16xf32, #tpu.memory_space<vmem>>) target_semaphore(%run_scoped3A : memref<!tpu.dma_semaphore, #tpu.memory_space<semaphore_mem>>)
        %dma_wait3A = arith.constant 0 : i32
        %dma_wait3A_104 = arith.constant 0 : i32
        %dma_wait3A_105 = tpu.memref_slice %arg7[%dma_wait3A, %dma_wait3A_104] : memref<624x16xf32, #tpu.memory_space<hbm>> -> memref<128x16xf32, #tpu.memory_space<hbm>>
        %dma_wait3A_106 = arith.constant 0 : i32
        %dma_wait3A_107 = arith.constant 0 : i32
        %dma_wait3A_108 = tpu.memref_slice %arg7[%dma_wait3A_106, %dma_wait3A_107] : memref<624x16xf32, #tpu.memory_space<hbm>> -> memref<128x16xf32, #tpu.memory_space<hbm>>
        tpu.wait_dma2 semaphore(%run_scoped3A : memref<!tpu.dma_semaphore, #tpu.memory_space<semaphore_mem>>) src(%dma_wait3A_108 : memref<128x16xf32, #tpu.memory_space<hbm>>) dst(%arg17 : memref<128x16xf32, #tpu.memory_space<vmem>>)
        tpu.yield
      }) : () -> ()
      %add3A = arith.constant 0 : i32
      %add3A_8 = arith.addi %mul3A_0, %add3A : i32
      "tpu.region"() ({
        %run_scoped3A = tpu.sem_alloc : memref<!tpu.dma_semaphore, #tpu.memory_space<semaphore_mem>>
        %dma_start3A = arith.constant 0 : i32
        %dma_start3A_99 = arith.constant 0 : i32
        %dma_start3A_100 = tpu.memref_slice %arg15[%dma_start3A, %dma_start3A_99] : memref<128x128xf32, #tpu.memory_space<vmem>> -> memref<128x128xf32, #tpu.memory_space<vmem>>
        %dma_start3A_101 = arith.constant 0 : i32
        %dma_start3A_102 = tpu.memref_slice %arg18[%add3A_8, %dma_start3A_101] : memref<10000x128xf32, #tpu.memory_space<vmem_shared>> -> memref<128x128xf32, #tpu.memory_space<vmem_shared>>
        %dma_start3A_103 = arith.constant 0 : i32
        %dma_start3A_104 = tpu.memref_slice %arg18[%add3A_8, %dma_start3A_103] : memref<10000x128xf32, #tpu.memory_space<vmem_shared>> -> memref<128x128xf32, #tpu.memory_space<vmem_shared>>
        %dma_start3A_105 = arith.constant 0 : i32
        %dma_start3A_106 = arith.constant 0 : i32
        %dma_start3A_107 = tpu.memref_slice %arg15[%dma_start3A_105, %dma_start3A_106] : memref<128x128xf32, #tpu.memory_space<vmem>> -> memref<128x128xf32, #tpu.memory_space<vmem>>
        tpu.enqueue_dma source(%dma_start3A_107 : memref<128x128xf32, #tpu.memory_space<vmem>>) target(%dma_start3A_104 : memref<128x128xf32, #tpu.memory_space<vmem_shared>>) target_semaphore(%run_scoped3A : memref<!tpu.dma_semaphore, #tpu.memory_space<semaphore_mem>>)
        %dma_wait3A = arith.constant 0 : i32
        %dma_wait3A_108 = arith.constant 0 : i32
        %dma_wait3A_109 = tpu.memref_slice %arg15[%dma_wait3A, %dma_wait3A_108] : memref<128x128xf32, #tpu.memory_space<vmem>> -> memref<128x128xf32, #tpu.memory_space<vmem>>
        %dma_wait3A_110 = arith.constant 0 : i32
        %dma_wait3A_111 = tpu.memref_slice %arg18[%add3A_8, %dma_wait3A_110] : memref<10000x128xf32, #tpu.memory_space<vmem_shared>> -> memref<128x128xf32, #tpu.memory_space<vmem_shared>>
        %dma_wait3A_112 = arith.constant 0 : i32
        %dma_wait3A_113 = tpu.memref_slice %arg18[%add3A_8, %dma_wait3A_112] : memref<10000x128xf32, #tpu.memory_space<vmem_shared>> -> memref<128x128xf32, #tpu.memory_space<vmem_shared>>
        %dma_wait3A_114 = arith.constant 0 : i32
        %dma_wait3A_115 = arith.constant 0 : i32
        %dma_wait3A_116 = tpu.memref_slice %arg15[%dma_wait3A_114, %dma_wait3A_115] : memref<128x128xf32, #tpu.memory_space<vmem>> -> memref<128x128xf32, #tpu.memory_space<vmem>>
        tpu.wait_dma2 semaphore(%run_scoped3A : memref<!tpu.dma_semaphore, #tpu.memory_space<semaphore_mem>>) src(%dma_wait3A_116 : memref<128x128xf32, #tpu.memory_space<vmem>>) dst(%dma_wait3A_113 : memref<128x128xf32, #tpu.memory_space<vmem_shared>>)
        tpu.yield
      }) : () -> ()
      %add3A_9 = arith.constant 0 : i32
      %add3A_10 = arith.addi %mul3A_0, %add3A_9 : i32
      "tpu.region"() ({
        %run_scoped3A = tpu.sem_alloc : memref<!tpu.dma_semaphore, #tpu.memory_space<semaphore_mem>>
        %dma_start3A = arith.constant 0 : i32
        %dma_start3A_99 = arith.constant 0 : i32
        %dma_start3A_100 = tpu.memref_slice %arg17[%dma_start3A, %dma_start3A_99] : memref<128x16xf32, #tpu.memory_space<vmem>> -> memref<128x16xf32, #tpu.memory_space<vmem>>
        %dma_start3A_101 = arith.constant 0 : i32
        %dma_start3A_102 = tpu.memref_slice %arg19[%add3A_10, %dma_start3A_101] : memref<10000x16xf32, #tpu.memory_space<vmem_shared>> -> memref<128x16xf32, #tpu.memory_space<vmem_shared>>
        %dma_start3A_103 = arith.constant 0 : i32
        %dma_start3A_104 = tpu.memref_slice %arg19[%add3A_10, %dma_start3A_103] : memref<10000x16xf32, #tpu.memory_space<vmem_shared>> -> memref<128x16xf32, #tpu.memory_space<vmem_shared>>
        %dma_start3A_105 = arith.constant 0 : i32
        %dma_start3A_106 = arith.constant 0 : i32
        %dma_start3A_107 = tpu.memref_slice %arg17[%dma_start3A_105, %dma_start3A_106] : memref<128x16xf32, #tpu.memory_space<vmem>> -> memref<128x16xf32, #tpu.memory_space<vmem>>
        tpu.enqueue_dma source(%dma_start3A_107 : memref<128x16xf32, #tpu.memory_space<vmem>>) target(%dma_start3A_104 : memref<128x16xf32, #tpu.memory_space<vmem_shared>>) target_semaphore(%run_scoped3A : memref<!tpu.dma_semaphore, #tpu.memory_space<semaphore_mem>>)
        %dma_wait3A = arith.constant 0 : i32
        %dma_wait3A_108 = arith.constant 0 : i32
        %dma_wait3A_109 = tpu.memref_slice %arg17[%dma_wait3A, %dma_wait3A_108] : memref<128x16xf32, #tpu.memory_space<vmem>> -> memref<128x16xf32, #tpu.memory_space<vmem>>
        %dma_wait3A_110 = arith.constant 0 : i32
        %dma_wait3A_111 = tpu.memref_slice %arg19[%add3A_10, %dma_wait3A_110] : memref<10000x16xf32, #tpu.memory_space<vmem_shared>> -> memref<128x16xf32, #tpu.memory_space<vmem_shared>>
        %dma_wait3A_112 = arith.constant 0 : i32
        %dma_wait3A_113 = tpu.memref_slice %arg19[%add3A_10, %dma_wait3A_112] : memref<10000x16xf32, #tpu.memory_space<vmem_shared>> -> memref<128x16xf32, #tpu.memory_space<vmem_shared>>
        %dma_wait3A_114 = arith.constant 0 : i32
        %dma_wait3A_115 = arith.constant 0 : i32
        %dma_wait3A_116 = tpu.memref_slice %arg17[%dma_wait3A_114, %dma_wait3A_115] : memref<128x16xf32, #tpu.memory_space<vmem>> -> memref<128x16xf32, #tpu.memory_space<vmem>>
        tpu.wait_dma2 semaphore(%run_scoped3A : memref<!tpu.dma_semaphore, #tpu.memory_space<semaphore_mem>>) src(%dma_wait3A_116 : memref<128x16xf32, #tpu.memory_space<vmem>>) dst(%dma_wait3A_113 : memref<128x16xf32, #tpu.memory_space<vmem_shared>>)
        tpu.yield
      }) : () -> ()
      %add3A_11 = arith.constant 128 : i32
      %add3A_12 = arith.addi %mul3A_0, %add3A_11 : i32
      "tpu.region"() ({
        %run_scoped3A = tpu.sem_alloc : memref<!tpu.dma_semaphore, #tpu.memory_space<semaphore_mem>>
        %dma_start3A = arith.constant 0 : i32
        %dma_start3A_99 = arith.constant 0 : i32
        %dma_start3A_100 = tpu.memref_slice %arg15[%dma_start3A, %dma_start3A_99] : memref<128x128xf32, #tpu.memory_space<vmem>> -> memref<128x128xf32, #tpu.memory_space<vmem>>
        %dma_start3A_101 = arith.constant 0 : i32
        %dma_start3A_102 = tpu.memref_slice %arg18[%add3A_12, %dma_start3A_101] : memref<10000x128xf32, #tpu.memory_space<vmem_shared>> -> memref<128x128xf32, #tpu.memory_space<vmem_shared>>
        %dma_start3A_103 = arith.constant 0 : i32
        %dma_start3A_104 = tpu.memref_slice %arg18[%add3A_12, %dma_start3A_103] : memref<10000x128xf32, #tpu.memory_space<vmem_shared>> -> memref<128x128xf32, #tpu.memory_space<vmem_shared>>
        %dma_start3A_105 = arith.constant 0 : i32
        %dma_start3A_106 = arith.constant 0 : i32
        %dma_start3A_107 = tpu.memref_slice %arg15[%dma_start3A_105, %dma_start3A_106] : memref<128x128xf32, #tpu.memory_space<vmem>> -> memref<128x128xf32, #tpu.memory_space<vmem>>
        tpu.enqueue_dma source(%dma_start3A_107 : memref<128x128xf32, #tpu.memory_space<vmem>>) target(%dma_start3A_104 : memref<128x128xf32, #tpu.memory_space<vmem_shared>>) target_semaphore(%run_scoped3A : memref<!tpu.dma_semaphore, #tpu.memory_space<semaphore_mem>>)
        %dma_wait3A = arith.constant 0 : i32
        %dma_wait3A_108 = arith.constant 0 : i32
        %dma_wait3A_109 = tpu.memref_slice %arg15[%dma_wait3A, %dma_wait3A_108] : memref<128x128xf32, #tpu.memory_space<vmem>> -> memref<128x128xf32, #tpu.memory_space<vmem>>
        %dma_wait3A_110 = arith.constant 0 : i32
        %dma_wait3A_111 = tpu.memref_slice %arg18[%add3A_12, %dma_wait3A_110] : memref<10000x128xf32, #tpu.memory_space<vmem_shared>> -> memref<128x128xf32, #tpu.memory_space<vmem_shared>>
        %dma_wait3A_112 = arith.constant 0 : i32
        %dma_wait3A_113 = tpu.memref_slice %arg18[%add3A_12, %dma_wait3A_112] : memref<10000x128xf32, #tpu.memory_space<vmem_shared>> -> memref<128x128xf32, #tpu.memory_space<vmem_shared>>
        %dma_wait3A_114 = arith.constant 0 : i32
        %dma_wait3A_115 = arith.constant 0 : i32
        %dma_wait3A_116 = tpu.memref_slice %arg15[%dma_wait3A_114, %dma_wait3A_115] : memref<128x128xf32, #tpu.memory_space<vmem>> -> memref<128x128xf32, #tpu.memory_space<vmem>>
        tpu.wait_dma2 semaphore(%run_scoped3A : memref<!tpu.dma_semaphore, #tpu.memory_space<semaphore_mem>>) src(%dma_wait3A_116 : memref<128x128xf32, #tpu.memory_space<vmem>>) dst(%dma_wait3A_113 : memref<128x128xf32, #tpu.memory_space<vmem_shared>>)
        tpu.yield
      }) : () -> ()
      %add3A_13 = arith.constant 128 : i32
      %add3A_14 = arith.addi %mul3A_0, %add3A_13 : i32
      "tpu.region"() ({
        %run_scoped3A = tpu.sem_alloc : memref<!tpu.dma_semaphore, #tpu.memory_space<semaphore_mem>>
        %dma_start3A = arith.constant 0 : i32
        %dma_start3A_99 = arith.constant 0 : i32
        %dma_start3A_100 = tpu.memref_slice %arg17[%dma_start3A, %dma_start3A_99] : memref<128x16xf32, #tpu.memory_space<vmem>> -> memref<128x16xf32, #tpu.memory_space<vmem>>
        %dma_start3A_101 = arith.constant 0 : i32
        %dma_start3A_102 = tpu.memref_slice %arg19[%add3A_14, %dma_start3A_101] : memref<10000x16xf32, #tpu.memory_space<vmem_shared>> -> memref<128x16xf32, #tpu.memory_space<vmem_shared>>
        %dma_start3A_103 = arith.constant 0 : i32
        %dma_start3A_104 = tpu.memref_slice %arg19[%add3A_14, %dma_start3A_103] : memref<10000x16xf32, #tpu.memory_space<vmem_shared>> -> memref<128x16xf32, #tpu.memory_space<vmem_shared>>
        %dma_start3A_105 = arith.constant 0 : i32
        %dma_start3A_106 = arith.constant 0 : i32
        %dma_start3A_107 = tpu.memref_slice %arg17[%dma_start3A_105, %dma_start3A_106] : memref<128x16xf32, #tpu.memory_space<vmem>> -> memref<128x16xf32, #tpu.memory_space<vmem>>
        tpu.enqueue_dma source(%dma_start3A_107 : memref<128x16xf32, #tpu.memory_space<vmem>>) target(%dma_start3A_104 : memref<128x16xf32, #tpu.memory_space<vmem_shared>>) target_semaphore(%run_scoped3A : memref<!tpu.dma_semaphore, #tpu.memory_space<semaphore_mem>>)
        %dma_wait3A = arith.constant 0 : i32
        %dma_wait3A_108 = arith.constant 0 : i32
        %dma_wait3A_109 = tpu.memref_slice %arg17[%dma_wait3A, %dma_wait3A_108] : memref<128x16xf32, #tpu.memory_space<vmem>> -> memref<128x16xf32, #tpu.memory_space<vmem>>
        %dma_wait3A_110 = arith.constant 0 : i32
        %dma_wait3A_111 = tpu.memref_slice %arg19[%add3A_14, %dma_wait3A_110] : memref<10000x16xf32, #tpu.memory_space<vmem_shared>> -> memref<128x16xf32, #tpu.memory_space<vmem_shared>>
        %dma_wait3A_112 = arith.constant 0 : i32
        %dma_wait3A_113 = tpu.memref_slice %arg19[%add3A_14, %dma_wait3A_112] : memref<10000x16xf32, #tpu.memory_space<vmem_shared>> -> memref<128x16xf32, #tpu.memory_space<vmem_shared>>
        %dma_wait3A_114 = arith.constant 0 : i32
        %dma_wait3A_115 = arith.constant 0 : i32
        %dma_wait3A_116 = tpu.memref_slice %arg17[%dma_wait3A_114, %dma_wait3A_115] : memref<128x16xf32, #tpu.memory_space<vmem>> -> memref<128x16xf32, #tpu.memory_space<vmem>>
        tpu.wait_dma2 semaphore(%run_scoped3A : memref<!tpu.dma_semaphore, #tpu.memory_space<semaphore_mem>>) src(%dma_wait3A_116 : memref<128x16xf32, #tpu.memory_space<vmem>>) dst(%dma_wait3A_113 : memref<128x16xf32, #tpu.memory_space<vmem_shared>>)
        tpu.yield
      }) : () -> ()
      %add3A_15 = arith.constant 256 : i32
      %add3A_16 = arith.addi %mul3A_0, %add3A_15 : i32
      "tpu.region"() ({
        %run_scoped3A = tpu.sem_alloc : memref<!tpu.dma_semaphore, #tpu.memory_space<semaphore_mem>>
        %dma_start3A = arith.constant 0 : i32
        %dma_start3A_99 = arith.constant 0 : i32
        %dma_start3A_100 = tpu.memref_slice %arg15[%dma_start3A, %dma_start3A_99] : memref<128x128xf32, #tpu.memory_space<vmem>> -> memref<128x128xf32, #tpu.memory_space<vmem>>
        %dma_start3A_101 = arith.constant 0 : i32
        %dma_start3A_102 = tpu.memref_slice %arg18[%add3A_16, %dma_start3A_101] : memref<10000x128xf32, #tpu.memory_space<vmem_shared>> -> memref<128x128xf32, #tpu.memory_space<vmem_shared>>
        %dma_start3A_103 = arith.constant 0 : i32
        %dma_start3A_104 = tpu.memref_slice %arg18[%add3A_16, %dma_start3A_103] : memref<10000x128xf32, #tpu.memory_space<vmem_shared>> -> memref<128x128xf32, #tpu.memory_space<vmem_shared>>
        %dma_start3A_105 = arith.constant 0 : i32
        %dma_start3A_106 = arith.constant 0 : i32
        %dma_start3A_107 = tpu.memref_slice %arg15[%dma_start3A_105, %dma_start3A_106] : memref<128x128xf32, #tpu.memory_space<vmem>> -> memref<128x128xf32, #tpu.memory_space<vmem>>
        tpu.enqueue_dma source(%dma_start3A_107 : memref<128x128xf32, #tpu.memory_space<vmem>>) target(%dma_start3A_104 : memref<128x128xf32, #tpu.memory_space<vmem_shared>>) target_semaphore(%run_scoped3A : memref<!tpu.dma_semaphore, #tpu.memory_space<semaphore_mem>>)
        %dma_wait3A = arith.constant 0 : i32
        %dma_wait3A_108 = arith.constant 0 : i32
        %dma_wait3A_109 = tpu.memref_slice %arg15[%dma_wait3A, %dma_wait3A_108] : memref<128x128xf32, #tpu.memory_space<vmem>> -> memref<128x128xf32, #tpu.memory_space<vmem>>
        %dma_wait3A_110 = arith.constant 0 : i32
        %dma_wait3A_111 = tpu.memref_slice %arg18[%add3A_16, %dma_wait3A_110] : memref<10000x128xf32, #tpu.memory_space<vmem_shared>> -> memref<128x128xf32, #tpu.memory_space<vmem_shared>>
        %dma_wait3A_112 = arith.constant 0 : i32
        %dma_wait3A_113 = tpu.memref_slice %arg18[%add3A_16, %dma_wait3A_112] : memref<10000x128xf32, #tpu.memory_space<vmem_shared>> -> memref<128x128xf32, #tpu.memory_space<vmem_shared>>
        %dma_wait3A_114 = arith.constant 0 : i32
        %dma_wait3A_115 = arith.constant 0 : i32
        %dma_wait3A_116 = tpu.memref_slice %arg15[%dma_wait3A_114, %dma_wait3A_115] : memref<128x128xf32, #tpu.memory_space<vmem>> -> memref<128x128xf32, #tpu.memory_space<vmem>>
        tpu.wait_dma2 semaphore(%run_scoped3A : memref<!tpu.dma_semaphore, #tpu.memory_space<semaphore_mem>>) src(%dma_wait3A_116 : memref<128x128xf32, #tpu.memory_space<vmem>>) dst(%dma_wait3A_113 : memref<128x128xf32, #tpu.memory_space<vmem_shared>>)
        tpu.yield
      }) : () -> ()
      %add3A_17 = arith.constant 256 : i32
      %add3A_18 = arith.addi %mul3A_0, %add3A_17 : i32
      "tpu.region"() ({
        %run_scoped3A = tpu.sem_alloc : memref<!tpu.dma_semaphore, #tpu.memory_space<semaphore_mem>>
        %dma_start3A = arith.constant 0 : i32
        %dma_start3A_99 = arith.constant 0 : i32
        %dma_start3A_100 = tpu.memref_slice %arg17[%dma_start3A, %dma_start3A_99] : memref<128x16xf32, #tpu.memory_space<vmem>> -> memref<128x16xf32, #tpu.memory_space<vmem>>
        %dma_start3A_101 = arith.constant 0 : i32
        %dma_start3A_102 = tpu.memref_slice %arg19[%add3A_18, %dma_start3A_101] : memref<10000x16xf32, #tpu.memory_space<vmem_shared>> -> memref<128x16xf32, #tpu.memory_space<vmem_shared>>
        %dma_start3A_103 = arith.constant 0 : i32
        %dma_start3A_104 = tpu.memref_slice %arg19[%add3A_18, %dma_start3A_103] : memref<10000x16xf32, #tpu.memory_space<vmem_shared>> -> memref<128x16xf32, #tpu.memory_space<vmem_shared>>
        %dma_start3A_105 = arith.constant 0 : i32
        %dma_start3A_106 = arith.constant 0 : i32
        %dma_start3A_107 = tpu.memref_slice %arg17[%dma_start3A_105, %dma_start3A_106] : memref<128x16xf32, #tpu.memory_space<vmem>> -> memref<128x16xf32, #tpu.memory_space<vmem>>
        tpu.enqueue_dma source(%dma_start3A_107 : memref<128x16xf32, #tpu.memory_space<vmem>>) target(%dma_start3A_104 : memref<128x16xf32, #tpu.memory_space<vmem_shared>>) target_semaphore(%run_scoped3A : memref<!tpu.dma_semaphore, #tpu.memory_space<semaphore_mem>>)
        %dma_wait3A = arith.constant 0 : i32
        %dma_wait3A_108 = arith.constant 0 : i32
        %dma_wait3A_109 = tpu.memref_slice %arg17[%dma_wait3A, %dma_wait3A_108] : memref<128x16xf32, #tpu.memory_space<vmem>> -> memref<128x16xf32, #tpu.memory_space<vmem>>
        %dma_wait3A_110 = arith.constant 0 : i32
        %dma_wait3A_111 = tpu.memref_slice %arg19[%add3A_18, %dma_wait3A_110] : memref<10000x16xf32, #tpu.memory_space<vmem_shared>> -> memref<128x16xf32, #tpu.memory_space<vmem_shared>>
        %dma_wait3A_112 = arith.constant 0 : i32
        %dma_wait3A_113 = tpu.memref_slice %arg19[%add3A_18, %dma_wait3A_112] : memref<10000x16xf32, #tpu.memory_space<vmem_shared>> -> memref<128x16xf32, #tpu.memory_space<vmem_shared>>
        %dma_wait3A_114 = arith.constant 0 : i32
        %dma_wait3A_115 = arith.constant 0 : i32
        %dma_wait3A_116 = tpu.memref_slice %arg17[%dma_wait3A_114, %dma_wait3A_115] : memref<128x16xf32, #tpu.memory_space<vmem>> -> memref<128x16xf32, #tpu.memory_space<vmem>>
        tpu.wait_dma2 semaphore(%run_scoped3A : memref<!tpu.dma_semaphore, #tpu.memory_space<semaphore_mem>>) src(%dma_wait3A_116 : memref<128x16xf32, #tpu.memory_space<vmem>>) dst(%dma_wait3A_113 : memref<128x16xf32, #tpu.memory_space<vmem_shared>>)
        tpu.yield
      }) : () -> ()
      %add3A_19 = arith.constant 384 : i32
      %add3A_20 = arith.addi %mul3A_0, %add3A_19 : i32
      "tpu.region"() ({
        %run_scoped3A = tpu.sem_alloc : memref<!tpu.dma_semaphore, #tpu.memory_space<semaphore_mem>>
        %dma_start3A = arith.constant 0 : i32
        %dma_start3A_99 = arith.constant 0 : i32
        %dma_start3A_100 = tpu.memref_slice %arg15[%dma_start3A, %dma_start3A_99] : memref<128x128xf32, #tpu.memory_space<vmem>> -> memref<128x128xf32, #tpu.memory_space<vmem>>
        %dma_start3A_101 = arith.constant 0 : i32
        %dma_start3A_102 = tpu.memref_slice %arg18[%add3A_20, %dma_start3A_101] : memref<10000x128xf32, #tpu.memory_space<vmem_shared>> -> memref<128x128xf32, #tpu.memory_space<vmem_shared>>
        %dma_start3A_103 = arith.constant 0 : i32
        %dma_start3A_104 = tpu.memref_slice %arg18[%add3A_20, %dma_start3A_103] : memref<10000x128xf32, #tpu.memory_space<vmem_shared>> -> memref<128x128xf32, #tpu.memory_space<vmem_shared>>
        %dma_start3A_105 = arith.constant 0 : i32
        %dma_start3A_106 = arith.constant 0 : i32
        %dma_start3A_107 = tpu.memref_slice %arg15[%dma_start3A_105, %dma_start3A_106] : memref<128x128xf32, #tpu.memory_space<vmem>> -> memref<128x128xf32, #tpu.memory_space<vmem>>
        tpu.enqueue_dma source(%dma_start3A_107 : memref<128x128xf32, #tpu.memory_space<vmem>>) target(%dma_start3A_104 : memref<128x128xf32, #tpu.memory_space<vmem_shared>>) target_semaphore(%run_scoped3A : memref<!tpu.dma_semaphore, #tpu.memory_space<semaphore_mem>>)
        %dma_wait3A = arith.constant 0 : i32
        %dma_wait3A_108 = arith.constant 0 : i32
        %dma_wait3A_109 = tpu.memref_slice %arg15[%dma_wait3A, %dma_wait3A_108] : memref<128x128xf32, #tpu.memory_space<vmem>> -> memref<128x128xf32, #tpu.memory_space<vmem>>
        %dma_wait3A_110 = arith.constant 0 : i32
        %dma_wait3A_111 = tpu.memref_slice %arg18[%add3A_20, %dma_wait3A_110] : memref<10000x128xf32, #tpu.memory_space<vmem_shared>> -> memref<128x128xf32, #tpu.memory_space<vmem_shared>>
        %dma_wait3A_112 = arith.constant 0 : i32
        %dma_wait3A_113 = tpu.memref_slice %arg18[%add3A_20, %dma_wait3A_112] : memref<10000x128xf32, #tpu.memory_space<vmem_shared>> -> memref<128x128xf32, #tpu.memory_space<vmem_shared>>
        %dma_wait3A_114 = arith.constant 0 : i32
        %dma_wait3A_115 = arith.constant 0 : i32
        %dma_wait3A_116 = tpu.memref_slice %arg15[%dma_wait3A_114, %dma_wait3A_115] : memref<128x128xf32, #tpu.memory_space<vmem>> -> memref<128x128xf32, #tpu.memory_space<vmem>>
        tpu.wait_dma2 semaphore(%run_scoped3A : memref<!tpu.dma_semaphore, #tpu.memory_space<semaphore_mem>>) src(%dma_wait3A_116 : memref<128x128xf32, #tpu.memory_space<vmem>>) dst(%dma_wait3A_113 : memref<128x128xf32, #tpu.memory_space<vmem_shared>>)
        tpu.yield
      }) : () -> ()
      %add3A_21 = arith.constant 384 : i32
      %add3A_22 = arith.addi %mul3A_0, %add3A_21 : i32
      "tpu.region"() ({
        %run_scoped3A = tpu.sem_alloc : memref<!tpu.dma_semaphore, #tpu.memory_space<semaphore_mem>>
        %dma_start3A = arith.constant 0 : i32
        %dma_start3A_99 = arith.constant 0 : i32
        %dma_start3A_100 = tpu.memref_slice %arg17[%dma_start3A, %dma_start3A_99] : memref<128x16xf32, #tpu.memory_space<vmem>> -> memref<128x16xf32, #tpu.memory_space<vmem>>
        %dma_start3A_101 = arith.constant 0 : i32
        %dma_start3A_102 = tpu.memref_slice %arg19[%add3A_22, %dma_start3A_101] : memref<10000x16xf32, #tpu.memory_space<vmem_shared>> -> memref<128x16xf32, #tpu.memory_space<vmem_shared>>
        %dma_start3A_103 = arith.constant 0 : i32
        %dma_start3A_104 = tpu.memref_slice %arg19[%add3A_22, %dma_start3A_103] : memref<10000x16xf32, #tpu.memory_space<vmem_shared>> -> memref<128x16xf32, #tpu.memory_space<vmem_shared>>
        %dma_start3A_105 = arith.constant 0 : i32
        %dma_start3A_106 = arith.constant 0 : i32
        %dma_start3A_107 = tpu.memref_slice %arg17[%dma_start3A_105, %dma_start3A_106] : memref<128x16xf32, #tpu.memory_space<vmem>> -> memref<128x16xf32, #tpu.memory_space<vmem>>
        tpu.enqueue_dma source(%dma_start3A_107 : memref<128x16xf32, #tpu.memory_space<vmem>>) target(%dma_start3A_104 : memref<128x16xf32, #tpu.memory_space<vmem_shared>>) target_semaphore(%run_scoped3A : memref<!tpu.dma_semaphore, #tpu.memory_space<semaphore_mem>>)
        %dma_wait3A = arith.constant 0 : i32
        %dma_wait3A_108 = arith.constant 0 : i32
        %dma_wait3A_109 = tpu.memref_slice %arg17[%dma_wait3A, %dma_wait3A_108] : memref<128x16xf32, #tpu.memory_space<vmem>> -> memref<128x16xf32, #tpu.memory_space<vmem>>
        %dma_wait3A_110 = arith.constant 0 : i32
        %dma_wait3A_111 = tpu.memref_slice %arg19[%add3A_22, %dma_wait3A_110] : memref<10000x16xf32, #tpu.memory_space<vmem_shared>> -> memref<128x16xf32, #tpu.memory_space<vmem_shared>>
        %dma_wait3A_112 = arith.constant 0 : i32
        %dma_wait3A_113 = tpu.memref_slice %arg19[%add3A_22, %dma_wait3A_112] : memref<10000x16xf32, #tpu.memory_space<vmem_shared>> -> memref<128x16xf32, #tpu.memory_space<vmem_shared>>
        %dma_wait3A_114 = arith.constant 0 : i32
        %dma_wait3A_115 = arith.constant 0 : i32
        %dma_wait3A_116 = tpu.memref_slice %arg17[%dma_wait3A_114, %dma_wait3A_115] : memref<128x16xf32, #tpu.memory_space<vmem>> -> memref<128x16xf32, #tpu.memory_space<vmem>>
        tpu.wait_dma2 semaphore(%run_scoped3A : memref<!tpu.dma_semaphore, #tpu.memory_space<semaphore_mem>>) src(%dma_wait3A_116 : memref<128x16xf32, #tpu.memory_space<vmem>>) dst(%dma_wait3A_113 : memref<128x16xf32, #tpu.memory_space<vmem_shared>>)
        tpu.yield
      }) : () -> ()
      %add3A_23 = arith.constant 512 : i32
      %add3A_24 = arith.addi %mul3A_0, %add3A_23 : i32
      "tpu.region"() ({
        %run_scoped3A = tpu.sem_alloc : memref<!tpu.dma_semaphore, #tpu.memory_space<semaphore_mem>>
        %dma_start3A = arith.constant 0 : i32
        %dma_start3A_99 = arith.constant 0 : i32
        %dma_start3A_100 = tpu.memref_slice %arg15[%dma_start3A, %dma_start3A_99] : memref<128x128xf32, #tpu.memory_space<vmem>> -> memref<112x128xf32, #tpu.memory_space<vmem>>
        %dma_start3A_101 = arith.constant 0 : i32
        %dma_start3A_102 = tpu.memref_slice %arg18[%add3A_24, %dma_start3A_101] : memref<10000x128xf32, #tpu.memory_space<vmem_shared>> -> memref<112x128xf32, #tpu.memory_space<vmem_shared>>
        %dma_start3A_103 = arith.constant 0 : i32
        %dma_start3A_104 = tpu.memref_slice %arg18[%add3A_24, %dma_start3A_103] : memref<10000x128xf32, #tpu.memory_space<vmem_shared>> -> memref<112x128xf32, #tpu.memory_space<vmem_shared>>
        %dma_start3A_105 = arith.constant 0 : i32
        %dma_start3A_106 = arith.constant 0 : i32
        %dma_start3A_107 = tpu.memref_slice %arg15[%dma_start3A_105, %dma_start3A_106] : memref<128x128xf32, #tpu.memory_space<vmem>> -> memref<112x128xf32, #tpu.memory_space<vmem>>
        tpu.enqueue_dma source(%dma_start3A_107 : memref<112x128xf32, #tpu.memory_space<vmem>>) target(%dma_start3A_104 : memref<112x128xf32, #tpu.memory_space<vmem_shared>>) target_semaphore(%run_scoped3A : memref<!tpu.dma_semaphore, #tpu.memory_space<semaphore_mem>>)
        %dma_wait3A = arith.constant 0 : i32
        %dma_wait3A_108 = arith.constant 0 : i32
        %dma_wait3A_109 = tpu.memref_slice %arg15[%dma_wait3A, %dma_wait3A_108] : memref<128x128xf32, #tpu.memory_space<vmem>> -> memref<112x128xf32, #tpu.memory_space<vmem>>
        %dma_wait3A_110 = arith.constant 0 : i32
        %dma_wait3A_111 = tpu.memref_slice %arg18[%add3A_24, %dma_wait3A_110] : memref<10000x128xf32, #tpu.memory_space<vmem_shared>> -> memref<112x128xf32, #tpu.memory_space<vmem_shared>>
        %dma_wait3A_112 = arith.constant 0 : i32
        %dma_wait3A_113 = tpu.memref_slice %arg18[%add3A_24, %dma_wait3A_112] : memref<10000x128xf32, #tpu.memory_space<vmem_shared>> -> memref<112x128xf32, #tpu.memory_space<vmem_shared>>
        %dma_wait3A_114 = arith.constant 0 : i32
        %dma_wait3A_115 = arith.constant 0 : i32
        %dma_wait3A_116 = tpu.memref_slice %arg15[%dma_wait3A_114, %dma_wait3A_115] : memref<128x128xf32, #tpu.memory_space<vmem>> -> memref<112x128xf32, #tpu.memory_space<vmem>>
        tpu.wait_dma2 semaphore(%run_scoped3A : memref<!tpu.dma_semaphore, #tpu.memory_space<semaphore_mem>>) src(%dma_wait3A_116 : memref<112x128xf32, #tpu.memory_space<vmem>>) dst(%dma_wait3A_113 : memref<112x128xf32, #tpu.memory_space<vmem_shared>>)
        tpu.yield
      }) : () -> ()
      %add3A_25 = arith.constant 512 : i32
      %add3A_26 = arith.addi %mul3A_0, %add3A_25 : i32
      "tpu.region"() ({
        %run_scoped3A = tpu.sem_alloc : memref<!tpu.dma_semaphore, #tpu.memory_space<semaphore_mem>>
        %dma_start3A = arith.constant 0 : i32
        %dma_start3A_99 = arith.constant 0 : i32
        %dma_start3A_100 = tpu.memref_slice %arg17[%dma_start3A, %dma_start3A_99] : memref<128x16xf32, #tpu.memory_space<vmem>> -> memref<112x16xf32, #tpu.memory_space<vmem>>
        %dma_start3A_101 = arith.constant 0 : i32
        %dma_start3A_102 = tpu.memref_slice %arg19[%add3A_26, %dma_start3A_101] : memref<10000x16xf32, #tpu.memory_space<vmem_shared>> -> memref<112x16xf32, #tpu.memory_space<vmem_shared>>
        %dma_start3A_103 = arith.constant 0 : i32
        %dma_start3A_104 = tpu.memref_slice %arg19[%add3A_26, %dma_start3A_103] : memref<10000x16xf32, #tpu.memory_space<vmem_shared>> -> memref<112x16xf32, #tpu.memory_space<vmem_shared>>
        %dma_start3A_105 = arith.constant 0 : i32
        %dma_start3A_106 = arith.constant 0 : i32
        %dma_start3A_107 = tpu.memref_slice %arg17[%dma_start3A_105, %dma_start3A_106] : memref<128x16xf32, #tpu.memory_space<vmem>> -> memref<112x16xf32, #tpu.memory_space<vmem>>
        tpu.enqueue_dma source(%dma_start3A_107 : memref<112x16xf32, #tpu.memory_space<vmem>>) target(%dma_start3A_104 : memref<112x16xf32, #tpu.memory_space<vmem_shared>>) target_semaphore(%run_scoped3A : memref<!tpu.dma_semaphore, #tpu.memory_space<semaphore_mem>>)
        %dma_wait3A = arith.constant 0 : i32
        %dma_wait3A_108 = arith.constant 0 : i32
        %dma_wait3A_109 = tpu.memref_slice %arg17[%dma_wait3A, %dma_wait3A_108] : memref<128x16xf32, #tpu.memory_space<vmem>> -> memref<112x16xf32, #tpu.memory_space<vmem>>
        %dma_wait3A_110 = arith.constant 0 : i32
        %dma_wait3A_111 = tpu.memref_slice %arg19[%add3A_26, %dma_wait3A_110] : memref<10000x16xf32, #tpu.memory_space<vmem_shared>> -> memref<112x16xf32, #tpu.memory_space<vmem_shared>>
        %dma_wait3A_112 = arith.constant 0 : i32
        %dma_wait3A_113 = tpu.memref_slice %arg19[%add3A_26, %dma_wait3A_112] : memref<10000x16xf32, #tpu.memory_space<vmem_shared>> -> memref<112x16xf32, #tpu.memory_space<vmem_shared>>
        %dma_wait3A_114 = arith.constant 0 : i32
        %dma_wait3A_115 = arith.constant 0 : i32
        %dma_wait3A_116 = tpu.memref_slice %arg17[%dma_wait3A_114, %dma_wait3A_115] : memref<128x16xf32, #tpu.memory_space<vmem>> -> memref<112x16xf32, #tpu.memory_space<vmem>>
        tpu.wait_dma2 semaphore(%run_scoped3A : memref<!tpu.dma_semaphore, #tpu.memory_space<semaphore_mem>>) src(%dma_wait3A_116 : memref<112x16xf32, #tpu.memory_space<vmem>>) dst(%dma_wait3A_113 : memref<112x16xf32, #tpu.memory_space<vmem_shared>>)
        tpu.yield
      }) : () -> ()
      %eq3A_27 = arith.constant 15 : i32
      %eq3A_28 = arith.cmpi eq, %arg1, %eq3A_27 : i32
      %convert_element_type3A_29 = arith.extui %eq3A_28 : i1 to i32
      %cond3A_30 = arith.constant 0 : i32
      %cond3A_31 = arith.cmpi ne, %convert_element_type3A_29, %cond3A_30 : i32
      scf.if %cond3A_31 {
        "tpu.region"() ({
          %run_scoped3A = tpu.sem_alloc : memref<!tpu.dma_semaphore, #tpu.memory_space<semaphore_mem>>
          %dma_start3A = arith.constant 0 : i32
          %dma_start3A_99 = arith.constant 0 : i32
          %dma_start3A_100 = tpu.memref_slice %arg15[%dma_start3A, %dma_start3A_99] : memref<128x128xf32, #tpu.memory_space<vmem>> -> memref<16x128xf32, #tpu.memory_space<vmem>>
          %dma_start3A_101 = arith.constant 9984 : i32
          %dma_start3A_102 = arith.constant 0 : i32
          %dma_start3A_103 = tpu.memref_slice %arg18[%dma_start3A_101, %dma_start3A_102] : memref<10000x128xf32, #tpu.memory_space<vmem_shared>> -> memref<16x128xf32, #tpu.memory_space<vmem_shared>>
          %dma_start3A_104 = arith.constant 9984 : i32
          %dma_start3A_105 = arith.constant 0 : i32
          %dma_start3A_106 = tpu.memref_slice %arg18[%dma_start3A_104, %dma_start3A_105] : memref<10000x128xf32, #tpu.memory_space<vmem_shared>> -> memref<16x128xf32, #tpu.memory_space<vmem_shared>>
          %dma_start3A_107 = arith.constant 0 : i32
          %dma_start3A_108 = arith.constant 0 : i32
          %dma_start3A_109 = tpu.memref_slice %arg15[%dma_start3A_107, %dma_start3A_108] : memref<128x128xf32, #tpu.memory_space<vmem>> -> memref<16x128xf32, #tpu.memory_space<vmem>>
          tpu.enqueue_dma source(%dma_start3A_109 : memref<16x128xf32, #tpu.memory_space<vmem>>) target(%dma_start3A_106 : memref<16x128xf32, #tpu.memory_space<vmem_shared>>) target_semaphore(%run_scoped3A : memref<!tpu.dma_semaphore, #tpu.memory_space<semaphore_mem>>)
          %dma_wait3A = arith.constant 0 : i32
          %dma_wait3A_110 = arith.constant 0 : i32
          %dma_wait3A_111 = tpu.memref_slice %arg15[%dma_wait3A, %dma_wait3A_110] : memref<128x128xf32, #tpu.memory_space<vmem>> -> memref<16x128xf32, #tpu.memory_space<vmem>>
          %dma_wait3A_112 = arith.constant 9984 : i32
          %dma_wait3A_113 = arith.constant 0 : i32
          %dma_wait3A_114 = tpu.memref_slice %arg18[%dma_wait3A_112, %dma_wait3A_113] : memref<10000x128xf32, #tpu.memory_space<vmem_shared>> -> memref<16x128xf32, #tpu.memory_space<vmem_shared>>
          %dma_wait3A_115 = arith.constant 9984 : i32
          %dma_wait3A_116 = arith.constant 0 : i32
          %dma_wait3A_117 = tpu.memref_slice %arg18[%dma_wait3A_115, %dma_wait3A_116] : memref<10000x128xf32, #tpu.memory_space<vmem_shared>> -> memref<16x128xf32, #tpu.memory_space<vmem_shared>>
          %dma_wait3A_118 = arith.constant 0 : i32
          %dma_wait3A_119 = arith.constant 0 : i32
          %dma_wait3A_120 = tpu.memref_slice %arg15[%dma_wait3A_118, %dma_wait3A_119] : memref<128x128xf32, #tpu.memory_space<vmem>> -> memref<16x128xf32, #tpu.memory_space<vmem>>
          tpu.wait_dma2 semaphore(%run_scoped3A : memref<!tpu.dma_semaphore, #tpu.memory_space<semaphore_mem>>) src(%dma_wait3A_120 : memref<16x128xf32, #tpu.memory_space<vmem>>) dst(%dma_wait3A_117 : memref<16x128xf32, #tpu.memory_space<vmem_shared>>)
          tpu.yield
        }) : () -> ()
        "tpu.region"() ({
          %run_scoped3A = tpu.sem_alloc : memref<!tpu.dma_semaphore, #tpu.memory_space<semaphore_mem>>
          %dma_start3A = arith.constant 0 : i32
          %dma_start3A_99 = arith.constant 0 : i32
          %dma_start3A_100 = tpu.memref_slice %arg17[%dma_start3A, %dma_start3A_99] : memref<128x16xf32, #tpu.memory_space<vmem>> -> memref<16x16xf32, #tpu.memory_space<vmem>>
          %dma_start3A_101 = arith.constant 9984 : i32
          %dma_start3A_102 = arith.constant 0 : i32
          %dma_start3A_103 = tpu.memref_slice %arg19[%dma_start3A_101, %dma_start3A_102] : memref<10000x16xf32, #tpu.memory_space<vmem_shared>> -> memref<16x16xf32, #tpu.memory_space<vmem_shared>>
          %dma_start3A_104 = arith.constant 9984 : i32
          %dma_start3A_105 = arith.constant 0 : i32
          %dma_start3A_106 = tpu.memref_slice %arg19[%dma_start3A_104, %dma_start3A_105] : memref<10000x16xf32, #tpu.memory_space<vmem_shared>> -> memref<16x16xf32, #tpu.memory_space<vmem_shared>>
          %dma_start3A_107 = arith.constant 0 : i32
          %dma_start3A_108 = arith.constant 0 : i32
          %dma_start3A_109 = tpu.memref_slice %arg17[%dma_start3A_107, %dma_start3A_108] : memref<128x16xf32, #tpu.memory_space<vmem>> -> memref<16x16xf32, #tpu.memory_space<vmem>>
          tpu.enqueue_dma source(%dma_start3A_109 : memref<16x16xf32, #tpu.memory_space<vmem>>) target(%dma_start3A_106 : memref<16x16xf32, #tpu.memory_space<vmem_shared>>) target_semaphore(%run_scoped3A : memref<!tpu.dma_semaphore, #tpu.memory_space<semaphore_mem>>)
          %dma_wait3A = arith.constant 0 : i32
          %dma_wait3A_110 = arith.constant 0 : i32
          %dma_wait3A_111 = tpu.memref_slice %arg17[%dma_wait3A, %dma_wait3A_110] : memref<128x16xf32, #tpu.memory_space<vmem>> -> memref<16x16xf32, #tpu.memory_space<vmem>>
          %dma_wait3A_112 = arith.constant 9984 : i32
          %dma_wait3A_113 = arith.constant 0 : i32
          %dma_wait3A_114 = tpu.memref_slice %arg19[%dma_wait3A_112, %dma_wait3A_113] : memref<10000x16xf32, #tpu.memory_space<vmem_shared>> -> memref<16x16xf32, #tpu.memory_space<vmem_shared>>
          %dma_wait3A_115 = arith.constant 9984 : i32
          %dma_wait3A_116 = arith.constant 0 : i32
          %dma_wait3A_117 = tpu.memref_slice %arg19[%dma_wait3A_115, %dma_wait3A_116] : memref<10000x16xf32, #tpu.memory_space<vmem_shared>> -> memref<16x16xf32, #tpu.memory_space<vmem_shared>>
          %dma_wait3A_118 = arith.constant 0 : i32
          %dma_wait3A_119 = arith.constant 0 : i32
          %dma_wait3A_120 = tpu.memref_slice %arg17[%dma_wait3A_118, %dma_wait3A_119] : memref<128x16xf32, #tpu.memory_space<vmem>> -> memref<16x16xf32, #tpu.memory_space<vmem>>
          tpu.wait_dma2 semaphore(%run_scoped3A : memref<!tpu.dma_semaphore, #tpu.memory_space<semaphore_mem>>) src(%dma_wait3A_120 : memref<16x16xf32, #tpu.memory_space<vmem>>) dst(%dma_wait3A_117 : memref<16x16xf32, #tpu.memory_space<vmem_shared>>)
          tpu.yield
        }) : () -> ()
      } else {
      }
      "tpu.region"() ({
        %run_scoped3A = tpu.sem_alloc : memref<!tpu.dma_semaphore, #tpu.memory_space<semaphore_mem>>
        tpu.enqueue_dma source(%arg8 : memref<128x16xf32, #tpu.memory_space<hbm>>) target(%arg17 : memref<128x16xf32, #tpu.memory_space<vmem>>) target_semaphore(%run_scoped3A : memref<!tpu.dma_semaphore, #tpu.memory_space<semaphore_mem>>)
        tpu.wait_dma2 semaphore(%run_scoped3A : memref<!tpu.dma_semaphore, #tpu.memory_space<semaphore_mem>>) src(%arg8 : memref<128x16xf32, #tpu.memory_space<hbm>>) dst(%arg17 : memref<128x16xf32, #tpu.memory_space<vmem>>)
        tpu.yield
      }) : () -> ()
      %barrier3A = arith.constant 0 : index
      tpu.barrier barrier_id(%barrier3A)
      %lt3A = arith.constant 2500 : i32
      %lt3A_32 = arith.cmpi slt, %arg1, %lt3A : i32
      %convert_element_type3A_33 = arith.extui %lt3A_32 : i1 to i32
      %cond3A_34 = arith.constant 0 : i32
      %cond3A_35 = arith.cmpi ne, %convert_element_type3A_33, %cond3A_34 : i32
      scf.if %cond3A_35 {
        %mul3A_99 = arith.constant 128 : i32
        %mul3A_100 = arith.muli %arg1, %mul3A_99 : i32
        %dma_start3A = arith.constant 0 : i32
        %dma_start3A_101 = tpu.memref_slice %arg5[%dma_start3A, %mul3A_100] : memref<2x320000xi32, #tpu.memory_space<hbm>> -> memref<2x128xi32, #tpu.memory_space<hbm>>
        %dma_start3A_102 = arith.constant 0 : i32
        %dma_start3A_103 = tpu.memref_slice %arg5[%dma_start3A_102, %mul3A_100] : memref<2x320000xi32, #tpu.memory_space<hbm>> -> memref<2x128xi32, #tpu.memory_space<hbm>>
        tpu.enqueue_dma source(%dma_start3A_103 : memref<2x128xi32, #tpu.memory_space<hbm>>) target(%arg13 : memref<2x128xi32, #tpu.memory_space<vmem>>) target_semaphore(%arg20 : memref<!tpu.dma_semaphore, #tpu.memory_space<semaphore_mem>>)
      } else {
      }
      %add3A_36 = arith.constant 16 : i32
      %add3A_37 = arith.addi %arg1, %add3A_36 : i32
      %lt3A_38 = arith.constant 2500 : i32
      %lt3A_39 = arith.cmpi slt, %add3A_37, %lt3A_38 : i32
      %convert_element_type3A_40 = arith.extui %lt3A_39 : i1 to i32
      %cond3A_41 = arith.constant 0 : i32
      %cond3A_42 = arith.cmpi ne, %convert_element_type3A_40, %cond3A_41 : i32
      scf.if %cond3A_42 {
        %add3A_99 = arith.constant 16 : i32
        %add3A_100 = arith.addi %arg1, %add3A_99 : i32
        %mul3A_101 = arith.constant 128 : i32
        %mul3A_102 = arith.muli %add3A_100, %mul3A_101 : i32
        %dma_start3A = arith.constant 0 : i32
        %dma_start3A_103 = tpu.memref_slice %arg5[%dma_start3A, %mul3A_102] : memref<2x320000xi32, #tpu.memory_space<hbm>> -> memref<2x128xi32, #tpu.memory_space<hbm>>
        %dma_start3A_104 = arith.constant 0 : i32
        %dma_start3A_105 = tpu.memref_slice %arg5[%dma_start3A_104, %mul3A_102] : memref<2x320000xi32, #tpu.memory_space<hbm>> -> memref<2x128xi32, #tpu.memory_space<hbm>>
        tpu.enqueue_dma source(%dma_start3A_105 : memref<2x128xi32, #tpu.memory_space<hbm>>) target(%arg14 : memref<2x128xi32, #tpu.memory_space<vmem>>) target_semaphore(%arg22 : memref<!tpu.dma_semaphore, #tpu.memory_space<semaphore_mem>>)
      } else {
      }
      %lt3A_43 = arith.constant 2500 : i32
      %lt3A_44 = arith.cmpi slt, %arg1, %lt3A_43 : i32
      %convert_element_type3A_45 = arith.extui %lt3A_44 : i1 to i32
      %cond3A_46 = arith.constant 0 : i32
      %cond3A_47 = arith.cmpi ne, %convert_element_type3A_45, %cond3A_46 : i32
      scf.if %cond3A_47 {
        %mul3A_99 = arith.constant 128 : i32
        %mul3A_100 = arith.muli %arg1, %mul3A_99 : i32
        %dma_wait3A = arith.constant 0 : i32
        %dma_wait3A_101 = tpu.memref_slice %arg5[%dma_wait3A, %mul3A_100] : memref<2x320000xi32, #tpu.memory_space<hbm>> -> memref<2x128xi32, #tpu.memory_space<hbm>>
        %dma_wait3A_102 = arith.constant 0 : i32
        %dma_wait3A_103 = tpu.memref_slice %arg5[%dma_wait3A_102, %mul3A_100] : memref<2x320000xi32, #tpu.memory_space<hbm>> -> memref<2x128xi32, #tpu.memory_space<hbm>>
        tpu.wait_dma2 semaphore(%arg20 : memref<!tpu.dma_semaphore, #tpu.memory_space<semaphore_mem>>) src(%dma_wait3A_103 : memref<2x128xi32, #tpu.memory_space<hbm>>) dst(%arg13 : memref<2x128xi32, #tpu.memory_space<vmem>>)
        %dma_start3A = arith.constant 0 : i32
        %dma_start3A_104 = arith.constant 0 : i32
        %dma_start3A_105 = tpu.memref_slice %arg13[%dma_start3A, %dma_start3A_104] : memref<2x128xi32, #tpu.memory_space<vmem>> -> memref<1x128xi32, #tpu.memory_space<vmem>>
        %dma_start3A_106 = tpu.memref_squeeze %dma_start3A_105 : memref<1x128xi32, #tpu.memory_space<vmem>> -> memref<128xi32, #tpu.memory_space<vmem>>
        %dma_start3A_107 = arith.constant 0 : i32
        %dma_start3A_108 = arith.constant 0 : i32
        %dma_start3A_109 = tpu.memref_slice %arg4[%dma_start3A_107, %dma_start3A_108] : memref<10000x128xf32, #tpu.memory_space<hbm>> -> memref<10000x128xf32, #tpu.memory_space<hbm>>
        tpu.enqueue_indirect_dma source(%dma_start3A_109 : memref<10000x128xf32, #tpu.memory_space<hbm>>) target(%arg15 : memref<128x128xf32, #tpu.memory_space<vmem>>) offsets(%dma_start3A_106 : memref<128xi32, #tpu.memory_space<vmem>>) semaphore(%arg23 : memref<!tpu.dma_semaphore, #tpu.memory_space<semaphore_mem>>)
      } else {
      }
      %scan3A = arith.constant 0 : i32
      %scan3A_48 = arith.constant 0 : i32
      %scan3A_49 = arith.constant 79 : i32
      %scan3A_50 = arith.addi %scan3A_48, %scan3A_49 : i32
      %scan3A_51 = arith.constant 1 : i32
      scf.for %scan3A_99 = %scan3A_48 to %scan3A_50 step %scan3A_51  : i32 {
        %mul3A_100 = arith.constant 2 : i32
        %mul3A_101 = arith.muli %mul3A_100, %scan3A_99 : i32
        %mul3A_102 = arith.constant 16 : i32
        %mul3A_103 = arith.muli %mul3A_101, %mul3A_102 : i32
        %add3A_104 = arith.addi %mul3A_103, %arg1 : i32
        %add3A_105 = arith.constant 16 : i32
        %add3A_106 = arith.addi %add3A_104, %add3A_105 : i32
        %add3A_107 = arith.constant 32 : i32
        %add3A_108 = arith.addi %add3A_104, %add3A_107 : i32
        %add3A_109 = arith.constant 48 : i32
        %add3A_110 = arith.addi %add3A_104, %add3A_109 : i32
        %lt3A_111 = arith.constant 2500 : i32
        %lt3A_112 = arith.cmpi slt, %add3A_104, %lt3A_111 : i32
        %convert_element_type3A_113 = arith.extui %lt3A_112 : i1 to i32
        %cond3A_114 = arith.constant 0 : i32
        %cond3A_115 = arith.cmpi ne, %convert_element_type3A_113, %cond3A_114 : i32
        scf.if %cond3A_115 {
          %dma_wait3A = arith.constant 0 : i32
          %dma_wait3A_131 = arith.constant 0 : i32
          %dma_wait3A_132 = tpu.memref_slice %arg13[%dma_wait3A, %dma_wait3A_131] : memref<2x128xi32, #tpu.memory_space<vmem>> -> memref<1x128xi32, #tpu.memory_space<vmem>>
          %dma_wait3A_133 = tpu.memref_squeeze %dma_wait3A_132 : memref<1x128xi32, #tpu.memory_space<vmem>> -> memref<128xi32, #tpu.memory_space<vmem>>
          %dma_wait3A_134 = arith.constant 0 : i32
          %dma_wait3A_135 = arith.constant 0 : i32
          %dma_wait3A_136 = tpu.memref_slice %arg4[%dma_wait3A_134, %dma_wait3A_135] : memref<10000x128xf32, #tpu.memory_space<hbm>> -> memref<10000x128xf32, #tpu.memory_space<hbm>>
          tpu.wait_indirect_dma semaphore(%arg23 : memref<!tpu.dma_semaphore, #tpu.memory_space<semaphore_mem>>) src(%dma_wait3A_136 : memref<10000x128xf32, #tpu.memory_space<hbm>>) dst(%arg15 : memref<128x128xf32, #tpu.memory_space<vmem>>)
          %lt3A_137 = arith.constant 2500 : i32
          %lt3A_138 = arith.cmpi slt, %add3A_106, %lt3A_137 : i32
          %convert_element_type3A_139 = arith.extui %lt3A_138 : i1 to i32
          %cond3A_140 = arith.constant 0 : i32
          %cond3A_141 = arith.cmpi ne, %convert_element_type3A_139, %cond3A_140 : i32
          scf.if %cond3A_141 {
            %mul3A_169 = arith.constant 128 : i32
            %mul3A_170 = arith.muli %add3A_106, %mul3A_169 : i32
            %dma_wait3A_171 = arith.constant 0 : i32
            %dma_wait3A_172 = tpu.memref_slice %arg5[%dma_wait3A_171, %mul3A_170] : memref<2x320000xi32, #tpu.memory_space<hbm>> -> memref<2x128xi32, #tpu.memory_space<hbm>>
            %dma_wait3A_173 = arith.constant 0 : i32
            %dma_wait3A_174 = tpu.memref_slice %arg5[%dma_wait3A_173, %mul3A_170] : memref<2x320000xi32, #tpu.memory_space<hbm>> -> memref<2x128xi32, #tpu.memory_space<hbm>>
            tpu.wait_dma2 semaphore(%arg22 : memref<!tpu.dma_semaphore, #tpu.memory_space<semaphore_mem>>) src(%dma_wait3A_174 : memref<2x128xi32, #tpu.memory_space<hbm>>) dst(%arg14 : memref<2x128xi32, #tpu.memory_space<vmem>>)
            %dma_start3A_175 = arith.constant 0 : i32
            %dma_start3A_176 = arith.constant 0 : i32
            %dma_start3A_177 = tpu.memref_slice %arg14[%dma_start3A_175, %dma_start3A_176] : memref<2x128xi32, #tpu.memory_space<vmem>> -> memref<1x128xi32, #tpu.memory_space<vmem>>
            %dma_start3A_178 = tpu.memref_squeeze %dma_start3A_177 : memref<1x128xi32, #tpu.memory_space<vmem>> -> memref<128xi32, #tpu.memory_space<vmem>>
            %dma_start3A_179 = arith.constant 0 : i32
            %dma_start3A_180 = arith.constant 0 : i32
            %dma_start3A_181 = tpu.memref_slice %arg4[%dma_start3A_179, %dma_start3A_180] : memref<10000x128xf32, #tpu.memory_space<hbm>> -> memref<10000x128xf32, #tpu.memory_space<hbm>>
            tpu.enqueue_indirect_dma source(%dma_start3A_181 : memref<10000x128xf32, #tpu.memory_space<hbm>>) target(%arg16 : memref<128x128xf32, #tpu.memory_space<vmem>>) offsets(%dma_start3A_178 : memref<128xi32, #tpu.memory_space<vmem>>) semaphore(%arg24 : memref<!tpu.dma_semaphore, #tpu.memory_space<semaphore_mem>>)
          } else {
          }
          %dma_start3A = arith.constant 1 : i32
          %dma_start3A_142 = arith.constant 0 : i32
          %dma_start3A_143 = tpu.memref_slice %arg13[%dma_start3A, %dma_start3A_142] : memref<2x128xi32, #tpu.memory_space<vmem>> -> memref<1x128xi32, #tpu.memory_space<vmem>>
          %dma_start3A_144 = tpu.memref_squeeze %dma_start3A_143 : memref<1x128xi32, #tpu.memory_space<vmem>> -> memref<128xi32, #tpu.memory_space<vmem>>
          %dma_start3A_145 = arith.constant 0 : i32
          %dma_start3A_146 = arith.constant 0 : i32
          %dma_start3A_147 = tpu.memref_slice %arg18[%dma_start3A_145, %dma_start3A_146] : memref<10000x128xf32, #tpu.memory_space<vmem_shared>> -> memref<10000x128xf32, #tpu.memory_space<vmem_shared>>
          tpu.enqueue_indirect_dma source(%arg15 : memref<128x128xf32, #tpu.memory_space<vmem>>) target(%dma_start3A_147 : memref<10000x128xf32, #tpu.memory_space<vmem_shared>>) offsets(%dma_start3A_144 : memref<128xi32, #tpu.memory_space<vmem>>) semaphore(%arg21 : memref<!tpu.dma_semaphore, #tpu.memory_space<semaphore_mem>>) {add = true}
          %dma_start3A_148 = arith.constant 1 : i32
          %dma_start3A_149 = arith.constant 0 : i32
          %dma_start3A_150 = tpu.memref_slice %arg13[%dma_start3A_148, %dma_start3A_149] : memref<2x128xi32, #tpu.memory_space<vmem>> -> memref<1x128xi32, #tpu.memory_space<vmem>>
          %dma_start3A_151 = tpu.memref_squeeze %dma_start3A_150 : memref<1x128xi32, #tpu.memory_space<vmem>> -> memref<128xi32, #tpu.memory_space<vmem>>
          %dma_start3A_152 = arith.constant 0 : i32
          %dma_start3A_153 = arith.constant 0 : i32
          %dma_start3A_154 = tpu.memref_slice %arg19[%dma_start3A_152, %dma_start3A_153] : memref<10000x16xf32, #tpu.memory_space<vmem_shared>> -> memref<10000x16xf32, #tpu.memory_space<vmem_shared>>
          tpu.enqueue_indirect_dma source(%arg17 : memref<128x16xf32, #tpu.memory_space<vmem>>) target(%dma_start3A_154 : memref<10000x16xf32, #tpu.memory_space<vmem_shared>>) offsets(%dma_start3A_151 : memref<128xi32, #tpu.memory_space<vmem>>) semaphore(%arg21 : memref<!tpu.dma_semaphore, #tpu.memory_space<semaphore_mem>>) {add = true}
          %dma_wait3A_155 = arith.constant 1 : i32
          %dma_wait3A_156 = arith.constant 0 : i32
          %dma_wait3A_157 = tpu.memref_slice %arg13[%dma_wait3A_155, %dma_wait3A_156] : memref<2x128xi32, #tpu.memory_space<vmem>> -> memref<1x128xi32, #tpu.memory_space<vmem>>
          %dma_wait3A_158 = tpu.memref_squeeze %dma_wait3A_157 : memref<1x128xi32, #tpu.memory_space<vmem>> -> memref<128xi32, #tpu.memory_space<vmem>>
          %dma_wait3A_159 = arith.constant 0 : i32
          %dma_wait3A_160 = arith.constant 0 : i32
          %dma_wait3A_161 = tpu.memref_slice %arg18[%dma_wait3A_159, %dma_wait3A_160] : memref<10000x128xf32, #tpu.memory_space<vmem_shared>> -> memref<10000x128xf32, #tpu.memory_space<vmem_shared>>
          tpu.wait_indirect_dma semaphore(%arg21 : memref<!tpu.dma_semaphore, #tpu.memory_space<semaphore_mem>>) src(%arg15 : memref<128x128xf32, #tpu.memory_space<vmem>>) dst(%dma_wait3A_161 : memref<10000x128xf32, #tpu.memory_space<vmem_shared>>)
          %dma_wait3A_162 = arith.constant 1 : i32
          %dma_wait3A_163 = arith.constant 0 : i32
          %dma_wait3A_164 = tpu.memref_slice %arg13[%dma_wait3A_162, %dma_wait3A_163] : memref<2x128xi32, #tpu.memory_space<vmem>> -> memref<1x128xi32, #tpu.memory_space<vmem>>
          %dma_wait3A_165 = tpu.memref_squeeze %dma_wait3A_164 : memref<1x128xi32, #tpu.memory_space<vmem>> -> memref<128xi32, #tpu.memory_space<vmem>>
          %dma_wait3A_166 = arith.constant 0 : i32
          %dma_wait3A_167 = arith.constant 0 : i32
          %dma_wait3A_168 = tpu.memref_slice %arg19[%dma_wait3A_166, %dma_wait3A_167] : memref<10000x16xf32, #tpu.memory_space<vmem_shared>> -> memref<10000x16xf32, #tpu.memory_space<vmem_shared>>
          tpu.wait_indirect_dma semaphore(%arg21 : memref<!tpu.dma_semaphore, #tpu.memory_space<semaphore_mem>>) src(%arg17 : memref<128x16xf32, #tpu.memory_space<vmem>>) dst(%dma_wait3A_168 : memref<10000x16xf32, #tpu.memory_space<vmem_shared>>)
        } else {
        }
        %lt3A_116 = arith.constant 2500 : i32
        %lt3A_117 = arith.cmpi slt, %add3A_108, %lt3A_116 : i32
        %convert_element_type3A_118 = arith.extui %lt3A_117 : i1 to i32
        %cond3A_119 = arith.constant 0 : i32
        %cond3A_120 = arith.cmpi ne, %convert_element_type3A_118, %cond3A_119 : i32
        scf.if %cond3A_120 {
          %mul3A_131 = arith.constant 128 : i32
          %mul3A_132 = arith.muli %add3A_108, %mul3A_131 : i32
          %dma_start3A = arith.constant 0 : i32
          %dma_start3A_133 = tpu.memref_slice %arg5[%dma_start3A, %mul3A_132] : memref<2x320000xi32, #tpu.memory_space<hbm>> -> memref<2x128xi32, #tpu.memory_space<hbm>>
          %dma_start3A_134 = arith.constant 0 : i32
          %dma_start3A_135 = tpu.memref_slice %arg5[%dma_start3A_134, %mul3A_132] : memref<2x320000xi32, #tpu.memory_space<hbm>> -> memref<2x128xi32, #tpu.memory_space<hbm>>
          tpu.enqueue_dma source(%dma_start3A_135 : memref<2x128xi32, #tpu.memory_space<hbm>>) target(%arg13 : memref<2x128xi32, #tpu.memory_space<vmem>>) target_semaphore(%arg20 : memref<!tpu.dma_semaphore, #tpu.memory_space<semaphore_mem>>)
        } else {
        }
        %lt3A_121 = arith.constant 2500 : i32
        %lt3A_122 = arith.cmpi slt, %add3A_106, %lt3A_121 : i32
        %convert_element_type3A_123 = arith.extui %lt3A_122 : i1 to i32
        %cond3A_124 = arith.constant 0 : i32
        %cond3A_125 = arith.cmpi ne, %convert_element_type3A_123, %cond3A_124 : i32
        scf.if %cond3A_125 {
          %dma_wait3A = arith.constant 0 : i32
          %dma_wait3A_131 = arith.constant 0 : i32
          %dma_wait3A_132 = tpu.memref_slice %arg14[%dma_wait3A, %dma_wait3A_131] : memref<2x128xi32, #tpu.memory_space<vmem>> -> memref<1x128xi32, #tpu.memory_space<vmem>>
          %dma_wait3A_133 = tpu.memref_squeeze %dma_wait3A_132 : memref<1x128xi32, #tpu.memory_space<vmem>> -> memref<128xi32, #tpu.memory_space<vmem>>
          %dma_wait3A_134 = arith.constant 0 : i32
          %dma_wait3A_135 = arith.constant 0 : i32
          %dma_wait3A_136 = tpu.memref_slice %arg4[%dma_wait3A_134, %dma_wait3A_135] : memref<10000x128xf32, #tpu.memory_space<hbm>> -> memref<10000x128xf32, #tpu.memory_space<hbm>>
          tpu.wait_indirect_dma semaphore(%arg24 : memref<!tpu.dma_semaphore, #tpu.memory_space<semaphore_mem>>) src(%dma_wait3A_136 : memref<10000x128xf32, #tpu.memory_space<hbm>>) dst(%arg16 : memref<128x128xf32, #tpu.memory_space<vmem>>)
          %lt3A_137 = arith.constant 2500 : i32
          %lt3A_138 = arith.cmpi slt, %add3A_108, %lt3A_137 : i32
          %convert_element_type3A_139 = arith.extui %lt3A_138 : i1 to i32
          %cond3A_140 = arith.constant 0 : i32
          %cond3A_141 = arith.cmpi ne, %convert_element_type3A_139, %cond3A_140 : i32
          scf.if %cond3A_141 {
            %mul3A_169 = arith.constant 128 : i32
            %mul3A_170 = arith.muli %add3A_108, %mul3A_169 : i32
            %dma_wait3A_171 = arith.constant 0 : i32
            %dma_wait3A_172 = tpu.memref_slice %arg5[%dma_wait3A_171, %mul3A_170] : memref<2x320000xi32, #tpu.memory_space<hbm>> -> memref<2x128xi32, #tpu.memory_space<hbm>>
            %dma_wait3A_173 = arith.constant 0 : i32
            %dma_wait3A_174 = tpu.memref_slice %arg5[%dma_wait3A_173, %mul3A_170] : memref<2x320000xi32, #tpu.memory_space<hbm>> -> memref<2x128xi32, #tpu.memory_space<hbm>>
            tpu.wait_dma2 semaphore(%arg20 : memref<!tpu.dma_semaphore, #tpu.memory_space<semaphore_mem>>) src(%dma_wait3A_174 : memref<2x128xi32, #tpu.memory_space<hbm>>) dst(%arg13 : memref<2x128xi32, #tpu.memory_space<vmem>>)
            %dma_start3A_175 = arith.constant 0 : i32
            %dma_start3A_176 = arith.constant 0 : i32
            %dma_start3A_177 = tpu.memref_slice %arg13[%dma_start3A_175, %dma_start3A_176] : memref<2x128xi32, #tpu.memory_space<vmem>> -> memref<1x128xi32, #tpu.memory_space<vmem>>
            %dma_start3A_178 = tpu.memref_squeeze %dma_start3A_177 : memref<1x128xi32, #tpu.memory_space<vmem>> -> memref<128xi32, #tpu.memory_space<vmem>>
            %dma_start3A_179 = arith.constant 0 : i32
            %dma_start3A_180 = arith.constant 0 : i32
            %dma_start3A_181 = tpu.memref_slice %arg4[%dma_start3A_179, %dma_start3A_180] : memref<10000x128xf32, #tpu.memory_space<hbm>> -> memref<10000x128xf32, #tpu.memory_space<hbm>>
            tpu.enqueue_indirect_dma source(%dma_start3A_181 : memref<10000x128xf32, #tpu.memory_space<hbm>>) target(%arg15 : memref<128x128xf32, #tpu.memory_space<vmem>>) offsets(%dma_start3A_178 : memref<128xi32, #tpu.memory_space<vmem>>) semaphore(%arg23 : memref<!tpu.dma_semaphore, #tpu.memory_space<semaphore_mem>>)
          } else {
          }
          %dma_start3A = arith.constant 1 : i32
          %dma_start3A_142 = arith.constant 0 : i32
          %dma_start3A_143 = tpu.memref_slice %arg14[%dma_start3A, %dma_start3A_142] : memref<2x128xi32, #tpu.memory_space<vmem>> -> memref<1x128xi32, #tpu.memory_space<vmem>>
          %dma_start3A_144 = tpu.memref_squeeze %dma_start3A_143 : memref<1x128xi32, #tpu.memory_space<vmem>> -> memref<128xi32, #tpu.memory_space<vmem>>
          %dma_start3A_145 = arith.constant 0 : i32
          %dma_start3A_146 = arith.constant 0 : i32
          %dma_start3A_147 = tpu.memref_slice %arg18[%dma_start3A_145, %dma_start3A_146] : memref<10000x128xf32, #tpu.memory_space<vmem_shared>> -> memref<10000x128xf32, #tpu.memory_space<vmem_shared>>
          tpu.enqueue_indirect_dma source(%arg16 : memref<128x128xf32, #tpu.memory_space<vmem>>) target(%dma_start3A_147 : memref<10000x128xf32, #tpu.memory_space<vmem_shared>>) offsets(%dma_start3A_144 : memref<128xi32, #tpu.memory_space<vmem>>) semaphore(%arg21 : memref<!tpu.dma_semaphore, #tpu.memory_space<semaphore_mem>>) {add = true}
          %dma_start3A_148 = arith.constant 1 : i32
          %dma_start3A_149 = arith.constant 0 : i32
          %dma_start3A_150 = tpu.memref_slice %arg14[%dma_start3A_148, %dma_start3A_149] : memref<2x128xi32, #tpu.memory_space<vmem>> -> memref<1x128xi32, #tpu.memory_space<vmem>>
          %dma_start3A_151 = tpu.memref_squeeze %dma_start3A_150 : memref<1x128xi32, #tpu.memory_space<vmem>> -> memref<128xi32, #tpu.memory_space<vmem>>
          %dma_start3A_152 = arith.constant 0 : i32
          %dma_start3A_153 = arith.constant 0 : i32
          %dma_start3A_154 = tpu.memref_slice %arg19[%dma_start3A_152, %dma_start3A_153] : memref<10000x16xf32, #tpu.memory_space<vmem_shared>> -> memref<10000x16xf32, #tpu.memory_space<vmem_shared>>
          tpu.enqueue_indirect_dma source(%arg17 : memref<128x16xf32, #tpu.memory_space<vmem>>) target(%dma_start3A_154 : memref<10000x16xf32, #tpu.memory_space<vmem_shared>>) offsets(%dma_start3A_151 : memref<128xi32, #tpu.memory_space<vmem>>) semaphore(%arg21 : memref<!tpu.dma_semaphore, #tpu.memory_space<semaphore_mem>>) {add = true}
          %dma_wait3A_155 = arith.constant 1 : i32
          %dma_wait3A_156 = arith.constant 0 : i32
          %dma_wait3A_157 = tpu.memref_slice %arg14[%dma_wait3A_155, %dma_wait3A_156] : memref<2x128xi32, #tpu.memory_space<vmem>> -> memref<1x128xi32, #tpu.memory_space<vmem>>
          %dma_wait3A_158 = tpu.memref_squeeze %dma_wait3A_157 : memref<1x128xi32, #tpu.memory_space<vmem>> -> memref<128xi32, #tpu.memory_space<vmem>>
          %dma_wait3A_159 = arith.constant 0 : i32
          %dma_wait3A_160 = arith.constant 0 : i32
          %dma_wait3A_161 = tpu.memref_slice %arg18[%dma_wait3A_159, %dma_wait3A_160] : memref<10000x128xf32, #tpu.memory_space<vmem_shared>> -> memref<10000x128xf32, #tpu.memory_space<vmem_shared>>
          tpu.wait_indirect_dma semaphore(%arg21 : memref<!tpu.dma_semaphore, #tpu.memory_space<semaphore_mem>>) src(%arg16 : memref<128x128xf32, #tpu.memory_space<vmem>>) dst(%dma_wait3A_161 : memref<10000x128xf32, #tpu.memory_space<vmem_shared>>)
          %dma_wait3A_162 = arith.constant 1 : i32
          %dma_wait3A_163 = arith.constant 0 : i32
          %dma_wait3A_164 = tpu.memref_slice %arg14[%dma_wait3A_162, %dma_wait3A_163] : memref<2x128xi32, #tpu.memory_space<vmem>> -> memref<1x128xi32, #tpu.memory_space<vmem>>
          %dma_wait3A_165 = tpu.memref_squeeze %dma_wait3A_164 : memref<1x128xi32, #tpu.memory_space<vmem>> -> memref<128xi32, #tpu.memory_space<vmem>>
          %dma_wait3A_166 = arith.constant 0 : i32
          %dma_wait3A_167 = arith.constant 0 : i32
          %dma_wait3A_168 = tpu.memref_slice %arg19[%dma_wait3A_166, %dma_wait3A_167] : memref<10000x16xf32, #tpu.memory_space<vmem_shared>> -> memref<10000x16xf32, #tpu.memory_space<vmem_shared>>
          tpu.wait_indirect_dma semaphore(%arg21 : memref<!tpu.dma_semaphore, #tpu.memory_space<semaphore_mem>>) src(%arg17 : memref<128x16xf32, #tpu.memory_space<vmem>>) dst(%dma_wait3A_168 : memref<10000x16xf32, #tpu.memory_space<vmem_shared>>)
        } else {
        }
        %lt3A_126 = arith.constant 2500 : i32
        %lt3A_127 = arith.cmpi slt, %add3A_110, %lt3A_126 : i32
        %convert_element_type3A_128 = arith.extui %lt3A_127 : i1 to i32
        %cond3A_129 = arith.constant 0 : i32
        %cond3A_130 = arith.cmpi ne, %convert_element_type3A_128, %cond3A_129 : i32
        scf.if %cond3A_130 {
          %mul3A_131 = arith.constant 128 : i32
          %mul3A_132 = arith.muli %add3A_110, %mul3A_131 : i32
          %dma_start3A = arith.constant 0 : i32
          %dma_start3A_133 = tpu.memref_slice %arg5[%dma_start3A, %mul3A_132] : memref<2x320000xi32, #tpu.memory_space<hbm>> -> memref<2x128xi32, #tpu.memory_space<hbm>>
          %dma_start3A_134 = arith.constant 0 : i32
          %dma_start3A_135 = tpu.memref_slice %arg5[%dma_start3A_134, %mul3A_132] : memref<2x320000xi32, #tpu.memory_space<hbm>> -> memref<2x128xi32, #tpu.memory_space<hbm>>
          tpu.enqueue_dma source(%dma_start3A_135 : memref<2x128xi32, #tpu.memory_space<hbm>>) target(%arg14 : memref<2x128xi32, #tpu.memory_space<vmem>>) target_semaphore(%arg22 : memref<!tpu.dma_semaphore, #tpu.memory_space<semaphore_mem>>)
        } else {
        }
      }
      %scan3A_52 = arith.constant 79 : i32
      %barrier3A_53 = arith.constant 0 : index
      tpu.barrier barrier_id(%barrier3A_53)
      %add3A_54 = arith.constant 0 : i32
      %add3A_55 = arith.addi %mul3A_0, %add3A_54 : i32
      "tpu.region"() ({
        %run_scoped3A = tpu.sem_alloc : memref<!tpu.dma_semaphore, #tpu.memory_space<semaphore_mem>>
        %dma_start3A = arith.constant 0 : i32
        %dma_start3A_99 = arith.constant 0 : i32
        %dma_start3A_100 = tpu.memref_slice %arg15[%dma_start3A, %dma_start3A_99] : memref<128x128xf32, #tpu.memory_space<vmem>> -> memref<128x128xf32, #tpu.memory_space<vmem>>
        %dma_start3A_101 = arith.constant 0 : i32
        %dma_start3A_102 = tpu.memref_slice %arg18[%add3A_55, %dma_start3A_101] : memref<10000x128xf32, #tpu.memory_space<vmem_shared>> -> memref<128x128xf32, #tpu.memory_space<vmem_shared>>
        %dma_start3A_103 = arith.constant 0 : i32
        %dma_start3A_104 = arith.constant 0 : i32
        %dma_start3A_105 = tpu.memref_slice %arg15[%dma_start3A_103, %dma_start3A_104] : memref<128x128xf32, #tpu.memory_space<vmem>> -> memref<128x128xf32, #tpu.memory_space<vmem>>
        %dma_start3A_106 = arith.constant 0 : i32
        %dma_start3A_107 = tpu.memref_slice %arg18[%add3A_55, %dma_start3A_106] : memref<10000x128xf32, #tpu.memory_space<vmem_shared>> -> memref<128x128xf32, #tpu.memory_space<vmem_shared>>
        tpu.enqueue_dma source(%dma_start3A_107 : memref<128x128xf32, #tpu.memory_space<vmem_shared>>) target(%dma_start3A_105 : memref<128x128xf32, #tpu.memory_space<vmem>>) target_semaphore(%run_scoped3A : memref<!tpu.dma_semaphore, #tpu.memory_space<semaphore_mem>>)
        %dma_wait3A = arith.constant 0 : i32
        %dma_wait3A_108 = arith.constant 0 : i32
        %dma_wait3A_109 = tpu.memref_slice %arg15[%dma_wait3A, %dma_wait3A_108] : memref<128x128xf32, #tpu.memory_space<vmem>> -> memref<128x128xf32, #tpu.memory_space<vmem>>
        %dma_wait3A_110 = arith.constant 0 : i32
        %dma_wait3A_111 = tpu.memref_slice %arg18[%add3A_55, %dma_wait3A_110] : memref<10000x128xf32, #tpu.memory_space<vmem_shared>> -> memref<128x128xf32, #tpu.memory_space<vmem_shared>>
        %dma_wait3A_112 = arith.constant 0 : i32
        %dma_wait3A_113 = arith.constant 0 : i32
        %dma_wait3A_114 = tpu.memref_slice %arg15[%dma_wait3A_112, %dma_wait3A_113] : memref<128x128xf32, #tpu.memory_space<vmem>> -> memref<128x128xf32, #tpu.memory_space<vmem>>
        %dma_wait3A_115 = arith.constant 0 : i32
        %dma_wait3A_116 = tpu.memref_slice %arg18[%add3A_55, %dma_wait3A_115] : memref<10000x128xf32, #tpu.memory_space<vmem_shared>> -> memref<128x128xf32, #tpu.memory_space<vmem_shared>>
        tpu.wait_dma2 semaphore(%run_scoped3A : memref<!tpu.dma_semaphore, #tpu.memory_space<semaphore_mem>>) src(%dma_wait3A_116 : memref<128x128xf32, #tpu.memory_space<vmem_shared>>) dst(%dma_wait3A_114 : memref<128x128xf32, #tpu.memory_space<vmem>>)
        tpu.yield
      }) : () -> ()
      %add3A_56 = arith.constant 0 : i32
      %add3A_57 = arith.addi %mul3A_0, %add3A_56 : i32
      "tpu.region"() ({
        %run_scoped3A = tpu.sem_alloc : memref<!tpu.dma_semaphore, #tpu.memory_space<semaphore_mem>>
        %dma_start3A = arith.constant 0 : i32
        %dma_start3A_99 = arith.constant 0 : i32
        %dma_start3A_100 = tpu.memref_slice %arg15[%dma_start3A, %dma_start3A_99] : memref<128x128xf32, #tpu.memory_space<vmem>> -> memref<128x128xf32, #tpu.memory_space<vmem>>
        %dma_start3A_101 = arith.constant 0 : i32
        %dma_start3A_102 = tpu.memref_slice %arg11[%add3A_57, %dma_start3A_101] : memref<10000x128xf32, #tpu.memory_space<hbm>> -> memref<128x128xf32, #tpu.memory_space<hbm>>
        %dma_start3A_103 = arith.constant 0 : i32
        %dma_start3A_104 = tpu.memref_slice %arg11[%add3A_57, %dma_start3A_103] : memref<10000x128xf32, #tpu.memory_space<hbm>> -> memref<128x128xf32, #tpu.memory_space<hbm>>
        %dma_start3A_105 = arith.constant 0 : i32
        %dma_start3A_106 = arith.constant 0 : i32
        %dma_start3A_107 = tpu.memref_slice %arg15[%dma_start3A_105, %dma_start3A_106] : memref<128x128xf32, #tpu.memory_space<vmem>> -> memref<128x128xf32, #tpu.memory_space<vmem>>
        tpu.enqueue_dma source(%dma_start3A_107 : memref<128x128xf32, #tpu.memory_space<vmem>>) target(%dma_start3A_104 : memref<128x128xf32, #tpu.memory_space<hbm>>) target_semaphore(%run_scoped3A : memref<!tpu.dma_semaphore, #tpu.memory_space<semaphore_mem>>)
        %dma_wait3A = arith.constant 0 : i32
        %dma_wait3A_108 = arith.constant 0 : i32
        %dma_wait3A_109 = tpu.memref_slice %arg15[%dma_wait3A, %dma_wait3A_108] : memref<128x128xf32, #tpu.memory_space<vmem>> -> memref<128x128xf32, #tpu.memory_space<vmem>>
        %dma_wait3A_110 = arith.constant 0 : i32
        %dma_wait3A_111 = tpu.memref_slice %arg11[%add3A_57, %dma_wait3A_110] : memref<10000x128xf32, #tpu.memory_space<hbm>> -> memref<128x128xf32, #tpu.memory_space<hbm>>
        %dma_wait3A_112 = arith.constant 0 : i32
        %dma_wait3A_113 = tpu.memref_slice %arg11[%add3A_57, %dma_wait3A_112] : memref<10000x128xf32, #tpu.memory_space<hbm>> -> memref<128x128xf32, #tpu.memory_space<hbm>>
        %dma_wait3A_114 = arith.constant 0 : i32
        %dma_wait3A_115 = arith.constant 0 : i32
        %dma_wait3A_116 = tpu.memref_slice %arg15[%dma_wait3A_114, %dma_wait3A_115] : memref<128x128xf32, #tpu.memory_space<vmem>> -> memref<128x128xf32, #tpu.memory_space<vmem>>
        tpu.wait_dma2 semaphore(%run_scoped3A : memref<!tpu.dma_semaphore, #tpu.memory_space<semaphore_mem>>) src(%dma_wait3A_116 : memref<128x128xf32, #tpu.memory_space<vmem>>) dst(%dma_wait3A_113 : memref<128x128xf32, #tpu.memory_space<hbm>>)
        tpu.yield
      }) : () -> ()
      %add3A_58 = arith.constant 0 : i32
      %add3A_59 = arith.addi %mul3A_0, %add3A_58 : i32
      "tpu.region"() ({
        %run_scoped3A = tpu.sem_alloc : memref<!tpu.dma_semaphore, #tpu.memory_space<semaphore_mem>>
        %dma_start3A = arith.constant 0 : i32
        %dma_start3A_99 = arith.constant 0 : i32
        %dma_start3A_100 = tpu.memref_slice %arg17[%dma_start3A, %dma_start3A_99] : memref<128x16xf32, #tpu.memory_space<vmem>> -> memref<128x16xf32, #tpu.memory_space<vmem>>
        %dma_start3A_101 = arith.constant 0 : i32
        %dma_start3A_102 = tpu.memref_slice %arg19[%add3A_59, %dma_start3A_101] : memref<10000x16xf32, #tpu.memory_space<vmem_shared>> -> memref<128x16xf32, #tpu.memory_space<vmem_shared>>
        %dma_start3A_103 = arith.constant 0 : i32
        %dma_start3A_104 = arith.constant 0 : i32
        %dma_start3A_105 = tpu.memref_slice %arg17[%dma_start3A_103, %dma_start3A_104] : memref<128x16xf32, #tpu.memory_space<vmem>> -> memref<128x16xf32, #tpu.memory_space<vmem>>
        %dma_start3A_106 = arith.constant 0 : i32
        %dma_start3A_107 = tpu.memref_slice %arg19[%add3A_59, %dma_start3A_106] : memref<10000x16xf32, #tpu.memory_space<vmem_shared>> -> memref<128x16xf32, #tpu.memory_space<vmem_shared>>
        tpu.enqueue_dma source(%dma_start3A_107 : memref<128x16xf32, #tpu.memory_space<vmem_shared>>) target(%dma_start3A_105 : memref<128x16xf32, #tpu.memory_space<vmem>>) target_semaphore(%run_scoped3A : memref<!tpu.dma_semaphore, #tpu.memory_space<semaphore_mem>>)
        %dma_wait3A = arith.constant 0 : i32
        %dma_wait3A_108 = arith.constant 0 : i32
        %dma_wait3A_109 = tpu.memref_slice %arg17[%dma_wait3A, %dma_wait3A_108] : memref<128x16xf32, #tpu.memory_space<vmem>> -> memref<128x16xf32, #tpu.memory_space<vmem>>
        %dma_wait3A_110 = arith.constant 0 : i32
        %dma_wait3A_111 = tpu.memref_slice %arg19[%add3A_59, %dma_wait3A_110] : memref<10000x16xf32, #tpu.memory_space<vmem_shared>> -> memref<128x16xf32, #tpu.memory_space<vmem_shared>>
        %dma_wait3A_112 = arith.constant 0 : i32
        %dma_wait3A_113 = arith.constant 0 : i32
        %dma_wait3A_114 = tpu.memref_slice %arg17[%dma_wait3A_112, %dma_wait3A_113] : memref<128x16xf32, #tpu.memory_space<vmem>> -> memref<128x16xf32, #tpu.memory_space<vmem>>
        %dma_wait3A_115 = arith.constant 0 : i32
        %dma_wait3A_116 = tpu.memref_slice %arg19[%add3A_59, %dma_wait3A_115] : memref<10000x16xf32, #tpu.memory_space<vmem_shared>> -> memref<128x16xf32, #tpu.memory_space<vmem_shared>>
        tpu.wait_dma2 semaphore(%run_scoped3A : memref<!tpu.dma_semaphore, #tpu.memory_space<semaphore_mem>>) src(%dma_wait3A_116 : memref<128x16xf32, #tpu.memory_space<vmem_shared>>) dst(%dma_wait3A_114 : memref<128x16xf32, #tpu.memory_space<vmem>>)
        tpu.yield
      }) : () -> ()
      %add3A_60 = arith.constant 0 : i32
      %add3A_61 = arith.addi %mul3A_0, %add3A_60 : i32
      "tpu.region"() ({
        %run_scoped3A = tpu.sem_alloc : memref<!tpu.dma_semaphore, #tpu.memory_space<semaphore_mem>>
        %dma_start3A = arith.constant 0 : i32
        %dma_start3A_99 = arith.constant 0 : i32
        %dma_start3A_100 = tpu.memref_slice %arg17[%dma_start3A, %dma_start3A_99] : memref<128x16xf32, #tpu.memory_space<vmem>> -> memref<128x16xf32, #tpu.memory_space<vmem>>
        %dma_start3A_101 = arith.constant 0 : i32
        %dma_start3A_102 = tpu.memref_slice %arg12[%add3A_61, %dma_start3A_101] : memref<10000x16xf32, #tpu.memory_space<hbm>> -> memref<128x16xf32, #tpu.memory_space<hbm>>
        %dma_start3A_103 = arith.constant 0 : i32
        %dma_start3A_104 = tpu.memref_slice %arg12[%add3A_61, %dma_start3A_103] : memref<10000x16xf32, #tpu.memory_space<hbm>> -> memref<128x16xf32, #tpu.memory_space<hbm>>
        %dma_start3A_105 = arith.constant 0 : i32
        %dma_start3A_106 = arith.constant 0 : i32
        %dma_start3A_107 = tpu.memref_slice %arg17[%dma_start3A_105, %dma_start3A_106] : memref<128x16xf32, #tpu.memory_space<vmem>> -> memref<128x16xf32, #tpu.memory_space<vmem>>
        tpu.enqueue_dma source(%dma_start3A_107 : memref<128x16xf32, #tpu.memory_space<vmem>>) target(%dma_start3A_104 : memref<128x16xf32, #tpu.memory_space<hbm>>) target_semaphore(%run_scoped3A : memref<!tpu.dma_semaphore, #tpu.memory_space<semaphore_mem>>)
        %dma_wait3A = arith.constant 0 : i32
        %dma_wait3A_108 = arith.constant 0 : i32
        %dma_wait3A_109 = tpu.memref_slice %arg17[%dma_wait3A, %dma_wait3A_108] : memref<128x16xf32, #tpu.memory_space<vmem>> -> memref<128x16xf32, #tpu.memory_space<vmem>>
        %dma_wait3A_110 = arith.constant 0 : i32
        %dma_wait3A_111 = tpu.memref_slice %arg12[%add3A_61, %dma_wait3A_110] : memref<10000x16xf32, #tpu.memory_space<hbm>> -> memref<128x16xf32, #tpu.memory_space<hbm>>
        %dma_wait3A_112 = arith.constant 0 : i32
        %dma_wait3A_113 = tpu.memref_slice %arg12[%add3A_61, %dma_wait3A_112] : memref<10000x16xf32, #tpu.memory_space<hbm>> -> memref<128x16xf32, #tpu.memory_space<hbm>>
        %dma_wait3A_114 = arith.constant 0 : i32
        %dma_wait3A_115 = arith.constant 0 : i32
        %dma_wait3A_116 = tpu.memref_slice %arg17[%dma_wait3A_114, %dma_wait3A_115] : memref<128x16xf32, #tpu.memory_space<vmem>> -> memref<128x16xf32, #tpu.memory_space<vmem>>
        tpu.wait_dma2 semaphore(%run_scoped3A : memref<!tpu.dma_semaphore, #tpu.memory_space<semaphore_mem>>) src(%dma_wait3A_116 : memref<128x16xf32, #tpu.memory_space<vmem>>) dst(%dma_wait3A_113 : memref<128x16xf32, #tpu.memory_space<hbm>>)
        tpu.yield
      }) : () -> ()
      %add3A_62 = arith.constant 128 : i32
      %add3A_63 = arith.addi %mul3A_0, %add3A_62 : i32
      "tpu.region"() ({
        %run_scoped3A = tpu.sem_alloc : memref<!tpu.dma_semaphore, #tpu.memory_space<semaphore_mem>>
        %dma_start3A = arith.constant 0 : i32
        %dma_start3A_99 = arith.constant 0 : i32
        %dma_start3A_100 = tpu.memref_slice %arg15[%dma_start3A, %dma_start3A_99] : memref<128x128xf32, #tpu.memory_space<vmem>> -> memref<128x128xf32, #tpu.memory_space<vmem>>
        %dma_start3A_101 = arith.constant 0 : i32
        %dma_start3A_102 = tpu.memref_slice %arg18[%add3A_63, %dma_start3A_101] : memref<10000x128xf32, #tpu.memory_space<vmem_shared>> -> memref<128x128xf32, #tpu.memory_space<vmem_shared>>
        %dma_start3A_103 = arith.constant 0 : i32
        %dma_start3A_104 = arith.constant 0 : i32
        %dma_start3A_105 = tpu.memref_slice %arg15[%dma_start3A_103, %dma_start3A_104] : memref<128x128xf32, #tpu.memory_space<vmem>> -> memref<128x128xf32, #tpu.memory_space<vmem>>
        %dma_start3A_106 = arith.constant 0 : i32
        %dma_start3A_107 = tpu.memref_slice %arg18[%add3A_63, %dma_start3A_106] : memref<10000x128xf32, #tpu.memory_space<vmem_shared>> -> memref<128x128xf32, #tpu.memory_space<vmem_shared>>
        tpu.enqueue_dma source(%dma_start3A_107 : memref<128x128xf32, #tpu.memory_space<vmem_shared>>) target(%dma_start3A_105 : memref<128x128xf32, #tpu.memory_space<vmem>>) target_semaphore(%run_scoped3A : memref<!tpu.dma_semaphore, #tpu.memory_space<semaphore_mem>>)
        %dma_wait3A = arith.constant 0 : i32
        %dma_wait3A_108 = arith.constant 0 : i32
        %dma_wait3A_109 = tpu.memref_slice %arg15[%dma_wait3A, %dma_wait3A_108] : memref<128x128xf32, #tpu.memory_space<vmem>> -> memref<128x128xf32, #tpu.memory_space<vmem>>
        %dma_wait3A_110 = arith.constant 0 : i32
        %dma_wait3A_111 = tpu.memref_slice %arg18[%add3A_63, %dma_wait3A_110] : memref<10000x128xf32, #tpu.memory_space<vmem_shared>> -> memref<128x128xf32, #tpu.memory_space<vmem_shared>>
        %dma_wait3A_112 = arith.constant 0 : i32
        %dma_wait3A_113 = arith.constant 0 : i32
        %dma_wait3A_114 = tpu.memref_slice %arg15[%dma_wait3A_112, %dma_wait3A_113] : memref<128x128xf32, #tpu.memory_space<vmem>> -> memref<128x128xf32, #tpu.memory_space<vmem>>
        %dma_wait3A_115 = arith.constant 0 : i32
        %dma_wait3A_116 = tpu.memref_slice %arg18[%add3A_63, %dma_wait3A_115] : memref<10000x128xf32, #tpu.memory_space<vmem_shared>> -> memref<128x128xf32, #tpu.memory_space<vmem_shared>>
        tpu.wait_dma2 semaphore(%run_scoped3A : memref<!tpu.dma_semaphore, #tpu.memory_space<semaphore_mem>>) src(%dma_wait3A_116 : memref<128x128xf32, #tpu.memory_space<vmem_shared>>) dst(%dma_wait3A_114 : memref<128x128xf32, #tpu.memory_space<vmem>>)
        tpu.yield
      }) : () -> ()
      %add3A_64 = arith.constant 128 : i32
      %add3A_65 = arith.addi %mul3A_0, %add3A_64 : i32
      "tpu.region"() ({
        %run_scoped3A = tpu.sem_alloc : memref<!tpu.dma_semaphore, #tpu.memory_space<semaphore_mem>>
        %dma_start3A = arith.constant 0 : i32
        %dma_start3A_99 = arith.constant 0 : i32
        %dma_start3A_100 = tpu.memref_slice %arg15[%dma_start3A, %dma_start3A_99] : memref<128x128xf32, #tpu.memory_space<vmem>> -> memref<128x128xf32, #tpu.memory_space<vmem>>
        %dma_start3A_101 = arith.constant 0 : i32
        %dma_start3A_102 = tpu.memref_slice %arg11[%add3A_65, %dma_start3A_101] : memref<10000x128xf32, #tpu.memory_space<hbm>> -> memref<128x128xf32, #tpu.memory_space<hbm>>
        %dma_start3A_103 = arith.constant 0 : i32
        %dma_start3A_104 = tpu.memref_slice %arg11[%add3A_65, %dma_start3A_103] : memref<10000x128xf32, #tpu.memory_space<hbm>> -> memref<128x128xf32, #tpu.memory_space<hbm>>
        %dma_start3A_105 = arith.constant 0 : i32
        %dma_start3A_106 = arith.constant 0 : i32
        %dma_start3A_107 = tpu.memref_slice %arg15[%dma_start3A_105, %dma_start3A_106] : memref<128x128xf32, #tpu.memory_space<vmem>> -> memref<128x128xf32, #tpu.memory_space<vmem>>
        tpu.enqueue_dma source(%dma_start3A_107 : memref<128x128xf32, #tpu.memory_space<vmem>>) target(%dma_start3A_104 : memref<128x128xf32, #tpu.memory_space<hbm>>) target_semaphore(%run_scoped3A : memref<!tpu.dma_semaphore, #tpu.memory_space<semaphore_mem>>)
        %dma_wait3A = arith.constant 0 : i32
        %dma_wait3A_108 = arith.constant 0 : i32
        %dma_wait3A_109 = tpu.memref_slice %arg15[%dma_wait3A, %dma_wait3A_108] : memref<128x128xf32, #tpu.memory_space<vmem>> -> memref<128x128xf32, #tpu.memory_space<vmem>>
        %dma_wait3A_110 = arith.constant 0 : i32
        %dma_wait3A_111 = tpu.memref_slice %arg11[%add3A_65, %dma_wait3A_110] : memref<10000x128xf32, #tpu.memory_space<hbm>> -> memref<128x128xf32, #tpu.memory_space<hbm>>
        %dma_wait3A_112 = arith.constant 0 : i32
        %dma_wait3A_113 = tpu.memref_slice %arg11[%add3A_65, %dma_wait3A_112] : memref<10000x128xf32, #tpu.memory_space<hbm>> -> memref<128x128xf32, #tpu.memory_space<hbm>>
        %dma_wait3A_114 = arith.constant 0 : i32
        %dma_wait3A_115 = arith.constant 0 : i32
        %dma_wait3A_116 = tpu.memref_slice %arg15[%dma_wait3A_114, %dma_wait3A_115] : memref<128x128xf32, #tpu.memory_space<vmem>> -> memref<128x128xf32, #tpu.memory_space<vmem>>
        tpu.wait_dma2 semaphore(%run_scoped3A : memref<!tpu.dma_semaphore, #tpu.memory_space<semaphore_mem>>) src(%dma_wait3A_116 : memref<128x128xf32, #tpu.memory_space<vmem>>) dst(%dma_wait3A_113 : memref<128x128xf32, #tpu.memory_space<hbm>>)
        tpu.yield
      }) : () -> ()
      %add3A_66 = arith.constant 128 : i32
      %add3A_67 = arith.addi %mul3A_0, %add3A_66 : i32
      "tpu.region"() ({
        %run_scoped3A = tpu.sem_alloc : memref<!tpu.dma_semaphore, #tpu.memory_space<semaphore_mem>>
        %dma_start3A = arith.constant 0 : i32
        %dma_start3A_99 = arith.constant 0 : i32
        %dma_start3A_100 = tpu.memref_slice %arg17[%dma_start3A, %dma_start3A_99] : memref<128x16xf32, #tpu.memory_space<vmem>> -> memref<128x16xf32, #tpu.memory_space<vmem>>
        %dma_start3A_101 = arith.constant 0 : i32
        %dma_start3A_102 = tpu.memref_slice %arg19[%add3A_67, %dma_start3A_101] : memref<10000x16xf32, #tpu.memory_space<vmem_shared>> -> memref<128x16xf32, #tpu.memory_space<vmem_shared>>
        %dma_start3A_103 = arith.constant 0 : i32
        %dma_start3A_104 = arith.constant 0 : i32
        %dma_start3A_105 = tpu.memref_slice %arg17[%dma_start3A_103, %dma_start3A_104] : memref<128x16xf32, #tpu.memory_space<vmem>> -> memref<128x16xf32, #tpu.memory_space<vmem>>
        %dma_start3A_106 = arith.constant 0 : i32
        %dma_start3A_107 = tpu.memref_slice %arg19[%add3A_67, %dma_start3A_106] : memref<10000x16xf32, #tpu.memory_space<vmem_shared>> -> memref<128x16xf32, #tpu.memory_space<vmem_shared>>
        tpu.enqueue_dma source(%dma_start3A_107 : memref<128x16xf32, #tpu.memory_space<vmem_shared>>) target(%dma_start3A_105 : memref<128x16xf32, #tpu.memory_space<vmem>>) target_semaphore(%run_scoped3A : memref<!tpu.dma_semaphore, #tpu.memory_space<semaphore_mem>>)
        %dma_wait3A = arith.constant 0 : i32
        %dma_wait3A_108 = arith.constant 0 : i32
        %dma_wait3A_109 = tpu.memref_slice %arg17[%dma_wait3A, %dma_wait3A_108] : memref<128x16xf32, #tpu.memory_space<vmem>> -> memref<128x16xf32, #tpu.memory_space<vmem>>
        %dma_wait3A_110 = arith.constant 0 : i32
        %dma_wait3A_111 = tpu.memref_slice %arg19[%add3A_67, %dma_wait3A_110] : memref<10000x16xf32, #tpu.memory_space<vmem_shared>> -> memref<128x16xf32, #tpu.memory_space<vmem_shared>>
        %dma_wait3A_112 = arith.constant 0 : i32
        %dma_wait3A_113 = arith.constant 0 : i32
        %dma_wait3A_114 = tpu.memref_slice %arg17[%dma_wait3A_112, %dma_wait3A_113] : memref<128x16xf32, #tpu.memory_space<vmem>> -> memref<128x16xf32, #tpu.memory_space<vmem>>
        %dma_wait3A_115 = arith.constant 0 : i32
        %dma_wait3A_116 = tpu.memref_slice %arg19[%add3A_67, %dma_wait3A_115] : memref<10000x16xf32, #tpu.memory_space<vmem_shared>> -> memref<128x16xf32, #tpu.memory_space<vmem_shared>>
        tpu.wait_dma2 semaphore(%run_scoped3A : memref<!tpu.dma_semaphore, #tpu.memory_space<semaphore_mem>>) src(%dma_wait3A_116 : memref<128x16xf32, #tpu.memory_space<vmem_shared>>) dst(%dma_wait3A_114 : memref<128x16xf32, #tpu.memory_space<vmem>>)
        tpu.yield
      }) : () -> ()
      %add3A_68 = arith.constant 128 : i32
      %add3A_69 = arith.addi %mul3A_0, %add3A_68 : i32
      "tpu.region"() ({
        %run_scoped3A = tpu.sem_alloc : memref<!tpu.dma_semaphore, #tpu.memory_space<semaphore_mem>>
        %dma_start3A = arith.constant 0 : i32
        %dma_start3A_99 = arith.constant 0 : i32
        %dma_start3A_100 = tpu.memref_slice %arg17[%dma_start3A, %dma_start3A_99] : memref<128x16xf32, #tpu.memory_space<vmem>> -> memref<128x16xf32, #tpu.memory_space<vmem>>
        %dma_start3A_101 = arith.constant 0 : i32
        %dma_start3A_102 = tpu.memref_slice %arg12[%add3A_69, %dma_start3A_101] : memref<10000x16xf32, #tpu.memory_space<hbm>> -> memref<128x16xf32, #tpu.memory_space<hbm>>
        %dma_start3A_103 = arith.constant 0 : i32
        %dma_start3A_104 = tpu.memref_slice %arg12[%add3A_69, %dma_start3A_103] : memref<10000x16xf32, #tpu.memory_space<hbm>> -> memref<128x16xf32, #tpu.memory_space<hbm>>
        %dma_start3A_105 = arith.constant 0 : i32
        %dma_start3A_106 = arith.constant 0 : i32
        %dma_start3A_107 = tpu.memref_slice %arg17[%dma_start3A_105, %dma_start3A_106] : memref<128x16xf32, #tpu.memory_space<vmem>> -> memref<128x16xf32, #tpu.memory_space<vmem>>
        tpu.enqueue_dma source(%dma_start3A_107 : memref<128x16xf32, #tpu.memory_space<vmem>>) target(%dma_start3A_104 : memref<128x16xf32, #tpu.memory_space<hbm>>) target_semaphore(%run_scoped3A : memref<!tpu.dma_semaphore, #tpu.memory_space<semaphore_mem>>)
        %dma_wait3A = arith.constant 0 : i32
        %dma_wait3A_108 = arith.constant 0 : i32
        %dma_wait3A_109 = tpu.memref_slice %arg17[%dma_wait3A, %dma_wait3A_108] : memref<128x16xf32, #tpu.memory_space<vmem>> -> memref<128x16xf32, #tpu.memory_space<vmem>>
        %dma_wait3A_110 = arith.constant 0 : i32
        %dma_wait3A_111 = tpu.memref_slice %arg12[%add3A_69, %dma_wait3A_110] : memref<10000x16xf32, #tpu.memory_space<hbm>> -> memref<128x16xf32, #tpu.memory_space<hbm>>
        %dma_wait3A_112 = arith.constant 0 : i32
        %dma_wait3A_113 = tpu.memref_slice %arg12[%add3A_69, %dma_wait3A_112] : memref<10000x16xf32, #tpu.memory_space<hbm>> -> memref<128x16xf32, #tpu.memory_space<hbm>>
        %dma_wait3A_114 = arith.constant 0 : i32
        %dma_wait3A_115 = arith.constant 0 : i32
        %dma_wait3A_116 = tpu.memref_slice %arg17[%dma_wait3A_114, %dma_wait3A_115] : memref<128x16xf32, #tpu.memory_space<vmem>> -> memref<128x16xf32, #tpu.memory_space<vmem>>
        tpu.wait_dma2 semaphore(%run_scoped3A : memref<!tpu.dma_semaphore, #tpu.memory_space<semaphore_mem>>) src(%dma_wait3A_116 : memref<128x16xf32, #tpu.memory_space<vmem>>) dst(%dma_wait3A_113 : memref<128x16xf32, #tpu.memory_space<hbm>>)
        tpu.yield
      }) : () -> ()
      %add3A_70 = arith.constant 256 : i32
      %add3A_71 = arith.addi %mul3A_0, %add3A_70 : i32
      "tpu.region"() ({
        %run_scoped3A = tpu.sem_alloc : memref<!tpu.dma_semaphore, #tpu.memory_space<semaphore_mem>>
        %dma_start3A = arith.constant 0 : i32
        %dma_start3A_99 = arith.constant 0 : i32
        %dma_start3A_100 = tpu.memref_slice %arg15[%dma_start3A, %dma_start3A_99] : memref<128x128xf32, #tpu.memory_space<vmem>> -> memref<128x128xf32, #tpu.memory_space<vmem>>
        %dma_start3A_101 = arith.constant 0 : i32
        %dma_start3A_102 = tpu.memref_slice %arg18[%add3A_71, %dma_start3A_101] : memref<10000x128xf32, #tpu.memory_space<vmem_shared>> -> memref<128x128xf32, #tpu.memory_space<vmem_shared>>
        %dma_start3A_103 = arith.constant 0 : i32
        %dma_start3A_104 = arith.constant 0 : i32
        %dma_start3A_105 = tpu.memref_slice %arg15[%dma_start3A_103, %dma_start3A_104] : memref<128x128xf32, #tpu.memory_space<vmem>> -> memref<128x128xf32, #tpu.memory_space<vmem>>
        %dma_start3A_106 = arith.constant 0 : i32
        %dma_start3A_107 = tpu.memref_slice %arg18[%add3A_71, %dma_start3A_106] : memref<10000x128xf32, #tpu.memory_space<vmem_shared>> -> memref<128x128xf32, #tpu.memory_space<vmem_shared>>
        tpu.enqueue_dma source(%dma_start3A_107 : memref<128x128xf32, #tpu.memory_space<vmem_shared>>) target(%dma_start3A_105 : memref<128x128xf32, #tpu.memory_space<vmem>>) target_semaphore(%run_scoped3A : memref<!tpu.dma_semaphore, #tpu.memory_space<semaphore_mem>>)
        %dma_wait3A = arith.constant 0 : i32
        %dma_wait3A_108 = arith.constant 0 : i32
        %dma_wait3A_109 = tpu.memref_slice %arg15[%dma_wait3A, %dma_wait3A_108] : memref<128x128xf32, #tpu.memory_space<vmem>> -> memref<128x128xf32, #tpu.memory_space<vmem>>
        %dma_wait3A_110 = arith.constant 0 : i32
        %dma_wait3A_111 = tpu.memref_slice %arg18[%add3A_71, %dma_wait3A_110] : memref<10000x128xf32, #tpu.memory_space<vmem_shared>> -> memref<128x128xf32, #tpu.memory_space<vmem_shared>>
        %dma_wait3A_112 = arith.constant 0 : i32
        %dma_wait3A_113 = arith.constant 0 : i32
        %dma_wait3A_114 = tpu.memref_slice %arg15[%dma_wait3A_112, %dma_wait3A_113] : memref<128x128xf32, #tpu.memory_space<vmem>> -> memref<128x128xf32, #tpu.memory_space<vmem>>
        %dma_wait3A_115 = arith.constant 0 : i32
        %dma_wait3A_116 = tpu.memref_slice %arg18[%add3A_71, %dma_wait3A_115] : memref<10000x128xf32, #tpu.memory_space<vmem_shared>> -> memref<128x128xf32, #tpu.memory_space<vmem_shared>>
        tpu.wait_dma2 semaphore(%run_scoped3A : memref<!tpu.dma_semaphore, #tpu.memory_space<semaphore_mem>>) src(%dma_wait3A_116 : memref<128x128xf32, #tpu.memory_space<vmem_shared>>) dst(%dma_wait3A_114 : memref<128x128xf32, #tpu.memory_space<vmem>>)
        tpu.yield
      }) : () -> ()
      %add3A_72 = arith.constant 256 : i32
      %add3A_73 = arith.addi %mul3A_0, %add3A_72 : i32
      "tpu.region"() ({
        %run_scoped3A = tpu.sem_alloc : memref<!tpu.dma_semaphore, #tpu.memory_space<semaphore_mem>>
        %dma_start3A = arith.constant 0 : i32
        %dma_start3A_99 = arith.constant 0 : i32
        %dma_start3A_100 = tpu.memref_slice %arg15[%dma_start3A, %dma_start3A_99] : memref<128x128xf32, #tpu.memory_space<vmem>> -> memref<128x128xf32, #tpu.memory_space<vmem>>
        %dma_start3A_101 = arith.constant 0 : i32
        %dma_start3A_102 = tpu.memref_slice %arg11[%add3A_73, %dma_start3A_101] : memref<10000x128xf32, #tpu.memory_space<hbm>> -> memref<128x128xf32, #tpu.memory_space<hbm>>
        %dma_start3A_103 = arith.constant 0 : i32
        %dma_start3A_104 = tpu.memref_slice %arg11[%add3A_73, %dma_start3A_103] : memref<10000x128xf32, #tpu.memory_space<hbm>> -> memref<128x128xf32, #tpu.memory_space<hbm>>
        %dma_start3A_105 = arith.constant 0 : i32
        %dma_start3A_106 = arith.constant 0 : i32
        %dma_start3A_107 = tpu.memref_slice %arg15[%dma_start3A_105, %dma_start3A_106] : memref<128x128xf32, #tpu.memory_space<vmem>> -> memref<128x128xf32, #tpu.memory_space<vmem>>
        tpu.enqueue_dma source(%dma_start3A_107 : memref<128x128xf32, #tpu.memory_space<vmem>>) target(%dma_start3A_104 : memref<128x128xf32, #tpu.memory_space<hbm>>) target_semaphore(%run_scoped3A : memref<!tpu.dma_semaphore, #tpu.memory_space<semaphore_mem>>)
        %dma_wait3A = arith.constant 0 : i32
        %dma_wait3A_108 = arith.constant 0 : i32
        %dma_wait3A_109 = tpu.memref_slice %arg15[%dma_wait3A, %dma_wait3A_108] : memref<128x128xf32, #tpu.memory_space<vmem>> -> memref<128x128xf32, #tpu.memory_space<vmem>>
        %dma_wait3A_110 = arith.constant 0 : i32
        %dma_wait3A_111 = tpu.memref_slice %arg11[%add3A_73, %dma_wait3A_110] : memref<10000x128xf32, #tpu.memory_space<hbm>> -> memref<128x128xf32, #tpu.memory_space<hbm>>
        %dma_wait3A_112 = arith.constant 0 : i32
        %dma_wait3A_113 = tpu.memref_slice %arg11[%add3A_73, %dma_wait3A_112] : memref<10000x128xf32, #tpu.memory_space<hbm>> -> memref<128x128xf32, #tpu.memory_space<hbm>>
        %dma_wait3A_114 = arith.constant 0 : i32
        %dma_wait3A_115 = arith.constant 0 : i32
        %dma_wait3A_116 = tpu.memref_slice %arg15[%dma_wait3A_114, %dma_wait3A_115] : memref<128x128xf32, #tpu.memory_space<vmem>> -> memref<128x128xf32, #tpu.memory_space<vmem>>
        tpu.wait_dma2 semaphore(%run_scoped3A : memref<!tpu.dma_semaphore, #tpu.memory_space<semaphore_mem>>) src(%dma_wait3A_116 : memref<128x128xf32, #tpu.memory_space<vmem>>) dst(%dma_wait3A_113 : memref<128x128xf32, #tpu.memory_space<hbm>>)
        tpu.yield
      }) : () -> ()
      %add3A_74 = arith.constant 256 : i32
      %add3A_75 = arith.addi %mul3A_0, %add3A_74 : i32
      "tpu.region"() ({
        %run_scoped3A = tpu.sem_alloc : memref<!tpu.dma_semaphore, #tpu.memory_space<semaphore_mem>>
        %dma_start3A = arith.constant 0 : i32
        %dma_start3A_99 = arith.constant 0 : i32
        %dma_start3A_100 = tpu.memref_slice %arg17[%dma_start3A, %dma_start3A_99] : memref<128x16xf32, #tpu.memory_space<vmem>> -> memref<128x16xf32, #tpu.memory_space<vmem>>
        %dma_start3A_101 = arith.constant 0 : i32
        %dma_start3A_102 = tpu.memref_slice %arg19[%add3A_75, %dma_start3A_101] : memref<10000x16xf32, #tpu.memory_space<vmem_shared>> -> memref<128x16xf32, #tpu.memory_space<vmem_shared>>
        %dma_start3A_103 = arith.constant 0 : i32
        %dma_start3A_104 = arith.constant 0 : i32
        %dma_start3A_105 = tpu.memref_slice %arg17[%dma_start3A_103, %dma_start3A_104] : memref<128x16xf32, #tpu.memory_space<vmem>> -> memref<128x16xf32, #tpu.memory_space<vmem>>
        %dma_start3A_106 = arith.constant 0 : i32
        %dma_start3A_107 = tpu.memref_slice %arg19[%add3A_75, %dma_start3A_106] : memref<10000x16xf32, #tpu.memory_space<vmem_shared>> -> memref<128x16xf32, #tpu.memory_space<vmem_shared>>
        tpu.enqueue_dma source(%dma_start3A_107 : memref<128x16xf32, #tpu.memory_space<vmem_shared>>) target(%dma_start3A_105 : memref<128x16xf32, #tpu.memory_space<vmem>>) target_semaphore(%run_scoped3A : memref<!tpu.dma_semaphore, #tpu.memory_space<semaphore_mem>>)
        %dma_wait3A = arith.constant 0 : i32
        %dma_wait3A_108 = arith.constant 0 : i32
        %dma_wait3A_109 = tpu.memref_slice %arg17[%dma_wait3A, %dma_wait3A_108] : memref<128x16xf32, #tpu.memory_space<vmem>> -> memref<128x16xf32, #tpu.memory_space<vmem>>
        %dma_wait3A_110 = arith.constant 0 : i32
        %dma_wait3A_111 = tpu.memref_slice %arg19[%add3A_75, %dma_wait3A_110] : memref<10000x16xf32, #tpu.memory_space<vmem_shared>> -> memref<128x16xf32, #tpu.memory_space<vmem_shared>>
        %dma_wait3A_112 = arith.constant 0 : i32
        %dma_wait3A_113 = arith.constant 0 : i32
        %dma_wait3A_114 = tpu.memref_slice %arg17[%dma_wait3A_112, %dma_wait3A_113] : memref<128x16xf32, #tpu.memory_space<vmem>> -> memref<128x16xf32, #tpu.memory_space<vmem>>
        %dma_wait3A_115 = arith.constant 0 : i32
        %dma_wait3A_116 = tpu.memref_slice %arg19[%add3A_75, %dma_wait3A_115] : memref<10000x16xf32, #tpu.memory_space<vmem_shared>> -> memref<128x16xf32, #tpu.memory_space<vmem_shared>>
        tpu.wait_dma2 semaphore(%run_scoped3A : memref<!tpu.dma_semaphore, #tpu.memory_space<semaphore_mem>>) src(%dma_wait3A_116 : memref<128x16xf32, #tpu.memory_space<vmem_shared>>) dst(%dma_wait3A_114 : memref<128x16xf32, #tpu.memory_space<vmem>>)
        tpu.yield
      }) : () -> ()
      %add3A_76 = arith.constant 256 : i32
      %add3A_77 = arith.addi %mul3A_0, %add3A_76 : i32
      "tpu.region"() ({
        %run_scoped3A = tpu.sem_alloc : memref<!tpu.dma_semaphore, #tpu.memory_space<semaphore_mem>>
        %dma_start3A = arith.constant 0 : i32
        %dma_start3A_99 = arith.constant 0 : i32
        %dma_start3A_100 = tpu.memref_slice %arg17[%dma_start3A, %dma_start3A_99] : memref<128x16xf32, #tpu.memory_space<vmem>> -> memref<128x16xf32, #tpu.memory_space<vmem>>
        %dma_start3A_101 = arith.constant 0 : i32
        %dma_start3A_102 = tpu.memref_slice %arg12[%add3A_77, %dma_start3A_101] : memref<10000x16xf32, #tpu.memory_space<hbm>> -> memref<128x16xf32, #tpu.memory_space<hbm>>
        %dma_start3A_103 = arith.constant 0 : i32
        %dma_start3A_104 = tpu.memref_slice %arg12[%add3A_77, %dma_start3A_103] : memref<10000x16xf32, #tpu.memory_space<hbm>> -> memref<128x16xf32, #tpu.memory_space<hbm>>
        %dma_start3A_105 = arith.constant 0 : i32
        %dma_start3A_106 = arith.constant 0 : i32
        %dma_start3A_107 = tpu.memref_slice %arg17[%dma_start3A_105, %dma_start3A_106] : memref<128x16xf32, #tpu.memory_space<vmem>> -> memref<128x16xf32, #tpu.memory_space<vmem>>
        tpu.enqueue_dma source(%dma_start3A_107 : memref<128x16xf32, #tpu.memory_space<vmem>>) target(%dma_start3A_104 : memref<128x16xf32, #tpu.memory_space<hbm>>) target_semaphore(%run_scoped3A : memref<!tpu.dma_semaphore, #tpu.memory_space<semaphore_mem>>)
        %dma_wait3A = arith.constant 0 : i32
        %dma_wait3A_108 = arith.constant 0 : i32
        %dma_wait3A_109 = tpu.memref_slice %arg17[%dma_wait3A, %dma_wait3A_108] : memref<128x16xf32, #tpu.memory_space<vmem>> -> memref<128x16xf32, #tpu.memory_space<vmem>>
        %dma_wait3A_110 = arith.constant 0 : i32
        %dma_wait3A_111 = tpu.memref_slice %arg12[%add3A_77, %dma_wait3A_110] : memref<10000x16xf32, #tpu.memory_space<hbm>> -> memref<128x16xf32, #tpu.memory_space<hbm>>
        %dma_wait3A_112 = arith.constant 0 : i32
        %dma_wait3A_113 = tpu.memref_slice %arg12[%add3A_77, %dma_wait3A_112] : memref<10000x16xf32, #tpu.memory_space<hbm>> -> memref<128x16xf32, #tpu.memory_space<hbm>>
        %dma_wait3A_114 = arith.constant 0 : i32
        %dma_wait3A_115 = arith.constant 0 : i32
        %dma_wait3A_116 = tpu.memref_slice %arg17[%dma_wait3A_114, %dma_wait3A_115] : memref<128x16xf32, #tpu.memory_space<vmem>> -> memref<128x16xf32, #tpu.memory_space<vmem>>
        tpu.wait_dma2 semaphore(%run_scoped3A : memref<!tpu.dma_semaphore, #tpu.memory_space<semaphore_mem>>) src(%dma_wait3A_116 : memref<128x16xf32, #tpu.memory_space<vmem>>) dst(%dma_wait3A_113 : memref<128x16xf32, #tpu.memory_space<hbm>>)
        tpu.yield
      }) : () -> ()
      %add3A_78 = arith.constant 384 : i32
      %add3A_79 = arith.addi %mul3A_0, %add3A_78 : i32
      "tpu.region"() ({
        %run_scoped3A = tpu.sem_alloc : memref<!tpu.dma_semaphore, #tpu.memory_space<semaphore_mem>>
        %dma_start3A = arith.constant 0 : i32
        %dma_start3A_99 = arith.constant 0 : i32
        %dma_start3A_100 = tpu.memref_slice %arg15[%dma_start3A, %dma_start3A_99] : memref<128x128xf32, #tpu.memory_space<vmem>> -> memref<128x128xf32, #tpu.memory_space<vmem>>
        %dma_start3A_101 = arith.constant 0 : i32
        %dma_start3A_102 = tpu.memref_slice %arg18[%add3A_79, %dma_start3A_101] : memref<10000x128xf32, #tpu.memory_space<vmem_shared>> -> memref<128x128xf32, #tpu.memory_space<vmem_shared>>
        %dma_start3A_103 = arith.constant 0 : i32
        %dma_start3A_104 = arith.constant 0 : i32
        %dma_start3A_105 = tpu.memref_slice %arg15[%dma_start3A_103, %dma_start3A_104] : memref<128x128xf32, #tpu.memory_space<vmem>> -> memref<128x128xf32, #tpu.memory_space<vmem>>
        %dma_start3A_106 = arith.constant 0 : i32
        %dma_start3A_107 = tpu.memref_slice %arg18[%add3A_79, %dma_start3A_106] : memref<10000x128xf32, #tpu.memory_space<vmem_shared>> -> memref<128x128xf32, #tpu.memory_space<vmem_shared>>
        tpu.enqueue_dma source(%dma_start3A_107 : memref<128x128xf32, #tpu.memory_space<vmem_shared>>) target(%dma_start3A_105 : memref<128x128xf32, #tpu.memory_space<vmem>>) target_semaphore(%run_scoped3A : memref<!tpu.dma_semaphore, #tpu.memory_space<semaphore_mem>>)
        %dma_wait3A = arith.constant 0 : i32
        %dma_wait3A_108 = arith.constant 0 : i32
        %dma_wait3A_109 = tpu.memref_slice %arg15[%dma_wait3A, %dma_wait3A_108] : memref<128x128xf32, #tpu.memory_space<vmem>> -> memref<128x128xf32, #tpu.memory_space<vmem>>
        %dma_wait3A_110 = arith.constant 0 : i32
        %dma_wait3A_111 = tpu.memref_slice %arg18[%add3A_79, %dma_wait3A_110] : memref<10000x128xf32, #tpu.memory_space<vmem_shared>> -> memref<128x128xf32, #tpu.memory_space<vmem_shared>>
        %dma_wait3A_112 = arith.constant 0 : i32
        %dma_wait3A_113 = arith.constant 0 : i32
        %dma_wait3A_114 = tpu.memref_slice %arg15[%dma_wait3A_112, %dma_wait3A_113] : memref<128x128xf32, #tpu.memory_space<vmem>> -> memref<128x128xf32, #tpu.memory_space<vmem>>
        %dma_wait3A_115 = arith.constant 0 : i32
        %dma_wait3A_116 = tpu.memref_slice %arg18[%add3A_79, %dma_wait3A_115] : memref<10000x128xf32, #tpu.memory_space<vmem_shared>> -> memref<128x128xf32, #tpu.memory_space<vmem_shared>>
        tpu.wait_dma2 semaphore(%run_scoped3A : memref<!tpu.dma_semaphore, #tpu.memory_space<semaphore_mem>>) src(%dma_wait3A_116 : memref<128x128xf32, #tpu.memory_space<vmem_shared>>) dst(%dma_wait3A_114 : memref<128x128xf32, #tpu.memory_space<vmem>>)
        tpu.yield
      }) : () -> ()
      %add3A_80 = arith.constant 384 : i32
      %add3A_81 = arith.addi %mul3A_0, %add3A_80 : i32
      "tpu.region"() ({
        %run_scoped3A = tpu.sem_alloc : memref<!tpu.dma_semaphore, #tpu.memory_space<semaphore_mem>>
        %dma_start3A = arith.constant 0 : i32
        %dma_start3A_99 = arith.constant 0 : i32
        %dma_start3A_100 = tpu.memref_slice %arg15[%dma_start3A, %dma_start3A_99] : memref<128x128xf32, #tpu.memory_space<vmem>> -> memref<128x128xf32, #tpu.memory_space<vmem>>
        %dma_start3A_101 = arith.constant 0 : i32
        %dma_start3A_102 = tpu.memref_slice %arg11[%add3A_81, %dma_start3A_101] : memref<10000x128xf32, #tpu.memory_space<hbm>> -> memref<128x128xf32, #tpu.memory_space<hbm>>
        %dma_start3A_103 = arith.constant 0 : i32
        %dma_start3A_104 = tpu.memref_slice %arg11[%add3A_81, %dma_start3A_103] : memref<10000x128xf32, #tpu.memory_space<hbm>> -> memref<128x128xf32, #tpu.memory_space<hbm>>
        %dma_start3A_105 = arith.constant 0 : i32
        %dma_start3A_106 = arith.constant 0 : i32
        %dma_start3A_107 = tpu.memref_slice %arg15[%dma_start3A_105, %dma_start3A_106] : memref<128x128xf32, #tpu.memory_space<vmem>> -> memref<128x128xf32, #tpu.memory_space<vmem>>
        tpu.enqueue_dma source(%dma_start3A_107 : memref<128x128xf32, #tpu.memory_space<vmem>>) target(%dma_start3A_104 : memref<128x128xf32, #tpu.memory_space<hbm>>) target_semaphore(%run_scoped3A : memref<!tpu.dma_semaphore, #tpu.memory_space<semaphore_mem>>)
        %dma_wait3A = arith.constant 0 : i32
        %dma_wait3A_108 = arith.constant 0 : i32
        %dma_wait3A_109 = tpu.memref_slice %arg15[%dma_wait3A, %dma_wait3A_108] : memref<128x128xf32, #tpu.memory_space<vmem>> -> memref<128x128xf32, #tpu.memory_space<vmem>>
        %dma_wait3A_110 = arith.constant 0 : i32
        %dma_wait3A_111 = tpu.memref_slice %arg11[%add3A_81, %dma_wait3A_110] : memref<10000x128xf32, #tpu.memory_space<hbm>> -> memref<128x128xf32, #tpu.memory_space<hbm>>
        %dma_wait3A_112 = arith.constant 0 : i32
        %dma_wait3A_113 = tpu.memref_slice %arg11[%add3A_81, %dma_wait3A_112] : memref<10000x128xf32, #tpu.memory_space<hbm>> -> memref<128x128xf32, #tpu.memory_space<hbm>>
        %dma_wait3A_114 = arith.constant 0 : i32
        %dma_wait3A_115 = arith.constant 0 : i32
        %dma_wait3A_116 = tpu.memref_slice %arg15[%dma_wait3A_114, %dma_wait3A_115] : memref<128x128xf32, #tpu.memory_space<vmem>> -> memref<128x128xf32, #tpu.memory_space<vmem>>
        tpu.wait_dma2 semaphore(%run_scoped3A : memref<!tpu.dma_semaphore, #tpu.memory_space<semaphore_mem>>) src(%dma_wait3A_116 : memref<128x128xf32, #tpu.memory_space<vmem>>) dst(%dma_wait3A_113 : memref<128x128xf32, #tpu.memory_space<hbm>>)
        tpu.yield
      }) : () -> ()
      %add3A_82 = arith.constant 384 : i32
      %add3A_83 = arith.addi %mul3A_0, %add3A_82 : i32
      "tpu.region"() ({
        %run_scoped3A = tpu.sem_alloc : memref<!tpu.dma_semaphore, #tpu.memory_space<semaphore_mem>>
        %dma_start3A = arith.constant 0 : i32
        %dma_start3A_99 = arith.constant 0 : i32
        %dma_start3A_100 = tpu.memref_slice %arg17[%dma_start3A, %dma_start3A_99] : memref<128x16xf32, #tpu.memory_space<vmem>> -> memref<128x16xf32, #tpu.memory_space<vmem>>
        %dma_start3A_101 = arith.constant 0 : i32
        %dma_start3A_102 = tpu.memref_slice %arg19[%add3A_83, %dma_start3A_101] : memref<10000x16xf32, #tpu.memory_space<vmem_shared>> -> memref<128x16xf32, #tpu.memory_space<vmem_shared>>
        %dma_start3A_103 = arith.constant 0 : i32
        %dma_start3A_104 = arith.constant 0 : i32
        %dma_start3A_105 = tpu.memref_slice %arg17[%dma_start3A_103, %dma_start3A_104] : memref<128x16xf32, #tpu.memory_space<vmem>> -> memref<128x16xf32, #tpu.memory_space<vmem>>
        %dma_start3A_106 = arith.constant 0 : i32
        %dma_start3A_107 = tpu.memref_slice %arg19[%add3A_83, %dma_start3A_106] : memref<10000x16xf32, #tpu.memory_space<vmem_shared>> -> memref<128x16xf32, #tpu.memory_space<vmem_shared>>
        tpu.enqueue_dma source(%dma_start3A_107 : memref<128x16xf32, #tpu.memory_space<vmem_shared>>) target(%dma_start3A_105 : memref<128x16xf32, #tpu.memory_space<vmem>>) target_semaphore(%run_scoped3A : memref<!tpu.dma_semaphore, #tpu.memory_space<semaphore_mem>>)
        %dma_wait3A = arith.constant 0 : i32
        %dma_wait3A_108 = arith.constant 0 : i32
        %dma_wait3A_109 = tpu.memref_slice %arg17[%dma_wait3A, %dma_wait3A_108] : memref<128x16xf32, #tpu.memory_space<vmem>> -> memref<128x16xf32, #tpu.memory_space<vmem>>
        %dma_wait3A_110 = arith.constant 0 : i32
        %dma_wait3A_111 = tpu.memref_slice %arg19[%add3A_83, %dma_wait3A_110] : memref<10000x16xf32, #tpu.memory_space<vmem_shared>> -> memref<128x16xf32, #tpu.memory_space<vmem_shared>>
        %dma_wait3A_112 = arith.constant 0 : i32
        %dma_wait3A_113 = arith.constant 0 : i32
        %dma_wait3A_114 = tpu.memref_slice %arg17[%dma_wait3A_112, %dma_wait3A_113] : memref<128x16xf32, #tpu.memory_space<vmem>> -> memref<128x16xf32, #tpu.memory_space<vmem>>
        %dma_wait3A_115 = arith.constant 0 : i32
        %dma_wait3A_116 = tpu.memref_slice %arg19[%add3A_83, %dma_wait3A_115] : memref<10000x16xf32, #tpu.memory_space<vmem_shared>> -> memref<128x16xf32, #tpu.memory_space<vmem_shared>>
        tpu.wait_dma2 semaphore(%run_scoped3A : memref<!tpu.dma_semaphore, #tpu.memory_space<semaphore_mem>>) src(%dma_wait3A_116 : memref<128x16xf32, #tpu.memory_space<vmem_shared>>) dst(%dma_wait3A_114 : memref<128x16xf32, #tpu.memory_space<vmem>>)
        tpu.yield
      }) : () -> ()
      %add3A_84 = arith.constant 384 : i32
      %add3A_85 = arith.addi %mul3A_0, %add3A_84 : i32
      "tpu.region"() ({
        %run_scoped3A = tpu.sem_alloc : memref<!tpu.dma_semaphore, #tpu.memory_space<semaphore_mem>>
        %dma_start3A = arith.constant 0 : i32
        %dma_start3A_99 = arith.constant 0 : i32
        %dma_start3A_100 = tpu.memref_slice %arg17[%dma_start3A, %dma_start3A_99] : memref<128x16xf32, #tpu.memory_space<vmem>> -> memref<128x16xf32, #tpu.memory_space<vmem>>
        %dma_start3A_101 = arith.constant 0 : i32
        %dma_start3A_102 = tpu.memref_slice %arg12[%add3A_85, %dma_start3A_101] : memref<10000x16xf32, #tpu.memory_space<hbm>> -> memref<128x16xf32, #tpu.memory_space<hbm>>
        %dma_start3A_103 = arith.constant 0 : i32
        %dma_start3A_104 = tpu.memref_slice %arg12[%add3A_85, %dma_start3A_103] : memref<10000x16xf32, #tpu.memory_space<hbm>> -> memref<128x16xf32, #tpu.memory_space<hbm>>
        %dma_start3A_105 = arith.constant 0 : i32
        %dma_start3A_106 = arith.constant 0 : i32
        %dma_start3A_107 = tpu.memref_slice %arg17[%dma_start3A_105, %dma_start3A_106] : memref<128x16xf32, #tpu.memory_space<vmem>> -> memref<128x16xf32, #tpu.memory_space<vmem>>
        tpu.enqueue_dma source(%dma_start3A_107 : memref<128x16xf32, #tpu.memory_space<vmem>>) target(%dma_start3A_104 : memref<128x16xf32, #tpu.memory_space<hbm>>) target_semaphore(%run_scoped3A : memref<!tpu.dma_semaphore, #tpu.memory_space<semaphore_mem>>)
        %dma_wait3A = arith.constant 0 : i32
        %dma_wait3A_108 = arith.constant 0 : i32
        %dma_wait3A_109 = tpu.memref_slice %arg17[%dma_wait3A, %dma_wait3A_108] : memref<128x16xf32, #tpu.memory_space<vmem>> -> memref<128x16xf32, #tpu.memory_space<vmem>>
        %dma_wait3A_110 = arith.constant 0 : i32
        %dma_wait3A_111 = tpu.memref_slice %arg12[%add3A_85, %dma_wait3A_110] : memref<10000x16xf32, #tpu.memory_space<hbm>> -> memref<128x16xf32, #tpu.memory_space<hbm>>
        %dma_wait3A_112 = arith.constant 0 : i32
        %dma_wait3A_113 = tpu.memref_slice %arg12[%add3A_85, %dma_wait3A_112] : memref<10000x16xf32, #tpu.memory_space<hbm>> -> memref<128x16xf32, #tpu.memory_space<hbm>>
        %dma_wait3A_114 = arith.constant 0 : i32
        %dma_wait3A_115 = arith.constant 0 : i32
        %dma_wait3A_116 = tpu.memref_slice %arg17[%dma_wait3A_114, %dma_wait3A_115] : memref<128x16xf32, #tpu.memory_space<vmem>> -> memref<128x16xf32, #tpu.memory_space<vmem>>
        tpu.wait_dma2 semaphore(%run_scoped3A : memref<!tpu.dma_semaphore, #tpu.memory_space<semaphore_mem>>) src(%dma_wait3A_116 : memref<128x16xf32, #tpu.memory_space<vmem>>) dst(%dma_wait3A_113 : memref<128x16xf32, #tpu.memory_space<hbm>>)
        tpu.yield
      }) : () -> ()
      %add3A_86 = arith.constant 512 : i32
      %add3A_87 = arith.addi %mul3A_0, %add3A_86 : i32
      "tpu.region"() ({
        %run_scoped3A = tpu.sem_alloc : memref<!tpu.dma_semaphore, #tpu.memory_space<semaphore_mem>>
        %dma_start3A = arith.constant 0 : i32
        %dma_start3A_99 = arith.constant 0 : i32
        %dma_start3A_100 = tpu.memref_slice %arg15[%dma_start3A, %dma_start3A_99] : memref<128x128xf32, #tpu.memory_space<vmem>> -> memref<112x128xf32, #tpu.memory_space<vmem>>
        %dma_start3A_101 = arith.constant 0 : i32
        %dma_start3A_102 = tpu.memref_slice %arg18[%add3A_87, %dma_start3A_101] : memref<10000x128xf32, #tpu.memory_space<vmem_shared>> -> memref<112x128xf32, #tpu.memory_space<vmem_shared>>
        %dma_start3A_103 = arith.constant 0 : i32
        %dma_start3A_104 = arith.constant 0 : i32
        %dma_start3A_105 = tpu.memref_slice %arg15[%dma_start3A_103, %dma_start3A_104] : memref<128x128xf32, #tpu.memory_space<vmem>> -> memref<112x128xf32, #tpu.memory_space<vmem>>
        %dma_start3A_106 = arith.constant 0 : i32
        %dma_start3A_107 = tpu.memref_slice %arg18[%add3A_87, %dma_start3A_106] : memref<10000x128xf32, #tpu.memory_space<vmem_shared>> -> memref<112x128xf32, #tpu.memory_space<vmem_shared>>
        tpu.enqueue_dma source(%dma_start3A_107 : memref<112x128xf32, #tpu.memory_space<vmem_shared>>) target(%dma_start3A_105 : memref<112x128xf32, #tpu.memory_space<vmem>>) target_semaphore(%run_scoped3A : memref<!tpu.dma_semaphore, #tpu.memory_space<semaphore_mem>>)
        %dma_wait3A = arith.constant 0 : i32
        %dma_wait3A_108 = arith.constant 0 : i32
        %dma_wait3A_109 = tpu.memref_slice %arg15[%dma_wait3A, %dma_wait3A_108] : memref<128x128xf32, #tpu.memory_space<vmem>> -> memref<112x128xf32, #tpu.memory_space<vmem>>
        %dma_wait3A_110 = arith.constant 0 : i32
        %dma_wait3A_111 = tpu.memref_slice %arg18[%add3A_87, %dma_wait3A_110] : memref<10000x128xf32, #tpu.memory_space<vmem_shared>> -> memref<112x128xf32, #tpu.memory_space<vmem_shared>>
        %dma_wait3A_112 = arith.constant 0 : i32
        %dma_wait3A_113 = arith.constant 0 : i32
        %dma_wait3A_114 = tpu.memref_slice %arg15[%dma_wait3A_112, %dma_wait3A_113] : memref<128x128xf32, #tpu.memory_space<vmem>> -> memref<112x128xf32, #tpu.memory_space<vmem>>
        %dma_wait3A_115 = arith.constant 0 : i32
        %dma_wait3A_116 = tpu.memref_slice %arg18[%add3A_87, %dma_wait3A_115] : memref<10000x128xf32, #tpu.memory_space<vmem_shared>> -> memref<112x128xf32, #tpu.memory_space<vmem_shared>>
        tpu.wait_dma2 semaphore(%run_scoped3A : memref<!tpu.dma_semaphore, #tpu.memory_space<semaphore_mem>>) src(%dma_wait3A_116 : memref<112x128xf32, #tpu.memory_space<vmem_shared>>) dst(%dma_wait3A_114 : memref<112x128xf32, #tpu.memory_space<vmem>>)
        tpu.yield
      }) : () -> ()
      %add3A_88 = arith.constant 512 : i32
      %add3A_89 = arith.addi %mul3A_0, %add3A_88 : i32
      "tpu.region"() ({
        %run_scoped3A = tpu.sem_alloc : memref<!tpu.dma_semaphore, #tpu.memory_space<semaphore_mem>>
        %dma_start3A = arith.constant 0 : i32
        %dma_start3A_99 = arith.constant 0 : i32
        %dma_start3A_100 = tpu.memref_slice %arg15[%dma_start3A, %dma_start3A_99] : memref<128x128xf32, #tpu.memory_space<vmem>> -> memref<112x128xf32, #tpu.memory_space<vmem>>
        %dma_start3A_101 = arith.constant 0 : i32
        %dma_start3A_102 = tpu.memref_slice %arg11[%add3A_89, %dma_start3A_101] : memref<10000x128xf32, #tpu.memory_space<hbm>> -> memref<112x128xf32, #tpu.memory_space<hbm>>
        %dma_start3A_103 = arith.constant 0 : i32
        %dma_start3A_104 = tpu.memref_slice %arg11[%add3A_89, %dma_start3A_103] : memref<10000x128xf32, #tpu.memory_space<hbm>> -> memref<112x128xf32, #tpu.memory_space<hbm>>
        %dma_start3A_105 = arith.constant 0 : i32
        %dma_start3A_106 = arith.constant 0 : i32
        %dma_start3A_107 = tpu.memref_slice %arg15[%dma_start3A_105, %dma_start3A_106] : memref<128x128xf32, #tpu.memory_space<vmem>> -> memref<112x128xf32, #tpu.memory_space<vmem>>
        tpu.enqueue_dma source(%dma_start3A_107 : memref<112x128xf32, #tpu.memory_space<vmem>>) target(%dma_start3A_104 : memref<112x128xf32, #tpu.memory_space<hbm>>) target_semaphore(%run_scoped3A : memref<!tpu.dma_semaphore, #tpu.memory_space<semaphore_mem>>)
        %dma_wait3A = arith.constant 0 : i32
        %dma_wait3A_108 = arith.constant 0 : i32
        %dma_wait3A_109 = tpu.memref_slice %arg15[%dma_wait3A, %dma_wait3A_108] : memref<128x128xf32, #tpu.memory_space<vmem>> -> memref<112x128xf32, #tpu.memory_space<vmem>>
        %dma_wait3A_110 = arith.constant 0 : i32
        %dma_wait3A_111 = tpu.memref_slice %arg11[%add3A_89, %dma_wait3A_110] : memref<10000x128xf32, #tpu.memory_space<hbm>> -> memref<112x128xf32, #tpu.memory_space<hbm>>
        %dma_wait3A_112 = arith.constant 0 : i32
        %dma_wait3A_113 = tpu.memref_slice %arg11[%add3A_89, %dma_wait3A_112] : memref<10000x128xf32, #tpu.memory_space<hbm>> -> memref<112x128xf32, #tpu.memory_space<hbm>>
        %dma_wait3A_114 = arith.constant 0 : i32
        %dma_wait3A_115 = arith.constant 0 : i32
        %dma_wait3A_116 = tpu.memref_slice %arg15[%dma_wait3A_114, %dma_wait3A_115] : memref<128x128xf32, #tpu.memory_space<vmem>> -> memref<112x128xf32, #tpu.memory_space<vmem>>
        tpu.wait_dma2 semaphore(%run_scoped3A : memref<!tpu.dma_semaphore, #tpu.memory_space<semaphore_mem>>) src(%dma_wait3A_116 : memref<112x128xf32, #tpu.memory_space<vmem>>) dst(%dma_wait3A_113 : memref<112x128xf32, #tpu.memory_space<hbm>>)
        tpu.yield
      }) : () -> ()
      %add3A_90 = arith.constant 512 : i32
      %add3A_91 = arith.addi %mul3A_0, %add3A_90 : i32
      "tpu.region"() ({
        %run_scoped3A = tpu.sem_alloc : memref<!tpu.dma_semaphore, #tpu.memory_space<semaphore_mem>>
        %dma_start3A = arith.constant 0 : i32
        %dma_start3A_99 = arith.constant 0 : i32
        %dma_start3A_100 = tpu.memref_slice %arg17[%dma_start3A, %dma_start3A_99] : memref<128x16xf32, #tpu.memory_space<vmem>> -> memref<112x16xf32, #tpu.memory_space<vmem>>
        %dma_start3A_101 = arith.constant 0 : i32
        %dma_start3A_102 = tpu.memref_slice %arg19[%add3A_91, %dma_start3A_101] : memref<10000x16xf32, #tpu.memory_space<vmem_shared>> -> memref<112x16xf32, #tpu.memory_space<vmem_shared>>
        %dma_start3A_103 = arith.constant 0 : i32
        %dma_start3A_104 = arith.constant 0 : i32
        %dma_start3A_105 = tpu.memref_slice %arg17[%dma_start3A_103, %dma_start3A_104] : memref<128x16xf32, #tpu.memory_space<vmem>> -> memref<112x16xf32, #tpu.memory_space<vmem>>
        %dma_start3A_106 = arith.constant 0 : i32
        %dma_start3A_107 = tpu.memref_slice %arg19[%add3A_91, %dma_start3A_106] : memref<10000x16xf32, #tpu.memory_space<vmem_shared>> -> memref<112x16xf32, #tpu.memory_space<vmem_shared>>
        tpu.enqueue_dma source(%dma_start3A_107 : memref<112x16xf32, #tpu.memory_space<vmem_shared>>) target(%dma_start3A_105 : memref<112x16xf32, #tpu.memory_space<vmem>>) target_semaphore(%run_scoped3A : memref<!tpu.dma_semaphore, #tpu.memory_space<semaphore_mem>>)
        %dma_wait3A = arith.constant 0 : i32
        %dma_wait3A_108 = arith.constant 0 : i32
        %dma_wait3A_109 = tpu.memref_slice %arg17[%dma_wait3A, %dma_wait3A_108] : memref<128x16xf32, #tpu.memory_space<vmem>> -> memref<112x16xf32, #tpu.memory_space<vmem>>
        %dma_wait3A_110 = arith.constant 0 : i32
        %dma_wait3A_111 = tpu.memref_slice %arg19[%add3A_91, %dma_wait3A_110] : memref<10000x16xf32, #tpu.memory_space<vmem_shared>> -> memref<112x16xf32, #tpu.memory_space<vmem_shared>>
        %dma_wait3A_112 = arith.constant 0 : i32
        %dma_wait3A_113 = arith.constant 0 : i32
        %dma_wait3A_114 = tpu.memref_slice %arg17[%dma_wait3A_112, %dma_wait3A_113] : memref<128x16xf32, #tpu.memory_space<vmem>> -> memref<112x16xf32, #tpu.memory_space<vmem>>
        %dma_wait3A_115 = arith.constant 0 : i32
        %dma_wait3A_116 = tpu.memref_slice %arg19[%add3A_91, %dma_wait3A_115] : memref<10000x16xf32, #tpu.memory_space<vmem_shared>> -> memref<112x16xf32, #tpu.memory_space<vmem_shared>>
        tpu.wait_dma2 semaphore(%run_scoped3A : memref<!tpu.dma_semaphore, #tpu.memory_space<semaphore_mem>>) src(%dma_wait3A_116 : memref<112x16xf32, #tpu.memory_space<vmem_shared>>) dst(%dma_wait3A_114 : memref<112x16xf32, #tpu.memory_space<vmem>>)
        tpu.yield
      }) : () -> ()
      %add3A_92 = arith.constant 512 : i32
      %add3A_93 = arith.addi %mul3A_0, %add3A_92 : i32
      "tpu.region"() ({
        %run_scoped3A = tpu.sem_alloc : memref<!tpu.dma_semaphore, #tpu.memory_space<semaphore_mem>>
        %dma_start3A = arith.constant 0 : i32
        %dma_start3A_99 = arith.constant 0 : i32
        %dma_start3A_100 = tpu.memref_slice %arg17[%dma_start3A, %dma_start3A_99] : memref<128x16xf32, #tpu.memory_space<vmem>> -> memref<112x16xf32, #tpu.memory_space<vmem>>
        %dma_start3A_101 = arith.constant 0 : i32
        %dma_start3A_102 = tpu.memref_slice %arg12[%add3A_93, %dma_start3A_101] : memref<10000x16xf32, #tpu.memory_space<hbm>> -> memref<112x16xf32, #tpu.memory_space<hbm>>
        %dma_start3A_103 = arith.constant 0 : i32
        %dma_start3A_104 = tpu.memref_slice %arg12[%add3A_93, %dma_start3A_103] : memref<10000x16xf32, #tpu.memory_space<hbm>> -> memref<112x16xf32, #tpu.memory_space<hbm>>
        %dma_start3A_105 = arith.constant 0 : i32
        %dma_start3A_106 = arith.constant 0 : i32
        %dma_start3A_107 = tpu.memref_slice %arg17[%dma_start3A_105, %dma_start3A_106] : memref<128x16xf32, #tpu.memory_space<vmem>> -> memref<112x16xf32, #tpu.memory_space<vmem>>
        tpu.enqueue_dma source(%dma_start3A_107 : memref<112x16xf32, #tpu.memory_space<vmem>>) target(%dma_start3A_104 : memref<112x16xf32, #tpu.memory_space<hbm>>) target_semaphore(%run_scoped3A : memref<!tpu.dma_semaphore, #tpu.memory_space<semaphore_mem>>)
        %dma_wait3A = arith.constant 0 : i32
        %dma_wait3A_108 = arith.constant 0 : i32
        %dma_wait3A_109 = tpu.memref_slice %arg17[%dma_wait3A, %dma_wait3A_108] : memref<128x16xf32, #tpu.memory_space<vmem>> -> memref<112x16xf32, #tpu.memory_space<vmem>>
        %dma_wait3A_110 = arith.constant 0 : i32
        %dma_wait3A_111 = tpu.memref_slice %arg12[%add3A_93, %dma_wait3A_110] : memref<10000x16xf32, #tpu.memory_space<hbm>> -> memref<112x16xf32, #tpu.memory_space<hbm>>
        %dma_wait3A_112 = arith.constant 0 : i32
        %dma_wait3A_113 = tpu.memref_slice %arg12[%add3A_93, %dma_wait3A_112] : memref<10000x16xf32, #tpu.memory_space<hbm>> -> memref<112x16xf32, #tpu.memory_space<hbm>>
        %dma_wait3A_114 = arith.constant 0 : i32
        %dma_wait3A_115 = arith.constant 0 : i32
        %dma_wait3A_116 = tpu.memref_slice %arg17[%dma_wait3A_114, %dma_wait3A_115] : memref<128x16xf32, #tpu.memory_space<vmem>> -> memref<112x16xf32, #tpu.memory_space<vmem>>
        tpu.wait_dma2 semaphore(%run_scoped3A : memref<!tpu.dma_semaphore, #tpu.memory_space<semaphore_mem>>) src(%dma_wait3A_116 : memref<112x16xf32, #tpu.memory_space<vmem>>) dst(%dma_wait3A_113 : memref<112x16xf32, #tpu.memory_space<hbm>>)
        tpu.yield
      }) : () -> ()
      %eq3A_94 = arith.constant 15 : i32
      %eq3A_95 = arith.cmpi eq, %arg1, %eq3A_94 : i32
      %convert_element_type3A_96 = arith.extui %eq3A_95 : i1 to i32
      %cond3A_97 = arith.constant 0 : i32
      %cond3A_98 = arith.cmpi ne, %convert_element_type3A_96, %cond3A_97 : i32
      scf.if %cond3A_98 {
        "tpu.region"() ({
          %run_scoped3A = tpu.sem_alloc : memref<!tpu.dma_semaphore, #tpu.memory_space<semaphore_mem>>
          %dma_start3A = arith.constant 0 : i32
          %dma_start3A_99 = arith.constant 0 : i32
          %dma_start3A_100 = tpu.memref_slice %arg15[%dma_start3A, %dma_start3A_99] : memref<128x128xf32, #tpu.memory_space<vmem>> -> memref<16x128xf32, #tpu.memory_space<vmem>>
          %dma_start3A_101 = arith.constant 9984 : i32
          %dma_start3A_102 = arith.constant 0 : i32
          %dma_start3A_103 = tpu.memref_slice %arg18[%dma_start3A_101, %dma_start3A_102] : memref<10000x128xf32, #tpu.memory_space<vmem_shared>> -> memref<16x128xf32, #tpu.memory_space<vmem_shared>>
          %dma_start3A_104 = arith.constant 0 : i32
          %dma_start3A_105 = arith.constant 0 : i32
          %dma_start3A_106 = tpu.memref_slice %arg15[%dma_start3A_104, %dma_start3A_105] : memref<128x128xf32, #tpu.memory_space<vmem>> -> memref<16x128xf32, #tpu.memory_space<vmem>>
          %dma_start3A_107 = arith.constant 9984 : i32
          %dma_start3A_108 = arith.constant 0 : i32
          %dma_start3A_109 = tpu.memref_slice %arg18[%dma_start3A_107, %dma_start3A_108] : memref<10000x128xf32, #tpu.memory_space<vmem_shared>> -> memref<16x128xf32, #tpu.memory_space<vmem_shared>>
          tpu.enqueue_dma source(%dma_start3A_109 : memref<16x128xf32, #tpu.memory_space<vmem_shared>>) target(%dma_start3A_106 : memref<16x128xf32, #tpu.memory_space<vmem>>) target_semaphore(%run_scoped3A : memref<!tpu.dma_semaphore, #tpu.memory_space<semaphore_mem>>)
          %dma_wait3A = arith.constant 0 : i32
          %dma_wait3A_110 = arith.constant 0 : i32
          %dma_wait3A_111 = tpu.memref_slice %arg15[%dma_wait3A, %dma_wait3A_110] : memref<128x128xf32, #tpu.memory_space<vmem>> -> memref<16x128xf32, #tpu.memory_space<vmem>>
          %dma_wait3A_112 = arith.constant 9984 : i32
          %dma_wait3A_113 = arith.constant 0 : i32
          %dma_wait3A_114 = tpu.memref_slice %arg18[%dma_wait3A_112, %dma_wait3A_113] : memref<10000x128xf32, #tpu.memory_space<vmem_shared>> -> memref<16x128xf32, #tpu.memory_space<vmem_shared>>
          %dma_wait3A_115 = arith.constant 0 : i32
          %dma_wait3A_116 = arith.constant 0 : i32
          %dma_wait3A_117 = tpu.memref_slice %arg15[%dma_wait3A_115, %dma_wait3A_116] : memref<128x128xf32, #tpu.memory_space<vmem>> -> memref<16x128xf32, #tpu.memory_space<vmem>>
          %dma_wait3A_118 = arith.constant 9984 : i32
          %dma_wait3A_119 = arith.constant 0 : i32
          %dma_wait3A_120 = tpu.memref_slice %arg18[%dma_wait3A_118, %dma_wait3A_119] : memref<10000x128xf32, #tpu.memory_space<vmem_shared>> -> memref<16x128xf32, #tpu.memory_space<vmem_shared>>
          tpu.wait_dma2 semaphore(%run_scoped3A : memref<!tpu.dma_semaphore, #tpu.memory_space<semaphore_mem>>) src(%dma_wait3A_120 : memref<16x128xf32, #tpu.memory_space<vmem_shared>>) dst(%dma_wait3A_117 : memref<16x128xf32, #tpu.memory_space<vmem>>)
          tpu.yield
        }) : () -> ()
        "tpu.region"() ({
          %run_scoped3A = tpu.sem_alloc : memref<!tpu.dma_semaphore, #tpu.memory_space<semaphore_mem>>
          %dma_start3A = arith.constant 0 : i32
          %dma_start3A_99 = arith.constant 0 : i32
          %dma_start3A_100 = tpu.memref_slice %arg15[%dma_start3A, %dma_start3A_99] : memref<128x128xf32, #tpu.memory_space<vmem>> -> memref<16x128xf32, #tpu.memory_space<vmem>>
          %dma_start3A_101 = arith.constant 9984 : i32
          %dma_start3A_102 = arith.constant 0 : i32
          %dma_start3A_103 = tpu.memref_slice %arg11[%dma_start3A_101, %dma_start3A_102] : memref<10000x128xf32, #tpu.memory_space<hbm>> -> memref<16x128xf32, #tpu.memory_space<hbm>>
          %dma_start3A_104 = arith.constant 9984 : i32
          %dma_start3A_105 = arith.constant 0 : i32
          %dma_start3A_106 = tpu.memref_slice %arg11[%dma_start3A_104, %dma_start3A_105] : memref<10000x128xf32, #tpu.memory_space<hbm>> -> memref<16x128xf32, #tpu.memory_space<hbm>>
          %dma_start3A_107 = arith.constant 0 : i32
          %dma_start3A_108 = arith.constant 0 : i32
          %dma_start3A_109 = tpu.memref_slice %arg15[%dma_start3A_107, %dma_start3A_108] : memref<128x128xf32, #tpu.memory_space<vmem>> -> memref<16x128xf32, #tpu.memory_space<vmem>>
          tpu.enqueue_dma source(%dma_start3A_109 : memref<16x128xf32, #tpu.memory_space<vmem>>) target(%dma_start3A_106 : memref<16x128xf32, #tpu.memory_space<hbm>>) target_semaphore(%run_scoped3A : memref<!tpu.dma_semaphore, #tpu.memory_space<semaphore_mem>>)
          %dma_wait3A = arith.constant 0 : i32
          %dma_wait3A_110 = arith.constant 0 : i32
          %dma_wait3A_111 = tpu.memref_slice %arg15[%dma_wait3A, %dma_wait3A_110] : memref<128x128xf32, #tpu.memory_space<vmem>> -> memref<16x128xf32, #tpu.memory_space<vmem>>
          %dma_wait3A_112 = arith.constant 9984 : i32
          %dma_wait3A_113 = arith.constant 0 : i32
          %dma_wait3A_114 = tpu.memref_slice %arg11[%dma_wait3A_112, %dma_wait3A_113] : memref<10000x128xf32, #tpu.memory_space<hbm>> -> memref<16x128xf32, #tpu.memory_space<hbm>>
          %dma_wait3A_115 = arith.constant 9984 : i32
          %dma_wait3A_116 = arith.constant 0 : i32
          %dma_wait3A_117 = tpu.memref_slice %arg11[%dma_wait3A_115, %dma_wait3A_116] : memref<10000x128xf32, #tpu.memory_space<hbm>> -> memref<16x128xf32, #tpu.memory_space<hbm>>
          %dma_wait3A_118 = arith.constant 0 : i32
          %dma_wait3A_119 = arith.constant 0 : i32
          %dma_wait3A_120 = tpu.memref_slice %arg15[%dma_wait3A_118, %dma_wait3A_119] : memref<128x128xf32, #tpu.memory_space<vmem>> -> memref<16x128xf32, #tpu.memory_space<vmem>>
          tpu.wait_dma2 semaphore(%run_scoped3A : memref<!tpu.dma_semaphore, #tpu.memory_space<semaphore_mem>>) src(%dma_wait3A_120 : memref<16x128xf32, #tpu.memory_space<vmem>>) dst(%dma_wait3A_117 : memref<16x128xf32, #tpu.memory_space<hbm>>)
          tpu.yield
        }) : () -> ()
        "tpu.region"() ({
          %run_scoped3A = tpu.sem_alloc : memref<!tpu.dma_semaphore, #tpu.memory_space<semaphore_mem>>
          %dma_start3A = arith.constant 0 : i32
          %dma_start3A_99 = arith.constant 0 : i32
          %dma_start3A_100 = tpu.memref_slice %arg17[%dma_start3A, %dma_start3A_99] : memref<128x16xf32, #tpu.memory_space<vmem>> -> memref<16x16xf32, #tpu.memory_space<vmem>>
          %dma_start3A_101 = arith.constant 9984 : i32
          %dma_start3A_102 = arith.constant 0 : i32
          %dma_start3A_103 = tpu.memref_slice %arg19[%dma_start3A_101, %dma_start3A_102] : memref<10000x16xf32, #tpu.memory_space<vmem_shared>> -> memref<16x16xf32, #tpu.memory_space<vmem_shared>>
          %dma_start3A_104 = arith.constant 0 : i32
          %dma_start3A_105 = arith.constant 0 : i32
          %dma_start3A_106 = tpu.memref_slice %arg17[%dma_start3A_104, %dma_start3A_105] : memref<128x16xf32, #tpu.memory_space<vmem>> -> memref<16x16xf32, #tpu.memory_space<vmem>>
          %dma_start3A_107 = arith.constant 9984 : i32
          %dma_start3A_108 = arith.constant 0 : i32
          %dma_start3A_109 = tpu.memref_slice %arg19[%dma_start3A_107, %dma_start3A_108] : memref<10000x16xf32, #tpu.memory_space<vmem_shared>> -> memref<16x16xf32, #tpu.memory_space<vmem_shared>>
          tpu.enqueue_dma source(%dma_start3A_109 : memref<16x16xf32, #tpu.memory_space<vmem_shared>>) target(%dma_start3A_106 : memref<16x16xf32, #tpu.memory_space<vmem>>) target_semaphore(%run_scoped3A : memref<!tpu.dma_semaphore, #tpu.memory_space<semaphore_mem>>)
          %dma_wait3A = arith.constant 0 : i32
          %dma_wait3A_110 = arith.constant 0 : i32
          %dma_wait3A_111 = tpu.memref_slice %arg17[%dma_wait3A, %dma_wait3A_110] : memref<128x16xf32, #tpu.memory_space<vmem>> -> memref<16x16xf32, #tpu.memory_space<vmem>>
          %dma_wait3A_112 = arith.constant 9984 : i32
          %dma_wait3A_113 = arith.constant 0 : i32
          %dma_wait3A_114 = tpu.memref_slice %arg19[%dma_wait3A_112, %dma_wait3A_113] : memref<10000x16xf32, #tpu.memory_space<vmem_shared>> -> memref<16x16xf32, #tpu.memory_space<vmem_shared>>
          %dma_wait3A_115 = arith.constant 0 : i32
          %dma_wait3A_116 = arith.constant 0 : i32
          %dma_wait3A_117 = tpu.memref_slice %arg17[%dma_wait3A_115, %dma_wait3A_116] : memref<128x16xf32, #tpu.memory_space<vmem>> -> memref<16x16xf32, #tpu.memory_space<vmem>>
          %dma_wait3A_118 = arith.constant 9984 : i32
          %dma_wait3A_119 = arith.constant 0 : i32
          %dma_wait3A_120 = tpu.memref_slice %arg19[%dma_wait3A_118, %dma_wait3A_119] : memref<10000x16xf32, #tpu.memory_space<vmem_shared>> -> memref<16x16xf32, #tpu.memory_space<vmem_shared>>
          tpu.wait_dma2 semaphore(%run_scoped3A : memref<!tpu.dma_semaphore, #tpu.memory_space<semaphore_mem>>) src(%dma_wait3A_120 : memref<16x16xf32, #tpu.memory_space<vmem_shared>>) dst(%dma_wait3A_117 : memref<16x16xf32, #tpu.memory_space<vmem>>)
          tpu.yield
        }) : () -> ()
        "tpu.region"() ({
          %run_scoped3A = tpu.sem_alloc : memref<!tpu.dma_semaphore, #tpu.memory_space<semaphore_mem>>
          %dma_start3A = arith.constant 0 : i32
          %dma_start3A_99 = arith.constant 0 : i32
          %dma_start3A_100 = tpu.memref_slice %arg17[%dma_start3A, %dma_start3A_99] : memref<128x16xf32, #tpu.memory_space<vmem>> -> memref<16x16xf32, #tpu.memory_space<vmem>>
          %dma_start3A_101 = arith.constant 9984 : i32
          %dma_start3A_102 = arith.constant 0 : i32
          %dma_start3A_103 = tpu.memref_slice %arg12[%dma_start3A_101, %dma_start3A_102] : memref<10000x16xf32, #tpu.memory_space<hbm>> -> memref<16x16xf32, #tpu.memory_space<hbm>>
          %dma_start3A_104 = arith.constant 9984 : i32
          %dma_start3A_105 = arith.constant 0 : i32
          %dma_start3A_106 = tpu.memref_slice %arg12[%dma_start3A_104, %dma_start3A_105] : memref<10000x16xf32, #tpu.memory_space<hbm>> -> memref<16x16xf32, #tpu.memory_space<hbm>>
          %dma_start3A_107 = arith.constant 0 : i32
          %dma_start3A_108 = arith.constant 0 : i32
          %dma_start3A_109 = tpu.memref_slice %arg17[%dma_start3A_107, %dma_start3A_108] : memref<128x16xf32, #tpu.memory_space<vmem>> -> memref<16x16xf32, #tpu.memory_space<vmem>>
          tpu.enqueue_dma source(%dma_start3A_109 : memref<16x16xf32, #tpu.memory_space<vmem>>) target(%dma_start3A_106 : memref<16x16xf32, #tpu.memory_space<hbm>>) target_semaphore(%run_scoped3A : memref<!tpu.dma_semaphore, #tpu.memory_space<semaphore_mem>>)
          %dma_wait3A = arith.constant 0 : i32
          %dma_wait3A_110 = arith.constant 0 : i32
          %dma_wait3A_111 = tpu.memref_slice %arg17[%dma_wait3A, %dma_wait3A_110] : memref<128x16xf32, #tpu.memory_space<vmem>> -> memref<16x16xf32, #tpu.memory_space<vmem>>
          %dma_wait3A_112 = arith.constant 9984 : i32
          %dma_wait3A_113 = arith.constant 0 : i32
          %dma_wait3A_114 = tpu.memref_slice %arg12[%dma_wait3A_112, %dma_wait3A_113] : memref<10000x16xf32, #tpu.memory_space<hbm>> -> memref<16x16xf32, #tpu.memory_space<hbm>>
          %dma_wait3A_115 = arith.constant 9984 : i32
          %dma_wait3A_116 = arith.constant 0 : i32
          %dma_wait3A_117 = tpu.memref_slice %arg12[%dma_wait3A_115, %dma_wait3A_116] : memref<10000x16xf32, #tpu.memory_space<hbm>> -> memref<16x16xf32, #tpu.memory_space<hbm>>
          %dma_wait3A_118 = arith.constant 0 : i32
          %dma_wait3A_119 = arith.constant 0 : i32
          %dma_wait3A_120 = tpu.memref_slice %arg17[%dma_wait3A_118, %dma_wait3A_119] : memref<128x16xf32, #tpu.memory_space<vmem>> -> memref<16x16xf32, #tpu.memory_space<vmem>>
          tpu.wait_dma2 semaphore(%run_scoped3A : memref<!tpu.dma_semaphore, #tpu.memory_space<semaphore_mem>>) src(%dma_wait3A_120 : memref<16x16xf32, #tpu.memory_space<vmem>>) dst(%dma_wait3A_117 : memref<16x16xf32, #tpu.memory_space<hbm>>)
          tpu.yield
        }) : () -> ()
      } else {
      }
    } else {
    }
    return
  }
}

module attributes {stable_mosaic.version = 14 : i64} {
  func.func @_tc_body(%arg0: i32, %arg1: memref<1000x128xf32, #tpu.memory_space<vmem>>, %arg2: memref<1000x16xf32, #tpu.memory_space<vmem>>, %arg3: memref<1000x1xi32, #tpu.memory_space<vmem>>, %arg4: memref<1000x128xf32, #tpu.memory_space<vmem>>, %arg5: memref<1000x16xf32, #tpu.memory_space<vmem>>, %arg6: memref<1000x1xi32, #tpu.memory_space<vmem>>, %arg7: memref<128x128xf32, #tpu.memory_space<vmem>>, %arg8: memref<1x128xf32, #tpu.memory_space<vmem>>, %arg9: memref<128x128xf32, #tpu.memory_space<vmem>>, %arg10: memref<1x128xf32, #tpu.memory_space<vmem>>, %arg11: memref<128x64xf32, #tpu.memory_space<vmem>>, %arg12: memref<128x64xf32, #tpu.memory_space<vmem>>, %arg13: memref<1x64xf32, #tpu.memory_space<vmem>>, %arg14: memref<64x16xf32, #tpu.memory_space<vmem>>, %arg15: memref<1x16xf32, #tpu.memory_space<vmem>>, %arg16: memref<64x16xf32, #tpu.memory_space<vmem>>, %arg17: memref<64x64xf32, #tpu.memory_space<vmem>>, %arg18: memref<64x128xf32, #tpu.memory_space<vmem>>, %arg19: memref<64x1xf32, #tpu.memory_space<vmem>>, %arg20: memref<64x128xf32, #tpu.memory_space<vmem>>, %arg21: memref<64x1xf32, #tpu.memory_space<vmem>>) attributes {dimension_semantics = [#tpu.dimension_semantics<arbitrary>], iteration_bounds = array<i64: 10>, scalar_prefetch = 0 : i64, scratch_operands = 4 : i64, tpu.core_type = #tpu.core_type<tc>, window_params = [{transform_indices = @transform_0, window_bounds = array<i64: 1000, 128>}, {transform_indices = @transform_1, window_bounds = array<i64: 1000, 16>}, {transform_indices = @transform_2, window_bounds = array<i64: 1000, 1>}, {transform_indices = @transform_3, window_bounds = array<i64: 1000, 128>}, {transform_indices = @transform_4, window_bounds = array<i64: 1000, 16>}, {transform_indices = @transform_5, window_bounds = array<i64: 1000, 1>}, {pipeline_mode = #tpu.pipeline_mode<synchronous>, transform_indices = @transform_6, window_bounds = array<i64: 128, 128>}, {pipeline_mode = #tpu.pipeline_mode<synchronous>, transform_indices = @transform_7, window_bounds = array<i64: 1, 128>}, {pipeline_mode = #tpu.pipeline_mode<synchronous>, transform_indices = @transform_8, window_bounds = array<i64: 128, 128>}, {pipeline_mode = #tpu.pipeline_mode<synchronous>, transform_indices = @transform_9, window_bounds = array<i64: 1, 128>}, {pipeline_mode = #tpu.pipeline_mode<synchronous>, transform_indices = @transform_10, window_bounds = array<i64: 128, 64>}, {pipeline_mode = #tpu.pipeline_mode<synchronous>, transform_indices = @transform_11, window_bounds = array<i64: 128, 64>}, {pipeline_mode = #tpu.pipeline_mode<synchronous>, transform_indices = @transform_12, window_bounds = array<i64: 1, 64>}, {pipeline_mode = #tpu.pipeline_mode<synchronous>, transform_indices = @transform_13, window_bounds = array<i64: 64, 16>}, {pipeline_mode = #tpu.pipeline_mode<synchronous>, transform_indices = @transform_14, window_bounds = array<i64: 1, 16>}, {pipeline_mode = #tpu.pipeline_mode<synchronous>, transform_indices = @transform_15, window_bounds = array<i64: 64, 16>}, {pipeline_mode = #tpu.pipeline_mode<synchronous>, transform_indices = @transform_16, window_bounds = array<i64: 64, 64>}]} {
    %eq3A = arith.constant 0 : i32
    %eq3A_0 = arith.cmpi eq, %arg0, %eq3A : i32
    %convert_element_type3A = arith.extui %eq3A_0 : i1 to i32
    %cond3A = arith.constant 0 : i32
    %cond3A_1 = arith.cmpi ne, %convert_element_type3A, %cond3A : i32
    scf.if %cond3A_1 {
      %broadcast_in_dim3A_110 = arith.constant 0.000000e+00 : f32
      %broadcast_in_dim3A_111 = vector.broadcast %broadcast_in_dim3A_110 : f32 to vector<64x128xf32>
      %swap3A_112 = arith.constant 0 : index
      %swap3A_113 = arith.constant 0 : index
      %swap3A_114 = vector.load %arg18[%swap3A_112, %swap3A_113] : memref<64x128xf32, #tpu.memory_space<vmem>>, vector<64x128xf32>
      tpu.vector_store %arg18[%swap3A_112, %swap3A_113], %broadcast_in_dim3A_111 {strides = array<i32>} : memref<64x128xf32, #tpu.memory_space<vmem>>, vector<64x128xf32>,
      %broadcast_in_dim3A_115 = arith.constant 0.000000e+00 : f32
      %broadcast_in_dim3A_116 = vector.broadcast %broadcast_in_dim3A_115 : f32 to vector<64x1xf32>
      %swap3A_117 = arith.constant 0 : index
      %swap3A_118 = arith.constant 0 : index
      %swap3A_119 = vector.load %arg19[%swap3A_117, %swap3A_118] : memref<64x1xf32, #tpu.memory_space<vmem>>, vector<64x1xf32>
      tpu.vector_store %arg19[%swap3A_117, %swap3A_118], %broadcast_in_dim3A_116 {strides = array<i32>} : memref<64x1xf32, #tpu.memory_space<vmem>>, vector<64x1xf32>,
      %broadcast_in_dim3A_120 = arith.constant 0.000000e+00 : f32
      %broadcast_in_dim3A_121 = vector.broadcast %broadcast_in_dim3A_120 : f32 to vector<64x128xf32>
      %swap3A_122 = arith.constant 0 : index
      %swap3A_123 = arith.constant 0 : index
      %swap3A_124 = vector.load %arg20[%swap3A_122, %swap3A_123] : memref<64x128xf32, #tpu.memory_space<vmem>>, vector<64x128xf32>
      tpu.vector_store %arg20[%swap3A_122, %swap3A_123], %broadcast_in_dim3A_121 {strides = array<i32>} : memref<64x128xf32, #tpu.memory_space<vmem>>, vector<64x128xf32>,
      %broadcast_in_dim3A_125 = arith.constant 0.000000e+00 : f32
      %broadcast_in_dim3A_126 = vector.broadcast %broadcast_in_dim3A_125 : f32 to vector<64x1xf32>
      %swap3A_127 = arith.constant 0 : index
      %swap3A_128 = arith.constant 0 : index
      %swap3A_129 = vector.load %arg21[%swap3A_127, %swap3A_128] : memref<64x1xf32, #tpu.memory_space<vmem>>, vector<64x1xf32>
      tpu.vector_store %arg21[%swap3A_127, %swap3A_128], %broadcast_in_dim3A_126 {strides = array<i32>} : memref<64x1xf32, #tpu.memory_space<vmem>>, vector<64x1xf32>,
    } else {
    }
    %broadcast_in_dim3A = arith.constant 1.000000e+00 : f32
    %broadcast_in_dim3A_2 = vector.broadcast %broadcast_in_dim3A : f32 to vector<1000x1xf32>
    %iota3A = tpu.iota {dimensions = array<i32: 1>} : vector<1000x64xi32>
    %get3A = arith.constant 0 : index
    %get3A_3 = arith.constant 0 : index
    %get3A_4 = vector.load %arg2[%get3A, %get3A_3] : memref<1000x16xf32, #tpu.memory_space<vmem>>, vector<1000x16xf32>
    %reduce_max3A = arith.constant dense<0xFF800000> : vector<1000xf32>
    %reduce_max3A_5 = vector.multi_reduction <maximumf>, %get3A_4, %reduce_max3A [1] : vector<1000x16xf32> to vector<1000xf32>
    %broadcast_in_dim3A_6 = vector.shape_cast %reduce_max3A_5 : vector<1000xf32> to vector<1000x1xf32>
    %max3A = arith.constant 1.000000e+00 : f32
    %max3A_7 = vector.broadcast %max3A : f32 to vector<1000x1xf32>
    %max3A_8 = arith.maximumf %broadcast_in_dim3A_6, %max3A_7 : vector<1000x1xf32>
    %div3A = arith.constant 1.000000e+00 : f32
    %div3A_9 = vector.broadcast %div3A : f32 to vector<1000x1xf32>
    %div3A_10 = arith.divf %div3A_9, %max3A_8 : vector<1000x1xf32>
    %get3A_11 = arith.constant 0 : index
    %get3A_12 = arith.constant 0 : index
    %get3A_13 = vector.load %arg1[%get3A_11, %get3A_12] : memref<1000x128xf32, #tpu.memory_space<vmem>>, vector<1000x128xf32>
    %mul3A = vector.broadcast %div3A_10 : vector<1000x1xf32> to vector<1000x128xf32>
    %mul3A_14 = arith.mulf %get3A_13, %mul3A : vector<1000x128xf32>
    %get3A_15 = arith.constant 0 : index
    %get3A_16 = arith.constant 0 : index
    %get3A_17 = vector.load %arg7[%get3A_15, %get3A_16] : memref<128x128xf32, #tpu.memory_space<vmem>>, vector<128x128xf32>
    %dot_general3A = arith.constant dense<0.000000e+00> : vector<1000x128xf32>
    %dot_general3A_18 = tpu.matmul %mul3A_14, %get3A_17, %dot_general3A {dimension_numbers = #tpu.dot_dimension_numbers<[1], [0], [0], [1], [0, 0, 1, 1], [], []>, transpose_lhs_hint = false} : vector<1000x128xf32>, vector<128x128xf32>, vector<1000x128xf32> -> vector<1000x128xf32>
    %get3A_19 = arith.constant 0 : index
    %get3A_20 = arith.constant 0 : index
    %get3A_21 = vector.load %arg8[%get3A_19, %get3A_20] : memref<1x128xf32, #tpu.memory_space<vmem>>, vector<1x128xf32>
    %add3A = vector.broadcast %get3A_21 : vector<1x128xf32> to vector<1000x128xf32>
    %add3A_22 = arith.addf %dot_general3A_18, %add3A : vector<1000x128xf32>
    %max3A_23 = arith.constant 0.000000e+00 : f32
    %max3A_24 = vector.broadcast %max3A_23 : f32 to vector<1000x128xf32>
    %max3A_25 = arith.maximumf %add3A_22, %max3A_24 : vector<1000x128xf32>
    %get3A_26 = arith.constant 0 : index
    %get3A_27 = arith.constant 0 : index
    %get3A_28 = vector.load %arg3[%get3A_26, %get3A_27] : memref<1000x1xi32, #tpu.memory_space<vmem>>, vector<1000x1xi32>
    %eq3A_29 = vector.broadcast %get3A_28 : vector<1000x1xi32> to vector<1000x64xi32>
    %eq3A_30 = arith.cmpi eq, %eq3A_29, %iota3A : vector<1000x64xi32>
    %convert_element_type3A_31 = arith.extui %eq3A_30 : vector<1000x64xi1> to vector<1000x64xi32>
    %convert_element_type3A_32 = arith.sitofp %convert_element_type3A_31 : vector<1000x64xi32> to vector<1000x64xf32>
    %get3A_33 = arith.constant 0 : index
    %get3A_34 = arith.constant 0 : index
    %get3A_35 = vector.load %arg18[%get3A_33, %get3A_34] : memref<64x128xf32, #tpu.memory_space<vmem>>, vector<64x128xf32>
    %dot_general3A_36 = arith.constant dense<0.000000e+00> : vector<64x128xf32>
    %dot_general3A_37 = tpu.matmul %convert_element_type3A_32, %max3A_25, %dot_general3A_36 {dimension_numbers = #tpu.dot_dimension_numbers<[0], [0], [1], [1], [0, 1, 1, 1], [], []>, transpose_lhs_hint = false} : vector<1000x64xf32>, vector<1000x128xf32>, vector<64x128xf32> -> vector<64x128xf32>
    %add3A_38 = arith.addf %get3A_35, %dot_general3A_37 : vector<64x128xf32>
    %swap3A = arith.constant 0 : index
    %swap3A_39 = arith.constant 0 : index
    %swap3A_40 = vector.load %arg18[%swap3A, %swap3A_39] : memref<64x128xf32, #tpu.memory_space<vmem>>, vector<64x128xf32>
    tpu.vector_store %arg18[%swap3A, %swap3A_39], %add3A_38 {strides = array<i32>} : memref<64x128xf32, #tpu.memory_space<vmem>>, vector<64x128xf32>,
    %get3A_41 = arith.constant 0 : index
    %get3A_42 = arith.constant 0 : index
    %get3A_43 = vector.load %arg19[%get3A_41, %get3A_42] : memref<64x1xf32, #tpu.memory_space<vmem>>, vector<64x1xf32>
    %dot_general3A_44 = arith.constant dense<0.000000e+00> : vector<64x1xf32>
    %dot_general3A_45 = tpu.matmul %convert_element_type3A_32, %broadcast_in_dim3A_2, %dot_general3A_44 {dimension_numbers = #tpu.dot_dimension_numbers<[0], [0], [1], [1], [0, 1, 1, 1], [], []>, transpose_lhs_hint = false} : vector<1000x64xf32>, vector<1000x1xf32>, vector<64x1xf32> -> vector<64x1xf32>
    %add3A_46 = arith.addf %get3A_43, %dot_general3A_45 : vector<64x1xf32>
    %swap3A_47 = arith.constant 0 : index
    %swap3A_48 = arith.constant 0 : index
    %swap3A_49 = vector.load %arg19[%swap3A_47, %swap3A_48] : memref<64x1xf32, #tpu.memory_space<vmem>>, vector<64x1xf32>
    tpu.vector_store %arg19[%swap3A_47, %swap3A_48], %add3A_46 {strides = array<i32>} : memref<64x1xf32, #tpu.memory_space<vmem>>, vector<64x1xf32>,
    %get3A_50 = arith.constant 0 : index
    %get3A_51 = arith.constant 0 : index
    %get3A_52 = vector.load %arg5[%get3A_50, %get3A_51] : memref<1000x16xf32, #tpu.memory_space<vmem>>, vector<1000x16xf32>
    %reduce_max3A_53 = arith.constant dense<0xFF800000> : vector<1000xf32>
    %reduce_max3A_54 = vector.multi_reduction <maximumf>, %get3A_52, %reduce_max3A_53 [1] : vector<1000x16xf32> to vector<1000xf32>
    %broadcast_in_dim3A_55 = vector.shape_cast %reduce_max3A_54 : vector<1000xf32> to vector<1000x1xf32>
    %max3A_56 = arith.constant 1.000000e+00 : f32
    %max3A_57 = vector.broadcast %max3A_56 : f32 to vector<1000x1xf32>
    %max3A_58 = arith.maximumf %broadcast_in_dim3A_55, %max3A_57 : vector<1000x1xf32>
    %div3A_59 = arith.constant 1.000000e+00 : f32
    %div3A_60 = vector.broadcast %div3A_59 : f32 to vector<1000x1xf32>
    %div3A_61 = arith.divf %div3A_60, %max3A_58 : vector<1000x1xf32>
    %get3A_62 = arith.constant 0 : index
    %get3A_63 = arith.constant 0 : index
    %get3A_64 = vector.load %arg4[%get3A_62, %get3A_63] : memref<1000x128xf32, #tpu.memory_space<vmem>>, vector<1000x128xf32>
    %mul3A_65 = vector.broadcast %div3A_61 : vector<1000x1xf32> to vector<1000x128xf32>
    %mul3A_66 = arith.mulf %get3A_64, %mul3A_65 : vector<1000x128xf32>
    %get3A_67 = arith.constant 0 : index
    %get3A_68 = arith.constant 0 : index
    %get3A_69 = vector.load %arg9[%get3A_67, %get3A_68] : memref<128x128xf32, #tpu.memory_space<vmem>>, vector<128x128xf32>
    %dot_general3A_70 = arith.constant dense<0.000000e+00> : vector<1000x128xf32>
    %dot_general3A_71 = tpu.matmul %mul3A_66, %get3A_69, %dot_general3A_70 {dimension_numbers = #tpu.dot_dimension_numbers<[1], [0], [0], [1], [0, 0, 1, 1], [], []>, transpose_lhs_hint = false} : vector<1000x128xf32>, vector<128x128xf32>, vector<1000x128xf32> -> vector<1000x128xf32>
    %get3A_72 = arith.constant 0 : index
    %get3A_73 = arith.constant 0 : index
    %get3A_74 = vector.load %arg10[%get3A_72, %get3A_73] : memref<1x128xf32, #tpu.memory_space<vmem>>, vector<1x128xf32>
    %add3A_75 = vector.broadcast %get3A_74 : vector<1x128xf32> to vector<1000x128xf32>
    %add3A_76 = arith.addf %dot_general3A_71, %add3A_75 : vector<1000x128xf32>
    %max3A_77 = arith.constant 0.000000e+00 : f32
    %max3A_78 = vector.broadcast %max3A_77 : f32 to vector<1000x128xf32>
    %max3A_79 = arith.maximumf %add3A_76, %max3A_78 : vector<1000x128xf32>
    %get3A_80 = arith.constant 0 : index
    %get3A_81 = arith.constant 0 : index
    %get3A_82 = vector.load %arg6[%get3A_80, %get3A_81] : memref<1000x1xi32, #tpu.memory_space<vmem>>, vector<1000x1xi32>
    %eq3A_83 = vector.broadcast %get3A_82 : vector<1000x1xi32> to vector<1000x64xi32>
    %eq3A_84 = arith.cmpi eq, %eq3A_83, %iota3A : vector<1000x64xi32>
    %convert_element_type3A_85 = arith.extui %eq3A_84 : vector<1000x64xi1> to vector<1000x64xi32>
    %convert_element_type3A_86 = arith.sitofp %convert_element_type3A_85 : vector<1000x64xi32> to vector<1000x64xf32>
    %get3A_87 = arith.constant 0 : index
    %get3A_88 = arith.constant 0 : index
    %get3A_89 = vector.load %arg20[%get3A_87, %get3A_88] : memref<64x128xf32, #tpu.memory_space<vmem>>, vector<64x128xf32>
    %dot_general3A_90 = arith.constant dense<0.000000e+00> : vector<64x128xf32>
    %dot_general3A_91 = tpu.matmul %convert_element_type3A_86, %max3A_79, %dot_general3A_90 {dimension_numbers = #tpu.dot_dimension_numbers<[0], [0], [1], [1], [0, 1, 1, 1], [], []>, transpose_lhs_hint = false} : vector<1000x64xf32>, vector<1000x128xf32>, vector<64x128xf32> -> vector<64x128xf32>
    %add3A_92 = arith.addf %get3A_89, %dot_general3A_91 : vector<64x128xf32>
    %swap3A_93 = arith.constant 0 : index
    %swap3A_94 = arith.constant 0 : index
    %swap3A_95 = vector.load %arg20[%swap3A_93, %swap3A_94] : memref<64x128xf32, #tpu.memory_space<vmem>>, vector<64x128xf32>
    tpu.vector_store %arg20[%swap3A_93, %swap3A_94], %add3A_92 {strides = array<i32>} : memref<64x128xf32, #tpu.memory_space<vmem>>, vector<64x128xf32>,
    %get3A_96 = arith.constant 0 : index
    %get3A_97 = arith.constant 0 : index
    %get3A_98 = vector.load %arg21[%get3A_96, %get3A_97] : memref<64x1xf32, #tpu.memory_space<vmem>>, vector<64x1xf32>
    %dot_general3A_99 = arith.constant dense<0.000000e+00> : vector<64x1xf32>
    %dot_general3A_100 = tpu.matmul %convert_element_type3A_86, %broadcast_in_dim3A_2, %dot_general3A_99 {dimension_numbers = #tpu.dot_dimension_numbers<[0], [0], [1], [1], [0, 1, 1, 1], [], []>, transpose_lhs_hint = false} : vector<1000x64xf32>, vector<1000x1xf32>, vector<64x1xf32> -> vector<64x1xf32>
    %add3A_101 = arith.addf %get3A_98, %dot_general3A_100 : vector<64x1xf32>
    %swap3A_102 = arith.constant 0 : index
    %swap3A_103 = arith.constant 0 : index
    %swap3A_104 = vector.load %arg21[%swap3A_102, %swap3A_103] : memref<64x1xf32, #tpu.memory_space<vmem>>, vector<64x1xf32>
    tpu.vector_store %arg21[%swap3A_102, %swap3A_103], %add3A_101 {strides = array<i32>} : memref<64x1xf32, #tpu.memory_space<vmem>>, vector<64x1xf32>,
    %eq3A_105 = arith.constant 9 : i32
    %eq3A_106 = arith.cmpi eq, %arg0, %eq3A_105 : i32
    %convert_element_type3A_107 = arith.extui %eq3A_106 : i1 to i32
    %cond3A_108 = arith.constant 0 : i32
    %cond3A_109 = arith.cmpi ne, %convert_element_type3A_107, %cond3A_108 : i32
    scf.if %cond3A_109 {
      %get3A_110 = arith.constant 0 : index
      %get3A_111 = arith.constant 0 : index
      %get3A_112 = vector.load %arg18[%get3A_110, %get3A_111] : memref<64x128xf32, #tpu.memory_space<vmem>>, vector<64x128xf32>
      %get3A_113 = arith.constant 0 : index
      %get3A_114 = arith.constant 0 : index
      %get3A_115 = vector.load %arg19[%get3A_113, %get3A_114] : memref<64x1xf32, #tpu.memory_space<vmem>>, vector<64x1xf32>
      %max3A_116 = arith.constant 1.000000e+00 : f32
      %max3A_117 = vector.broadcast %max3A_116 : f32 to vector<64x1xf32>
      %max3A_118 = arith.maximumf %get3A_115, %max3A_117 : vector<64x1xf32>
      %div3A_119 = vector.broadcast %max3A_118 : vector<64x1xf32> to vector<64x128xf32>
      %div3A_120 = arith.divf %get3A_112, %div3A_119 : vector<64x128xf32>
      %get3A_121 = arith.constant 0 : index
      %get3A_122 = arith.constant 0 : index
      %get3A_123 = vector.load %arg20[%get3A_121, %get3A_122] : memref<64x128xf32, #tpu.memory_space<vmem>>, vector<64x128xf32>
      %get3A_124 = arith.constant 0 : index
      %get3A_125 = arith.constant 0 : index
      %get3A_126 = vector.load %arg21[%get3A_124, %get3A_125] : memref<64x1xf32, #tpu.memory_space<vmem>>, vector<64x1xf32>
      %max3A_127 = arith.constant 1.000000e+00 : f32
      %max3A_128 = vector.broadcast %max3A_127 : f32 to vector<64x1xf32>
      %max3A_129 = arith.maximumf %get3A_126, %max3A_128 : vector<64x1xf32>
      %div3A_130 = vector.broadcast %max3A_129 : vector<64x1xf32> to vector<64x128xf32>
      %div3A_131 = arith.divf %get3A_123, %div3A_130 : vector<64x128xf32>
      %get3A_132 = arith.constant 0 : index
      %get3A_133 = arith.constant 0 : index
      %get3A_134 = vector.load %arg11[%get3A_132, %get3A_133] : memref<128x64xf32, #tpu.memory_space<vmem>>, vector<128x64xf32>
      %dot_general3A_135 = arith.constant dense<0.000000e+00> : vector<64x64xf32>
      %dot_general3A_136 = tpu.matmul %div3A_120, %get3A_134, %dot_general3A_135 {dimension_numbers = #tpu.dot_dimension_numbers<[1], [0], [0], [1], [0, 0, 1, 1], [], []>, transpose_lhs_hint = false} : vector<64x128xf32>, vector<128x64xf32>, vector<64x64xf32> -> vector<64x64xf32>
      %get3A_137 = arith.constant 0 : index
      %get3A_138 = arith.constant 0 : index
      %get3A_139 = vector.load %arg12[%get3A_137, %get3A_138] : memref<128x64xf32, #tpu.memory_space<vmem>>, vector<128x64xf32>
      %dot_general3A_140 = arith.constant dense<0.000000e+00> : vector<64x64xf32>
      %dot_general3A_141 = tpu.matmul %div3A_131, %get3A_139, %dot_general3A_140 {dimension_numbers = #tpu.dot_dimension_numbers<[1], [0], [0], [1], [0, 0, 1, 1], [], []>, transpose_lhs_hint = false} : vector<64x128xf32>, vector<128x64xf32>, vector<64x64xf32> -> vector<64x64xf32>
      %add3A_142 = arith.addf %dot_general3A_136, %dot_general3A_141 : vector<64x64xf32>
      %get3A_143 = arith.constant 0 : index
      %get3A_144 = arith.constant 0 : index
      %get3A_145 = vector.load %arg13[%get3A_143, %get3A_144] : memref<1x64xf32, #tpu.memory_space<vmem>>, vector<1x64xf32>
      %add3A_146 = vector.broadcast %get3A_145 : vector<1x64xf32> to vector<64x64xf32>
      %add3A_147 = arith.addf %add3A_142, %add3A_146 : vector<64x64xf32>
      %max3A_148 = arith.constant 0.000000e+00 : f32
      %max3A_149 = vector.broadcast %max3A_148 : f32 to vector<64x64xf32>
      %max3A_150 = arith.maximumf %add3A_147, %max3A_149 : vector<64x64xf32>
      %swap3A_151 = arith.constant 0 : index
      %swap3A_152 = arith.constant 0 : index
      %swap3A_153 = vector.load %arg17[%swap3A_151, %swap3A_152] : memref<64x64xf32, #tpu.memory_space<vmem>>, vector<64x64xf32>
      tpu.vector_store %arg17[%swap3A_151, %swap3A_152], %max3A_150 {strides = array<i32>} : memref<64x64xf32, #tpu.memory_space<vmem>>, vector<64x64xf32>,
      %get3A_154 = arith.constant 0 : index
      %get3A_155 = arith.constant 0 : index
      %get3A_156 = vector.load %arg14[%get3A_154, %get3A_155] : memref<64x16xf32, #tpu.memory_space<vmem>>, vector<64x16xf32>
      %dot_general3A_157 = arith.constant dense<0.000000e+00> : vector<64x16xf32>
      %dot_general3A_158 = tpu.matmul %max3A_150, %get3A_156, %dot_general3A_157 {dimension_numbers = #tpu.dot_dimension_numbers<[1], [0], [0], [1], [0, 0, 1, 1], [], []>, transpose_lhs_hint = false} : vector<64x64xf32>, vector<64x16xf32>, vector<64x16xf32> -> vector<64x16xf32>
      %get3A_159 = arith.constant 0 : index
      %get3A_160 = arith.constant 0 : index
      %get3A_161 = vector.load %arg15[%get3A_159, %get3A_160] : memref<1x16xf32, #tpu.memory_space<vmem>>, vector<1x16xf32>
      %add3A_162 = vector.broadcast %get3A_161 : vector<1x16xf32> to vector<64x16xf32>
      %add3A_163 = arith.addf %dot_general3A_158, %add3A_162 : vector<64x16xf32>
      %swap3A_164 = arith.constant 0 : index
      %swap3A_165 = arith.constant 0 : index
      %swap3A_166 = vector.load %arg16[%swap3A_164, %swap3A_165] : memref<64x16xf32, #tpu.memory_space<vmem>>, vector<64x16xf32>
      tpu.vector_store %arg16[%swap3A_164, %swap3A_165], %add3A_163 {strides = array<i32>} : memref<64x16xf32, #tpu.memory_space<vmem>>, vector<64x16xf32>,
    } else {
    }
    return
  }
  func.func @transform_0(%arg0: i32) -> (i32, i32) {
    %c0_i32 = arith.constant 0 : i32
    %c0_i32_0 = arith.constant 0 : i32
    return %arg0, %c0_i32 : i32, i32
  }
  func.func @transform_1(%arg0: i32) -> (i32, i32) {
    %c0_i32 = arith.constant 0 : i32
    %c0_i32_0 = arith.constant 0 : i32
    return %arg0, %c0_i32 : i32, i32
  }
  func.func @transform_2(%arg0: i32) -> (i32, i32) {
    %c0_i32 = arith.constant 0 : i32
    %c0_i32_0 = arith.constant 0 : i32
    return %arg0, %c0_i32 : i32, i32
  }
  func.func @transform_3(%arg0: i32) -> (i32, i32) {
    %c0_i32 = arith.constant 0 : i32
    %c0_i32_0 = arith.constant 0 : i32
    return %arg0, %c0_i32 : i32, i32
  }
  func.func @transform_4(%arg0: i32) -> (i32, i32) {
    %c0_i32 = arith.constant 0 : i32
    %c0_i32_0 = arith.constant 0 : i32
    return %arg0, %c0_i32 : i32, i32
  }
  func.func @transform_5(%arg0: i32) -> (i32, i32) {
    %c0_i32 = arith.constant 0 : i32
    %c0_i32_0 = arith.constant 0 : i32
    return %arg0, %c0_i32 : i32, i32
  }
  func.func @transform_6(%arg0: i32) -> (i32, i32) {
    %c0_i32 = arith.constant 0 : i32
    %c0_i32_0 = arith.constant 0 : i32
    %c0_i32_1 = arith.constant 0 : i32
    return %c0_i32, %c0_i32_0 : i32, i32
  }
  func.func @transform_7(%arg0: i32) -> (i32, i32) {
    %c0_i32 = arith.constant 0 : i32
    %c0_i32_0 = arith.constant 0 : i32
    %c0_i32_1 = arith.constant 0 : i32
    return %c0_i32, %c0_i32_0 : i32, i32
  }
  func.func @transform_8(%arg0: i32) -> (i32, i32) {
    %c0_i32 = arith.constant 0 : i32
    %c0_i32_0 = arith.constant 0 : i32
    %c0_i32_1 = arith.constant 0 : i32
    return %c0_i32, %c0_i32_0 : i32, i32
  }
  func.func @transform_9(%arg0: i32) -> (i32, i32) {
    %c0_i32 = arith.constant 0 : i32
    %c0_i32_0 = arith.constant 0 : i32
    %c0_i32_1 = arith.constant 0 : i32
    return %c0_i32, %c0_i32_0 : i32, i32
  }
  func.func @transform_10(%arg0: i32) -> (i32, i32) {
    %c0_i32 = arith.constant 0 : i32
    %c0_i32_0 = arith.constant 0 : i32
    %c0_i32_1 = arith.constant 0 : i32
    return %c0_i32, %c0_i32_0 : i32, i32
  }
  func.func @transform_11(%arg0: i32) -> (i32, i32) {
    %c0_i32 = arith.constant 0 : i32
    %c0_i32_0 = arith.constant 0 : i32
    %c0_i32_1 = arith.constant 0 : i32
    return %c0_i32, %c0_i32_0 : i32, i32
  }
  func.func @transform_12(%arg0: i32) -> (i32, i32) {
    %c0_i32 = arith.constant 0 : i32
    %c0_i32_0 = arith.constant 0 : i32
    %c0_i32_1 = arith.constant 0 : i32
    return %c0_i32, %c0_i32_0 : i32, i32
  }
  func.func @transform_13(%arg0: i32) -> (i32, i32) {
    %c0_i32 = arith.constant 0 : i32
    %c0_i32_0 = arith.constant 0 : i32
    %c0_i32_1 = arith.constant 0 : i32
    return %c0_i32, %c0_i32_0 : i32, i32
  }
  func.func @transform_14(%arg0: i32) -> (i32, i32) {
    %c0_i32 = arith.constant 0 : i32
    %c0_i32_0 = arith.constant 0 : i32
    %c0_i32_1 = arith.constant 0 : i32
    return %c0_i32, %c0_i32_0 : i32, i32
  }
  func.func @transform_15(%arg0: i32) -> (i32, i32) {
    %c0_i32 = arith.constant 0 : i32
    %c0_i32_0 = arith.constant 0 : i32
    %c0_i32_1 = arith.constant 0 : i32
    return %c0_i32, %c0_i32_0 : i32, i32
  }
  func.func @transform_16(%arg0: i32) -> (i32, i32) {
    %c0_i32 = arith.constant 0 : i32
    %c0_i32_0 = arith.constant 0 : i32
    %c0_i32_1 = arith.constant 0 : i32
    return %c0_i32, %c0_i32_0 : i32, i32
  }
}

</mosaic_0001>

<sc_bundles>
// kernel: kernel.4.cloned.1.call-start
scs
__scs_entry_jumppad:
0x0: {  	(pc) =	sbr.rel $0x88, $3  }
0x1: {  	(tag) =	ssettag $0x0;
	lr =	simm.s32 $0x1  }
0x2: {  	[smem:$0x3F93] =	sst lr;
	_ =	strace $0xD0000000  }
0x3: {  	_ = 	snop  }
0x4: {  	_ = 	snop  }
0x5: {  	_ = 	snop  }
0x6: {  	_ = 	snop  }
0x7: {  	_ = 	snop  }
__scs_overlays_trampoline_lowered:
0x8: {  	[smem:$0x3FA2] =	sst s0  }
0x9: {  	[smem:$0x3FA3] =	sst s1  }
0xa: {  	[smem:$0x3FA4] =	sst s2  }
0xb: {  	[smem:$0x3FA5] =	sst s3  }
0xc: {  	[smem:$0x3FA6] =	sst s4  }
0xd: {  	[smem:$0x3FA7] =	sst s5  }
0xe: {  	[smem:$0x3FA8] =	sst s6  }
0xf: {  	[smem:$0x3FA9] =	sst s7  }
0x10: {  	[smem:$0x3FAA] =	sst s8  }
0x11: {  	[smem:$0x3FAB] =	sst s9;
	s0 =	simm.s32 @!p0 $0x0  }
0x12: {  	s1 =	sld [smem:$0x3F91];
	s0 =	simm.s32 @p0 $0x1  }
0x13: {  	[smem:$0x3FAC] =	sst s0;
	s0 =	simm.s32 @!p1 $0x0  }
0x14: {  	s2 =	sld [smem:$0x3F90];
	s0 =	simm.s32 @p1 $0x1  }
0x15: {  	[smem:$0x3FAD] =	sst s0;
	s0 =	simm.s32 @!p2 $0x0  }
0x16: {  	s3 =	sld [smem:$0x3FDB];
	s0 =	simm.s32 @p2 $0x1  }
0x17: {  	s4 =	simm.s32 $0x1BF5;
	[smem:$0x3FAF] =	sst s0  }
0x18: {  	s0 =	sld [smem:$0x3F92];
	_ =	swait.ge [sflag:s4], $0x0  }
0x19: {  	s7 =	sld [smem:$0x3F93]  }
0x1a: {  	s8 =	sadd.s32 $0xFFFFE003, lr  }
0x1b: {  	s9 =	sadd.s32 $0xFFFFFEF7, lr;
	s5 =	simm.s32 $0xFFFFFFFF;
	p2 =	slt.u32 s8, $0xFFFFF086  }
0x1c: {  	p1 =	slt.u32 s9, $0xF7A;
	s5 =	simm.s32 @!p2 $0x0  }
0x1d: {  	s5 =	simm.s32 @p1 $0x1;
	p0 =	seq.s32 s7, s2  }
0x1e: {  	s7 =	smul.u32 @!p0 $0xF7A, s2;
	p2 =	seq.s32 @!p0 s5, $0x0  }
0x1f: {  	s9 =	smul.u32 $0xF7A, s1;
	s8 =	simm.s32 @!p0 $0x1BF5;
	p2 =	por !p2, p0  }
0x20: {  	[sflag:s8] =	ssyncset.s32 @!p0 $0xFFFFF086;
	s6 =	sadd.s32 @!p0 s3, s7;
	s7 =	simm.s32 @!p0 $0x108  }
0x21: {  	s3 =	sadd.s32 s3, s9;
	s6 =	sadd.s32 @!p0 $0x88, s6;
	s7 =	simm.s32 @p2 $0x1082  }
0x22: {  	[simem:s7], [sflag:s8] =	dma.local @!p0 [hbm:s6], $0xF7A  }
0x23: {  	s9 =	sor.u32 $0xD0000000, s2;
	s6 =	simm.s32 $0x108;
	_ =	swait.ge @!p0 [sflag:s8], $0x0  }
0x24: {  	s3 =	sadd.s32 $0x88, s3;
	s6 =	simm.s32 @!p1 $0x1082;
	[sflag:s4] =	ssyncset.s32 $0xFFFFF086  }
0x25: {  	[simem:s6], [sflag:s4] =	dma.local [hbm:s3], $0xF7A  }
0x26: {  	[smem:$0x3F93] =	sst s1;
	(tag) =	ssettag s2;
	_ =	strace s9  }
0x27: {  	s1 =	sld [smem:$0x3FA3]  }
0x28: {  	s2 =	sld [smem:$0x3FA4]  }
0x29: {  	s4 =	sld [smem:$0x3FA6]  }
0x2a: {  	p0 =	seq.s32 s5, $0x0;
	s5 =	sld [smem:$0x3FA7]  }
0x2b: {  	s6 =	sld [smem:$0x3FA8]  }
0x2c: {  	s7 =	sld [smem:$0x3FA9]  }
0x2d: {  	s3 =	simm.s32 $0x108;
	s8 =	sld [smem:$0x3FAA]  }
0x2e: {  	s3 =	simm.s32 @!p0 $0x1082;
	s9 =	sld [smem:$0x3FAB]  }
0x2f: {  	lr =	sadd.s32 s0, s3;
	s0 =	sld [smem:$0x3FA2]  }
0x30: {  	s3 =	sld [smem:$0x3FA5]  }
0x31: {  	[smem:$0x3FAE] =	sst s10  }
0x32: {  	s10 =	sld [smem:$0x3FAC];
	_ =	sdelay $0x3  }
0x33: {  	p0 =	seq.s32 s10, $0x1;
	s10 =	sld [smem:$0x3FAE];
	_ =	sdelay $0x3  }
0x34: {  	[smem:$0x3FAE] =	sst s10  }
0x35: {  	s10 =	sld [smem:$0x3FAD];
	_ =	sdelay $0x3  }
0x36: {  	p1 =	seq.s32 s10, $0x1;
	s10 =	sld [smem:$0x3FAE];
	_ =	sdelay $0x3  }
0x37: {  	[smem:$0x3FAE] =	sst s10  }
0x38: {  	s10 =	sld [smem:$0x3FAF]  }
0x39: {  	_ = 	snop;
	(pc) =	sbr.ind lr, $3  }
0x3a: {  	_ = 	snop  }
0x3b: {  	_ = 	snop  }
0x3c: {  	p2 =	seq.s32 s10, $0x1;
	s10 =	sld [smem:$0x3FAE]  }
0x3d: {  	_ =	shalt  }
0x3e: {  	_ =	shalt  }
0x3f: {  	_ =	shalt  }
0x40: {  	_ =	shalt  }
0x41: {  	_ =	shalt  }
0x42: {  	_ =	shalt  }
0x43: {  	_ =	shalt  }
0x44: {  	_ =	shalt  }
0x45: {  	_ =	shalt  }
0x46: {  	_ =	shalt  }
0x47: {  	_ =	shalt  }
0x48: {  	_ =	shalt  }
0x49: {  	_ =	shalt  }
0x4a: {  	_ =	shalt  }
0x4b: {  	_ =	shalt  }
0x4c: {  	_ =	shalt  }
0x4d: {  	_ =	shalt  }
0x4e: {  	_ =	shalt  }
0x4f: {  	_ =	shalt  }
0x50: {  	_ =	shalt  }
0x51: {  	_ =	shalt  }
0x52: {  	_ =	shalt  }
0x53: {  	_ =	shalt  }
0x54: {  	_ =	shalt  }
0x55: {  	_ =	shalt  }
0x56: {  	_ =	shalt  }
0x57: {  	_ =	shalt  }
0x58: {  	_ =	shalt  }
0x59: {  	_ =	shalt  }
0x5a: {  	_ =	shalt  }
0x5b: {  	_ =	shalt  }
0x5c: {  	_ =	shalt  }
0x5d: {  	_ =	shalt  }
0x5e: {  	_ =	shalt  }
0x5f: {  	_ =	shalt  }
0x60: {  	_ =	shalt  }
0x61: {  	_ =	shalt  }
0x62: {  	_ =	shalt  }
0x63: {  	_ =	shalt  }
0x64: {  	_ =	shalt  }
0x65: {  	_ =	shalt  }
0x66: {  	_ =	shalt  }
0x67: {  	_ =	shalt  }
0x68: {  	_ =	shalt  }
0x69: {  	_ =	shalt  }
0x6a: {  	_ =	shalt  }
0x6b: {  	_ =	shalt  }
0x6c: {  	_ =	shalt  }
0x6d: {  	_ =	shalt  }
0x6e: {  	_ =	shalt  }
0x6f: {  	_ =	shalt  }
0x70: {  	_ =	shalt  }
0x71: {  	_ =	shalt  }
0x72: {  	_ =	shalt  }
0x73: {  	_ =	shalt  }
0x74: {  	_ =	shalt  }
0x75: {  	_ =	shalt  }
0x76: {  	_ =	shalt  }
0x77: {  	_ =	shalt  }
0x78: {  	_ =	shalt  }
0x79: {  	_ =	shalt  }
0x7a: {  	_ =	shalt  }
0x7b: {  	_ =	shalt  }
0x7c: {  	_ =	shalt  }
0x7d: {  	_ =	shalt  }
0x7e: {  	_ =	shalt  }
0x7f: {  	_ =	shalt  }
0x80: {  	_ =	shalt  }
0x81: {  	_ =	shalt  }
0x82: {  	_ =	shalt  }
0x83: {  	_ =	shalt  }
0x84: {  	_ =	shalt  }
0x85: {  	_ =	shalt  }
0x86: {  	_ =	shalt  }
0x87: {  	_ =	shalt  }
.Lfunc_end0:
.L_simem_size_0:
called_computation_lowered:
.L_overlay_start_0:
0x88: {  	s2 =	sld [smem:$0x3FD9]  }
0x89: {  	s3 =	sld [smem:$0x3FFE];
	_ =	sdelay $0x1  }
0x8a: {  	s1 =	srdreg.scid  }
0x8b: {  	s0 =	sand.u32 $0x1, s1  }
0x8c: {  	s14 =	sshll.u32 s0, $0xA;
	s2 =	sadd.s32 s3, s2  }
0x8d: {  	s2 =	sadd.s32 s2, s14  }
0x8e: {  	[smem:$0x3FBA] =	sst s2  }
0x8f: {  	_ = 	snop  }
0x90: {  	s2 =	sld [smem:$0x3FD0];
	_ =	sdelay $0x1  }
0x91: {  	s15 =	sld [smem:$0x3FC9]  }
0x92: {  	s5 =	simm.s32 $0xA;
	s6 =	simm.s32 $0x10;
	s4 =	sld [smem:$0x3FC6]  }
0x93: {  	[smem:s6], [sflag:s5] =	dma.local [hbm:s2], $0x1  }
0x94: {  	_ =	swait.eq [sflag:s5], $0x1  }
0x95: {  	[sflag:s5] =	ssyncset.done $0x0  }
0x96: {  	[sflag:s5] =	ssyncadd.s32 $0xFFFFFFFF  }
0x97: {  	s16 =	sld [smem:$0x10];
	(tm) =	ssettm $0x1  }
0x98: {  	s17 =	sld [smem:$0x3FFB];
	_ =	sdelay $0x3  }
0x99: {  	_ =	strace s17  }
0x9a: {  	s5 =	sld [smem:$0x3FFC];
	_ =	sdelay $0x3  }
0x9b: {  	_ =	strace s5  }
0x9c: {  	s5 =	sld [smem:$0x3FFD];
	_ =	sdelay $0x3  }
0x9d: {  	_ =	strace s5  }
0x9e: {  	_ =	strace $0x8FFFFFFF  }
0x9f: {  	s18 =	sld [smem:$0x3FDB];
	_ =	sdelay $0x1  }
0xa0: {  	s19 =	simm.s32 $_scs_section_size  }
0xa1: {  	s7 =	simm.s32 $_size__tile_overlayer_lowered;
	s8 =	simm.s32 $_tile_overlayer_lowered  }
0xa2: {  	s22 =	simm.s32 $0x1BFF;
	s21 =	sshll.u32 s8, $0x1;
	s5 =	sadd.s32 s19, s18  }
0xa3: {  	s9 =	simm.s32 $0x0;
	s20 =	sshll.u32 s7, $0x1;
	s7 =	sadd.s32 s21, s5  }
0xa4: {  	[timem:s9], [sflag:s22] =	dma.local [hbm:s7], s20  }
0xa5: {  	_ =	swait.ge [sflag:s22], s20  }
0xa6: {  	s6 =	ssub.s32 $0x0, s20;
	[sflag:s22] =	ssyncset.done $0x0  }
0xa7: {  	[sflag:s22] =	ssyncadd.s32 s6;
	_ =	sdelay $0x1  }
0xa8: {  	s23 =	simm.s32 $0x1B8B  }
0xa9: {  	_ =	swait.ge [sflag:s23], $0x1  }
0xaa: {  	[sflag:s23] =	ssyncset.done $0x0  }
0xab: {  	s25 =	simm.s32 $0x1B8E;
	s24 =	sld [smem:$0x3FFE];
	[sflag:s23] =	ssyncadd.s32 $0xFFFFFFFF  }
0xac: {  	s26 =	simm.s32 $execute0_lowered;
	[smem:$0x3FD2] =	sst s25  }
0xad: {  	s7 =	sshll.u32 s26, $0x1;
	_ =	strace $0x80000046;
	[dreg:$0x1] =	wrdreg $0xFFFFFFFF  }
0xae: {  	s28 =	simm.s32 $_size_execute0_lowered;
	s5 =	sadd.s32 s5, s7;
	[dreg:$0x0] =	wrdreg $0x0  }
0xaf: {  	s7 =	sshll.u32 s28, $0x1;
	[dreg:$0x2] =	wrdreg s5  }
0xb0: {  	[dreg:$0x3] =	wrdreg s7  }
0xb1: {  	[dreg:$0x4] =	wrdreg $0xC0  }
0xb2: {  	_ =	task [dreg:s9], $0x5FFFF  }
0xb3: {  	[dreg:$0x1] =	wrdreg $0xFFFFFFFF  }
0xb4: {  	[dreg:$0x0] =	wrdreg $0x60  }
0xb5: {  	[dreg:$0x2] =	wrdreg s15  }
0xb6: {  	[dreg:$0x3] =	wrdreg s24  }
0xb7: {  	[dreg:$0x4] =	wrdreg s4  }
0xb8: {  	[dreg:$0x5] =	wrdreg s16  }
0xb9: {  	[dreg:$0x6] =	wrdreg $0x8A000  }
0xba: {  	[dreg:$0x7] =	wrdreg $0x1C2800  }
0xbb: {  	[dreg:$0x8] =	wrdreg $0x9  }
0xbc: {  	_ =	task.clear_ibuf [dreg:s9], $0x9FFFF;
	_ =	strace $0x90000046  }
0xbd: {  	s29 =	simm.s32 $0x9;
	_ =	strace $0x80000048  }
0xbe: {  	_ =	swait.ge [sflag:s29], $0x1  }
0xbf: {  	[sflag:s29] =	ssyncadd.s32 $0xFFFFFFFF  }
0xc0: {  	_ =	strace $0x90000048  }
0xc1: {  	_ =	sfence  }
0xc2: {  	s30 =	sld [smem:$0x0];
	_ =	sdelay $0x2  }
0xc3: {  	s31 =	sshll.u32 s1, $0xD;
	s1 =	sshrl.u32 s1, $0x2  }
0xc4: {  	s3 =	sand.u32 $0x4000, s31;
	s1 =	sadd.s32 s1, s30  }
0xc5: {  	s0 =	sor.u32 s3, s0;
	s1 =	sshll.u32 s1, $0x11  }
0xc6: {  	s0 =	sor.u32 s1, s0  }
0xc7: {  	s0 =	sadd.s32 $0x8F2B, s0  }
0xc8: {  	[sflag:s0] =	ssyncadd.remote.s32 $0x1  }
0xc9: {  	_ =	sfence.sel $0xFFFF  }
0xca: {  	[dreg:$0x0] =	wrdreg $0xFFFFFFFF;
	(pc) =	sbr.abs _section_cstart, $3  }
0xcb: {  	[dreg:$0x1] =	wrdreg $0xFFFFFFFF  }
0xcc: {  	_ =	task.clear_ibuf [dreg:s9], $0x2FFFF;
	_ =	strace $0x9FFFFFFF  }
0xcd: {  	(tm) =	ssettm $0x7FFFFFFF  }
tec
execute0_lowered:
.L_overlay_start_1:
0x0: {  	(tag) =	ssettag $0x1  }
0x1: {  	s1 =	rddreg [dreg:$0x0]  }
0x2: {  	s0 =	rddreg [dreg:$0x1]  }
0x3: {  	s2 =	rddreg [dreg:$0x2]  }
0x4: {  	s4 =	rddreg [dreg:$0x4]  }
0x5: {  	s5 =	rddreg [dreg:$0x5];
	s6 =	simm.s32 $0x0;
	s13 =	srdreg.scid  }
0x6: {  	s18 =	stileid.u32;
	[smem:$0x7FF] =	sst s6  }
0x7: {  	s16 =	sadd.s32 $0x16200, s0;
	s7 =	sadd.s32 $0x2800, s0;
	s8 =	sadd.s32 $0x29C00, s0  }
0x8: {  	s12 =	sadd.s32 $0x2C400, s0;
	s28 =	sadd.s32 $0x36A00, s0;
	s9 =	smul.u32 $0x270, s18  }
0x9: {  	s29 =	sadd.s32 $0x31A00, s0;
	s30 =	sadd.s32 $0x5DC00, s0;
	s3 =	sadd.s32 $0x2CA00, s0  }
0xa: {  	s17 =	smul.u32 $0x13800, s18;
	_ =	strace $0x80000047;
	[dreg:$0x7] =	wrdreg s8  }
0xb: {  	s22 =	sor.u32 $0x9A0, s18;
	s23 =	sor.u32 $0x9C0, s18;
	[dreg:$0x8] =	wrdreg s12  }
0xc: {  	p3 =	sne.s32 s18, $0xF;
	p4 =	seq.s32 s18, $0xF;
	[dreg:$0x9] =	wrdreg s28  }
0xd: {  	s8 =	sand.u32 $0x1, s13;
	s13 =	sshll.u32 s18, $0x4;
	[dreg:$0xb] =	wrdreg s30  }
0xe: {  	p1 =	slt.u32 s22, $0x9A4;
	p2 =	sgt.u32 s23, $0x9C3;
	[dreg:$0xa] =	wrdreg s29  }
0xf: {  	[dreg:$0xc] =	wrdreg s3;
	s10 =	ssub.s32 $0x2, s8;
	s11 =	sadd.s32 $0x80, s9  }
0x10: {  	p0 =	seq.s32 s8, $0x1;
	s12 =	sadd.s32 $0x100, s9;
	s25 =	sadd.s32 $0x180, s9  }
0x11: {  	s26 =	sadd.s32 $0x200, s9;
	s20 =	sadd.s32 s17, s4;
	s8 =	sshrl.u32 s17, $0x3  }
0x12: {  	s14 =	sshrl.u32 s10, $0x1;
	s15 =	sshll.u32 s11, $0x7;
	s24 =	sshll.u32 s12, $0x7  }
0x13: {  	s21 =	sshll.u32 s25, $0x7;
	s23 =	sshll.u32 s26, $0x7;
	s0 =	ssub.s32 s10, s14  }
0x14: {  	s14 =	sshll.u32 s22, $0x4;
	s9 =	sadd.s32 s21, s4;
	s22 =	smul.u32 $0x2700, s18  }
0x15: {  	s19 =	sadd.s32 s23, s4;
	s23 =	sshll.u32 s26, $0x4;
	[smem:$0x7F4] =	sst s0  }
0x16: {  	s18 =	sadd.s32 $0x138000, s4;
	s0 =	sadd.s32 s15, s4;
	[dreg:$0xf] =	wrdreg s9  }
0x17: {  	s15 =	sadd.s32 s16, s13;
	s10 =	sadd.s32 s14, s16;
	[smem:$0x7F8] =	sst s18  }
0x18: {  	s16 =	sadd.s32 s7, s13;
	s13 =	sshll.u32 s25, $0x1;
	[smem:$0x7FD] =	sst s19  }
0x19: {  	s31 =	sadd.s32 s23, s5;
	[dreg:$0xd] =	wrdreg s0;
	s0 =	sadd.s32 s24, s4  }
0x1a: {  	s21 =	sadd.s32 s22, s5;
	s9 =	sshrl.u32 s22, $0x3;
	[smem:$0x7FC] =	sst s31  }
0x1b: {  	s22 =	sshll.u32 s25, $0x4;
	s24 =	sadd.s32 s28, s8;
	[dreg:$0xe] =	wrdreg s0  }
0x1c: {  	s25 =	sshll.u32 s26, $0x1;
	s26 =	sadd.s32 s30, s8;
	[dreg:$0x10] =	wrdreg s24  }
0x1d: {  	s7 =	sadd.s32 s14, s7;
	[dreg:$0x11] =	wrdreg s26;
	s8 =	sadd.s32 s29, s9  }
0x1e: {  	s14 =	sshll.u32 s11, $0x4;
	s9 =	sadd.s32 s3, s9;
	[dreg:$0x12] =	wrdreg s8  }
0x1f: {  	s17 =	sshll.u32 s12, $0x4;
	s24 =	sadd.s32 s28, s14;
	[dreg:$0x13] =	wrdreg s9  }
0x20: {  	s11 =	sshll.u32 s11, $0x1;
	[dreg:$0x14] =	wrdreg s24;
	s8 =	sadd.s32 s30, s14  }
0x21: {  	s12 =	sshll.u32 s12, $0x1;
	s9 =	sadd.s32 s29, s11;
	[dreg:$0x15] =	wrdreg s8  }
0x22: {  	s26 =	sadd.s32 s14, s5;
	s11 =	sadd.s32 s3, s11;
	[dreg:$0x16] =	wrdreg s9  }
0x23: {  	s0 =	sadd.s32 s17, s5;
	s14 =	sadd.s32 s28, s17;
	[dreg:$0x17] =	wrdreg s11  }
0x24: {  	s24 =	sadd.s32 s30, s17;
	s17 =	sadd.s32 s29, s13;
	[dreg:$0x18] =	wrdreg s14  }
0x25: {  	[dreg:$0x19] =	wrdreg s24;
	s9 =	sadd.s32 s29, s12;
	s11 =	sadd.s32 s3, s12  }
0x26: {  	s24 =	sadd.s32 s22, s5;
	s12 =	sadd.s32 s28, s22;
	[dreg:$0x1e] =	wrdreg s17  }
0x27: {  	s14 =	sadd.s32 s30, s22;
	s22 =	sadd.s32 s3, s13;
	s13 =	sld [smem:$0x7F4]  }
0x28: {  	[dreg:$0x1a] =	wrdreg s9  }
0x29: {  	[dreg:$0x1b] =	wrdreg s11  }
0x2a: {  	[dreg:$0x1c] =	wrdreg s12  }
0x2b: {  	[dreg:$0x1d] =	wrdreg s14  }
0x2c: {  	s3 =	sadd.s32 s3, s25;
	[dreg:$0x1f] =	wrdreg s22  }
0x2d: {  	s17 =	sadd.s32 $0x200, s7;
	[smem:$0x7F3] =	sst s3  }
0x2e: {  	s9 =	sadd.s32 s28, s23;
	[smem:$0x7F7] =	sst s17  }
0x2f: {  	s8 =	simm.s32 $0x4200;
	s11 =	sadd.s32 s30, s23;
	[smem:$0x7F0] =	sst s9  }
0x30: {  	s7 =	simm.s32 $0x0;
	s12 =	sadd.s32 s29, s25;
	[smem:$0x7F1] =	sst s11  }
0x31: {  	s14 =	sadd.s32 $0x200, s10;
	s22 =	sadd.s32 $0x27000, s5;
	[smem:$0x7F2] =	sst s12  }
0x32: {  	s23 =	sadd.s32 $0x100, s15;
	s25 =	sadd.s32 $0x100, s16;
	[smem:$0x7F6] =	sst s14  }
0x33: {  	s28 =	simm.s32 $0x6;
	s29 =	simm.s32 $0x8200;
	[smem:$0x7F9] =	sst s22  }
.Ltmp0:
0x34: {  	s10 =	simm.s32 $0x100;
	[smem:$0x7FA] =	sst s23;
	(pc) =	sbr.rel .LBB2_1-.Ltmp0, $4  }
0x35: {  	s30 =	simm.s32 $0x180;
	[smem:$0x7FB] =	sst s25;
	s23 =	simm.s32 $0x200  }
0x36: {  	s22 =	simm.s32 $0x4E200;
	s11 =	simm.s32 $0x1;
	s12 =	simm.s32 $0x4  }
0x37: {  	s9 =	simm.s32 $0x2;
	s25 =	simm.s32 $0x5;
	s3 =	smax.u32 s13, $0x1  }
0x38: {  	s13 =	simm.s32 $0x3;
	[smem:$0x7F5] =	sst s3;
	s3 =	simm.s32 $0x80  }
.LBB2_8:
0x39: {  	s18 =	sld [smem:$0x7F8];
	_ =	sdelay $0x2  }
0x3a: {  	[tilespmem:s23], [sflag:$0x6] =	stream.linear.gather [spmem:s18], $0x800, $0x38;
	[tilespmem:$0x1E990] =	vst v63  }
0x3b: {  	_ =	swait.ge [sflag:s28], $0x800  }
0x3c: {  	[sflag:s28] =	ssyncset.done $0x0  }
0x3d: {  	s17 =	sadd.s32 $0x27000, s17;
	[sflag:s28] =	ssyncadd.s32 $0xFFFFF800  }
0x3e: {  	[hbm4b:s17+s6] =	stream.linear.scatter [tilespmem:s23], [sflag:$0x6], $0x800, $0x38;
	[tilespmem:$0x1E990] =	vst v63  }
0x3f: {  	_ =	swait.ge [sflag:s28], $0x800  }
0x40: {  	s18 =	sld [smem:$0x7F9]  }
0x41: {  	[sflag:s28] =	ssyncset.done $0x0  }
0x42: {  	[sflag:s28] =	ssyncadd.s32 $0xFFFFF800  }
0x43: {  	[tilespmem:s29], [sflag:$0x6] =	stream.linear.gather [spmem:s18], $0x100, $0x38;
	[tilespmem:$0x1E990] =	vst v63  }
0x44: {  	_ =	swait.ge [sflag:s28], $0x100  }
0x45: {  	[sflag:s28] =	ssyncset.done $0x0  }
0x46: {  	s14 =	sadd.s32 $0x4E00, s14;
	[sflag:s28] =	ssyncadd.s32 $0xFFFFFF00  }
0x47: {  	[hbm4b:s14+s6] =	stream.linear.scatter [tilespmem:s29], [sflag:$0x6], $0x100, $0x38;
	[tilespmem:$0x1E990] =	vst v63  }
0x48: {  	_ =	swait.ge [sflag:s28], $0x100  }
0x49: {  	[sflag:s28] =	ssyncset.done $0x0  }
0x4a: {  	[sflag:s28] =	ssyncadd.s32 $0xFFFFFF00  }
.LBB2_9:
0x4b: {  	s14 =	sld [smem:$0x7F5];
	_ =	sdelay $0x1  }
0x4c: {  	s7 =	sadd.s32 $0x1, s7  }
0x4d: {  	p5 =	sne.s32 s7, s14  }
.Ltmp1:
0x4e: {  	_ = 	snop;
	(pc) =	sbr.rel @!p5 .LBB2_10-.Ltmp1, $1  }
0x4f: {  	_ =	sdelay $0x3  }
.LBB2_1:
0x50: {  	s14 =	rddreg [dreg:$0x7]  }
0x51: {  	[tilespmem:s23], [sflag:$0x6] =	stream.linear.gather [hbm4b:s14+s6], $0x4000, $0x38;
	[tilespmem:$0x1E990] =	vst v63  }
0x52: {  	_ =	swait.ge [sflag:s28], $0x4000  }
0x53: {  	[sflag:s28] =	ssyncset.done $0x0  }
0x54: {  	s17 =	rddreg [dreg:$0x8];
	[sflag:s28] =	ssyncadd.s32 $0xFFFFC000  }
0x55: {  	[tilespmem:s29], [sflag:$0x6] =	stream.linear.gather [hbm4b:s17+s6], $0x800, $0x38;
	[tilespmem:$0x1E990] =	vst v63  }
0x56: {  	_ =	swait.ge [sflag:s28], $0x800  }
0x57: {  	[sflag:s28] =	ssyncset.done $0x0  }
0x58: {  	[sflag:s28] =	ssyncadd.s32 $0xFFFFF800  }
0x59: {  	[spmem:s20] =	stream.linear.scatter [tilespmem:s23], [sflag:$0x6], $0x4000, $0x38;
	[tilespmem:$0x1E990] =	vst v63  }
0x5a: {  	_ =	swait.ge [sflag:s28], $0x4000  }
0x5b: {  	[sflag:s28] =	ssyncset.done $0x0  }
0x5c: {  	[sflag:s28] =	ssyncadd.s32 $0xFFFFC000  }
0x5d: {  	[spmem:s21] =	stream.linear.scatter [tilespmem:s29], [sflag:$0x6], $0x800, $0x38;
	[tilespmem:$0x1E990] =	vst v63  }
0x5e: {  	_ =	swait.ge [sflag:s28], $0x800  }
0x5f: {  	[sflag:s28] =	ssyncset.done $0x0  }
0x60: {  	s18 =	rddreg [dreg:$0xd];
	[sflag:s28] =	ssyncadd.s32 $0xFFFFF800  }
0x61: {  	[spmem:s18] =	stream.linear.scatter [tilespmem:s23], [sflag:$0x6], $0x4000, $0x38;
	[tilespmem:$0x1E990] =	vst v63  }
0x62: {  	_ =	swait.ge [sflag:s28], $0x4000  }
0x63: {  	[sflag:s28] =	ssyncset.done $0x0  }
0x64: {  	[sflag:s28] =	ssyncadd.s32 $0xFFFFC000  }
0x65: {  	[spmem:s26] =	stream.linear.scatter [tilespmem:s29], [sflag:$0x6], $0x800, $0x38;
	[tilespmem:$0x1E990] =	vst v63  }
0x66: {  	_ =	swait.ge [sflag:s28], $0x800  }
0x67: {  	[sflag:s28] =	ssyncset.done $0x0  }
0x68: {  	s17 =	rddreg [dreg:$0xe];
	[sflag:s28] =	ssyncadd.s32 $0xFFFFF800  }
0x69: {  	[spmem:s17] =	stream.linear.scatter [tilespmem:s23], [sflag:$0x6], $0x4000, $0x38;
	[tilespmem:$0x1E990] =	vst v63  }
0x6a: {  	_ =	swait.ge [sflag:s28], $0x4000  }
0x6b: {  	[sflag:s28] =	ssyncset.done $0x0  }
0x6c: {  	[sflag:s28] =	ssyncadd.s32 $0xFFFFC000  }
0x6d: {  	[spmem:s0] =	stream.linear.scatter [tilespmem:s29], [sflag:$0x6], $0x800, $0x38;
	[tilespmem:$0x1E990] =	vst v63  }
0x6e: {  	_ =	swait.ge [sflag:s28], $0x800  }
0x6f: {  	[sflag:s28] =	ssyncset.done $0x0  }
0x70: {  	s18 =	rddreg [dreg:$0xf];
	[sflag:s28] =	ssyncadd.s32 $0xFFFFF800  }
0x71: {  	[spmem:s18] =	stream.linear.scatter [tilespmem:s23], [sflag:$0x6], $0x4000, $0x38;
	[tilespmem:$0x1E990] =	vst v63  }
0x72: {  	_ =	swait.ge [sflag:s28], $0x4000  }
0x73: {  	[sflag:s28] =	ssyncset.done $0x0  }
0x74: {  	[sflag:s28] =	ssyncadd.s32 $0xFFFFC000  }
0x75: {  	[spmem:s24] =	stream.linear.scatter [tilespmem:s29], [sflag:$0x6], $0x800, $0x38;
	[tilespmem:$0x1E990] =	vst v63  }
0x76: {  	_ =	swait.ge [sflag:s28], $0x800  }
0x77: {  	[sflag:s28] =	ssyncset.done $0x0  }
0x78: {  	[sflag:s28] =	ssyncadd.s32 $0xFFFFF800  }
0x79: {  	[spmem:s19] =	stream.linear.scatter [tilespmem:s23], [sflag:$0x6], $0x3800, $0x38;
	[tilespmem:$0x1E990] =	vst v63  }
0x7a: {  	_ =	swait.ge [sflag:s28], $0x3800  }
0x7b: {  	[sflag:s28] =	ssyncset.done $0x0  }
.Ltmp2:
0x7c: {  	[sflag:s28] =	ssyncadd.s32 $0xFFFFC800;
	(pc) =	sbr.rel @!p0 .LBB2_2-.Ltmp2, $4  }
0x7d: {  	[spmem:s31] =	stream.linear.scatter [tilespmem:s29], [sflag:$0x6], $0x700, $0x38;
	[tilespmem:$0x1E990] =	vst v63  }
0x7e: {  	_ =	swait.ge [sflag:s28], $0x700  }
0x7f: {  	[sflag:s28] =	ssyncset.done $0x0  }
0x80: {  	[sflag:s28] =	ssyncadd.s32 $0xFFFFF900  }
0x81: {  	s17 =	sld [smem:$0x7F8];
	_ =	sdelay $0x1  }
0x82: {  	s14 =	simm.s32 @!p3 $0x200  }
0x83: {  	[spmem:s17] =	stream.linear.scatter @!p3 [tilespmem:s14], [sflag:$0x6], $0x800, $0x38;
	[tilespmem:$0x1E990] =	vst v63  }
0x84: {  	s14 =	simm.s32 @!p3 $0x6  }
0x85: {  	_ =	swait.ge @!p3 [sflag:s14], $0x800  }
0x86: {  	s18 =	sld [smem:$0x7F9]  }
0x87: {  	[sflag:s14] =	ssyncset.done @!p3 $0x0  }
0x88: {  	s17 =	simm.s32 @!p3 $0x8200;
	[sflag:s14] =	ssyncadd.s32 @!p3 $0xFFFFF800  }
0x89: {  	[spmem:s18] =	stream.linear.scatter @!p3 [tilespmem:s17], [sflag:$0x6], $0x100, $0x38;
	[tilespmem:$0x1E990] =	vst v63  }
0x8a: {  	_ =	swait.ge @!p3 [sflag:s14], $0x100  }
0x8b: {  	[sflag:s14] =	ssyncset.done @!p3 $0x0  }
0x8c: {  	[sflag:s14] =	ssyncadd.s32 @!p3 $0xFFFFFF00  }
0x8d: {  	s14 =	rddreg [dreg:$0x3]  }
0x8e: {  	[tilespmem:s29], [sflag:$0x6] =	stream.linear.gather [hbm4b:s14+s6], $0x800, $0x38;
	[tilespmem:$0x1E990] =	vst v63  }
0x8f: {  	_ =	swait.ge [sflag:s28], $0x800  }
0x90: {  	[sflag:s28] =	ssyncset.done $0x0  }
0x91: {  	[sflag:s28] =	ssyncadd.s32 $0xFFFFF800  }
0x92: {  	[bflag:$0x0] =	sbarrier.arrive $0xFFFF  }
0x93: {  	s17 =	sld [smem:$0x7FB]  }
0x94: {  	[tilespmem:s6], [sflag:$0x1] =	stream.strided.gather [hbm4b:s16+s3], $0x100, s22, s3, $0x38;
	[tilespmem:$0x1E990] =	vst v63  }
0x95: {  	_ = 	snop  }
0x96: {  	[tilespmem:s10], [sflag:$0x3] =	stream.strided.gather [hbm4b:s17+s3], $0x100, s22, s3, $0x38;
	[tilespmem:$0x1E990] =	vst v63  }
0x97: {  	_ =	swait.ge [sflag:s11], $0x100  }
0x98: {  	[sflag:s11] =	ssyncset.done $0x0  }
0x99: {  	[sflag:s11] =	ssyncadd.s32 $0xFFFFFF00  }
0x9a: {  	[tilespmem:s23], [sflag:$0x4] =	stream.indirect.gather [hbm4b:s2+s3], $0x80, s6, s3, $0xb8;
	[tilespmem:$0x1E990] =	vst v63  }
0x9b: {  	_ =	swait.ge [sflag:s12], $0x4000  }
0x9c: {  	[sflag:s12] =	ssyncset.done $0x0  }
0x9d: {  	[sflag:s12] =	ssyncadd.s32 $0xFFFFC000  }
0x9e: {  	_ =	swait.ge [sflag:s13], $0x100  }
0x9f: {  	[sflag:s13] =	ssyncset.done $0x0  }
0xa0: {  	[sflag:s13] =	ssyncadd.s32 $0xFFFFFF00  }
0xa1: {  	[tilespmem:s8], [sflag:$0x5] =	stream.indirect.gather [hbm4b:s2+s3], $0x80, s10, s3, $0xb8;
	[tilespmem:$0x1E990] =	vst v63  }
0xa2: {  	_ = 	snop  }
0xa3: {  	[spmem:s4] =	stream.indirect.scatter.add.f32 [tilespmem:s23], [sflag:$0x2], $0x80, s3, s3, $0xb8;
	[tilespmem:$0x1E990] =	vst v63  }
0xa4: {  	_ = 	snop  }
0xa5: {  	[spmem:s5] =	stream.indirect.scatter.add.f32 [tilespmem:s29], [sflag:$0x2], $0x10, s3, s3, $0xb8;
	[tilespmem:$0x1E990] =	vst v63  }
0xa6: {  	_ =	swait.ge [sflag:s9], $0x4000  }
0xa7: {  	[sflag:s9] =	ssyncset.done $0x0  }
0xa8: {  	[sflag:s9] =	ssyncadd.s32 $0xFFFFC000  }
0xa9: {  	_ =	swait.ge [sflag:s9], $0x800  }
0xaa: {  	s18 =	sadd.s32 $0xFFFF6600, s16;
	[sflag:s9] =	ssyncset.done $0x0  }
0xab: {  	s19 =	sadd.s32 $0x9C00, s18;
	[sflag:s9] =	ssyncadd.s32 $0xFFFFF800  }
0xac: {  	[tilespmem:s6], [sflag:$0x1] =	stream.strided.gather [hbm4b:s19+s3], $0x100, s22, s3, $0x38;
	[tilespmem:$0x1E990] =	vst v63  }
0xad: {  	_ =	swait.ge [sflag:s25], $0x4000  }
0xae: {  	[sflag:s25] =	ssyncset.done $0x0  }
0xaf: {  	[sflag:s25] =	ssyncadd.s32 $0xFFFFC000  }
0xb0: {  	_ =	swait.ge [sflag:s11], $0x100  }
0xb1: {  	[sflag:s11] =	ssyncset.done $0x0  }
0xb2: {  	[sflag:s11] =	ssyncadd.s32 $0xFFFFFF00  }
0xb3: {  	[tilespmem:s23], [sflag:$0x4] =	stream.indirect.gather [hbm4b:s2+s3], $0x80, s6, s3, $0xb8;
	[tilespmem:$0x1E990] =	vst v63  }
0xb4: {  	_ = 	snop  }
0xb5: {  	[spmem:s4] =	stream.indirect.scatter.add.f32 [tilespmem:s8], [sflag:$0x2], $0x80, s30, s3, $0xb8;
	[tilespmem:$0x1E990] =	vst v63  }
0xb6: {  	_ = 	snop  }
0xb7: {  	[spmem:s5] =	stream.indirect.scatter.add.f32 [tilespmem:s29], [sflag:$0x2], $0x10, s30, s3, $0xb8;
	[tilespmem:$0x1E990] =	vst v63  }
0xb8: {  	_ =	swait.ge [sflag:s9], $0x4000  }
0xb9: {  	[sflag:s9] =	ssyncset.done $0x0  }
0xba: {  	[sflag:s9] =	ssyncadd.s32 $0xFFFFC000  }
0xbb: {  	_ =	swait.ge [sflag:s9], $0x800  }
0xbc: {  	[sflag:s9] =	ssyncset.done $0x0  }
0xbd: {  	s14 =	simm.s32 $0xFFFF6800;
	s17 =	sadd.s32 $0x9D00, s18;
	[sflag:s9] =	ssyncadd.s32 $0xFFFFF800  }
.LBB2_6:
0xbe: {  	[tilespmem:s10], [sflag:$0x3] =	stream.strided.gather [hbm4b:s17+s3], $0x100, s22, s3, $0x38;
	[tilespmem:$0x1E990] =	vst v63  }
0xbf: {  	s17 =	smov.u32 s14  }
0xc0: {  	p5 =	sne.s32 s14, $0xFFFFFE00;
	s14 =	sadd.s32 $0x200, s14;
	_ =	swait.ge [sflag:s12], $0x4000  }
0xc1: {  	[sflag:s12] =	ssyncset.done $0x0  }
0xc2: {  	[sflag:s12] =	ssyncadd.s32 $0xFFFFC000  }
0xc3: {  	_ =	swait.ge [sflag:s13], $0x100  }
0xc4: {  	[sflag:s13] =	ssyncset.done $0x0  }
0xc5: {  	[sflag:s13] =	ssyncadd.s32 $0xFFFFFF00  }
0xc6: {  	[tilespmem:s8], [sflag:$0x5] =	stream.indirect.gather [hbm4b:s2+s3], $0x80, s10, s3, $0xb8;
	[tilespmem:$0x1E990] =	vst v63  }
0xc7: {  	_ = 	snop  }
0xc8: {  	[spmem:s4] =	stream.indirect.scatter.add.f32 [tilespmem:s23], [sflag:$0x2], $0x80, s3, s3, $0xb8;
	[tilespmem:$0x1E990] =	vst v63  }
0xc9: {  	_ = 	snop  }
0xca: {  	[spmem:s5] =	stream.indirect.scatter.add.f32 [tilespmem:s29], [sflag:$0x2], $0x10, s3, s3, $0xb8;
	[tilespmem:$0x1E990] =	vst v63  }
0xcb: {  	_ =	swait.ge [sflag:s9], $0x4000  }
0xcc: {  	[sflag:s9] =	ssyncset.done $0x0  }
0xcd: {  	[sflag:s9] =	ssyncadd.s32 $0xFFFFC000  }
0xce: {  	_ =	swait.ge [sflag:s9], $0x800  }
0xcf: {  	s17 =	sadd.s32 s17, s16;
	[sflag:s9] =	ssyncset.done $0x0  }
0xd0: {  	s18 =	sadd.s32 $0x9C00, s17;
	[sflag:s9] =	ssyncadd.s32 $0xFFFFF800  }
0xd1: {  	[tilespmem:s6], [sflag:$0x1] =	stream.strided.gather [hbm4b:s18+s3], $0x100, s22, s3, $0x38;
	[tilespmem:$0x1E990] =	vst v63  }
0xd2: {  	_ =	swait.ge [sflag:s25], $0x4000  }
0xd3: {  	[sflag:s25] =	ssyncset.done $0x0  }
0xd4: {  	[sflag:s25] =	ssyncadd.s32 $0xFFFFC000  }
0xd5: {  	_ =	swait.ge [sflag:s11], $0x100  }
0xd6: {  	[sflag:s11] =	ssyncset.done $0x0  }
0xd7: {  	[sflag:s11] =	ssyncadd.s32 $0xFFFFFF00  }
0xd8: {  	[tilespmem:s23], [sflag:$0x4] =	stream.indirect.gather [hbm4b:s2+s3], $0x80, s6, s3, $0xb8;
	[tilespmem:$0x1E990] =	vst v63  }
0xd9: {  	_ = 	snop  }
0xda: {  	[spmem:s4] =	stream.indirect.scatter.add.f32 [tilespmem:s8], [sflag:$0x2], $0x80, s30, s3, $0xb8;
	[tilespmem:$0x1E990] =	vst v63  }
0xdb: {  	_ = 	snop  }
0xdc: {  	[spmem:s5] =	stream.indirect.scatter.add.f32 [tilespmem:s29], [sflag:$0x2], $0x10, s30, s3, $0xb8;
	[tilespmem:$0x1E990] =	vst v63  }
0xdd: {  	_ =	swait.ge [sflag:s9], $0x4000  }
.Ltmp3:
0xde: {  	[sflag:s9] =	ssyncset.done $0x0;
	(pc) =	sbr.rel @p5 .LBB2_6-.Ltmp3, $4  }
0xdf: {  	[sflag:s9] =	ssyncadd.s32 $0xFFFFC000  }
0xe0: {  	_ =	swait.ge [sflag:s9], $0x800  }
0xe1: {  	[sflag:s9] =	ssyncset.done $0x0  }
0xe2: {  	s17 =	sadd.s32 $0x9D00, s17;
	[sflag:s9] =	ssyncadd.s32 $0xFFFFF800  }
0xe3: {  	[tilespmem:s10], [sflag:$0x3] =	stream.strided.gather [hbm4b:s17+s3], $0x100, s22, s3, $0x38;
	[tilespmem:$0x1E990] =	vst v63  }
0xe4: {  	_ =	swait.ge [sflag:s12], $0x4000  }
0xe5: {  	[sflag:s12] =	ssyncset.done $0x0  }
0xe6: {  	[sflag:s12] =	ssyncadd.s32 $0xFFFFC000  }
0xe7: {  	_ =	swait.ge [sflag:s13], $0x100  }
0xe8: {  	[sflag:s13] =	ssyncset.done $0x0  }
0xe9: {  	[sflag:s13] =	ssyncadd.s32 $0xFFFFFF00  }
0xea: {  	[tilespmem:s8], [sflag:$0x5] =	stream.indirect.gather [hbm4b:s2+s3], $0x80, s10, s3, $0xb8;
	[tilespmem:$0x1E990] =	vst v63  }
0xeb: {  	_ = 	snop  }
0xec: {  	[spmem:s4] =	stream.indirect.scatter.add.f32 [tilespmem:s23], [sflag:$0x2], $0x80, s3, s3, $0xb8;
	[tilespmem:$0x1E990] =	vst v63  }
0xed: {  	_ = 	snop  }
0xee: {  	[spmem:s5] =	stream.indirect.scatter.add.f32 [tilespmem:s29], [sflag:$0x2], $0x10, s3, s3, $0xb8;
	[tilespmem:$0x1E990] =	vst v63  }
0xef: {  	_ =	swait.ge [sflag:s9], $0x4000  }
0xf0: {  	[sflag:s9] =	ssyncset.done $0x0  }
0xf1: {  	[sflag:s9] =	ssyncadd.s32 $0xFFFFC000  }
0xf2: {  	_ =	swait.ge [sflag:s9], $0x800  }
0xf3: {  	s19 =	sld [smem:$0x7F7]  }
0xf4: {  	s14 =	simm.s32 @p1 $0x80;
	[sflag:s9] =	ssyncset.done $0x0  }
0xf5: {  	s17 =	simm.s32 @p1 $0x4E200;
	s18 =	simm.s32 @p1 $0x0;
	[sflag:s9] =	ssyncadd.s32 $0xFFFFF800  }
0xf6: {  	[tilespmem:s18], [sflag:$0x1] =	stream.strided.gather @p1 [hbm4b:s19+s14], $0x100, s17, s14, $0x38;
	[tilespmem:$0x1E990] =	vst v63  }
0xf7: {  	s17 =	simm.s32 @p1 $0x5  }
0xf8: {  	_ =	swait.ge @p1 [sflag:s17], $0x4000  }
0xf9: {  	[sflag:s17] =	ssyncset.done @p1 $0x0  }
0xfa: {  	[sflag:s17] =	ssyncadd.s32 @p1 $0xFFFFC000;
	s17 =	simm.s32 @p1 $0x1  }
0xfb: {  	_ =	swait.ge @p1 [sflag:s17], $0x100  }
0xfc: {  	[sflag:s17] =	ssyncset.done @p1 $0x0  }
0xfd: {  	[sflag:s17] =	ssyncadd.s32 @p1 $0xFFFFFF00;
	s17 =	simm.s32 @p1 $0x200  }
0xfe: {  	[tilespmem:s17], [sflag:$0x4] =	stream.indirect.gather @p1 [hbm4b:s2+s14], $0x80, s18, s14, $0xb8;
	[tilespmem:$0x1E990] =	vst v63  }
0xff: {  	s14 =	simm.s32 @!p1 $0x5  }
0x100: {  	_ =	swait.ge @!p1 [sflag:s14], $0x4000  }
0x101: {  	[sflag:s14] =	ssyncset.done @!p1 $0x0  }
0x102: {  	[sflag:s14] =	ssyncadd.s32 @!p1 $0xFFFFC000  }
0x103: {  	[spmem:s4] =	stream.indirect.scatter.add.f32 [tilespmem:s8], [sflag:$0x2], $0x80, s30, s3, $0xb8;
	[tilespmem:$0x1E990] =	vst v63  }
0x104: {  	_ = 	snop  }
0x105: {  	[spmem:s5] =	stream.indirect.scatter.add.f32 [tilespmem:s29], [sflag:$0x2], $0x10, s30, s3, $0xb8;
	[tilespmem:$0x1E990] =	vst v63  }
0x106: {  	_ =	swait.ge [sflag:s9], $0x4000  }
0x107: {  	[sflag:s9] =	ssyncset.done $0x0  }
0x108: {  	[sflag:s9] =	ssyncadd.s32 $0xFFFFC000  }
0x109: {  	_ =	swait.ge [sflag:s9], $0x800  }
0x10a: {  	[sflag:s9] =	ssyncset.done $0x0  }
0x10b: {  	s14 =	simm.s32 @!p2 $0x4;
	[sflag:s9] =	ssyncadd.s32 $0xFFFFF800  }
0x10c: {  	_ =	swait.ge @!p2 [sflag:s14], $0x4000  }
0x10d: {  	[sflag:s14] =	ssyncset.done @!p2 $0x0  }
0x10e: {  	s17 =	simm.s32 @!p2 $0x200;
	[sflag:s14] =	ssyncadd.s32 @!p2 $0xFFFFC000;
	s14 =	simm.s32 @!p2 $0x80  }
0x10f: {  	[spmem:s4] =	stream.indirect.scatter.add.f32 @!p2 [tilespmem:s17], [sflag:$0x2], $0x80, s14, s14, $0xb8;
	[tilespmem:$0x1E990] =	vst v63  }
0x110: {  	s17 =	simm.s32 @!p2 $0x8200  }
0x111: {  	[spmem:s5] =	stream.indirect.scatter.add.f32 @!p2 [tilespmem:s17], [sflag:$0x2], $0x10, s14, s14, $0xb8;
	[tilespmem:$0x1E990] =	vst v63  }
0x112: {  	s14 =	simm.s32 @!p2 $0x2  }
0x113: {  	_ =	swait.ge @!p2 [sflag:s14], $0x4000  }
0x114: {  	[sflag:s14] =	ssyncset.done @!p2 $0x0  }
0x115: {  	[sflag:s14] =	ssyncadd.s32 @!p2 $0xFFFFC000  }
0x116: {  	_ =	swait.ge @!p2 [sflag:s14], $0x800  }
0x117: {  	[sflag:s14] =	ssyncset.done @!p2 $0x0  }
0x118: {  	[sflag:s14] =	ssyncadd.s32 @!p2 $0xFFFFF800  }
0x119: {  	[bflag:$0x0] =	sbarrier.arrive $0xFFFF  }
0x11a: {  	[tilespmem:s23], [sflag:$0x6] =	stream.linear.gather [spmem:s20], $0x4000, $0x38;
	[tilespmem:$0x1E990] =	vst v63  }
0x11b: {  	_ =	swait.ge [sflag:s28], $0x4000  }
0x11c: {  	[sflag:s28] =	ssyncset.done $0x0  }
0x11d: {  	s18 =	rddreg [dreg:$0x11];
	[sflag:s28] =	ssyncadd.s32 $0xFFFFC000  }
0x11e: {  	[hbm4b:s18+s6] =	stream.linear.scatter [tilespmem:s23], [sflag:$0x6], $0x4000, $0x38;
	[tilespmem:$0x1E990] =	vst v63  }
0x11f: {  	_ =	swait.ge [sflag:s28], $0x4000  }
0x120: {  	[sflag:s28] =	ssyncset.done $0x0  }
0x121: {  	[sflag:s28] =	ssyncadd.s32 $0xFFFFC000  }
0x122: {  	[tilespmem:s29], [sflag:$0x6] =	stream.linear.gather [spmem:s21], $0x800, $0x38;
	[tilespmem:$0x1E990] =	vst v63  }
0x123: {  	_ =	swait.ge [sflag:s28], $0x800  }
0x124: {  	[sflag:s28] =	ssyncset.done $0x0  }
0x125: {  	s19 =	rddreg [dreg:$0x13];
	[sflag:s28] =	ssyncadd.s32 $0xFFFFF800  }
0x126: {  	[hbm4b:s19+s6] =	stream.linear.scatter [tilespmem:s29], [sflag:$0x6], $0x800, $0x38;
	[tilespmem:$0x1E990] =	vst v63  }
0x127: {  	_ =	swait.ge [sflag:s28], $0x800  }
0x128: {  	[sflag:s28] =	ssyncset.done $0x0  }
0x129: {  	s17 =	rddreg [dreg:$0xd];
	[sflag:s28] =	ssyncadd.s32 $0xFFFFF800  }
0x12a: {  	[tilespmem:s23], [sflag:$0x6] =	stream.linear.gather [spmem:s17], $0x4000, $0x38;
	[tilespmem:$0x1E990] =	vst v63  }
0x12b: {  	_ =	swait.ge [sflag:s28], $0x4000  }
0x12c: {  	[sflag:s28] =	ssyncset.done $0x0  }
0x12d: {  	s18 =	rddreg [dreg:$0x15];
	[sflag:s28] =	ssyncadd.s32 $0xFFFFC000  }
0x12e: {  	[hbm4b:s18+s6] =	stream.linear.scatter [tilespmem:s23], [sflag:$0x6], $0x4000, $0x38;
	[tilespmem:$0x1E990] =	vst v63  }
0x12f: {  	_ =	swait.ge [sflag:s28], $0x4000  }
0x130: {  	[sflag:s28] =	ssyncset.done $0x0  }
0x131: {  	[sflag:s28] =	ssyncadd.s32 $0xFFFFC000  }
0x132: {  	[tilespmem:s29], [sflag:$0x6] =	stream.linear.gather [spmem:s26], $0x800, $0x38;
	[tilespmem:$0x1E990] =	vst v63  }
0x133: {  	_ =	swait.ge [sflag:s28], $0x800  }
0x134: {  	[sflag:s28] =	ssyncset.done $0x0  }
0x135: {  	s19 =	rddreg [dreg:$0x17];
	[sflag:s28] =	ssyncadd.s32 $0xFFFFF800  }
0x136: {  	[hbm4b:s19+s6] =	stream.linear.scatter [tilespmem:s29], [sflag:$0x6], $0x800, $0x38;
	[tilespmem:$0x1E990] =	vst v63  }
0x137: {  	_ =	swait.ge [sflag:s28], $0x800  }
0x138: {  	[sflag:s28] =	ssyncset.done $0x0  }
0x139: {  	s17 =	rddreg [dreg:$0xe];
	[sflag:s28] =	ssyncadd.s32 $0xFFFFF800  }
0x13a: {  	[tilespmem:s23], [sflag:$0x6] =	stream.linear.gather [spmem:s17], $0x4000, $0x38;
	[tilespmem:$0x1E990] =	vst v63  }
0x13b: {  	_ =	swait.ge [sflag:s28], $0x4000  }
0x13c: {  	[sflag:s28] =	ssyncset.done $0x0  }
0x13d: {  	s18 =	rddreg [dreg:$0x19];
	[sflag:s28] =	ssyncadd.s32 $0xFFFFC000  }
0x13e: {  	[hbm4b:s18+s6] =	stream.linear.scatter [tilespmem:s23], [sflag:$0x6], $0x4000, $0x38;
	[tilespmem:$0x1E990] =	vst v63  }
0x13f: {  	_ =	swait.ge [sflag:s28], $0x4000  }
0x140: {  	[sflag:s28] =	ssyncset.done $0x0  }
0x141: {  	[sflag:s28] =	ssyncadd.s32 $0xFFFFC000  }
0x142: {  	[tilespmem:s29], [sflag:$0x6] =	stream.linear.gather [spmem:s0], $0x800, $0x38;
	[tilespmem:$0x1E990] =	vst v63  }
0x143: {  	_ =	swait.ge [sflag:s28], $0x800  }
0x144: {  	[sflag:s28] =	ssyncset.done $0x0  }
0x145: {  	s19 =	rddreg [dreg:$0x1b];
	[sflag:s28] =	ssyncadd.s32 $0xFFFFF800  }
0x146: {  	[hbm4b:s19+s6] =	stream.linear.scatter [tilespmem:s29], [sflag:$0x6], $0x800, $0x38;
	[tilespmem:$0x1E990] =	vst v63  }
0x147: {  	_ =	swait.ge [sflag:s28], $0x800  }
0x148: {  	[sflag:s28] =	ssyncset.done $0x0  }
0x149: {  	s17 =	rddreg [dreg:$0xf];
	[sflag:s28] =	ssyncadd.s32 $0xFFFFF800  }
0x14a: {  	[tilespmem:s23], [sflag:$0x6] =	stream.linear.gather [spmem:s17], $0x4000, $0x38;
	[tilespmem:$0x1E990] =	vst v63  }
0x14b: {  	_ =	swait.ge [sflag:s28], $0x4000  }
0x14c: {  	[sflag:s28] =	ssyncset.done $0x0  }
0x14d: {  	s18 =	rddreg [dreg:$0x1d];
	[sflag:s28] =	ssyncadd.s32 $0xFFFFC000  }
0x14e: {  	[hbm4b:s18+s6] =	stream.linear.scatter [tilespmem:s23], [sflag:$0x6], $0x4000, $0x38;
	[tilespmem:$0x1E990] =	vst v63  }
0x14f: {  	_ =	swait.ge [sflag:s28], $0x4000  }
0x150: {  	[sflag:s28] =	ssyncset.done $0x0  }
0x151: {  	[sflag:s28] =	ssyncadd.s32 $0xFFFFC000  }
0x152: {  	[tilespmem:s29], [sflag:$0x6] =	stream.linear.gather [spmem:s24], $0x800, $0x38;
	[tilespmem:$0x1E990] =	vst v63  }
0x153: {  	_ =	swait.ge [sflag:s28], $0x800  }
0x154: {  	[sflag:s28] =	ssyncset.done $0x0  }
0x155: {  	s19 =	rddreg [dreg:$0x1f];
	[sflag:s28] =	ssyncadd.s32 $0xFFFFF800  }
0x156: {  	[hbm4b:s19+s6] =	stream.linear.scatter [tilespmem:s29], [sflag:$0x6], $0x800, $0x38;
	[tilespmem:$0x1E990] =	vst v63  }
0x157: {  	_ =	swait.ge [sflag:s28], $0x800  }
0x158: {  	s19 =	sld [smem:$0x7FD]  }
0x159: {  	[sflag:s28] =	ssyncset.done $0x0  }
0x15a: {  	[sflag:s28] =	ssyncadd.s32 $0xFFFFF800  }
0x15b: {  	[tilespmem:s23], [sflag:$0x6] =	stream.linear.gather [spmem:s19], $0x3800, $0x38;
	[tilespmem:$0x1E990] =	vst v63  }
0x15c: {  	_ =	swait.ge [sflag:s28], $0x3800  }
0x15d: {  	s17 =	sld [smem:$0x7F1]  }
0x15e: {  	[sflag:s28] =	ssyncset.done $0x0  }
0x15f: {  	[sflag:s28] =	ssyncadd.s32 $0xFFFFC800  }
0x160: {  	[hbm4b:s17+s6] =	stream.linear.scatter [tilespmem:s23], [sflag:$0x6], $0x3800, $0x38;
	[tilespmem:$0x1E990] =	vst v63  }
0x161: {  	_ =	swait.ge [sflag:s28], $0x3800  }
0x162: {  	[sflag:s28] =	ssyncset.done $0x0  }
0x163: {  	[sflag:s28] =	ssyncadd.s32 $0xFFFFC800  }
0x164: {  	[tilespmem:s29], [sflag:$0x6] =	stream.linear.gather [spmem:s31], $0x700, $0x38;
	[tilespmem:$0x1E990] =	vst v63  }
0x165: {  	_ =	swait.ge [sflag:s28], $0x700  }
0x166: {  	s18 =	sld [smem:$0x7F3]  }
0x167: {  	[sflag:s28] =	ssyncset.done $0x0  }
0x168: {  	[sflag:s28] =	ssyncadd.s32 $0xFFFFF900  }
0x169: {  	[hbm4b:s18+s6] =	stream.linear.scatter [tilespmem:s29], [sflag:$0x6], $0x700, $0x38;
	[tilespmem:$0x1E990] =	vst v63  }
.Ltmp4:
0x16a: {  	_ = 	snop;
	(pc) =	sbr.rel @p3 .LBB2_9-.Ltmp4, $4  }
.Ltmp5:
0x16b: {  	_ = 	snop;
	(pc) =	sbr.rel @!p3 .LBB2_8-.Ltmp5, $4  }
0x16c: {  	_ =	swait.ge [sflag:s28], $0x700  }
0x16d: {  	[sflag:s28] =	ssyncset.done $0x0;
	s17 =	rddreg [dreg:$0xb]  }
0x16e: {  	s14 =	rddreg [dreg:$0xc];
	[sflag:s28] =	ssyncadd.s32 $0xFFFFF900  }
0x16f: {  	_ = 	snop  }
.LBB2_2:
0x170: {  	s17 =	sld [smem:$0x7F8];
	_ =	sdelay $0x1  }
0x171: {  	s14 =	simm.s32 @!p3 $0x200  }
0x172: {  	[spmem:s17] =	stream.linear.scatter @!p3 [tilespmem:s14], [sflag:$0x6], $0x800, $0x38;
	[tilespmem:$0x1E990] =	vst v63  }
0x173: {  	s14 =	simm.s32 @!p3 $0x6  }
0x174: {  	_ =	swait.ge @!p3 [sflag:s14], $0x800  }
0x175: {  	s18 =	sld [smem:$0x7F9]  }
0x176: {  	[sflag:s14] =	ssyncset.done @!p3 $0x0  }
0x177: {  	s17 =	simm.s32 @!p3 $0x8200;
	[sflag:s14] =	ssyncadd.s32 @!p3 $0xFFFFF800  }
0x178: {  	[spmem:s18] =	stream.linear.scatter @!p3 [tilespmem:s17], [sflag:$0x6], $0x100, $0x38;
	[tilespmem:$0x1E990] =	vst v63  }
0x179: {  	_ =	swait.ge @!p3 [sflag:s14], $0x100  }
0x17a: {  	[sflag:s14] =	ssyncset.done @!p3 $0x0  }
0x17b: {  	[sflag:s14] =	ssyncadd.s32 @!p3 $0xFFFFFF00  }
0x17c: {  	s14 =	rddreg [dreg:$0x3]  }
0x17d: {  	[tilespmem:s29], [sflag:$0x6] =	stream.linear.gather [hbm4b:s14+s6], $0x800, $0x38;
	[tilespmem:$0x1E990] =	vst v63  }
0x17e: {  	_ =	swait.ge [sflag:s28], $0x800  }
0x17f: {  	[sflag:s28] =	ssyncset.done $0x0  }
0x180: {  	[sflag:s28] =	ssyncadd.s32 $0xFFFFF800  }
0x181: {  	[bflag:$0x0] =	sbarrier.arrive $0xFFFF  }
0x182: {  	s17 =	sld [smem:$0x7FA]  }
0x183: {  	[tilespmem:s6], [sflag:$0x1] =	stream.strided.gather [hbm4b:s15+s3], $0x100, s22, s3, $0x38;
	[tilespmem:$0x1E990] =	vst v63  }
0x184: {  	_ = 	snop  }
0x185: {  	[tilespmem:s10], [sflag:$0x3] =	stream.strided.gather [hbm4b:s17+s3], $0x100, s22, s3, $0x38;
	[tilespmem:$0x1E990] =	vst v63  }
0x186: {  	_ =	swait.ge [sflag:s11], $0x100  }
0x187: {  	[sflag:s11] =	ssyncset.done $0x0  }
0x188: {  	[sflag:s11] =	ssyncadd.s32 $0xFFFFFF00  }
0x189: {  	[tilespmem:s23], [sflag:$0x4] =	stream.indirect.gather [hbm4b:s1+s3], $0x80, s6, s3, $0xb8;
	[tilespmem:$0x1E990] =	vst v63  }
0x18a: {  	_ =	swait.ge [sflag:s12], $0x4000  }
0x18b: {  	[sflag:s12] =	ssyncset.done $0x0  }
0x18c: {  	[sflag:s12] =	ssyncadd.s32 $0xFFFFC000  }
0x18d: {  	_ =	swait.ge [sflag:s13], $0x100  }
0x18e: {  	[sflag:s13] =	ssyncset.done $0x0  }
0x18f: {  	[sflag:s13] =	ssyncadd.s32 $0xFFFFFF00  }
0x190: {  	[tilespmem:s8], [sflag:$0x5] =	stream.indirect.gather [hbm4b:s1+s3], $0x80, s10, s3, $0xb8;
	[tilespmem:$0x1E990] =	vst v63  }
0x191: {  	_ = 	snop  }
0x192: {  	[spmem:s4] =	stream.indirect.scatter.add.f32 [tilespmem:s23], [sflag:$0x2], $0x80, s3, s3, $0xb8;
	[tilespmem:$0x1E990] =	vst v63  }
0x193: {  	_ = 	snop  }
0x194: {  	[spmem:s5] =	stream.indirect.scatter.add.f32 [tilespmem:s29], [sflag:$0x2], $0x10, s3, s3, $0xb8;
	[tilespmem:$0x1E990] =	vst v63  }
0x195: {  	_ =	swait.ge [sflag:s9], $0x4000  }
0x196: {  	[sflag:s9] =	ssyncset.done $0x0  }
0x197: {  	[sflag:s9] =	ssyncadd.s32 $0xFFFFC000  }
0x198: {  	_ =	swait.ge [sflag:s9], $0x800  }
0x199: {  	s18 =	sadd.s32 $0xFFFF6600, s15;
	[sflag:s9] =	ssyncset.done $0x0  }
0x19a: {  	s31 =	smov.u32 s19;
	s19 =	sadd.s32 $0x9C00, s18;
	[sflag:s9] =	ssyncadd.s32 $0xFFFFF800  }
0x19b: {  	[tilespmem:s6], [sflag:$0x1] =	stream.strided.gather [hbm4b:s19+s3], $0x100, s22, s3, $0x38;
	[tilespmem:$0x1E990] =	vst v63  }
0x19c: {  	_ =	swait.ge [sflag:s25], $0x4000  }
0x19d: {  	[sflag:s25] =	ssyncset.done $0x0  }
0x19e: {  	[sflag:s25] =	ssyncadd.s32 $0xFFFFC000  }
0x19f: {  	_ =	swait.ge [sflag:s11], $0x100  }
0x1a0: {  	[sflag:s11] =	ssyncset.done $0x0  }
0x1a1: {  	[sflag:s11] =	ssyncadd.s32 $0xFFFFFF00  }
0x1a2: {  	[tilespmem:s23], [sflag:$0x4] =	stream.indirect.gather [hbm4b:s1+s3], $0x80, s6, s3, $0xb8;
	[tilespmem:$0x1E990] =	vst v63  }
0x1a3: {  	_ = 	snop  }
0x1a4: {  	[spmem:s4] =	stream.indirect.scatter.add.f32 [tilespmem:s8], [sflag:$0x2], $0x80, s30, s3, $0xb8;
	[tilespmem:$0x1E990] =	vst v63  }
0x1a5: {  	_ = 	snop  }
0x1a6: {  	[spmem:s5] =	stream.indirect.scatter.add.f32 [tilespmem:s29], [sflag:$0x2], $0x10, s30, s3, $0xb8;
	[tilespmem:$0x1E990] =	vst v63  }
0x1a7: {  	_ =	swait.ge [sflag:s9], $0x4000  }
0x1a8: {  	[sflag:s9] =	ssyncset.done $0x0  }
0x1a9: {  	[sflag:s9] =	ssyncadd.s32 $0xFFFFC000  }
0x1aa: {  	_ =	swait.ge [sflag:s9], $0x800  }
0x1ab: {  	[sflag:s9] =	ssyncset.done $0x0  }
0x1ac: {  	s14 =	simm.s32 $0xFFFF6800;
	s17 =	sadd.s32 $0x9D00, s18;
	[sflag:s9] =	ssyncadd.s32 $0xFFFFF800  }
.LBB2_3:
0x1ad: {  	[tilespmem:s10], [sflag:$0x3] =	stream.strided.gather [hbm4b:s17+s3], $0x100, s22, s3, $0x38;
	[tilespmem:$0x1E990] =	vst v63  }
0x1ae: {  	s17 =	smov.u32 s14  }
0x1af: {  	p5 =	sne.s32 s14, $0xFFFFFE00;
	s14 =	sadd.s32 $0x200, s14;
	_ =	swait.ge [sflag:s12], $0x4000  }
0x1b0: {  	[sflag:s12] =	ssyncset.done $0x0  }
0x1b1: {  	[sflag:s12] =	ssyncadd.s32 $0xFFFFC000  }
0x1b2: {  	_ =	swait.ge [sflag:s13], $0x100  }
0x1b3: {  	[sflag:s13] =	ssyncset.done $0x0  }
0x1b4: {  	[sflag:s13] =	ssyncadd.s32 $0xFFFFFF00  }
0x1b5: {  	[tilespmem:s8], [sflag:$0x5] =	stream.indirect.gather [hbm4b:s1+s3], $0x80, s10, s3, $0xb8;
	[tilespmem:$0x1E990] =	vst v63  }
0x1b6: {  	_ = 	snop  }
0x1b7: {  	[spmem:s4] =	stream.indirect.scatter.add.f32 [tilespmem:s23], [sflag:$0x2], $0x80, s3, s3, $0xb8;
	[tilespmem:$0x1E990] =	vst v63  }
0x1b8: {  	_ = 	snop  }
0x1b9: {  	[spmem:s5] =	stream.indirect.scatter.add.f32 [tilespmem:s29], [sflag:$0x2], $0x10, s3, s3, $0xb8;
	[tilespmem:$0x1E990] =	vst v63  }
0x1ba: {  	_ =	swait.ge [sflag:s9], $0x4000  }
0x1bb: {  	[sflag:s9] =	ssyncset.done $0x0  }
0x1bc: {  	[sflag:s9] =	ssyncadd.s32 $0xFFFFC000  }
0x1bd: {  	_ =	swait.ge [sflag:s9], $0x800  }
0x1be: {  	s17 =	sadd.s32 s17, s15;
	[sflag:s9] =	ssyncset.done $0x0  }
0x1bf: {  	s18 =	sadd.s32 $0x9C00, s17;
	[sflag:s9] =	ssyncadd.s32 $0xFFFFF800  }
0x1c0: {  	[tilespmem:s6], [sflag:$0x1] =	stream.strided.gather [hbm4b:s18+s3], $0x100, s22, s3, $0x38;
	[tilespmem:$0x1E990] =	vst v63  }
0x1c1: {  	_ =	swait.ge [sflag:s25], $0x4000  }
0x1c2: {  	[sflag:s25] =	ssyncset.done $0x0  }
0x1c3: {  	[sflag:s25] =	ssyncadd.s32 $0xFFFFC000  }
0x1c4: {  	_ =	swait.ge [sflag:s11], $0x100  }
0x1c5: {  	[sflag:s11] =	ssyncset.done $0x0  }
0x1c6: {  	[sflag:s11] =	ssyncadd.s32 $0xFFFFFF00  }
0x1c7: {  	[tilespmem:s23], [sflag:$0x4] =	stream.indirect.gather [hbm4b:s1+s3], $0x80, s6, s3, $0xb8;
	[tilespmem:$0x1E990] =	vst v63  }
0x1c8: {  	_ = 	snop  }
0x1c9: {  	[spmem:s4] =	stream.indirect.scatter.add.f32 [tilespmem:s8], [sflag:$0x2], $0x80, s30, s3, $0xb8;
	[tilespmem:$0x1E990] =	vst v63  }
0x1ca: {  	_ = 	snop  }
0x1cb: {  	[spmem:s5] =	stream.indirect.scatter.add.f32 [tilespmem:s29], [sflag:$0x2], $0x10, s30, s3, $0xb8;
	[tilespmem:$0x1E990] =	vst v63  }
0x1cc: {  	_ =	swait.ge [sflag:s9], $0x4000  }
.Ltmp6:
0x1cd: {  	[sflag:s9] =	ssyncset.done $0x0;
	(pc) =	sbr.rel @p5 .LBB2_3-.Ltmp6, $4  }
0x1ce: {  	[sflag:s9] =	ssyncadd.s32 $0xFFFFC000  }
0x1cf: {  	_ =	swait.ge [sflag:s9], $0x800  }
0x1d0: {  	[sflag:s9] =	ssyncset.done $0x0  }
0x1d1: {  	s17 =	sadd.s32 $0x9D00, s17;
	[sflag:s9] =	ssyncadd.s32 $0xFFFFF800  }
0x1d2: {  	[tilespmem:s10], [sflag:$0x3] =	stream.strided.gather [hbm4b:s17+s3], $0x100, s22, s3, $0x38;
	[tilespmem:$0x1E990] =	vst v63  }
0x1d3: {  	_ =	swait.ge [sflag:s12], $0x4000  }
0x1d4: {  	[sflag:s12] =	ssyncset.done $0x0  }
0x1d5: {  	[sflag:s12] =	ssyncadd.s32 $0xFFFFC000  }
0x1d6: {  	_ =	swait.ge [sflag:s13], $0x100  }
0x1d7: {  	[sflag:s13] =	ssyncset.done $0x0  }
0x1d8: {  	[sflag:s13] =	ssyncadd.s32 $0xFFFFFF00  }
0x1d9: {  	[tilespmem:s8], [sflag:$0x5] =	stream.indirect.gather [hbm4b:s1+s3], $0x80, s10, s3, $0xb8;
	[tilespmem:$0x1E990] =	vst v63  }
0x1da: {  	_ = 	snop  }
0x1db: {  	[spmem:s4] =	stream.indirect.scatter.add.f32 [tilespmem:s23], [sflag:$0x2], $0x80, s3, s3, $0xb8;
	[tilespmem:$0x1E990] =	vst v63  }
0x1dc: {  	_ = 	snop  }
0x1dd: {  	[spmem:s5] =	stream.indirect.scatter.add.f32 [tilespmem:s29], [sflag:$0x2], $0x10, s3, s3, $0xb8;
	[tilespmem:$0x1E990] =	vst v63  }
0x1de: {  	_ =	swait.ge [sflag:s9], $0x4000  }
0x1df: {  	[sflag:s9] =	ssyncset.done $0x0  }
0x1e0: {  	[sflag:s9] =	ssyncadd.s32 $0xFFFFC000  }
0x1e1: {  	_ =	swait.ge [sflag:s9], $0x800  }
0x1e2: {  	s19 =	sld [smem:$0x7F6]  }
0x1e3: {  	s14 =	simm.s32 @p1 $0x80;
	[sflag:s9] =	ssyncset.done $0x0  }
0x1e4: {  	s17 =	simm.s32 @p1 $0x4E200;
	s18 =	simm.s32 @p1 $0x0;
	[sflag:s9] =	ssyncadd.s32 $0xFFFFF800  }
0x1e5: {  	[tilespmem:s18], [sflag:$0x1] =	stream.strided.gather @p1 [hbm4b:s19+s14], $0x100, s17, s14, $0x38;
	[tilespmem:$0x1E990] =	vst v63  }
0x1e6: {  	s17 =	simm.s32 @p1 $0x5  }
0x1e7: {  	_ =	swait.ge @p1 [sflag:s17], $0x4000  }
0x1e8: {  	[sflag:s17] =	ssyncset.done @p1 $0x0  }
0x1e9: {  	[sflag:s17] =	ssyncadd.s32 @p1 $0xFFFFC000;
	s17 =	simm.s32 @p1 $0x1  }
0x1ea: {  	_ =	swait.ge @p1 [sflag:s17], $0x100  }
0x1eb: {  	[sflag:s17] =	ssyncset.done @p1 $0x0  }
0x1ec: {  	[sflag:s17] =	ssyncadd.s32 @p1 $0xFFFFFF00;
	s17 =	simm.s32 @p1 $0x200  }
0x1ed: {  	[tilespmem:s17], [sflag:$0x4] =	stream.indirect.gather @p1 [hbm4b:s1+s14], $0x80, s18, s14, $0xb8;
	[tilespmem:$0x1E990] =	vst v63  }
0x1ee: {  	s14 =	simm.s32 @!p1 $0x5  }
0x1ef: {  	_ =	swait.ge @!p1 [sflag:s14], $0x4000  }
0x1f0: {  	[sflag:s14] =	ssyncset.done @!p1 $0x0  }
0x1f1: {  	[sflag:s14] =	ssyncadd.s32 @!p1 $0xFFFFC000  }
0x1f2: {  	[spmem:s4] =	stream.indirect.scatter.add.f32 [tilespmem:s8], [sflag:$0x2], $0x80, s30, s3, $0xb8;
	[tilespmem:$0x1E990] =	vst v63  }
0x1f3: {  	_ = 	snop  }
0x1f4: {  	[spmem:s5] =	stream.indirect.scatter.add.f32 [tilespmem:s29], [sflag:$0x2], $0x10, s30, s3, $0xb8;
	[tilespmem:$0x1E990] =	vst v63  }
0x1f5: {  	_ =	swait.ge [sflag:s9], $0x4000  }
0x1f6: {  	[sflag:s9] =	ssyncset.done $0x0  }
0x1f7: {  	[sflag:s9] =	ssyncadd.s32 $0xFFFFC000  }
0x1f8: {  	_ =	swait.ge [sflag:s9], $0x800  }
0x1f9: {  	[sflag:s9] =	ssyncset.done $0x0  }
0x1fa: {  	s14 =	simm.s32 @!p2 $0x4;
	[sflag:s9] =	ssyncadd.s32 $0xFFFFF800  }
0x1fb: {  	_ =	swait.ge @!p2 [sflag:s14], $0x4000  }
0x1fc: {  	[sflag:s14] =	ssyncset.done @!p2 $0x0  }
0x1fd: {  	s17 =	simm.s32 @!p2 $0x200;
	[sflag:s14] =	ssyncadd.s32 @!p2 $0xFFFFC000;
	s14 =	simm.s32 @!p2 $0x80  }
0x1fe: {  	[spmem:s4] =	stream.indirect.scatter.add.f32 @!p2 [tilespmem:s17], [sflag:$0x2], $0x80, s14, s14, $0xb8;
	[tilespmem:$0x1E990] =	vst v63  }
0x1ff: {  	s17 =	simm.s32 @!p2 $0x8200  }
0x200: {  	[spmem:s5] =	stream.indirect.scatter.add.f32 @!p2 [tilespmem:s17], [sflag:$0x2], $0x10, s14, s14, $0xb8;
	[tilespmem:$0x1E990] =	vst v63  }
0x201: {  	s14 =	simm.s32 @!p2 $0x2  }
0x202: {  	_ =	swait.ge @!p2 [sflag:s14], $0x4000  }
0x203: {  	[sflag:s14] =	ssyncset.done @!p2 $0x0  }
0x204: {  	[sflag:s14] =	ssyncadd.s32 @!p2 $0xFFFFC000  }
0x205: {  	_ =	swait.ge @!p2 [sflag:s14], $0x800  }
0x206: {  	[sflag:s14] =	ssyncset.done @!p2 $0x0  }
0x207: {  	[sflag:s14] =	ssyncadd.s32 @!p2 $0xFFFFF800  }
0x208: {  	[bflag:$0x0] =	sbarrier.arrive $0xFFFF  }
0x209: {  	[tilespmem:s23], [sflag:$0x6] =	stream.linear.gather [spmem:s20], $0x4000, $0x38;
	[tilespmem:$0x1E990] =	vst v63  }
0x20a: {  	_ =	swait.ge [sflag:s28], $0x4000  }
0x20b: {  	[sflag:s28] =	ssyncset.done $0x0  }
0x20c: {  	s18 =	rddreg [dreg:$0x10];
	[sflag:s28] =	ssyncadd.s32 $0xFFFFC000  }
0x20d: {  	[hbm4b:s18+s6] =	stream.linear.scatter [tilespmem:s23], [sflag:$0x6], $0x4000, $0x38;
	[tilespmem:$0x1E990] =	vst v63  }
0x20e: {  	_ =	swait.ge [sflag:s28], $0x4000  }
0x20f: {  	[sflag:s28] =	ssyncset.done $0x0  }
0x210: {  	[sflag:s28] =	ssyncadd.s32 $0xFFFFC000  }
0x211: {  	[tilespmem:s29], [sflag:$0x6] =	stream.linear.gather [spmem:s21], $0x800, $0x38;
	[tilespmem:$0x1E990] =	vst v63  }
0x212: {  	_ =	swait.ge [sflag:s28], $0x800  }
0x213: {  	[sflag:s28] =	ssyncset.done $0x0  }
0x214: {  	s19 =	rddreg [dreg:$0x12];
	[sflag:s28] =	ssyncadd.s32 $0xFFFFF800  }
0x215: {  	[hbm4b:s19+s6] =	stream.linear.scatter [tilespmem:s29], [sflag:$0x6], $0x800, $0x38;
	[tilespmem:$0x1E990] =	vst v63  }
0x216: {  	_ =	swait.ge [sflag:s28], $0x800  }
0x217: {  	[sflag:s28] =	ssyncset.done $0x0  }
0x218: {  	s17 =	rddreg [dreg:$0xd];
	[sflag:s28] =	ssyncadd.s32 $0xFFFFF800  }
0x219: {  	[tilespmem:s23], [sflag:$0x6] =	stream.linear.gather [spmem:s17], $0x4000, $0x38;
	[tilespmem:$0x1E990] =	vst v63  }
0x21a: {  	_ =	swait.ge [sflag:s28], $0x4000  }
0x21b: {  	[sflag:s28] =	ssyncset.done $0x0  }
0x21c: {  	s18 =	rddreg [dreg:$0x14];
	[sflag:s28] =	ssyncadd.s32 $0xFFFFC000  }
0x21d: {  	[hbm4b:s18+s6] =	stream.linear.scatter [tilespmem:s23], [sflag:$0x6], $0x4000, $0x38;
	[tilespmem:$0x1E990] =	vst v63  }
0x21e: {  	_ =	swait.ge [sflag:s28], $0x4000  }
0x21f: {  	[sflag:s28] =	ssyncset.done $0x0  }
0x220: {  	[sflag:s28] =	ssyncadd.s32 $0xFFFFC000  }
0x221: {  	[tilespmem:s29], [sflag:$0x6] =	stream.linear.gather [spmem:s26], $0x800, $0x38;
	[tilespmem:$0x1E990] =	vst v63  }
0x222: {  	_ =	swait.ge [sflag:s28], $0x800  }
0x223: {  	[sflag:s28] =	ssyncset.done $0x0  }
0x224: {  	s19 =	rddreg [dreg:$0x16];
	[sflag:s28] =	ssyncadd.s32 $0xFFFFF800  }
0x225: {  	[hbm4b:s19+s6] =	stream.linear.scatter [tilespmem:s29], [sflag:$0x6], $0x800, $0x38;
	[tilespmem:$0x1E990] =	vst v63  }
0x226: {  	_ =	swait.ge [sflag:s28], $0x800  }
0x227: {  	[sflag:s28] =	ssyncset.done $0x0  }
0x228: {  	s17 =	rddreg [dreg:$0xe];
	[sflag:s28] =	ssyncadd.s32 $0xFFFFF800  }
0x229: {  	[tilespmem:s23], [sflag:$0x6] =	stream.linear.gather [spmem:s17], $0x4000, $0x38;
	[tilespmem:$0x1E990] =	vst v63  }
0x22a: {  	_ =	swait.ge [sflag:s28], $0x4000  }
0x22b: {  	[sflag:s28] =	ssyncset.done $0x0  }
0x22c: {  	s18 =	rddreg [dreg:$0x18];
	[sflag:s28] =	ssyncadd.s32 $0xFFFFC000  }
0x22d: {  	[hbm4b:s18+s6] =	stream.linear.scatter [tilespmem:s23], [sflag:$0x6], $0x4000, $0x38;
	[tilespmem:$0x1E990] =	vst v63  }
0x22e: {  	_ =	swait.ge [sflag:s28], $0x4000  }
0x22f: {  	[sflag:s28] =	ssyncset.done $0x0  }
0x230: {  	[sflag:s28] =	ssyncadd.s32 $0xFFFFC000  }
0x231: {  	[tilespmem:s29], [sflag:$0x6] =	stream.linear.gather [spmem:s0], $0x800, $0x38;
	[tilespmem:$0x1E990] =	vst v63  }
0x232: {  	_ =	swait.ge [sflag:s28], $0x800  }
0x233: {  	[sflag:s28] =	ssyncset.done $0x0  }
0x234: {  	s19 =	rddreg [dreg:$0x1a];
	[sflag:s28] =	ssyncadd.s32 $0xFFFFF800  }
0x235: {  	[hbm4b:s19+s6] =	stream.linear.scatter [tilespmem:s29], [sflag:$0x6], $0x800, $0x38;
	[tilespmem:$0x1E990] =	vst v63  }
0x236: {  	_ =	swait.ge [sflag:s28], $0x800  }
0x237: {  	[sflag:s28] =	ssyncset.done $0x0  }
0x238: {  	s17 =	rddreg [dreg:$0xf];
	[sflag:s28] =	ssyncadd.s32 $0xFFFFF800  }
0x239: {  	[tilespmem:s23], [sflag:$0x6] =	stream.linear.gather [spmem:s17], $0x4000, $0x38;
	[tilespmem:$0x1E990] =	vst v63  }
0x23a: {  	_ =	swait.ge [sflag:s28], $0x4000  }
0x23b: {  	[sflag:s28] =	ssyncset.done $0x0  }
0x23c: {  	s18 =	rddreg [dreg:$0x1c];
	[sflag:s28] =	ssyncadd.s32 $0xFFFFC000  }
0x23d: {  	[hbm4b:s18+s6] =	stream.linear.scatter [tilespmem:s23], [sflag:$0x6], $0x4000, $0x38;
	[tilespmem:$0x1E990] =	vst v63  }
0x23e: {  	_ =	swait.ge [sflag:s28], $0x4000  }
0x23f: {  	[sflag:s28] =	ssyncset.done $0x0  }
0x240: {  	[sflag:s28] =	ssyncadd.s32 $0xFFFFC000  }
0x241: {  	[tilespmem:s29], [sflag:$0x6] =	stream.linear.gather [spmem:s24], $0x800, $0x38;
	[tilespmem:$0x1E990] =	vst v63  }
0x242: {  	_ =	swait.ge [sflag:s28], $0x800  }
0x243: {  	[sflag:s28] =	ssyncset.done $0x0  }
0x244: {  	s19 =	rddreg [dreg:$0x1e];
	[sflag:s28] =	ssyncadd.s32 $0xFFFFF800  }
0x245: {  	[hbm4b:s19+s6] =	stream.linear.scatter [tilespmem:s29], [sflag:$0x6], $0x800, $0x38;
	[tilespmem:$0x1E990] =	vst v63  }
0x246: {  	_ =	swait.ge [sflag:s28], $0x800  }
0x247: {  	[sflag:s28] =	ssyncset.done $0x0  }
0x248: {  	[sflag:s28] =	ssyncadd.s32 $0xFFFFF800  }
0x249: {  	[tilespmem:s23], [sflag:$0x6] =	stream.linear.gather [spmem:s31], $0x3800, $0x38;
	[tilespmem:$0x1E990] =	vst v63  }
0x24a: {  	_ =	swait.ge [sflag:s28], $0x3800  }
0x24b: {  	s17 =	sld [smem:$0x7F0]  }
0x24c: {  	[sflag:s28] =	ssyncset.done $0x0  }
0x24d: {  	[sflag:s28] =	ssyncadd.s32 $0xFFFFC800  }
0x24e: {  	[hbm4b:s17+s6] =	stream.linear.scatter [tilespmem:s23], [sflag:$0x6], $0x3800, $0x38;
	[tilespmem:$0x1E990] =	vst v63  }
0x24f: {  	_ =	swait.ge [sflag:s28], $0x3800  }
0x250: {  	s19 =	smov.u32 s31;
	s31 =	sld [smem:$0x7FC]  }
0x251: {  	[sflag:s28] =	ssyncset.done $0x0  }
0x252: {  	[sflag:s28] =	ssyncadd.s32 $0xFFFFC800  }
0x253: {  	[tilespmem:s29], [sflag:$0x6] =	stream.linear.gather [spmem:s31], $0x700, $0x38;
	[tilespmem:$0x1E990] =	vst v63  }
0x254: {  	_ =	swait.ge [sflag:s28], $0x700  }
0x255: {  	s18 =	sld [smem:$0x7F2]  }
0x256: {  	[sflag:s28] =	ssyncset.done $0x0  }
0x257: {  	[sflag:s28] =	ssyncadd.s32 $0xFFFFF900  }
0x258: {  	[hbm4b:s18+s6] =	stream.linear.scatter [tilespmem:s29], [sflag:$0x6], $0x700, $0x38;
	[tilespmem:$0x1E990] =	vst v63  }
.Ltmp7:
0x259: {  	_ = 	snop;
	(pc) =	sbr.rel @p4 .LBB2_8-.Ltmp7, $4  }
.Ltmp8:
0x25a: {  	_ = 	snop;
	(pc) =	sbr.rel @!p4 .LBB2_9-.Ltmp8, $4  }
0x25b: {  	_ =	swait.ge [sflag:s28], $0x700  }
0x25c: {  	[sflag:s28] =	ssyncset.done $0x0;
	s17 =	rddreg [dreg:$0x9]  }
0x25d: {  	s14 =	rddreg [dreg:$0xa];
	[sflag:s28] =	ssyncadd.s32 $0xFFFFF900  }
0x25e: {  	_ = 	snop  }
.LBB2_10:
0x25f: {  	_ =	sfence.sel $0x180000  }
0x260: {  	[bflag:$0x0] =	sbarrier.arrive $0xFFFF  }
0x261: {  	_ =	strace $0x90000047  }
0x262: {  	s0 =	stileid.u32;
	[bflag:$0x2] =	sbarrier.arrive $0xFFFF  }
0x263: {  	p0 =	sne.s32 s0, $0x0;
	s0 =	rddreg [dreg:$0x6]  }
0x264: {  	s0 =	sadd.s32 @!p0 $0x100000, s0  }
0x265: {  	[sflag:s0] =	ssyncadd.tile.s32 @!p0 $0x1;
	_ =	shalt  }
.Lfunc_end2:
_tile_overlayer_lowered:
.L_overlay_start_2:
0x266: {  	(tag) =	ssettag $0x2  }
0x267: {  	s0 =	rddreg [dreg:$0x0];
	s2 =	stileid.u32  }
0x268: {  	s1 =	rddreg [dreg:$0x1];
	p0 =	sne.s32 s2, $0x0  }
0x269: {  	s3 =	rddreg [dreg:$0x2];
	[bflag:$0x3] =	sbarrier.arrive $0xFFFF;
	s2 =	simm.s32 @!p0 $0x1C06  }
0x26a: {  	[timem:s3], [sflag:s2] =	dma.local @!p0 [hbm:s0], s1  }
0x26b: {  	s0 =	simm.s32 @!p0 $0x6  }
0x26c: {  	_ =	swait.ge @!p0 [sflag:s0], s1  }
0x26d: {  	s1 =	ssub.s32 @!p0 $0x0, s1;
	[sflag:s0] =	ssyncset.done @!p0 $0x0  }
0x26e: {  	[sflag:s0] =	ssyncadd.s32 @!p0 s1  }
0x26f: {  	[bflag:$0x3] =	sbarrier.arrive $0xFFFF  }
0x270: {  	_ =	shalt  }

</sc_bundles>
